<compile_context>
chip_gen: v7x
topology: tpu7x:2x2x1
jax: 0.10.2.dev20260603
libtpu: 0.0.44.dev20260713+nightly
codegen_flags: <defaults>
</compile_context>

<pallas_src>
import functools
import math

import jax
import jax.numpy as jnp
from jax import lax
from jax.experimental import pallas as pl
from jax.experimental.pallas import tpu as pltpu
from jax.experimental.pallas import tpu_sc as plsc

D = 64
S = 200
LANES = 16
NC, NS = 2, 16
NW = NC * NS
NB = 128
NG = NB // LANES
RING = 4

SCALE = math.sqrt(D)


def _emb_body(B, x_hbm, tbl_hbm, pe_hbm, out_hbm,
              idxr, idxh, gat, ob, pe_v, semg, sems, semi):
    wid = lax.axis_index("s") * NC + lax.axis_index("c")
    b0 = wid * NB

    lane = lax.iota(jnp.int32, LANES)

    def prep_and_fire(q):
        pltpu.async_copy(tbl_hbm.at[idxr[q]], gat[q], semg[q])

    def compute(p, s):
        rows = [lane + (g * LANES) for g in range(NG)]

        def tbody(i):
            d0 = (i // LANES) * LANES
            t = i % LANES
            rot = lax.bitwise_and(lane + t, LANES - 1)
            dvec = rot + d0
            pv = plsc.load_gather(pe_v, [dvec + (s * D)])
            dt = lax.shift_right_logical(dvec, 3)
            dl = lax.bitwise_and(dvec, 7)
            for g in range(NG):
                val = plsc.load_gather(gat[p], [rows[g], dvec])
                plsc.store_scatter(ob[p], [dt, dl, rows[g]],
                                   val * SCALE + pv)

        plsc.parallel_loop(0, D, 1, unroll=8)(tbody)

    pltpu.sync_copy(pe_hbm, pe_v)

    pltpu.sync_copy(x_hbm.at[0, pl.ds(b0, NB)], idxr[0])
    prep_and_fire(0)
    pltpu.sync_copy(x_hbm.at[1, pl.ds(b0, NB)], idxr[1])
    prep_and_fire(1)
    pltpu.async_copy(x_hbm.at[2, pl.ds(b0, NB)], idxr[2], semi[2])

    def body_for(b, s):
        q = (b + 2) % RING
        r = (b + 3) % RING

        @pl.when(s + 2 < S)
        def _():
            @pl.when(s >= 2)
            def _():
                pltpu.make_async_copy(
                    ob[q], out_hbm.at[s - 2, :, wid], sems[q]).wait()
            pltpu.make_async_copy(
                x_hbm.at[s + 2, pl.ds(b0, NB)], idxr[q], semi[q]).wait()
            prep_and_fire(q)

        pltpu.make_async_copy(
            tbl_hbm.at[pl.ds(0, NB)], gat[b], semg[b]).wait()

        compute(b, s)

        @pl.when(s + 3 < S)
        def _():
            pltpu.async_copy(
                x_hbm.at[s + 3, pl.ds(b0, NB)], idxr[r], semi[r])

        pltpu.async_copy(ob[b], out_hbm.at[s, :, wid], sems[b])

    def outer(i, carry):
        for b in range(RING):
            body_for(b, i * RING + b)
        return carry

    lax.fori_loop(0, S // RING, outer, 0)

    for sf in range(S - RING, S):
        pltpu.make_async_copy(
            ob[sf % RING], out_hbm.at[sf, :, wid], sems[sf % RING]).wait()


def _body_adapter(B, x_hbm, tbl_hbm, pe_hbm, out_hbm, *scratch):
    idxr = scratch[0:RING]
    idxh = scratch[RING:2 * RING]
    gat = scratch[2 * RING:3 * RING]
    ob = scratch[3 * RING:4 * RING]
    pe_v = scratch[4 * RING]
    semg = scratch[4 * RING + 1:4 * RING + 1 + RING]
    sems = scratch[4 * RING + 1 + RING:4 * RING + 1 + 2 * RING]
    semi = scratch[4 * RING + 1 + 2 * RING:4 * RING + 1 + 3 * RING]
    _emb_body(B, x_hbm, tbl_hbm, pe_hbm, out_hbm,
              idxr, idxh, gat, ob, pe_v, semg, sems, semi)


def kernel(x, table, pe):
    B, seq = x.shape
    x_t = x.T.astype(jnp.int32)
    tbl2 = table
    pe_lin = pe[:seq].reshape(seq * D)

    scratch = (
        [pltpu.VMEM((NB,), jnp.int32) for _ in range(RING)]
        + [pltpu.VMEM((NB,), jnp.int32) for _ in range(RING)]
        + [pltpu.VMEM((NB, D), jnp.float32) for _ in range(RING)]
        + [pltpu.VMEM((D // 8, 8, NB), jnp.float32) for _ in range(RING)]
        + [pltpu.VMEM((S * D,), jnp.float32)]
        + [pltpu.SemaphoreType.DMA for _ in range(3 * RING)]
    )
    mesh = plsc.VectorSubcoreMesh(core_axis_name="c", subcore_axis_name="s")
    run = pl.kernel(
        functools.partial(_body_adapter, B),
        out_type=jax.ShapeDtypeStruct((seq, D // 8, B // NB, 8, NB),
                                      jnp.float32),
        mesh=mesh,
        scratch_types=scratch,
        compiler_params=pltpu.CompilerParams(
            use_tc_tiling_on_sc=False, needs_layout_passes=False),
    )
    out5 = run(x_t, tbl2, pe_lin)
    return out5.transpose(2, 4, 0, 1, 3).reshape(B, seq, D)

# --- scband reference (transcript-rebuilt; emitter-appended) ---
"""Pipeline reference for scband-transformer-embedding-74268574483166 (READ-ONLY COPY).

The authoritative reference and input builder live on the scoring server;
editing this copy changes nothing except your own understanding.
"""

import jax, jax.numpy as jnp
import numpy as np
import math

VOCAB = 1000000
D_MODEL = 64
MAX_SEQ = 512
B = 4096
S = 200


def _make_pe():
    position = np.arange(MAX_SEQ, dtype=np.float32)[:, None]
    div_term = np.exp(np.arange(0, D_MODEL, 2).astype(np.float32) * (-math.log(10000.0) / D_MODEL))
    pe = np.zeros((MAX_SEQ, D_MODEL), dtype=np.float32)
    pe[:, 0::2] = np.sin(position * div_term)
    pe[:, 1::2] = np.cos(position * div_term)
    return jnp.asarray(pe)


def setup_inputs(seed: int = 0) -> dict:
    key = jax.random.key(seed)
    k_x, k_tbl = jax.random.split(key)
    x = jax.random.randint(k_x, (B, S), 0, VOCAB, dtype=jnp.int64) if jax.config.jax_enable_x64 else jax.random.randint(k_x, (B, S), 0, VOCAB, dtype=jnp.int32)
    table = jax.random.normal(k_tbl, (VOCAB, D_MODEL), dtype=jnp.float32) * 0.02
    pe = _make_pe()
    return {"x": x, "table": table, "pe": pe}


def reference(x, table, pe):
    # TokenEmbedding: embedding lookup scaled by sqrt(d_model)
    emb = jnp.take(table, x, axis=0) * math.sqrt(D_MODEL)
    # PositionalEncoding: add pe[:seq_len] broadcast over batch
    seq_len = x.shape[1]
    out = emb + pe[:seq_len][None, :, :]
    # dropout p=0.0 -> identity
    return out

if __name__ == "__main__":
    import jax
    _d = setup_inputs()
    print(jax.jit(kernel)(*tuple(_d.values())))

</pallas_src>

<mosaic_0001>
#map = affine_map<(d0, d1) -> (0, 0)>
#map1 = affine_map<(d0, d1) -> (0)>
#map2 = affine_map<(d0, d1) -> (0, 0, 0, 0, 0)>
module attributes {stable_mosaic.version = 14 : i64} {
  func.func @_body_adapter(%arg0: i32, %arg1: i32, %arg2: memref<200x4096xi32, #tpu.memory_space<hbm>>, %arg3: memref<1000000x64xf32, #tpu.memory_space<hbm>>, %arg4: memref<12800xf32, #tpu.memory_space<hbm>>, %arg5: memref<200x8x32x8x128xf32, #tpu.memory_space<hbm>>, %arg6: memref<128xi32, #tpu.memory_space<vmem>>, %arg7: memref<128xi32, #tpu.memory_space<vmem>>, %arg8: memref<128xi32, #tpu.memory_space<vmem>>, %arg9: memref<128xi32, #tpu.memory_space<vmem>>, %arg10: memref<128xi32, #tpu.memory_space<vmem>>, %arg11: memref<128xi32, #tpu.memory_space<vmem>>, %arg12: memref<128xi32, #tpu.memory_space<vmem>>, %arg13: memref<128xi32, #tpu.memory_space<vmem>>, %arg14: memref<128x64xf32, #tpu.memory_space<vmem>>, %arg15: memref<128x64xf32, #tpu.memory_space<vmem>>, %arg16: memref<128x64xf32, #tpu.memory_space<vmem>>, %arg17: memref<128x64xf32, #tpu.memory_space<vmem>>, %arg18: memref<8x8x128xf32, #tpu.memory_space<vmem>>, %arg19: memref<8x8x128xf32, #tpu.memory_space<vmem>>, %arg20: memref<8x8x128xf32, #tpu.memory_space<vmem>>, %arg21: memref<8x8x128xf32, #tpu.memory_space<vmem>>, %arg22: memref<12800xf32, #tpu.memory_space<vmem>>, %arg23: memref<!tpu.dma_semaphore, #tpu.memory_space<semaphore_mem>>, %arg24: memref<!tpu.dma_semaphore, #tpu.memory_space<semaphore_mem>>, %arg25: memref<!tpu.dma_semaphore, #tpu.memory_space<semaphore_mem>>, %arg26: memref<!tpu.dma_semaphore, #tpu.memory_space<semaphore_mem>>, %arg27: memref<!tpu.dma_semaphore, #tpu.memory_space<semaphore_mem>>, %arg28: memref<!tpu.dma_semaphore, #tpu.memory_space<semaphore_mem>>, %arg29: memref<!tpu.dma_semaphore, #tpu.memory_space<semaphore_mem>>, %arg30: memref<!tpu.dma_semaphore, #tpu.memory_space<semaphore_mem>>, %arg31: memref<!tpu.dma_semaphore, #tpu.memory_space<semaphore_mem>>, %arg32: memref<!tpu.dma_semaphore, #tpu.memory_space<semaphore_mem>>, %arg33: memref<!tpu.dma_semaphore, #tpu.memory_space<semaphore_mem>>, %arg34: memref<!tpu.dma_semaphore, #tpu.memory_space<semaphore_mem>>) attributes {dimension_semantics = [#tpu.dimension_semantics<core_parallel>, #tpu.dimension_semantics<subcore_parallel>], iteration_bounds = array<i64: 2, 16>, scalar_prefetch = 0 : i64, scratch_operands = 29 : i64, tpu.core_type = #tpu.core_type<sc_vector_subcore>, window_params = [{transform_indices = #map}, {transform_indices = #map}, {transform_indices = #map1}, {transform_indices = #map2}]} {
    %mul3A = arith.constant 2 : i32
    %mul3A_0 = arith.muli %arg1, %mul3A : i32
    %add3A = arith.addi %mul3A_0, %arg0 : i32
    %mul3A_1 = arith.constant 128 : i32
    %mul3A_2 = arith.muli %add3A, %mul3A_1 : i32
    %iota3A = tpu.iota {dimensions = array<i32: 0>} : vector<16xi32>
    "tpu.region"() ({
      %run_scoped3A_62 = tpu.sem_alloc : memref<!tpu.dma_semaphore, #tpu.memory_space<semaphore_mem>>
      tpu.enqueue_dma source(%arg4 : memref<12800xf32, #tpu.memory_space<hbm>>) target(%arg22 : memref<12800xf32, #tpu.memory_space<vmem>>) target_semaphore(%run_scoped3A_62 : memref<!tpu.dma_semaphore, #tpu.memory_space<semaphore_mem>>)
      tpu.wait_dma2 semaphore(%run_scoped3A_62 : memref<!tpu.dma_semaphore, #tpu.memory_space<semaphore_mem>>) src(%arg4 : memref<12800xf32, #tpu.memory_space<hbm>>) dst(%arg22 : memref<12800xf32, #tpu.memory_space<vmem>>)
      tpu.yield
    }) : () -> ()
    %run_scoped3A = arith.constant 0 : i32
    "tpu.region"() ({
      %run_scoped3A_62 = tpu.sem_alloc : memref<!tpu.dma_semaphore, #tpu.memory_space<semaphore_mem>>
      %dma_start3A_63 = tpu.memref_slice %arg2[%run_scoped3A, %mul3A_2] : memref<200x4096xi32, #tpu.memory_space<hbm>> -> memref<1x128xi32, #tpu.memory_space<hbm>>
      %dma_start3A_64 = tpu.memref_squeeze %dma_start3A_63 : memref<1x128xi32, #tpu.memory_space<hbm>> -> memref<128xi32, #tpu.memory_space<hbm>>
      %dma_start3A_65 = tpu.memref_slice %arg2[%run_scoped3A, %mul3A_2] : memref<200x4096xi32, #tpu.memory_space<hbm>> -> memref<1x128xi32, #tpu.memory_space<hbm>>
      %dma_start3A_66 = tpu.memref_squeeze %dma_start3A_65 : memref<1x128xi32, #tpu.memory_space<hbm>> -> memref<128xi32, #tpu.memory_space<hbm>>
      tpu.enqueue_dma source(%dma_start3A_66 : memref<128xi32, #tpu.memory_space<hbm>>) target(%arg6 : memref<128xi32, #tpu.memory_space<vmem>>) target_semaphore(%run_scoped3A_62 : memref<!tpu.dma_semaphore, #tpu.memory_space<semaphore_mem>>)
      %dma_wait3A_67 = tpu.memref_slice %arg2[%run_scoped3A, %mul3A_2] : memref<200x4096xi32, #tpu.memory_space<hbm>> -> memref<1x128xi32, #tpu.memory_space<hbm>>
      %dma_wait3A_68 = tpu.memref_squeeze %dma_wait3A_67 : memref<1x128xi32, #tpu.memory_space<hbm>> -> memref<128xi32, #tpu.memory_space<hbm>>
      %dma_wait3A_69 = tpu.memref_slice %arg2[%run_scoped3A, %mul3A_2] : memref<200x4096xi32, #tpu.memory_space<hbm>> -> memref<1x128xi32, #tpu.memory_space<hbm>>
      %dma_wait3A_70 = tpu.memref_squeeze %dma_wait3A_69 : memref<1x128xi32, #tpu.memory_space<hbm>> -> memref<128xi32, #tpu.memory_space<hbm>>
      tpu.wait_dma2 semaphore(%run_scoped3A_62 : memref<!tpu.dma_semaphore, #tpu.memory_space<semaphore_mem>>) src(%dma_wait3A_70 : memref<128xi32, #tpu.memory_space<hbm>>) dst(%arg6 : memref<128xi32, #tpu.memory_space<vmem>>)
      tpu.yield
    }) : () -> ()
    %dma_start3A = arith.constant 0 : i32
    %dma_start3A_3 = arith.constant 0 : i32
    %dma_start3A_4 = tpu.memref_slice %arg3[%dma_start3A, %dma_start3A_3] : memref<1000000x64xf32, #tpu.memory_space<hbm>> -> memref<1000000x64xf32, #tpu.memory_space<hbm>>
    tpu.enqueue_indirect_dma source(%dma_start3A_4 : memref<1000000x64xf32, #tpu.memory_space<hbm>>) target(%arg14 : memref<128x64xf32, #tpu.memory_space<vmem>>) offsets(%arg6 : memref<128xi32, #tpu.memory_space<vmem>>) semaphore(%arg23 : memref<!tpu.dma_semaphore, #tpu.memory_space<semaphore_mem>>)
    %run_scoped3A_5 = arith.constant 1 : i32
    "tpu.region"() ({
      %run_scoped3A_62 = tpu.sem_alloc : memref<!tpu.dma_semaphore, #tpu.memory_space<semaphore_mem>>
      %dma_start3A_63 = tpu.memref_slice %arg2[%run_scoped3A_5, %mul3A_2] : memref<200x4096xi32, #tpu.memory_space<hbm>> -> memref<1x128xi32, #tpu.memory_space<hbm>>
      %dma_start3A_64 = tpu.memref_squeeze %dma_start3A_63 : memref<1x128xi32, #tpu.memory_space<hbm>> -> memref<128xi32, #tpu.memory_space<hbm>>
      %dma_start3A_65 = tpu.memref_slice %arg2[%run_scoped3A_5, %mul3A_2] : memref<200x4096xi32, #tpu.memory_space<hbm>> -> memref<1x128xi32, #tpu.memory_space<hbm>>
      %dma_start3A_66 = tpu.memref_squeeze %dma_start3A_65 : memref<1x128xi32, #tpu.memory_space<hbm>> -> memref<128xi32, #tpu.memory_space<hbm>>
      tpu.enqueue_dma source(%dma_start3A_66 : memref<128xi32, #tpu.memory_space<hbm>>) target(%arg7 : memref<128xi32, #tpu.memory_space<vmem>>) target_semaphore(%run_scoped3A_62 : memref<!tpu.dma_semaphore, #tpu.memory_space<semaphore_mem>>)
      %dma_wait3A_67 = tpu.memref_slice %arg2[%run_scoped3A_5, %mul3A_2] : memref<200x4096xi32, #tpu.memory_space<hbm>> -> memref<1x128xi32, #tpu.memory_space<hbm>>
      %dma_wait3A_68 = tpu.memref_squeeze %dma_wait3A_67 : memref<1x128xi32, #tpu.memory_space<hbm>> -> memref<128xi32, #tpu.memory_space<hbm>>
      %dma_wait3A_69 = tpu.memref_slice %arg2[%run_scoped3A_5, %mul3A_2] : memref<200x4096xi32, #tpu.memory_space<hbm>> -> memref<1x128xi32, #tpu.memory_space<hbm>>
      %dma_wait3A_70 = tpu.memref_squeeze %dma_wait3A_69 : memref<1x128xi32, #tpu.memory_space<hbm>> -> memref<128xi32, #tpu.memory_space<hbm>>
      tpu.wait_dma2 semaphore(%run_scoped3A_62 : memref<!tpu.dma_semaphore, #tpu.memory_space<semaphore_mem>>) src(%dma_wait3A_70 : memref<128xi32, #tpu.memory_space<hbm>>) dst(%arg7 : memref<128xi32, #tpu.memory_space<vmem>>)
      tpu.yield
    }) : () -> ()
    %dma_start3A_6 = arith.constant 0 : i32
    %dma_start3A_7 = arith.constant 0 : i32
    %dma_start3A_8 = tpu.memref_slice %arg3[%dma_start3A_6, %dma_start3A_7] : memref<1000000x64xf32, #tpu.memory_space<hbm>> -> memref<1000000x64xf32, #tpu.memory_space<hbm>>
    tpu.enqueue_indirect_dma source(%dma_start3A_8 : memref<1000000x64xf32, #tpu.memory_space<hbm>>) target(%arg15 : memref<128x64xf32, #tpu.memory_space<vmem>>) offsets(%arg7 : memref<128xi32, #tpu.memory_space<vmem>>) semaphore(%arg24 : memref<!tpu.dma_semaphore, #tpu.memory_space<semaphore_mem>>)
    %dma_start3A_9 = arith.constant 2 : i32
    %dma_start3A_10 = tpu.memref_slice %arg2[%dma_start3A_9, %mul3A_2] : memref<200x4096xi32, #tpu.memory_space<hbm>> -> memref<1x128xi32, #tpu.memory_space<hbm>>
    %dma_start3A_11 = tpu.memref_squeeze %dma_start3A_10 : memref<1x128xi32, #tpu.memory_space<hbm>> -> memref<128xi32, #tpu.memory_space<hbm>>
    %dma_start3A_12 = tpu.memref_slice %arg2[%dma_start3A_9, %mul3A_2] : memref<200x4096xi32, #tpu.memory_space<hbm>> -> memref<1x128xi32, #tpu.memory_space<hbm>>
    %dma_start3A_13 = tpu.memref_squeeze %dma_start3A_12 : memref<1x128xi32, #tpu.memory_space<hbm>> -> memref<128xi32, #tpu.memory_space<hbm>>
    tpu.enqueue_dma source(%dma_start3A_13 : memref<128xi32, #tpu.memory_space<hbm>>) target(%arg8 : memref<128xi32, #tpu.memory_space<vmem>>) target_semaphore(%arg33 : memref<!tpu.dma_semaphore, #tpu.memory_space<semaphore_mem>>)
    %scan3A = arith.constant 0 : i32
    %scan3A_14 = arith.constant 0 : i32
    %scan3A_15 = arith.constant 50 : i32
    %scan3A_16 = arith.addi %scan3A_14, %scan3A_15 : i32
    %scan3A_17 = arith.constant 1 : i32
    scf.for %scan3A_62 = %scan3A_14 to %scan3A_16 step %scan3A_17  : i32 {
      %mul3A_63 = arith.constant 4 : i32
      %mul3A_64 = arith.muli %scan3A_62, %mul3A_63 : i32
      %add3A_65 = arith.constant 0 : i32
      %add3A_66 = arith.addi %mul3A_64, %add3A_65 : i32
      %add3A_67 = arith.constant 2 : i32
      %add3A_68 = arith.addi %add3A_66, %add3A_67 : i32
      %lt3A = arith.constant 200 : i32
      %lt3A_69 = arith.cmpi slt, %add3A_68, %lt3A : i32
      %convert_element_type3A = arith.extui %lt3A_69 : i1 to i32
      %cond3A = arith.constant 0 : i32
      %cond3A_70 = arith.cmpi ne, %convert_element_type3A, %cond3A : i32
      scf.if %cond3A_70 {
        %ge3A = arith.constant 2 : i32
        %ge3A_303 = arith.cmpi sge, %add3A_66, %ge3A : i32
        %convert_element_type3A_304 = arith.extui %ge3A_303 : i1 to i32
        %cond3A_305 = arith.constant 0 : i32
        %cond3A_306 = arith.cmpi ne, %convert_element_type3A_304, %cond3A_305 : i32
        scf.if %cond3A_306 {
          %sub3A = arith.constant 2 : i32
          %sub3A_316 = arith.subi %add3A_66, %sub3A : i32
          %dma_wait3A_317 = arith.constant 0 : i32
          %dma_wait3A_318 = arith.constant 0 : i32
          %dma_wait3A_319 = arith.constant 0 : i32
          %dma_wait3A_320 = tpu.memref_slice %arg5[%sub3A_316, %dma_wait3A_317, %add3A, %dma_wait3A_318, %dma_wait3A_319] : memref<200x8x32x8x128xf32, #tpu.memory_space<hbm>> -> memref<1x8x1x8x128xf32, #tpu.memory_space<hbm>>
          %dma_wait3A_321 = tpu.memref_squeeze %dma_wait3A_320 : memref<1x8x1x8x128xf32, #tpu.memory_space<hbm>> -> memref<8x8x128xf32, #tpu.memory_space<hbm>>
          %dma_wait3A_322 = arith.constant 0 : i32
          %dma_wait3A_323 = arith.constant 0 : i32
          %dma_wait3A_324 = arith.constant 0 : i32
          %dma_wait3A_325 = tpu.memref_slice %arg5[%sub3A_316, %dma_wait3A_322, %add3A, %dma_wait3A_323, %dma_wait3A_324] : memref<200x8x32x8x128xf32, #tpu.memory_space<hbm>> -> memref<1x8x1x8x128xf32, #tpu.memory_space<hbm>>
          %dma_wait3A_326 = tpu.memref_squeeze %dma_wait3A_325 : memref<1x8x1x8x128xf32, #tpu.memory_space<hbm>> -> memref<8x8x128xf32, #tpu.memory_space<hbm>>
          tpu.wait_dma2 semaphore(%arg29 : memref<!tpu.dma_semaphore, #tpu.memory_space<semaphore_mem>>) src(%arg20 : memref<8x8x128xf32, #tpu.memory_space<vmem>>) dst(%dma_wait3A_326 : memref<8x8x128xf32, #tpu.memory_space<hbm>>)
        } else {
        }
        %add3A_307 = arith.constant 2 : i32
        %add3A_308 = arith.addi %add3A_66, %add3A_307 : i32
        %dma_wait3A_309 = tpu.memref_slice %arg2[%add3A_308, %mul3A_2] : memref<200x4096xi32, #tpu.memory_space<hbm>> -> memref<1x128xi32, #tpu.memory_space<hbm>>
        %dma_wait3A_310 = tpu.memref_squeeze %dma_wait3A_309 : memref<1x128xi32, #tpu.memory_space<hbm>> -> memref<128xi32, #tpu.memory_space<hbm>>
        %dma_wait3A_311 = tpu.memref_slice %arg2[%add3A_308, %mul3A_2] : memref<200x4096xi32, #tpu.memory_space<hbm>> -> memref<1x128xi32, #tpu.memory_space<hbm>>
        %dma_wait3A_312 = tpu.memref_squeeze %dma_wait3A_311 : memref<1x128xi32, #tpu.memory_space<hbm>> -> memref<128xi32, #tpu.memory_space<hbm>>
        tpu.wait_dma2 semaphore(%arg33 : memref<!tpu.dma_semaphore, #tpu.memory_space<semaphore_mem>>) src(%dma_wait3A_312 : memref<128xi32, #tpu.memory_space<hbm>>) dst(%arg8 : memref<128xi32, #tpu.memory_space<vmem>>)
        %dma_start3A_313 = arith.constant 0 : i32
        %dma_start3A_314 = arith.constant 0 : i32
        %dma_start3A_315 = tpu.memref_slice %arg3[%dma_start3A_313, %dma_start3A_314] : memref<1000000x64xf32, #tpu.memory_space<hbm>> -> memref<1000000x64xf32, #tpu.memory_space<hbm>>
        tpu.enqueue_indirect_dma source(%dma_start3A_315 : memref<1000000x64xf32, #tpu.memory_space<hbm>>) target(%arg16 : memref<128x64xf32, #tpu.memory_space<vmem>>) offsets(%arg8 : memref<128xi32, #tpu.memory_space<vmem>>) semaphore(%arg25 : memref<!tpu.dma_semaphore, #tpu.memory_space<semaphore_mem>>)
      } else {
      }
      %dma_wait3A_71 = arith.constant 0 : i32
      %dma_wait3A_72 = arith.constant 0 : i32
      %dma_wait3A_73 = tpu.memref_slice %arg3[%dma_wait3A_71, %dma_wait3A_72] : memref<1000000x64xf32, #tpu.memory_space<hbm>> -> memref<128x64xf32, #tpu.memory_space<hbm>>
      %dma_wait3A_74 = arith.constant 0 : i32
      %dma_wait3A_75 = arith.constant 0 : i32
      %dma_wait3A_76 = tpu.memref_slice %arg3[%dma_wait3A_74, %dma_wait3A_75] : memref<1000000x64xf32, #tpu.memory_space<hbm>> -> memref<128x64xf32, #tpu.memory_space<hbm>>
      tpu.wait_dma2 semaphore(%arg23 : memref<!tpu.dma_semaphore, #tpu.memory_space<semaphore_mem>>) src(%dma_wait3A_76 : memref<128x64xf32, #tpu.memory_space<hbm>>) dst(%arg14 : memref<128x64xf32, #tpu.memory_space<vmem>>)
      %add3A_77 = arith.constant 0 : i32
      %add3A_78 = vector.broadcast %add3A_77 : i32 to vector<16xi32>
      %add3A_79 = arith.addi %iota3A, %add3A_78 : vector<16xi32>
      %add3A_80 = arith.constant 16 : i32
      %add3A_81 = vector.broadcast %add3A_80 : i32 to vector<16xi32>
      %add3A_82 = arith.addi %iota3A, %add3A_81 : vector<16xi32>
      %add3A_83 = arith.constant 32 : i32
      %add3A_84 = vector.broadcast %add3A_83 : i32 to vector<16xi32>
      %add3A_85 = arith.addi %iota3A, %add3A_84 : vector<16xi32>
      %add3A_86 = arith.constant 48 : i32
      %add3A_87 = vector.broadcast %add3A_86 : i32 to vector<16xi32>
      %add3A_88 = arith.addi %iota3A, %add3A_87 : vector<16xi32>
      %add3A_89 = arith.constant 64 : i32
      %add3A_90 = vector.broadcast %add3A_89 : i32 to vector<16xi32>
      %add3A_91 = arith.addi %iota3A, %add3A_90 : vector<16xi32>
      %add3A_92 = arith.constant 80 : i32
      %add3A_93 = vector.broadcast %add3A_92 : i32 to vector<16xi32>
      %add3A_94 = arith.addi %iota3A, %add3A_93 : vector<16xi32>
      %add3A_95 = arith.constant 96 : i32
      %add3A_96 = vector.broadcast %add3A_95 : i32 to vector<16xi32>
      %add3A_97 = arith.addi %iota3A, %add3A_96 : vector<16xi32>
      %add3A_98 = arith.constant 112 : i32
      %add3A_99 = vector.broadcast %add3A_98 : i32 to vector<16xi32>
      %add3A_100 = arith.addi %iota3A, %add3A_99 : vector<16xi32>
      %parallel_loop3A = arith.constant 0 : i32
      %parallel_loop3A_101 = arith.constant 64 : i32
      %parallel_loop3A_102 = arith.constant 1 : i32
      scf.for %parallel_loop3A_303 = %parallel_loop3A to %parallel_loop3A_101 step %parallel_loop3A_102  : i32 {
        %parallel_loop3A_304 = arith.constant 16 : i32
        %parallel_loop3A_305 = arith.divsi %parallel_loop3A_303, %parallel_loop3A_304 : i32
        %parallel_loop3A_306 = arith.constant 0 : i32
        %parallel_loop3A_307 = arith.cmpi sgt, %parallel_loop3A_303, %parallel_loop3A_306 : i32
        %parallel_loop3A_308 = arith.extui %parallel_loop3A_307 : i1 to i32
        %parallel_loop3A_309 = arith.constant 0 : i32
        %parallel_loop3A_310 = arith.cmpi slt, %parallel_loop3A_303, %parallel_loop3A_309 : i32
        %parallel_loop3A_311 = arith.extui %parallel_loop3A_310 : i1 to i32
        %parallel_loop3A_312 = arith.subi %parallel_loop3A_308, %parallel_loop3A_311 : i32
        %parallel_loop3A_313 = arith.constant 0 : i32
        %parallel_loop3A_314 = arith.cmpi sgt, %parallel_loop3A_304, %parallel_loop3A_313 : i32
        %parallel_loop3A_315 = arith.extui %parallel_loop3A_314 : i1 to i32
        %parallel_loop3A_316 = arith.constant 0 : i32
        %parallel_loop3A_317 = arith.cmpi slt, %parallel_loop3A_304, %parallel_loop3A_316 : i32
        %parallel_loop3A_318 = arith.extui %parallel_loop3A_317 : i1 to i32
        %parallel_loop3A_319 = arith.subi %parallel_loop3A_315, %parallel_loop3A_318 : i32
        %parallel_loop3A_320 = arith.cmpi ne, %parallel_loop3A_312, %parallel_loop3A_319 : i32
        %parallel_loop3A_321 = arith.remsi %parallel_loop3A_303, %parallel_loop3A_304 : i32
        %parallel_loop3A_322 = arith.constant 0 : i32
        %parallel_loop3A_323 = arith.cmpi ne, %parallel_loop3A_321, %parallel_loop3A_322 : i32
        %parallel_loop3A_324 = arith.andi %parallel_loop3A_320, %parallel_loop3A_323 : i1
        %parallel_loop3A_325 = arith.constant 1 : i32
        %parallel_loop3A_326 = arith.subi %parallel_loop3A_305, %parallel_loop3A_325 : i32
        %parallel_loop3A_327 = arith.select %parallel_loop3A_324, %parallel_loop3A_326, %parallel_loop3A_305 : i32
        %parallel_loop3A_328 = arith.constant 16 : i32
        %parallel_loop3A_329 = arith.muli %parallel_loop3A_327, %parallel_loop3A_328 : i32
        %parallel_loop3A_330 = arith.constant 16 : i32
        %parallel_loop3A_331 = arith.constant 0 : i32
        %parallel_loop3A_332 = arith.cmpi eq, %parallel_loop3A_330, %parallel_loop3A_331 : i32
        %parallel_loop3A_333 = arith.constant 1 : i32
        %parallel_loop3A_334 = arith.select %parallel_loop3A_332, %parallel_loop3A_333, %parallel_loop3A_330 : i32
        %parallel_loop3A_335 = arith.remsi %parallel_loop3A_303, %parallel_loop3A_334 : i32
        %parallel_loop3A_336 = arith.constant 0 : i32
        %parallel_loop3A_337 = arith.cmpi ne, %parallel_loop3A_335, %parallel_loop3A_336 : i32
        %parallel_loop3A_338 = arith.constant 0 : i32
        %parallel_loop3A_339 = arith.cmpi slt, %parallel_loop3A_335, %parallel_loop3A_338 : i32
        %parallel_loop3A_340 = arith.constant 0 : i32
        %parallel_loop3A_341 = arith.cmpi slt, %parallel_loop3A_334, %parallel_loop3A_340 : i32
        %parallel_loop3A_342 = arith.xori %parallel_loop3A_339, %parallel_loop3A_341 : i1
        %parallel_loop3A_343 = arith.andi %parallel_loop3A_342, %parallel_loop3A_337 : i1
        %parallel_loop3A_344 = arith.addi %parallel_loop3A_335, %parallel_loop3A_334 : i32
        %parallel_loop3A_345 = arith.select %parallel_loop3A_343, %parallel_loop3A_344, %parallel_loop3A_335 : i32
        %parallel_loop3A_346 = vector.broadcast %parallel_loop3A_345 : i32 to vector<16xi32>
        %parallel_loop3A_347 = arith.addi %iota3A, %parallel_loop3A_346 : vector<16xi32>
        %parallel_loop3A_348 = arith.constant 15 : i32
        %parallel_loop3A_349 = vector.broadcast %parallel_loop3A_348 : i32 to vector<16xi32>
        %parallel_loop3A_350 = arith.andi %parallel_loop3A_347, %parallel_loop3A_349 : vector<16xi32>
        %parallel_loop3A_351 = vector.broadcast %parallel_loop3A_329 : i32 to vector<16xi32>
        %parallel_loop3A_352 = arith.addi %parallel_loop3A_350, %parallel_loop3A_351 : vector<16xi32>
        %parallel_loop3A_353 = arith.constant 64 : i32
        %parallel_loop3A_354 = arith.muli %add3A_66, %parallel_loop3A_353 : i32
        %parallel_loop3A_355 = vector.broadcast %parallel_loop3A_354 : i32 to vector<16xi32>
        %parallel_loop3A_356 = arith.addi %parallel_loop3A_352, %parallel_loop3A_355 : vector<16xi32>
        %parallel_loop3A_357 = tpu.vector_load_idx %arg22[%parallel_loop3A_356] : memref<12800xf32, #tpu.memory_space<vmem>>[vector<16xi32>], vector<16xf32>,
        %parallel_loop3A_358 = arith.constant 3 : i32
        %parallel_loop3A_359 = vector.broadcast %parallel_loop3A_358 : i32 to vector<16xi32>
        %parallel_loop3A_360 = arith.shrui %parallel_loop3A_352, %parallel_loop3A_359 : vector<16xi32>
        %parallel_loop3A_361 = arith.constant 7 : i32
        %parallel_loop3A_362 = vector.broadcast %parallel_loop3A_361 : i32 to vector<16xi32>
        %parallel_loop3A_363 = arith.andi %parallel_loop3A_352, %parallel_loop3A_362 : vector<16xi32>
        %parallel_loop3A_364 = tpu.vector_load_idx %arg14[%add3A_79, %parallel_loop3A_352] : memref<128x64xf32, #tpu.memory_space<vmem>>[vector<16xi32>, vector<16xi32>], vector<16xf32>,
        %parallel_loop3A_365 = arith.constant 8.000000e+00 : f32
        %parallel_loop3A_366 = vector.broadcast %parallel_loop3A_365 : f32 to vector<16xf32>
        %parallel_loop3A_367 = arith.mulf %parallel_loop3A_364, %parallel_loop3A_366 : vector<16xf32>
        %parallel_loop3A_368 = arith.addf %parallel_loop3A_367, %parallel_loop3A_357 : vector<16xf32>
        tpu.vector_store_idx %arg18[%parallel_loop3A_360, %parallel_loop3A_363, %add3A_79], %parallel_loop3A_368 : memref<8x8x128xf32, #tpu.memory_space<vmem>>[vector<16xi32>, vector<16xi32>, vector<16xi32>], vector<16xf32>,
        %parallel_loop3A_369 = tpu.vector_load_idx %arg14[%add3A_82, %parallel_loop3A_352] : memref<128x64xf32, #tpu.memory_space<vmem>>[vector<16xi32>, vector<16xi32>], vector<16xf32>,
        %parallel_loop3A_370 = arith.constant 8.000000e+00 : f32
        %parallel_loop3A_371 = vector.broadcast %parallel_loop3A_370 : f32 to vector<16xf32>
        %parallel_loop3A_372 = arith.mulf %parallel_loop3A_369, %parallel_loop3A_371 : vector<16xf32>
        %parallel_loop3A_373 = arith.addf %parallel_loop3A_372, %parallel_loop3A_357 : vector<16xf32>
        tpu.vector_store_idx %arg18[%parallel_loop3A_360, %parallel_loop3A_363, %add3A_82], %parallel_loop3A_373 : memref<8x8x128xf32, #tpu.memory_space<vmem>>[vector<16xi32>, vector<16xi32>, vector<16xi32>], vector<16xf32>,
        %parallel_loop3A_374 = tpu.vector_load_idx %arg14[%add3A_85, %parallel_loop3A_352] : memref<128x64xf32, #tpu.memory_space<vmem>>[vector<16xi32>, vector<16xi32>], vector<16xf32>,
        %parallel_loop3A_375 = arith.constant 8.000000e+00 : f32
        %parallel_loop3A_376 = vector.broadcast %parallel_loop3A_375 : f32 to vector<16xf32>
        %parallel_loop3A_377 = arith.mulf %parallel_loop3A_374, %parallel_loop3A_376 : vector<16xf32>
        %parallel_loop3A_378 = arith.addf %parallel_loop3A_377, %parallel_loop3A_357 : vector<16xf32>
        tpu.vector_store_idx %arg18[%parallel_loop3A_360, %parallel_loop3A_363, %add3A_85], %parallel_loop3A_378 : memref<8x8x128xf32, #tpu.memory_space<vmem>>[vector<16xi32>, vector<16xi32>, vector<16xi32>], vector<16xf32>,
        %parallel_loop3A_379 = tpu.vector_load_idx %arg14[%add3A_88, %parallel_loop3A_352] : memref<128x64xf32, #tpu.memory_space<vmem>>[vector<16xi32>, vector<16xi32>], vector<16xf32>,
        %parallel_loop3A_380 = arith.constant 8.000000e+00 : f32
        %parallel_loop3A_381 = vector.broadcast %parallel_loop3A_380 : f32 to vector<16xf32>
        %parallel_loop3A_382 = arith.mulf %parallel_loop3A_379, %parallel_loop3A_381 : vector<16xf32>
        %parallel_loop3A_383 = arith.addf %parallel_loop3A_382, %parallel_loop3A_357 : vector<16xf32>
        tpu.vector_store_idx %arg18[%parallel_loop3A_360, %parallel_loop3A_363, %add3A_88], %parallel_loop3A_383 : memref<8x8x128xf32, #tpu.memory_space<vmem>>[vector<16xi32>, vector<16xi32>, vector<16xi32>], vector<16xf32>,
        %parallel_loop3A_384 = tpu.vector_load_idx %arg14[%add3A_91, %parallel_loop3A_352] : memref<128x64xf32, #tpu.memory_space<vmem>>[vector<16xi32>, vector<16xi32>], vector<16xf32>,
        %parallel_loop3A_385 = arith.constant 8.000000e+00 : f32
        %parallel_loop3A_386 = vector.broadcast %parallel_loop3A_385 : f32 to vector<16xf32>
        %parallel_loop3A_387 = arith.mulf %parallel_loop3A_384, %parallel_loop3A_386 : vector<16xf32>
        %parallel_loop3A_388 = arith.addf %parallel_loop3A_387, %parallel_loop3A_357 : vector<16xf32>
        tpu.vector_store_idx %arg18[%parallel_loop3A_360, %parallel_loop3A_363, %add3A_91], %parallel_loop3A_388 : memref<8x8x128xf32, #tpu.memory_space<vmem>>[vector<16xi32>, vector<16xi32>, vector<16xi32>], vector<16xf32>,
        %parallel_loop3A_389 = tpu.vector_load_idx %arg14[%add3A_94, %parallel_loop3A_352] : memref<128x64xf32, #tpu.memory_space<vmem>>[vector<16xi32>, vector<16xi32>], vector<16xf32>,
        %parallel_loop3A_390 = arith.constant 8.000000e+00 : f32
        %parallel_loop3A_391 = vector.broadcast %parallel_loop3A_390 : f32 to vector<16xf32>
        %parallel_loop3A_392 = arith.mulf %parallel_loop3A_389, %parallel_loop3A_391 : vector<16xf32>
        %parallel_loop3A_393 = arith.addf %parallel_loop3A_392, %parallel_loop3A_357 : vector<16xf32>
        tpu.vector_store_idx %arg18[%parallel_loop3A_360, %parallel_loop3A_363, %add3A_94], %parallel_loop3A_393 : memref<8x8x128xf32, #tpu.memory_space<vmem>>[vector<16xi32>, vector<16xi32>, vector<16xi32>], vector<16xf32>,
        %parallel_loop3A_394 = tpu.vector_load_idx %arg14[%add3A_97, %parallel_loop3A_352] : memref<128x64xf32, #tpu.memory_space<vmem>>[vector<16xi32>, vector<16xi32>], vector<16xf32>,
        %parallel_loop3A_395 = arith.constant 8.000000e+00 : f32
        %parallel_loop3A_396 = vector.broadcast %parallel_loop3A_395 : f32 to vector<16xf32>
        %parallel_loop3A_397 = arith.mulf %parallel_loop3A_394, %parallel_loop3A_396 : vector<16xf32>
        %parallel_loop3A_398 = arith.addf %parallel_loop3A_397, %parallel_loop3A_357 : vector<16xf32>
        tpu.vector_store_idx %arg18[%parallel_loop3A_360, %parallel_loop3A_363, %add3A_97], %parallel_loop3A_398 : memref<8x8x128xf32, #tpu.memory_space<vmem>>[vector<16xi32>, vector<16xi32>, vector<16xi32>], vector<16xf32>,
        %parallel_loop3A_399 = tpu.vector_load_idx %arg14[%add3A_100, %parallel_loop3A_352] : memref<128x64xf32, #tpu.memory_space<vmem>>[vector<16xi32>, vector<16xi32>], vector<16xf32>,
        %parallel_loop3A_400 = arith.constant 8.000000e+00 : f32
        %parallel_loop3A_401 = vector.broadcast %parallel_loop3A_400 : f32 to vector<16xf32>
        %parallel_loop3A_402 = arith.mulf %parallel_loop3A_399, %parallel_loop3A_401 : vector<16xf32>
        %parallel_loop3A_403 = arith.addf %parallel_loop3A_402, %parallel_loop3A_357 : vector<16xf32>
        tpu.vector_store_idx %arg18[%parallel_loop3A_360, %parallel_loop3A_363, %add3A_100], %parallel_loop3A_403 : memref<8x8x128xf32, #tpu.memory_space<vmem>>[vector<16xi32>, vector<16xi32>, vector<16xi32>], vector<16xf32>,
      } {sc.loop_unroll_factor = 8 : i64, sc.parallel_access}
      %add3A_103 = arith.constant 3 : i32
      %add3A_104 = arith.addi %add3A_66, %add3A_103 : i32
      %lt3A_105 = arith.constant 200 : i32
      %lt3A_106 = arith.cmpi slt, %add3A_104, %lt3A_105 : i32
      %convert_element_type3A_107 = arith.extui %lt3A_106 : i1 to i32
      %cond3A_108 = arith.constant 0 : i32
      %cond3A_109 = arith.cmpi ne, %convert_element_type3A_107, %cond3A_108 : i32
      scf.if %cond3A_109 {
        %add3A_303 = arith.constant 3 : i32
        %add3A_304 = arith.addi %add3A_66, %add3A_303 : i32
        %dma_start3A_305 = tpu.memref_slice %arg2[%add3A_304, %mul3A_2] : memref<200x4096xi32, #tpu.memory_space<hbm>> -> memref<1x128xi32, #tpu.memory_space<hbm>>
        %dma_start3A_306 = tpu.memref_squeeze %dma_start3A_305 : memref<1x128xi32, #tpu.memory_space<hbm>> -> memref<128xi32, #tpu.memory_space<hbm>>
        %dma_start3A_307 = tpu.memref_slice %arg2[%add3A_304, %mul3A_2] : memref<200x4096xi32, #tpu.memory_space<hbm>> -> memref<1x128xi32, #tpu.memory_space<hbm>>
        %dma_start3A_308 = tpu.memref_squeeze %dma_start3A_307 : memref<1x128xi32, #tpu.memory_space<hbm>> -> memref<128xi32, #tpu.memory_space<hbm>>
        tpu.enqueue_dma source(%dma_start3A_308 : memref<128xi32, #tpu.memory_space<hbm>>) target(%arg9 : memref<128xi32, #tpu.memory_space<vmem>>) target_semaphore(%arg34 : memref<!tpu.dma_semaphore, #tpu.memory_space<semaphore_mem>>)
      } else {
      }
      %dma_start3A_110 = arith.constant 0 : i32
      %dma_start3A_111 = arith.constant 0 : i32
      %dma_start3A_112 = arith.constant 0 : i32
      %dma_start3A_113 = tpu.memref_slice %arg5[%add3A_66, %dma_start3A_110, %add3A, %dma_start3A_111, %dma_start3A_112] : memref<200x8x32x8x128xf32, #tpu.memory_space<hbm>> -> memref<1x8x1x8x128xf32, #tpu.memory_space<hbm>>
      %dma_start3A_114 = tpu.memref_squeeze %dma_start3A_113 : memref<1x8x1x8x128xf32, #tpu.memory_space<hbm>> -> memref<8x8x128xf32, #tpu.memory_space<hbm>>
      %dma_start3A_115 = arith.constant 0 : i32
      %dma_start3A_116 = arith.constant 0 : i32
      %dma_start3A_117 = arith.constant 0 : i32
      %dma_start3A_118 = tpu.memref_slice %arg5[%add3A_66, %dma_start3A_115, %add3A, %dma_start3A_116, %dma_start3A_117] : memref<200x8x32x8x128xf32, #tpu.memory_space<hbm>> -> memref<1x8x1x8x128xf32, #tpu.memory_space<hbm>>
      %dma_start3A_119 = tpu.memref_squeeze %dma_start3A_118 : memref<1x8x1x8x128xf32, #tpu.memory_space<hbm>> -> memref<8x8x128xf32, #tpu.memory_space<hbm>>
      tpu.enqueue_dma source(%arg18 : memref<8x8x128xf32, #tpu.memory_space<vmem>>) target(%dma_start3A_119 : memref<8x8x128xf32, #tpu.memory_space<hbm>>) target_semaphore(%arg27 : memref<!tpu.dma_semaphore, #tpu.memory_space<semaphore_mem>>)
      %mul3A_120 = arith.constant 4 : i32
      %mul3A_121 = arith.muli %scan3A_62, %mul3A_120 : i32
      %add3A_122 = arith.constant 1 : i32
      %add3A_123 = arith.addi %mul3A_121, %add3A_122 : i32
      %add3A_124 = arith.constant 2 : i32
      %add3A_125 = arith.addi %add3A_123, %add3A_124 : i32
      %lt3A_126 = arith.constant 200 : i32
      %lt3A_127 = arith.cmpi slt, %add3A_125, %lt3A_126 : i32
      %convert_element_type3A_128 = arith.extui %lt3A_127 : i1 to i32
      %cond3A_129 = arith.constant 0 : i32
      %cond3A_130 = arith.cmpi ne, %convert_element_type3A_128, %cond3A_129 : i32
      scf.if %cond3A_130 {
        %ge3A = arith.constant 2 : i32
        %ge3A_303 = arith.cmpi sge, %add3A_123, %ge3A : i32
        %convert_element_type3A_304 = arith.extui %ge3A_303 : i1 to i32
        %cond3A_305 = arith.constant 0 : i32
        %cond3A_306 = arith.cmpi ne, %convert_element_type3A_304, %cond3A_305 : i32
        scf.if %cond3A_306 {
          %sub3A = arith.constant 2 : i32
          %sub3A_316 = arith.subi %add3A_123, %sub3A : i32
          %dma_wait3A_317 = arith.constant 0 : i32
          %dma_wait3A_318 = arith.constant 0 : i32
          %dma_wait3A_319 = arith.constant 0 : i32
          %dma_wait3A_320 = tpu.memref_slice %arg5[%sub3A_316, %dma_wait3A_317, %add3A, %dma_wait3A_318, %dma_wait3A_319] : memref<200x8x32x8x128xf32, #tpu.memory_space<hbm>> -> memref<1x8x1x8x128xf32, #tpu.memory_space<hbm>>
          %dma_wait3A_321 = tpu.memref_squeeze %dma_wait3A_320 : memref<1x8x1x8x128xf32, #tpu.memory_space<hbm>> -> memref<8x8x128xf32, #tpu.memory_space<hbm>>
          %dma_wait3A_322 = arith.constant 0 : i32
          %dma_wait3A_323 = arith.constant 0 : i32
          %dma_wait3A_324 = arith.constant 0 : i32
          %dma_wait3A_325 = tpu.memref_slice %arg5[%sub3A_316, %dma_wait3A_322, %add3A, %dma_wait3A_323, %dma_wait3A_324] : memref<200x8x32x8x128xf32, #tpu.memory_space<hbm>> -> memref<1x8x1x8x128xf32, #tpu.memory_space<hbm>>
          %dma_wait3A_326 = tpu.memref_squeeze %dma_wait3A_325 : memref<1x8x1x8x128xf32, #tpu.memory_space<hbm>> -> memref<8x8x128xf32, #tpu.memory_space<hbm>>
          tpu.wait_dma2 semaphore(%arg30 : memref<!tpu.dma_semaphore, #tpu.memory_space<semaphore_mem>>) src(%arg21 : memref<8x8x128xf32, #tpu.memory_space<vmem>>) dst(%dma_wait3A_326 : memref<8x8x128xf32, #tpu.memory_space<hbm>>)
        } else {
        }
        %add3A_307 = arith.constant 2 : i32
        %add3A_308 = arith.addi %add3A_123, %add3A_307 : i32
        %dma_wait3A_309 = tpu.memref_slice %arg2[%add3A_308, %mul3A_2] : memref<200x4096xi32, #tpu.memory_space<hbm>> -> memref<1x128xi32, #tpu.memory_space<hbm>>
        %dma_wait3A_310 = tpu.memref_squeeze %dma_wait3A_309 : memref<1x128xi32, #tpu.memory_space<hbm>> -> memref<128xi32, #tpu.memory_space<hbm>>
        %dma_wait3A_311 = tpu.memref_slice %arg2[%add3A_308, %mul3A_2] : memref<200x4096xi32, #tpu.memory_space<hbm>> -> memref<1x128xi32, #tpu.memory_space<hbm>>
        %dma_wait3A_312 = tpu.memref_squeeze %dma_wait3A_311 : memref<1x128xi32, #tpu.memory_space<hbm>> -> memref<128xi32, #tpu.memory_space<hbm>>
        tpu.wait_dma2 semaphore(%arg34 : memref<!tpu.dma_semaphore, #tpu.memory_space<semaphore_mem>>) src(%dma_wait3A_312 : memref<128xi32, #tpu.memory_space<hbm>>) dst(%arg9 : memref<128xi32, #tpu.memory_space<vmem>>)
        %dma_start3A_313 = arith.constant 0 : i32
        %dma_start3A_314 = arith.constant 0 : i32
        %dma_start3A_315 = tpu.memref_slice %arg3[%dma_start3A_313, %dma_start3A_314] : memref<1000000x64xf32, #tpu.memory_space<hbm>> -> memref<1000000x64xf32, #tpu.memory_space<hbm>>
        tpu.enqueue_indirect_dma source(%dma_start3A_315 : memref<1000000x64xf32, #tpu.memory_space<hbm>>) target(%arg17 : memref<128x64xf32, #tpu.memory_space<vmem>>) offsets(%arg9 : memref<128xi32, #tpu.memory_space<vmem>>) semaphore(%arg26 : memref<!tpu.dma_semaphore, #tpu.memory_space<semaphore_mem>>)
      } else {
      }
      %dma_wait3A_131 = arith.constant 0 : i32
      %dma_wait3A_132 = arith.constant 0 : i32
      %dma_wait3A_133 = tpu.memref_slice %arg3[%dma_wait3A_131, %dma_wait3A_132] : memref<1000000x64xf32, #tpu.memory_space<hbm>> -> memref<128x64xf32, #tpu.memory_space<hbm>>
      %dma_wait3A_134 = arith.constant 0 : i32
      %dma_wait3A_135 = arith.constant 0 : i32
      %dma_wait3A_136 = tpu.memref_slice %arg3[%dma_wait3A_134, %dma_wait3A_135] : memref<1000000x64xf32, #tpu.memory_space<hbm>> -> memref<128x64xf32, #tpu.memory_space<hbm>>
      tpu.wait_dma2 semaphore(%arg24 : memref<!tpu.dma_semaphore, #tpu.memory_space<semaphore_mem>>) src(%dma_wait3A_136 : memref<128x64xf32, #tpu.memory_space<hbm>>) dst(%arg15 : memref<128x64xf32, #tpu.memory_space<vmem>>)
      %add3A_137 = arith.constant 0 : i32
      %add3A_138 = vector.broadcast %add3A_137 : i32 to vector<16xi32>
      %add3A_139 = arith.addi %iota3A, %add3A_138 : vector<16xi32>
      %add3A_140 = arith.constant 16 : i32
      %add3A_141 = vector.broadcast %add3A_140 : i32 to vector<16xi32>
      %add3A_142 = arith.addi %iota3A, %add3A_141 : vector<16xi32>
      %add3A_143 = arith.constant 32 : i32
      %add3A_144 = vector.broadcast %add3A_143 : i32 to vector<16xi32>
      %add3A_145 = arith.addi %iota3A, %add3A_144 : vector<16xi32>
      %add3A_146 = arith.constant 48 : i32
      %add3A_147 = vector.broadcast %add3A_146 : i32 to vector<16xi32>
      %add3A_148 = arith.addi %iota3A, %add3A_147 : vector<16xi32>
      %add3A_149 = arith.constant 64 : i32
      %add3A_150 = vector.broadcast %add3A_149 : i32 to vector<16xi32>
      %add3A_151 = arith.addi %iota3A, %add3A_150 : vector<16xi32>
      %add3A_152 = arith.constant 80 : i32
      %add3A_153 = vector.broadcast %add3A_152 : i32 to vector<16xi32>
      %add3A_154 = arith.addi %iota3A, %add3A_153 : vector<16xi32>
      %add3A_155 = arith.constant 96 : i32
      %add3A_156 = vector.broadcast %add3A_155 : i32 to vector<16xi32>
      %add3A_157 = arith.addi %iota3A, %add3A_156 : vector<16xi32>
      %add3A_158 = arith.constant 112 : i32
      %add3A_159 = vector.broadcast %add3A_158 : i32 to vector<16xi32>
      %add3A_160 = arith.addi %iota3A, %add3A_159 : vector<16xi32>
      %parallel_loop3A_161 = arith.constant 0 : i32
      %parallel_loop3A_162 = arith.constant 64 : i32
      %parallel_loop3A_163 = arith.constant 1 : i32
      scf.for %parallel_loop3A_303 = %parallel_loop3A_161 to %parallel_loop3A_162 step %parallel_loop3A_163  : i32 {
        %parallel_loop3A_304 = arith.constant 16 : i32
        %parallel_loop3A_305 = arith.divsi %parallel_loop3A_303, %parallel_loop3A_304 : i32
        %parallel_loop3A_306 = arith.constant 0 : i32
        %parallel_loop3A_307 = arith.cmpi sgt, %parallel_loop3A_303, %parallel_loop3A_306 : i32
        %parallel_loop3A_308 = arith.extui %parallel_loop3A_307 : i1 to i32
        %parallel_loop3A_309 = arith.constant 0 : i32
        %parallel_loop3A_310 = arith.cmpi slt, %parallel_loop3A_303, %parallel_loop3A_309 : i32
        %parallel_loop3A_311 = arith.extui %parallel_loop3A_310 : i1 to i32
        %parallel_loop3A_312 = arith.subi %parallel_loop3A_308, %parallel_loop3A_311 : i32
        %parallel_loop3A_313 = arith.constant 0 : i32
        %parallel_loop3A_314 = arith.cmpi sgt, %parallel_loop3A_304, %parallel_loop3A_313 : i32
        %parallel_loop3A_315 = arith.extui %parallel_loop3A_314 : i1 to i32
        %parallel_loop3A_316 = arith.constant 0 : i32
        %parallel_loop3A_317 = arith.cmpi slt, %parallel_loop3A_304, %parallel_loop3A_316 : i32
        %parallel_loop3A_318 = arith.extui %parallel_loop3A_317 : i1 to i32
        %parallel_loop3A_319 = arith.subi %parallel_loop3A_315, %parallel_loop3A_318 : i32
        %parallel_loop3A_320 = arith.cmpi ne, %parallel_loop3A_312, %parallel_loop3A_319 : i32
        %parallel_loop3A_321 = arith.remsi %parallel_loop3A_303, %parallel_loop3A_304 : i32
        %parallel_loop3A_322 = arith.constant 0 : i32
        %parallel_loop3A_323 = arith.cmpi ne, %parallel_loop3A_321, %parallel_loop3A_322 : i32
        %parallel_loop3A_324 = arith.andi %parallel_loop3A_320, %parallel_loop3A_323 : i1
        %parallel_loop3A_325 = arith.constant 1 : i32
        %parallel_loop3A_326 = arith.subi %parallel_loop3A_305, %parallel_loop3A_325 : i32
        %parallel_loop3A_327 = arith.select %parallel_loop3A_324, %parallel_loop3A_326, %parallel_loop3A_305 : i32
        %parallel_loop3A_328 = arith.constant 16 : i32
        %parallel_loop3A_329 = arith.muli %parallel_loop3A_327, %parallel_loop3A_328 : i32
        %parallel_loop3A_330 = arith.constant 16 : i32
        %parallel_loop3A_331 = arith.constant 0 : i32
        %parallel_loop3A_332 = arith.cmpi eq, %parallel_loop3A_330, %parallel_loop3A_331 : i32
        %parallel_loop3A_333 = arith.constant 1 : i32
        %parallel_loop3A_334 = arith.select %parallel_loop3A_332, %parallel_loop3A_333, %parallel_loop3A_330 : i32
        %parallel_loop3A_335 = arith.remsi %parallel_loop3A_303, %parallel_loop3A_334 : i32
        %parallel_loop3A_336 = arith.constant 0 : i32
        %parallel_loop3A_337 = arith.cmpi ne, %parallel_loop3A_335, %parallel_loop3A_336 : i32
        %parallel_loop3A_338 = arith.constant 0 : i32
        %parallel_loop3A_339 = arith.cmpi slt, %parallel_loop3A_335, %parallel_loop3A_338 : i32
        %parallel_loop3A_340 = arith.constant 0 : i32
        %parallel_loop3A_341 = arith.cmpi slt, %parallel_loop3A_334, %parallel_loop3A_340 : i32
        %parallel_loop3A_342 = arith.xori %parallel_loop3A_339, %parallel_loop3A_341 : i1
        %parallel_loop3A_343 = arith.andi %parallel_loop3A_342, %parallel_loop3A_337 : i1
        %parallel_loop3A_344 = arith.addi %parallel_loop3A_335, %parallel_loop3A_334 : i32
        %parallel_loop3A_345 = arith.select %parallel_loop3A_343, %parallel_loop3A_344, %parallel_loop3A_335 : i32
        %parallel_loop3A_346 = vector.broadcast %parallel_loop3A_345 : i32 to vector<16xi32>
        %parallel_loop3A_347 = arith.addi %iota3A, %parallel_loop3A_346 : vector<16xi32>
        %parallel_loop3A_348 = arith.constant 15 : i32
        %parallel_loop3A_349 = vector.broadcast %parallel_loop3A_348 : i32 to vector<16xi32>
        %parallel_loop3A_350 = arith.andi %parallel_loop3A_347, %parallel_loop3A_349 : vector<16xi32>
        %parallel_loop3A_351 = vector.broadcast %parallel_loop3A_329 : i32 to vector<16xi32>
        %parallel_loop3A_352 = arith.addi %parallel_loop3A_350, %parallel_loop3A_351 : vector<16xi32>
        %parallel_loop3A_353 = arith.constant 64 : i32
        %parallel_loop3A_354 = arith.muli %add3A_123, %parallel_loop3A_353 : i32
        %parallel_loop3A_355 = vector.broadcast %parallel_loop3A_354 : i32 to vector<16xi32>
        %parallel_loop3A_356 = arith.addi %parallel_loop3A_352, %parallel_loop3A_355 : vector<16xi32>
        %parallel_loop3A_357 = tpu.vector_load_idx %arg22[%parallel_loop3A_356] : memref<12800xf32, #tpu.memory_space<vmem>>[vector<16xi32>], vector<16xf32>,
        %parallel_loop3A_358 = arith.constant 3 : i32
        %parallel_loop3A_359 = vector.broadcast %parallel_loop3A_358 : i32 to vector<16xi32>
        %parallel_loop3A_360 = arith.shrui %parallel_loop3A_352, %parallel_loop3A_359 : vector<16xi32>
        %parallel_loop3A_361 = arith.constant 7 : i32
        %parallel_loop3A_362 = vector.broadcast %parallel_loop3A_361 : i32 to vector<16xi32>
        %parallel_loop3A_363 = arith.andi %parallel_loop3A_352, %parallel_loop3A_362 : vector<16xi32>
        %parallel_loop3A_364 = tpu.vector_load_idx %arg15[%add3A_139, %parallel_loop3A_352] : memref<128x64xf32, #tpu.memory_space<vmem>>[vector<16xi32>, vector<16xi32>], vector<16xf32>,
        %parallel_loop3A_365 = arith.constant 8.000000e+00 : f32
        %parallel_loop3A_366 = vector.broadcast %parallel_loop3A_365 : f32 to vector<16xf32>
        %parallel_loop3A_367 = arith.mulf %parallel_loop3A_364, %parallel_loop3A_366 : vector<16xf32>
        %parallel_loop3A_368 = arith.addf %parallel_loop3A_367, %parallel_loop3A_357 : vector<16xf32>
        tpu.vector_store_idx %arg19[%parallel_loop3A_360, %parallel_loop3A_363, %add3A_139], %parallel_loop3A_368 : memref<8x8x128xf32, #tpu.memory_space<vmem>>[vector<16xi32>, vector<16xi32>, vector<16xi32>], vector<16xf32>,
        %parallel_loop3A_369 = tpu.vector_load_idx %arg15[%add3A_142, %parallel_loop3A_352] : memref<128x64xf32, #tpu.memory_space<vmem>>[vector<16xi32>, vector<16xi32>], vector<16xf32>,
        %parallel_loop3A_370 = arith.constant 8.000000e+00 : f32
        %parallel_loop3A_371 = vector.broadcast %parallel_loop3A_370 : f32 to vector<16xf32>
        %parallel_loop3A_372 = arith.mulf %parallel_loop3A_369, %parallel_loop3A_371 : vector<16xf32>
        %parallel_loop3A_373 = arith.addf %parallel_loop3A_372, %parallel_loop3A_357 : vector<16xf32>
        tpu.vector_store_idx %arg19[%parallel_loop3A_360, %parallel_loop3A_363, %add3A_142], %parallel_loop3A_373 : memref<8x8x128xf32, #tpu.memory_space<vmem>>[vector<16xi32>, vector<16xi32>, vector<16xi32>], vector<16xf32>,
        %parallel_loop3A_374 = tpu.vector_load_idx %arg15[%add3A_145, %parallel_loop3A_352] : memref<128x64xf32, #tpu.memory_space<vmem>>[vector<16xi32>, vector<16xi32>], vector<16xf32>,
        %parallel_loop3A_375 = arith.constant 8.000000e+00 : f32
        %parallel_loop3A_376 = vector.broadcast %parallel_loop3A_375 : f32 to vector<16xf32>
        %parallel_loop3A_377 = arith.mulf %parallel_loop3A_374, %parallel_loop3A_376 : vector<16xf32>
        %parallel_loop3A_378 = arith.addf %parallel_loop3A_377, %parallel_loop3A_357 : vector<16xf32>
        tpu.vector_store_idx %arg19[%parallel_loop3A_360, %parallel_loop3A_363, %add3A_145], %parallel_loop3A_378 : memref<8x8x128xf32, #tpu.memory_space<vmem>>[vector<16xi32>, vector<16xi32>, vector<16xi32>], vector<16xf32>,
        %parallel_loop3A_379 = tpu.vector_load_idx %arg15[%add3A_148, %parallel_loop3A_352] : memref<128x64xf32, #tpu.memory_space<vmem>>[vector<16xi32>, vector<16xi32>], vector<16xf32>,
        %parallel_loop3A_380 = arith.constant 8.000000e+00 : f32
        %parallel_loop3A_381 = vector.broadcast %parallel_loop3A_380 : f32 to vector<16xf32>
        %parallel_loop3A_382 = arith.mulf %parallel_loop3A_379, %parallel_loop3A_381 : vector<16xf32>
        %parallel_loop3A_383 = arith.addf %parallel_loop3A_382, %parallel_loop3A_357 : vector<16xf32>
        tpu.vector_store_idx %arg19[%parallel_loop3A_360, %parallel_loop3A_363, %add3A_148], %parallel_loop3A_383 : memref<8x8x128xf32, #tpu.memory_space<vmem>>[vector<16xi32>, vector<16xi32>, vector<16xi32>], vector<16xf32>,
        %parallel_loop3A_384 = tpu.vector_load_idx %arg15[%add3A_151, %parallel_loop3A_352] : memref<128x64xf32, #tpu.memory_space<vmem>>[vector<16xi32>, vector<16xi32>], vector<16xf32>,
        %parallel_loop3A_385 = arith.constant 8.000000e+00 : f32
        %parallel_loop3A_386 = vector.broadcast %parallel_loop3A_385 : f32 to vector<16xf32>
        %parallel_loop3A_387 = arith.mulf %parallel_loop3A_384, %parallel_loop3A_386 : vector<16xf32>
        %parallel_loop3A_388 = arith.addf %parallel_loop3A_387, %parallel_loop3A_357 : vector<16xf32>
        tpu.vector_store_idx %arg19[%parallel_loop3A_360, %parallel_loop3A_363, %add3A_151], %parallel_loop3A_388 : memref<8x8x128xf32, #tpu.memory_space<vmem>>[vector<16xi32>, vector<16xi32>, vector<16xi32>], vector<16xf32>,
        %parallel_loop3A_389 = tpu.vector_load_idx %arg15[%add3A_154, %parallel_loop3A_352] : memref<128x64xf32, #tpu.memory_space<vmem>>[vector<16xi32>, vector<16xi32>], vector<16xf32>,
        %parallel_loop3A_390 = arith.constant 8.000000e+00 : f32
        %parallel_loop3A_391 = vector.broadcast %parallel_loop3A_390 : f32 to vector<16xf32>
        %parallel_loop3A_392 = arith.mulf %parallel_loop3A_389, %parallel_loop3A_391 : vector<16xf32>
        %parallel_loop3A_393 = arith.addf %parallel_loop3A_392, %parallel_loop3A_357 : vector<16xf32>
        tpu.vector_store_idx %arg19[%parallel_loop3A_360, %parallel_loop3A_363, %add3A_154], %parallel_loop3A_393 : memref<8x8x128xf32, #tpu.memory_space<vmem>>[vector<16xi32>, vector<16xi32>, vector<16xi32>], vector<16xf32>,
        %parallel_loop3A_394 = tpu.vector_load_idx %arg15[%add3A_157, %parallel_loop3A_352] : memref<128x64xf32, #tpu.memory_space<vmem>>[vector<16xi32>, vector<16xi32>], vector<16xf32>,
        %parallel_loop3A_395 = arith.constant 8.000000e+00 : f32
        %parallel_loop3A_396 = vector.broadcast %parallel_loop3A_395 : f32 to vector<16xf32>
        %parallel_loop3A_397 = arith.mulf %parallel_loop3A_394, %parallel_loop3A_396 : vector<16xf32>
        %parallel_loop3A_398 = arith.addf %parallel_loop3A_397, %parallel_loop3A_357 : vector<16xf32>
        tpu.vector_store_idx %arg19[%parallel_loop3A_360, %parallel_loop3A_363, %add3A_157], %parallel_loop3A_398 : memref<8x8x128xf32, #tpu.memory_space<vmem>>[vector<16xi32>, vector<16xi32>, vector<16xi32>], vector<16xf32>,
        %parallel_loop3A_399 = tpu.vector_load_idx %arg15[%add3A_160, %parallel_loop3A_352] : memref<128x64xf32, #tpu.memory_space<vmem>>[vector<16xi32>, vector<16xi32>], vector<16xf32>,
        %parallel_loop3A_400 = arith.constant 8.000000e+00 : f32
        %parallel_loop3A_401 = vector.broadcast %parallel_loop3A_400 : f32 to vector<16xf32>
        %parallel_loop3A_402 = arith.mulf %parallel_loop3A_399, %parallel_loop3A_401 : vector<16xf32>
        %parallel_loop3A_403 = arith.addf %parallel_loop3A_402, %parallel_loop3A_357 : vector<16xf32>
        tpu.vector_store_idx %arg19[%parallel_loop3A_360, %parallel_loop3A_363, %add3A_160], %parallel_loop3A_403 : memref<8x8x128xf32, #tpu.memory_space<vmem>>[vector<16xi32>, vector<16xi32>, vector<16xi32>], vector<16xf32>,
      } {sc.loop_unroll_factor = 8 : i64, sc.parallel_access}
      %add3A_164 = arith.constant 3 : i32
      %add3A_165 = arith.addi %add3A_123, %add3A_164 : i32
      %lt3A_166 = arith.constant 200 : i32
      %lt3A_167 = arith.cmpi slt, %add3A_165, %lt3A_166 : i32
      %convert_element_type3A_168 = arith.extui %lt3A_167 : i1 to i32
      %cond3A_169 = arith.constant 0 : i32
      %cond3A_170 = arith.cmpi ne, %convert_element_type3A_168, %cond3A_169 : i32
      scf.if %cond3A_170 {
        %add3A_303 = arith.constant 3 : i32
        %add3A_304 = arith.addi %add3A_123, %add3A_303 : i32
        %dma_start3A_305 = tpu.memref_slice %arg2[%add3A_304, %mul3A_2] : memref<200x4096xi32, #tpu.memory_space<hbm>> -> memref<1x128xi32, #tpu.memory_space<hbm>>
        %dma_start3A_306 = tpu.memref_squeeze %dma_start3A_305 : memref<1x128xi32, #tpu.memory_space<hbm>> -> memref<128xi32, #tpu.memory_space<hbm>>
        %dma_start3A_307 = tpu.memref_slice %arg2[%add3A_304, %mul3A_2] : memref<200x4096xi32, #tpu.memory_space<hbm>> -> memref<1x128xi32, #tpu.memory_space<hbm>>
        %dma_start3A_308 = tpu.memref_squeeze %dma_start3A_307 : memref<1x128xi32, #tpu.memory_space<hbm>> -> memref<128xi32, #tpu.memory_space<hbm>>
        tpu.enqueue_dma source(%dma_start3A_308 : memref<128xi32, #tpu.memory_space<hbm>>) target(%arg6 : memref<128xi32, #tpu.memory_space<vmem>>) target_semaphore(%arg31 : memref<!tpu.dma_semaphore, #tpu.memory_space<semaphore_mem>>)
      } else {
      }
      %dma_start3A_171 = arith.constant 0 : i32
      %dma_start3A_172 = arith.constant 0 : i32
      %dma_start3A_173 = arith.constant 0 : i32
      %dma_start3A_174 = tpu.memref_slice %arg5[%add3A_123, %dma_start3A_171, %add3A, %dma_start3A_172, %dma_start3A_173] : memref<200x8x32x8x128xf32, #tpu.memory_space<hbm>> -> memref<1x8x1x8x128xf32, #tpu.memory_space<hbm>>
      %dma_start3A_175 = tpu.memref_squeeze %dma_start3A_174 : memref<1x8x1x8x128xf32, #tpu.memory_space<hbm>> -> memref<8x8x128xf32, #tpu.memory_space<hbm>>
      %dma_start3A_176 = arith.constant 0 : i32
      %dma_start3A_177 = arith.constant 0 : i32
      %dma_start3A_178 = arith.constant 0 : i32
      %dma_start3A_179 = tpu.memref_slice %arg5[%add3A_123, %dma_start3A_176, %add3A, %dma_start3A_177, %dma_start3A_178] : memref<200x8x32x8x128xf32, #tpu.memory_space<hbm>> -> memref<1x8x1x8x128xf32, #tpu.memory_space<hbm>>
      %dma_start3A_180 = tpu.memref_squeeze %dma_start3A_179 : memref<1x8x1x8x128xf32, #tpu.memory_space<hbm>> -> memref<8x8x128xf32, #tpu.memory_space<hbm>>
      tpu.enqueue_dma source(%arg19 : memref<8x8x128xf32, #tpu.memory_space<vmem>>) target(%dma_start3A_180 : memref<8x8x128xf32, #tpu.memory_space<hbm>>) target_semaphore(%arg28 : memref<!tpu.dma_semaphore, #tpu.memory_space<semaphore_mem>>)
      %mul3A_181 = arith.constant 4 : i32
      %mul3A_182 = arith.muli %scan3A_62, %mul3A_181 : i32
      %add3A_183 = arith.constant 2 : i32
      %add3A_184 = arith.addi %mul3A_182, %add3A_183 : i32
      %add3A_185 = arith.constant 2 : i32
      %add3A_186 = arith.addi %add3A_184, %add3A_185 : i32
      %lt3A_187 = arith.constant 200 : i32
      %lt3A_188 = arith.cmpi slt, %add3A_186, %lt3A_187 : i32
      %convert_element_type3A_189 = arith.extui %lt3A_188 : i1 to i32
      %cond3A_190 = arith.constant 0 : i32
      %cond3A_191 = arith.cmpi ne, %convert_element_type3A_189, %cond3A_190 : i32
      scf.if %cond3A_191 {
        %ge3A = arith.constant 2 : i32
        %ge3A_303 = arith.cmpi sge, %add3A_184, %ge3A : i32
        %convert_element_type3A_304 = arith.extui %ge3A_303 : i1 to i32
        %cond3A_305 = arith.constant 0 : i32
        %cond3A_306 = arith.cmpi ne, %convert_element_type3A_304, %cond3A_305 : i32
        scf.if %cond3A_306 {
          %sub3A = arith.constant 2 : i32
          %sub3A_316 = arith.subi %add3A_184, %sub3A : i32
          %dma_wait3A_317 = arith.constant 0 : i32
          %dma_wait3A_318 = arith.constant 0 : i32
          %dma_wait3A_319 = arith.constant 0 : i32
          %dma_wait3A_320 = tpu.memref_slice %arg5[%sub3A_316, %dma_wait3A_317, %add3A, %dma_wait3A_318, %dma_wait3A_319] : memref<200x8x32x8x128xf32, #tpu.memory_space<hbm>> -> memref<1x8x1x8x128xf32, #tpu.memory_space<hbm>>
          %dma_wait3A_321 = tpu.memref_squeeze %dma_wait3A_320 : memref<1x8x1x8x128xf32, #tpu.memory_space<hbm>> -> memref<8x8x128xf32, #tpu.memory_space<hbm>>
          %dma_wait3A_322 = arith.constant 0 : i32
          %dma_wait3A_323 = arith.constant 0 : i32
          %dma_wait3A_324 = arith.constant 0 : i32
          %dma_wait3A_325 = tpu.memref_slice %arg5[%sub3A_316, %dma_wait3A_322, %add3A, %dma_wait3A_323, %dma_wait3A_324] : memref<200x8x32x8x128xf32, #tpu.memory_space<hbm>> -> memref<1x8x1x8x128xf32, #tpu.memory_space<hbm>>
          %dma_wait3A_326 = tpu.memref_squeeze %dma_wait3A_325 : memref<1x8x1x8x128xf32, #tpu.memory_space<hbm>> -> memref<8x8x128xf32, #tpu.memory_space<hbm>>
          tpu.wait_dma2 semaphore(%arg27 : memref<!tpu.dma_semaphore, #tpu.memory_space<semaphore_mem>>) src(%arg18 : memref<8x8x128xf32, #tpu.memory_space<vmem>>) dst(%dma_wait3A_326 : memref<8x8x128xf32, #tpu.memory_space<hbm>>)
        } else {
        }
        %add3A_307 = arith.constant 2 : i32
        %add3A_308 = arith.addi %add3A_184, %add3A_307 : i32
        %dma_wait3A_309 = tpu.memref_slice %arg2[%add3A_308, %mul3A_2] : memref<200x4096xi32, #tpu.memory_space<hbm>> -> memref<1x128xi32, #tpu.memory_space<hbm>>
        %dma_wait3A_310 = tpu.memref_squeeze %dma_wait3A_309 : memref<1x128xi32, #tpu.memory_space<hbm>> -> memref<128xi32, #tpu.memory_space<hbm>>
        %dma_wait3A_311 = tpu.memref_slice %arg2[%add3A_308, %mul3A_2] : memref<200x4096xi32, #tpu.memory_space<hbm>> -> memref<1x128xi32, #tpu.memory_space<hbm>>
        %dma_wait3A_312 = tpu.memref_squeeze %dma_wait3A_311 : memref<1x128xi32, #tpu.memory_space<hbm>> -> memref<128xi32, #tpu.memory_space<hbm>>
        tpu.wait_dma2 semaphore(%arg31 : memref<!tpu.dma_semaphore, #tpu.memory_space<semaphore_mem>>) src(%dma_wait3A_312 : memref<128xi32, #tpu.memory_space<hbm>>) dst(%arg6 : memref<128xi32, #tpu.memory_space<vmem>>)
        %dma_start3A_313 = arith.constant 0 : i32
        %dma_start3A_314 = arith.constant 0 : i32
        %dma_start3A_315 = tpu.memref_slice %arg3[%dma_start3A_313, %dma_start3A_314] : memref<1000000x64xf32, #tpu.memory_space<hbm>> -> memref<1000000x64xf32, #tpu.memory_space<hbm>>
        tpu.enqueue_indirect_dma source(%dma_start3A_315 : memref<1000000x64xf32, #tpu.memory_space<hbm>>) target(%arg14 : memref<128x64xf32, #tpu.memory_space<vmem>>) offsets(%arg6 : memref<128xi32, #tpu.memory_space<vmem>>) semaphore(%arg23 : memref<!tpu.dma_semaphore, #tpu.memory_space<semaphore_mem>>)
      } else {
      }
      %dma_wait3A_192 = arith.constant 0 : i32
      %dma_wait3A_193 = arith.constant 0 : i32
      %dma_wait3A_194 = tpu.memref_slice %arg3[%dma_wait3A_192, %dma_wait3A_193] : memref<1000000x64xf32, #tpu.memory_space<hbm>> -> memref<128x64xf32, #tpu.memory_space<hbm>>
      %dma_wait3A_195 = arith.constant 0 : i32
      %dma_wait3A_196 = arith.constant 0 : i32
      %dma_wait3A_197 = tpu.memref_slice %arg3[%dma_wait3A_195, %dma_wait3A_196] : memref<1000000x64xf32, #tpu.memory_space<hbm>> -> memref<128x64xf32, #tpu.memory_space<hbm>>
      tpu.wait_dma2 semaphore(%arg25 : memref<!tpu.dma_semaphore, #tpu.memory_space<semaphore_mem>>) src(%dma_wait3A_197 : memref<128x64xf32, #tpu.memory_space<hbm>>) dst(%arg16 : memref<128x64xf32, #tpu.memory_space<vmem>>)
      %add3A_198 = arith.constant 0 : i32
      %add3A_199 = vector.broadcast %add3A_198 : i32 to vector<16xi32>
      %add3A_200 = arith.addi %iota3A, %add3A_199 : vector<16xi32>
      %add3A_201 = arith.constant 16 : i32
      %add3A_202 = vector.broadcast %add3A_201 : i32 to vector<16xi32>
      %add3A_203 = arith.addi %iota3A, %add3A_202 : vector<16xi32>
      %add3A_204 = arith.constant 32 : i32
      %add3A_205 = vector.broadcast %add3A_204 : i32 to vector<16xi32>
      %add3A_206 = arith.addi %iota3A, %add3A_205 : vector<16xi32>
      %add3A_207 = arith.constant 48 : i32
      %add3A_208 = vector.broadcast %add3A_207 : i32 to vector<16xi32>
      %add3A_209 = arith.addi %iota3A, %add3A_208 : vector<16xi32>
      %add3A_210 = arith.constant 64 : i32
      %add3A_211 = vector.broadcast %add3A_210 : i32 to vector<16xi32>
      %add3A_212 = arith.addi %iota3A, %add3A_211 : vector<16xi32>
      %add3A_213 = arith.constant 80 : i32
      %add3A_214 = vector.broadcast %add3A_213 : i32 to vector<16xi32>
      %add3A_215 = arith.addi %iota3A, %add3A_214 : vector<16xi32>
      %add3A_216 = arith.constant 96 : i32
      %add3A_217 = vector.broadcast %add3A_216 : i32 to vector<16xi32>
      %add3A_218 = arith.addi %iota3A, %add3A_217 : vector<16xi32>
      %add3A_219 = arith.constant 112 : i32
      %add3A_220 = vector.broadcast %add3A_219 : i32 to vector<16xi32>
      %add3A_221 = arith.addi %iota3A, %add3A_220 : vector<16xi32>
      %parallel_loop3A_222 = arith.constant 0 : i32
      %parallel_loop3A_223 = arith.constant 64 : i32
      %parallel_loop3A_224 = arith.constant 1 : i32
      scf.for %parallel_loop3A_303 = %parallel_loop3A_222 to %parallel_loop3A_223 step %parallel_loop3A_224  : i32 {
        %parallel_loop3A_304 = arith.constant 16 : i32
        %parallel_loop3A_305 = arith.divsi %parallel_loop3A_303, %parallel_loop3A_304 : i32
        %parallel_loop3A_306 = arith.constant 0 : i32
        %parallel_loop3A_307 = arith.cmpi sgt, %parallel_loop3A_303, %parallel_loop3A_306 : i32
        %parallel_loop3A_308 = arith.extui %parallel_loop3A_307 : i1 to i32
        %parallel_loop3A_309 = arith.constant 0 : i32
        %parallel_loop3A_310 = arith.cmpi slt, %parallel_loop3A_303, %parallel_loop3A_309 : i32
        %parallel_loop3A_311 = arith.extui %parallel_loop3A_310 : i1 to i32
        %parallel_loop3A_312 = arith.subi %parallel_loop3A_308, %parallel_loop3A_311 : i32
        %parallel_loop3A_313 = arith.constant 0 : i32
        %parallel_loop3A_314 = arith.cmpi sgt, %parallel_loop3A_304, %parallel_loop3A_313 : i32
        %parallel_loop3A_315 = arith.extui %parallel_loop3A_314 : i1 to i32
        %parallel_loop3A_316 = arith.constant 0 : i32
        %parallel_loop3A_317 = arith.cmpi slt, %parallel_loop3A_304, %parallel_loop3A_316 : i32
        %parallel_loop3A_318 = arith.extui %parallel_loop3A_317 : i1 to i32
        %parallel_loop3A_319 = arith.subi %parallel_loop3A_315, %parallel_loop3A_318 : i32
        %parallel_loop3A_320 = arith.cmpi ne, %parallel_loop3A_312, %parallel_loop3A_319 : i32
        %parallel_loop3A_321 = arith.remsi %parallel_loop3A_303, %parallel_loop3A_304 : i32
        %parallel_loop3A_322 = arith.constant 0 : i32
        %parallel_loop3A_323 = arith.cmpi ne, %parallel_loop3A_321, %parallel_loop3A_322 : i32
        %parallel_loop3A_324 = arith.andi %parallel_loop3A_320, %parallel_loop3A_323 : i1
        %parallel_loop3A_325 = arith.constant 1 : i32
        %parallel_loop3A_326 = arith.subi %parallel_loop3A_305, %parallel_loop3A_325 : i32
        %parallel_loop3A_327 = arith.select %parallel_loop3A_324, %parallel_loop3A_326, %parallel_loop3A_305 : i32
        %parallel_loop3A_328 = arith.constant 16 : i32
        %parallel_loop3A_329 = arith.muli %parallel_loop3A_327, %parallel_loop3A_328 : i32
        %parallel_loop3A_330 = arith.constant 16 : i32
        %parallel_loop3A_331 = arith.constant 0 : i32
        %parallel_loop3A_332 = arith.cmpi eq, %parallel_loop3A_330, %parallel_loop3A_331 : i32
        %parallel_loop3A_333 = arith.constant 1 : i32
        %parallel_loop3A_334 = arith.select %parallel_loop3A_332, %parallel_loop3A_333, %parallel_loop3A_330 : i32
        %parallel_loop3A_335 = arith.remsi %parallel_loop3A_303, %parallel_loop3A_334 : i32
        %parallel_loop3A_336 = arith.constant 0 : i32
        %parallel_loop3A_337 = arith.cmpi ne, %parallel_loop3A_335, %parallel_loop3A_336 : i32
        %parallel_loop3A_338 = arith.constant 0 : i32
        %parallel_loop3A_339 = arith.cmpi slt, %parallel_loop3A_335, %parallel_loop3A_338 : i32
        %parallel_loop3A_340 = arith.constant 0 : i32
        %parallel_loop3A_341 = arith.cmpi slt, %parallel_loop3A_334, %parallel_loop3A_340 : i32
        %parallel_loop3A_342 = arith.xori %parallel_loop3A_339, %parallel_loop3A_341 : i1
        %parallel_loop3A_343 = arith.andi %parallel_loop3A_342, %parallel_loop3A_337 : i1
        %parallel_loop3A_344 = arith.addi %parallel_loop3A_335, %parallel_loop3A_334 : i32
        %parallel_loop3A_345 = arith.select %parallel_loop3A_343, %parallel_loop3A_344, %parallel_loop3A_335 : i32
        %parallel_loop3A_346 = vector.broadcast %parallel_loop3A_345 : i32 to vector<16xi32>
        %parallel_loop3A_347 = arith.addi %iota3A, %parallel_loop3A_346 : vector<16xi32>
        %parallel_loop3A_348 = arith.constant 15 : i32
        %parallel_loop3A_349 = vector.broadcast %parallel_loop3A_348 : i32 to vector<16xi32>
        %parallel_loop3A_350 = arith.andi %parallel_loop3A_347, %parallel_loop3A_349 : vector<16xi32>
        %parallel_loop3A_351 = vector.broadcast %parallel_loop3A_329 : i32 to vector<16xi32>
        %parallel_loop3A_352 = arith.addi %parallel_loop3A_350, %parallel_loop3A_351 : vector<16xi32>
        %parallel_loop3A_353 = arith.constant 64 : i32
        %parallel_loop3A_354 = arith.muli %add3A_184, %parallel_loop3A_353 : i32
        %parallel_loop3A_355 = vector.broadcast %parallel_loop3A_354 : i32 to vector<16xi32>
        %parallel_loop3A_356 = arith.addi %parallel_loop3A_352, %parallel_loop3A_355 : vector<16xi32>
        %parallel_loop3A_357 = tpu.vector_load_idx %arg22[%parallel_loop3A_356] : memref<12800xf32, #tpu.memory_space<vmem>>[vector<16xi32>], vector<16xf32>,
        %parallel_loop3A_358 = arith.constant 3 : i32
        %parallel_loop3A_359 = vector.broadcast %parallel_loop3A_358 : i32 to vector<16xi32>
        %parallel_loop3A_360 = arith.shrui %parallel_loop3A_352, %parallel_loop3A_359 : vector<16xi32>
        %parallel_loop3A_361 = arith.constant 7 : i32
        %parallel_loop3A_362 = vector.broadcast %parallel_loop3A_361 : i32 to vector<16xi32>
        %parallel_loop3A_363 = arith.andi %parallel_loop3A_352, %parallel_loop3A_362 : vector<16xi32>
        %parallel_loop3A_364 = tpu.vector_load_idx %arg16[%add3A_200, %parallel_loop3A_352] : memref<128x64xf32, #tpu.memory_space<vmem>>[vector<16xi32>, vector<16xi32>], vector<16xf32>,
        %parallel_loop3A_365 = arith.constant 8.000000e+00 : f32
        %parallel_loop3A_366 = vector.broadcast %parallel_loop3A_365 : f32 to vector<16xf32>
        %parallel_loop3A_367 = arith.mulf %parallel_loop3A_364, %parallel_loop3A_366 : vector<16xf32>
        %parallel_loop3A_368 = arith.addf %parallel_loop3A_367, %parallel_loop3A_357 : vector<16xf32>
        tpu.vector_store_idx %arg20[%parallel_loop3A_360, %parallel_loop3A_363, %add3A_200], %parallel_loop3A_368 : memref<8x8x128xf32, #tpu.memory_space<vmem>>[vector<16xi32>, vector<16xi32>, vector<16xi32>], vector<16xf32>,
        %parallel_loop3A_369 = tpu.vector_load_idx %arg16[%add3A_203, %parallel_loop3A_352] : memref<128x64xf32, #tpu.memory_space<vmem>>[vector<16xi32>, vector<16xi32>], vector<16xf32>,
        %parallel_loop3A_370 = arith.constant 8.000000e+00 : f32
        %parallel_loop3A_371 = vector.broadcast %parallel_loop3A_370 : f32 to vector<16xf32>
        %parallel_loop3A_372 = arith.mulf %parallel_loop3A_369, %parallel_loop3A_371 : vector<16xf32>
        %parallel_loop3A_373 = arith.addf %parallel_loop3A_372, %parallel_loop3A_357 : vector<16xf32>
        tpu.vector_store_idx %arg20[%parallel_loop3A_360, %parallel_loop3A_363, %add3A_203], %parallel_loop3A_373 : memref<8x8x128xf32, #tpu.memory_space<vmem>>[vector<16xi32>, vector<16xi32>, vector<16xi32>], vector<16xf32>,
        %parallel_loop3A_374 = tpu.vector_load_idx %arg16[%add3A_206, %parallel_loop3A_352] : memref<128x64xf32, #tpu.memory_space<vmem>>[vector<16xi32>, vector<16xi32>], vector<16xf32>,
        %parallel_loop3A_375 = arith.constant 8.000000e+00 : f32
        %parallel_loop3A_376 = vector.broadcast %parallel_loop3A_375 : f32 to vector<16xf32>
        %parallel_loop3A_377 = arith.mulf %parallel_loop3A_374, %parallel_loop3A_376 : vector<16xf32>
        %parallel_loop3A_378 = arith.addf %parallel_loop3A_377, %parallel_loop3A_357 : vector<16xf32>
        tpu.vector_store_idx %arg20[%parallel_loop3A_360, %parallel_loop3A_363, %add3A_206], %parallel_loop3A_378 : memref<8x8x128xf32, #tpu.memory_space<vmem>>[vector<16xi32>, vector<16xi32>, vector<16xi32>], vector<16xf32>,
        %parallel_loop3A_379 = tpu.vector_load_idx %arg16[%add3A_209, %parallel_loop3A_352] : memref<128x64xf32, #tpu.memory_space<vmem>>[vector<16xi32>, vector<16xi32>], vector<16xf32>,
        %parallel_loop3A_380 = arith.constant 8.000000e+00 : f32
        %parallel_loop3A_381 = vector.broadcast %parallel_loop3A_380 : f32 to vector<16xf32>
        %parallel_loop3A_382 = arith.mulf %parallel_loop3A_379, %parallel_loop3A_381 : vector<16xf32>
        %parallel_loop3A_383 = arith.addf %parallel_loop3A_382, %parallel_loop3A_357 : vector<16xf32>
        tpu.vector_store_idx %arg20[%parallel_loop3A_360, %parallel_loop3A_363, %add3A_209], %parallel_loop3A_383 : memref<8x8x128xf32, #tpu.memory_space<vmem>>[vector<16xi32>, vector<16xi32>, vector<16xi32>], vector<16xf32>,
        %parallel_loop3A_384 = tpu.vector_load_idx %arg16[%add3A_212, %parallel_loop3A_352] : memref<128x64xf32, #tpu.memory_space<vmem>>[vector<16xi32>, vector<16xi32>], vector<16xf32>,
        %parallel_loop3A_385 = arith.constant 8.000000e+00 : f32
        %parallel_loop3A_386 = vector.broadcast %parallel_loop3A_385 : f32 to vector<16xf32>
        %parallel_loop3A_387 = arith.mulf %parallel_loop3A_384, %parallel_loop3A_386 : vector<16xf32>
        %parallel_loop3A_388 = arith.addf %parallel_loop3A_387, %parallel_loop3A_357 : vector<16xf32>
        tpu.vector_store_idx %arg20[%parallel_loop3A_360, %parallel_loop3A_363, %add3A_212], %parallel_loop3A_388 : memref<8x8x128xf32, #tpu.memory_space<vmem>>[vector<16xi32>, vector<16xi32>, vector<16xi32>], vector<16xf32>,
        %parallel_loop3A_389 = tpu.vector_load_idx %arg16[%add3A_215, %parallel_loop3A_352] : memref<128x64xf32, #tpu.memory_space<vmem>>[vector<16xi32>, vector<16xi32>], vector<16xf32>,
        %parallel_loop3A_390 = arith.constant 8.000000e+00 : f32
        %parallel_loop3A_391 = vector.broadcast %parallel_loop3A_390 : f32 to vector<16xf32>
        %parallel_loop3A_392 = arith.mulf %parallel_loop3A_389, %parallel_loop3A_391 : vector<16xf32>
        %parallel_loop3A_393 = arith.addf %parallel_loop3A_392, %parallel_loop3A_357 : vector<16xf32>
        tpu.vector_store_idx %arg20[%parallel_loop3A_360, %parallel_loop3A_363, %add3A_215], %parallel_loop3A_393 : memref<8x8x128xf32, #tpu.memory_space<vmem>>[vector<16xi32>, vector<16xi32>, vector<16xi32>], vector<16xf32>,
        %parallel_loop3A_394 = tpu.vector_load_idx %arg16[%add3A_218, %parallel_loop3A_352] : memref<128x64xf32, #tpu.memory_space<vmem>>[vector<16xi32>, vector<16xi32>], vector<16xf32>,
        %parallel_loop3A_395 = arith.constant 8.000000e+00 : f32
        %parallel_loop3A_396 = vector.broadcast %parallel_loop3A_395 : f32 to vector<16xf32>
        %parallel_loop3A_397 = arith.mulf %parallel_loop3A_394, %parallel_loop3A_396 : vector<16xf32>
        %parallel_loop3A_398 = arith.addf %parallel_loop3A_397, %parallel_loop3A_357 : vector<16xf32>
        tpu.vector_store_idx %arg20[%parallel_loop3A_360, %parallel_loop3A_363, %add3A_218], %parallel_loop3A_398 : memref<8x8x128xf32, #tpu.memory_space<vmem>>[vector<16xi32>, vector<16xi32>, vector<16xi32>], vector<16xf32>,
        %parallel_loop3A_399 = tpu.vector_load_idx %arg16[%add3A_221, %parallel_loop3A_352] : memref<128x64xf32, #tpu.memory_space<vmem>>[vector<16xi32>, vector<16xi32>], vector<16xf32>,
        %parallel_loop3A_400 = arith.constant 8.000000e+00 : f32
        %parallel_loop3A_401 = vector.broadcast %parallel_loop3A_400 : f32 to vector<16xf32>
        %parallel_loop3A_402 = arith.mulf %parallel_loop3A_399, %parallel_loop3A_401 : vector<16xf32>
        %parallel_loop3A_403 = arith.addf %parallel_loop3A_402, %parallel_loop3A_357 : vector<16xf32>
        tpu.vector_store_idx %arg20[%parallel_loop3A_360, %parallel_loop3A_363, %add3A_221], %parallel_loop3A_403 : memref<8x8x128xf32, #tpu.memory_space<vmem>>[vector<16xi32>, vector<16xi32>, vector<16xi32>], vector<16xf32>,
      } {sc.loop_unroll_factor = 8 : i64, sc.parallel_access}
      %add3A_225 = arith.constant 3 : i32
      %add3A_226 = arith.addi %add3A_184, %add3A_225 : i32
      %lt3A_227 = arith.constant 200 : i32
      %lt3A_228 = arith.cmpi slt, %add3A_226, %lt3A_227 : i32
      %convert_element_type3A_229 = arith.extui %lt3A_228 : i1 to i32
      %cond3A_230 = arith.constant 0 : i32
      %cond3A_231 = arith.cmpi ne, %convert_element_type3A_229, %cond3A_230 : i32
      scf.if %cond3A_231 {
        %add3A_303 = arith.constant 3 : i32
        %add3A_304 = arith.addi %add3A_184, %add3A_303 : i32
        %dma_start3A_305 = tpu.memref_slice %arg2[%add3A_304, %mul3A_2] : memref<200x4096xi32, #tpu.memory_space<hbm>> -> memref<1x128xi32, #tpu.memory_space<hbm>>
        %dma_start3A_306 = tpu.memref_squeeze %dma_start3A_305 : memref<1x128xi32, #tpu.memory_space<hbm>> -> memref<128xi32, #tpu.memory_space<hbm>>
        %dma_start3A_307 = tpu.memref_slice %arg2[%add3A_304, %mul3A_2] : memref<200x4096xi32, #tpu.memory_space<hbm>> -> memref<1x128xi32, #tpu.memory_space<hbm>>
        %dma_start3A_308 = tpu.memref_squeeze %dma_start3A_307 : memref<1x128xi32, #tpu.memory_space<hbm>> -> memref<128xi32, #tpu.memory_space<hbm>>
        tpu.enqueue_dma source(%dma_start3A_308 : memref<128xi32, #tpu.memory_space<hbm>>) target(%arg7 : memref<128xi32, #tpu.memory_space<vmem>>) target_semaphore(%arg32 : memref<!tpu.dma_semaphore, #tpu.memory_space<semaphore_mem>>)
      } else {
      }
      %dma_start3A_232 = arith.constant 0 : i32
      %dma_start3A_233 = arith.constant 0 : i32
      %dma_start3A_234 = arith.constant 0 : i32
      %dma_start3A_235 = tpu.memref_slice %arg5[%add3A_184, %dma_start3A_232, %add3A, %dma_start3A_233, %dma_start3A_234] : memref<200x8x32x8x128xf32, #tpu.memory_space<hbm>> -> memref<1x8x1x8x128xf32, #tpu.memory_space<hbm>>
      %dma_start3A_236 = tpu.memref_squeeze %dma_start3A_235 : memref<1x8x1x8x128xf32, #tpu.memory_space<hbm>> -> memref<8x8x128xf32, #tpu.memory_space<hbm>>
      %dma_start3A_237 = arith.constant 0 : i32
      %dma_start3A_238 = arith.constant 0 : i32
      %dma_start3A_239 = arith.constant 0 : i32
      %dma_start3A_240 = tpu.memref_slice %arg5[%add3A_184, %dma_start3A_237, %add3A, %dma_start3A_238, %dma_start3A_239] : memref<200x8x32x8x128xf32, #tpu.memory_space<hbm>> -> memref<1x8x1x8x128xf32, #tpu.memory_space<hbm>>
      %dma_start3A_241 = tpu.memref_squeeze %dma_start3A_240 : memref<1x8x1x8x128xf32, #tpu.memory_space<hbm>> -> memref<8x8x128xf32, #tpu.memory_space<hbm>>
      tpu.enqueue_dma source(%arg20 : memref<8x8x128xf32, #tpu.memory_space<vmem>>) target(%dma_start3A_241 : memref<8x8x128xf32, #tpu.memory_space<hbm>>) target_semaphore(%arg29 : memref<!tpu.dma_semaphore, #tpu.memory_space<semaphore_mem>>)
      %mul3A_242 = arith.constant 4 : i32
      %mul3A_243 = arith.muli %scan3A_62, %mul3A_242 : i32
      %add3A_244 = arith.constant 3 : i32
      %add3A_245 = arith.addi %mul3A_243, %add3A_244 : i32
      %add3A_246 = arith.constant 2 : i32
      %add3A_247 = arith.addi %add3A_245, %add3A_246 : i32
      %lt3A_248 = arith.constant 200 : i32
      %lt3A_249 = arith.cmpi slt, %add3A_247, %lt3A_248 : i32
      %convert_element_type3A_250 = arith.extui %lt3A_249 : i1 to i32
      %cond3A_251 = arith.constant 0 : i32
      %cond3A_252 = arith.cmpi ne, %convert_element_type3A_250, %cond3A_251 : i32
      scf.if %cond3A_252 {
        %ge3A = arith.constant 2 : i32
        %ge3A_303 = arith.cmpi sge, %add3A_245, %ge3A : i32
        %convert_element_type3A_304 = arith.extui %ge3A_303 : i1 to i32
        %cond3A_305 = arith.constant 0 : i32
        %cond3A_306 = arith.cmpi ne, %convert_element_type3A_304, %cond3A_305 : i32
        scf.if %cond3A_306 {
          %sub3A = arith.constant 2 : i32
          %sub3A_316 = arith.subi %add3A_245, %sub3A : i32
          %dma_wait3A_317 = arith.constant 0 : i32
          %dma_wait3A_318 = arith.constant 0 : i32
          %dma_wait3A_319 = arith.constant 0 : i32
          %dma_wait3A_320 = tpu.memref_slice %arg5[%sub3A_316, %dma_wait3A_317, %add3A, %dma_wait3A_318, %dma_wait3A_319] : memref<200x8x32x8x128xf32, #tpu.memory_space<hbm>> -> memref<1x8x1x8x128xf32, #tpu.memory_space<hbm>>
          %dma_wait3A_321 = tpu.memref_squeeze %dma_wait3A_320 : memref<1x8x1x8x128xf32, #tpu.memory_space<hbm>> -> memref<8x8x128xf32, #tpu.memory_space<hbm>>
          %dma_wait3A_322 = arith.constant 0 : i32
          %dma_wait3A_323 = arith.constant 0 : i32
          %dma_wait3A_324 = arith.constant 0 : i32
          %dma_wait3A_325 = tpu.memref_slice %arg5[%sub3A_316, %dma_wait3A_322, %add3A, %dma_wait3A_323, %dma_wait3A_324] : memref<200x8x32x8x128xf32, #tpu.memory_space<hbm>> -> memref<1x8x1x8x128xf32, #tpu.memory_space<hbm>>
          %dma_wait3A_326 = tpu.memref_squeeze %dma_wait3A_325 : memref<1x8x1x8x128xf32, #tpu.memory_space<hbm>> -> memref<8x8x128xf32, #tpu.memory_space<hbm>>
          tpu.wait_dma2 semaphore(%arg28 : memref<!tpu.dma_semaphore, #tpu.memory_space<semaphore_mem>>) src(%arg19 : memref<8x8x128xf32, #tpu.memory_space<vmem>>) dst(%dma_wait3A_326 : memref<8x8x128xf32, #tpu.memory_space<hbm>>)
        } else {
        }
        %add3A_307 = arith.constant 2 : i32
        %add3A_308 = arith.addi %add3A_245, %add3A_307 : i32
        %dma_wait3A_309 = tpu.memref_slice %arg2[%add3A_308, %mul3A_2] : memref<200x4096xi32, #tpu.memory_space<hbm>> -> memref<1x128xi32, #tpu.memory_space<hbm>>
        %dma_wait3A_310 = tpu.memref_squeeze %dma_wait3A_309 : memref<1x128xi32, #tpu.memory_space<hbm>> -> memref<128xi32, #tpu.memory_space<hbm>>
        %dma_wait3A_311 = tpu.memref_slice %arg2[%add3A_308, %mul3A_2] : memref<200x4096xi32, #tpu.memory_space<hbm>> -> memref<1x128xi32, #tpu.memory_space<hbm>>
        %dma_wait3A_312 = tpu.memref_squeeze %dma_wait3A_311 : memref<1x128xi32, #tpu.memory_space<hbm>> -> memref<128xi32, #tpu.memory_space<hbm>>
        tpu.wait_dma2 semaphore(%arg32 : memref<!tpu.dma_semaphore, #tpu.memory_space<semaphore_mem>>) src(%dma_wait3A_312 : memref<128xi32, #tpu.memory_space<hbm>>) dst(%arg7 : memref<128xi32, #tpu.memory_space<vmem>>)
        %dma_start3A_313 = arith.constant 0 : i32
        %dma_start3A_314 = arith.constant 0 : i32
        %dma_start3A_315 = tpu.memref_slice %arg3[%dma_start3A_313, %dma_start3A_314] : memref<1000000x64xf32, #tpu.memory_space<hbm>> -> memref<1000000x64xf32, #tpu.memory_space<hbm>>
        tpu.enqueue_indirect_dma source(%dma_start3A_315 : memref<1000000x64xf32, #tpu.memory_space<hbm>>) target(%arg15 : memref<128x64xf32, #tpu.memory_space<vmem>>) offsets(%arg7 : memref<128xi32, #tpu.memory_space<vmem>>) semaphore(%arg24 : memref<!tpu.dma_semaphore, #tpu.memory_space<semaphore_mem>>)
      } else {
      }
      %dma_wait3A_253 = arith.constant 0 : i32
      %dma_wait3A_254 = arith.constant 0 : i32
      %dma_wait3A_255 = tpu.memref_slice %arg3[%dma_wait3A_253, %dma_wait3A_254] : memref<1000000x64xf32, #tpu.memory_space<hbm>> -> memref<128x64xf32, #tpu.memory_space<hbm>>
      %dma_wait3A_256 = arith.constant 0 : i32
      %dma_wait3A_257 = arith.constant 0 : i32
      %dma_wait3A_258 = tpu.memref_slice %arg3[%dma_wait3A_256, %dma_wait3A_257] : memref<1000000x64xf32, #tpu.memory_space<hbm>> -> memref<128x64xf32, #tpu.memory_space<hbm>>
      tpu.wait_dma2 semaphore(%arg26 : memref<!tpu.dma_semaphore, #tpu.memory_space<semaphore_mem>>) src(%dma_wait3A_258 : memref<128x64xf32, #tpu.memory_space<hbm>>) dst(%arg17 : memref<128x64xf32, #tpu.memory_space<vmem>>)
      %add3A_259 = arith.constant 0 : i32
      %add3A_260 = vector.broadcast %add3A_259 : i32 to vector<16xi32>
      %add3A_261 = arith.addi %iota3A, %add3A_260 : vector<16xi32>
      %add3A_262 = arith.constant 16 : i32
      %add3A_263 = vector.broadcast %add3A_262 : i32 to vector<16xi32>
      %add3A_264 = arith.addi %iota3A, %add3A_263 : vector<16xi32>
      %add3A_265 = arith.constant 32 : i32
      %add3A_266 = vector.broadcast %add3A_265 : i32 to vector<16xi32>
      %add3A_267 = arith.addi %iota3A, %add3A_266 : vector<16xi32>
      %add3A_268 = arith.constant 48 : i32
      %add3A_269 = vector.broadcast %add3A_268 : i32 to vector<16xi32>
      %add3A_270 = arith.addi %iota3A, %add3A_269 : vector<16xi32>
      %add3A_271 = arith.constant 64 : i32
      %add3A_272 = vector.broadcast %add3A_271 : i32 to vector<16xi32>
      %add3A_273 = arith.addi %iota3A, %add3A_272 : vector<16xi32>
      %add3A_274 = arith.constant 80 : i32
      %add3A_275 = vector.broadcast %add3A_274 : i32 to vector<16xi32>
      %add3A_276 = arith.addi %iota3A, %add3A_275 : vector<16xi32>
      %add3A_277 = arith.constant 96 : i32
      %add3A_278 = vector.broadcast %add3A_277 : i32 to vector<16xi32>
      %add3A_279 = arith.addi %iota3A, %add3A_278 : vector<16xi32>
      %add3A_280 = arith.constant 112 : i32
      %add3A_281 = vector.broadcast %add3A_280 : i32 to vector<16xi32>
      %add3A_282 = arith.addi %iota3A, %add3A_281 : vector<16xi32>
      %parallel_loop3A_283 = arith.constant 0 : i32
      %parallel_loop3A_284 = arith.constant 64 : i32
      %parallel_loop3A_285 = arith.constant 1 : i32
      scf.for %parallel_loop3A_303 = %parallel_loop3A_283 to %parallel_loop3A_284 step %parallel_loop3A_285  : i32 {
        %parallel_loop3A_304 = arith.constant 16 : i32
        %parallel_loop3A_305 = arith.divsi %parallel_loop3A_303, %parallel_loop3A_304 : i32
        %parallel_loop3A_306 = arith.constant 0 : i32
        %parallel_loop3A_307 = arith.cmpi sgt, %parallel_loop3A_303, %parallel_loop3A_306 : i32
        %parallel_loop3A_308 = arith.extui %parallel_loop3A_307 : i1 to i32
        %parallel_loop3A_309 = arith.constant 0 : i32
        %parallel_loop3A_310 = arith.cmpi slt, %parallel_loop3A_303, %parallel_loop3A_309 : i32
        %parallel_loop3A_311 = arith.extui %parallel_loop3A_310 : i1 to i32
        %parallel_loop3A_312 = arith.subi %parallel_loop3A_308, %parallel_loop3A_311 : i32
        %parallel_loop3A_313 = arith.constant 0 : i32
        %parallel_loop3A_314 = arith.cmpi sgt, %parallel_loop3A_304, %parallel_loop3A_313 : i32
        %parallel_loop3A_315 = arith.extui %parallel_loop3A_314 : i1 to i32
        %parallel_loop3A_316 = arith.constant 0 : i32
        %parallel_loop3A_317 = arith.cmpi slt, %parallel_loop3A_304, %parallel_loop3A_316 : i32
        %parallel_loop3A_318 = arith.extui %parallel_loop3A_317 : i1 to i32
        %parallel_loop3A_319 = arith.subi %parallel_loop3A_315, %parallel_loop3A_318 : i32
        %parallel_loop3A_320 = arith.cmpi ne, %parallel_loop3A_312, %parallel_loop3A_319 : i32
        %parallel_loop3A_321 = arith.remsi %parallel_loop3A_303, %parallel_loop3A_304 : i32
        %parallel_loop3A_322 = arith.constant 0 : i32
        %parallel_loop3A_323 = arith.cmpi ne, %parallel_loop3A_321, %parallel_loop3A_322 : i32
        %parallel_loop3A_324 = arith.andi %parallel_loop3A_320, %parallel_loop3A_323 : i1
        %parallel_loop3A_325 = arith.constant 1 : i32
        %parallel_loop3A_326 = arith.subi %parallel_loop3A_305, %parallel_loop3A_325 : i32
        %parallel_loop3A_327 = arith.select %parallel_loop3A_324, %parallel_loop3A_326, %parallel_loop3A_305 : i32
        %parallel_loop3A_328 = arith.constant 16 : i32
        %parallel_loop3A_329 = arith.muli %parallel_loop3A_327, %parallel_loop3A_328 : i32
        %parallel_loop3A_330 = arith.constant 16 : i32
        %parallel_loop3A_331 = arith.constant 0 : i32
        %parallel_loop3A_332 = arith.cmpi eq, %parallel_loop3A_330, %parallel_loop3A_331 : i32
        %parallel_loop3A_333 = arith.constant 1 : i32
        %parallel_loop3A_334 = arith.select %parallel_loop3A_332, %parallel_loop3A_333, %parallel_loop3A_330 : i32
        %parallel_loop3A_335 = arith.remsi %parallel_loop3A_303, %parallel_loop3A_334 : i32
        %parallel_loop3A_336 = arith.constant 0 : i32
        %parallel_loop3A_337 = arith.cmpi ne, %parallel_loop3A_335, %parallel_loop3A_336 : i32
        %parallel_loop3A_338 = arith.constant 0 : i32
        %parallel_loop3A_339 = arith.cmpi slt, %parallel_loop3A_335, %parallel_loop3A_338 : i32
        %parallel_loop3A_340 = arith.constant 0 : i32
        %parallel_loop3A_341 = arith.cmpi slt, %parallel_loop3A_334, %parallel_loop3A_340 : i32
        %parallel_loop3A_342 = arith.xori %parallel_loop3A_339, %parallel_loop3A_341 : i1
        %parallel_loop3A_343 = arith.andi %parallel_loop3A_342, %parallel_loop3A_337 : i1
        %parallel_loop3A_344 = arith.addi %parallel_loop3A_335, %parallel_loop3A_334 : i32
        %parallel_loop3A_345 = arith.select %parallel_loop3A_343, %parallel_loop3A_344, %parallel_loop3A_335 : i32
        %parallel_loop3A_346 = vector.broadcast %parallel_loop3A_345 : i32 to vector<16xi32>
        %parallel_loop3A_347 = arith.addi %iota3A, %parallel_loop3A_346 : vector<16xi32>
        %parallel_loop3A_348 = arith.constant 15 : i32
        %parallel_loop3A_349 = vector.broadcast %parallel_loop3A_348 : i32 to vector<16xi32>
        %parallel_loop3A_350 = arith.andi %parallel_loop3A_347, %parallel_loop3A_349 : vector<16xi32>
        %parallel_loop3A_351 = vector.broadcast %parallel_loop3A_329 : i32 to vector<16xi32>
        %parallel_loop3A_352 = arith.addi %parallel_loop3A_350, %parallel_loop3A_351 : vector<16xi32>
        %parallel_loop3A_353 = arith.constant 64 : i32
        %parallel_loop3A_354 = arith.muli %add3A_245, %parallel_loop3A_353 : i32
        %parallel_loop3A_355 = vector.broadcast %parallel_loop3A_354 : i32 to vector<16xi32>
        %parallel_loop3A_356 = arith.addi %parallel_loop3A_352, %parallel_loop3A_355 : vector<16xi32>
        %parallel_loop3A_357 = tpu.vector_load_idx %arg22[%parallel_loop3A_356] : memref<12800xf32, #tpu.memory_space<vmem>>[vector<16xi32>], vector<16xf32>,
        %parallel_loop3A_358 = arith.constant 3 : i32
        %parallel_loop3A_359 = vector.broadcast %parallel_loop3A_358 : i32 to vector<16xi32>
        %parallel_loop3A_360 = arith.shrui %parallel_loop3A_352, %parallel_loop3A_359 : vector<16xi32>
        %parallel_loop3A_361 = arith.constant 7 : i32
        %parallel_loop3A_362 = vector.broadcast %parallel_loop3A_361 : i32 to vector<16xi32>
        %parallel_loop3A_363 = arith.andi %parallel_loop3A_352, %parallel_loop3A_362 : vector<16xi32>
        %parallel_loop3A_364 = tpu.vector_load_idx %arg17[%add3A_261, %parallel_loop3A_352] : memref<128x64xf32, #tpu.memory_space<vmem>>[vector<16xi32>, vector<16xi32>], vector<16xf32>,
        %parallel_loop3A_365 = arith.constant 8.000000e+00 : f32
        %parallel_loop3A_366 = vector.broadcast %parallel_loop3A_365 : f32 to vector<16xf32>
        %parallel_loop3A_367 = arith.mulf %parallel_loop3A_364, %parallel_loop3A_366 : vector<16xf32>
        %parallel_loop3A_368 = arith.addf %parallel_loop3A_367, %parallel_loop3A_357 : vector<16xf32>
        tpu.vector_store_idx %arg21[%parallel_loop3A_360, %parallel_loop3A_363, %add3A_261], %parallel_loop3A_368 : memref<8x8x128xf32, #tpu.memory_space<vmem>>[vector<16xi32>, vector<16xi32>, vector<16xi32>], vector<16xf32>,
        %parallel_loop3A_369 = tpu.vector_load_idx %arg17[%add3A_264, %parallel_loop3A_352] : memref<128x64xf32, #tpu.memory_space<vmem>>[vector<16xi32>, vector<16xi32>], vector<16xf32>,
        %parallel_loop3A_370 = arith.constant 8.000000e+00 : f32
        %parallel_loop3A_371 = vector.broadcast %parallel_loop3A_370 : f32 to vector<16xf32>
        %parallel_loop3A_372 = arith.mulf %parallel_loop3A_369, %parallel_loop3A_371 : vector<16xf32>
        %parallel_loop3A_373 = arith.addf %parallel_loop3A_372, %parallel_loop3A_357 : vector<16xf32>
        tpu.vector_store_idx %arg21[%parallel_loop3A_360, %parallel_loop3A_363, %add3A_264], %parallel_loop3A_373 : memref<8x8x128xf32, #tpu.memory_space<vmem>>[vector<16xi32>, vector<16xi32>, vector<16xi32>], vector<16xf32>,
        %parallel_loop3A_374 = tpu.vector_load_idx %arg17[%add3A_267, %parallel_loop3A_352] : memref<128x64xf32, #tpu.memory_space<vmem>>[vector<16xi32>, vector<16xi32>], vector<16xf32>,
        %parallel_loop3A_375 = arith.constant 8.000000e+00 : f32
        %parallel_loop3A_376 = vector.broadcast %parallel_loop3A_375 : f32 to vector<16xf32>
        %parallel_loop3A_377 = arith.mulf %parallel_loop3A_374, %parallel_loop3A_376 : vector<16xf32>
        %parallel_loop3A_378 = arith.addf %parallel_loop3A_377, %parallel_loop3A_357 : vector<16xf32>
        tpu.vector_store_idx %arg21[%parallel_loop3A_360, %parallel_loop3A_363, %add3A_267], %parallel_loop3A_378 : memref<8x8x128xf32, #tpu.memory_space<vmem>>[vector<16xi32>, vector<16xi32>, vector<16xi32>], vector<16xf32>,
        %parallel_loop3A_379 = tpu.vector_load_idx %arg17[%add3A_270, %parallel_loop3A_352] : memref<128x64xf32, #tpu.memory_space<vmem>>[vector<16xi32>, vector<16xi32>], vector<16xf32>,
        %parallel_loop3A_380 = arith.constant 8.000000e+00 : f32
        %parallel_loop3A_381 = vector.broadcast %parallel_loop3A_380 : f32 to vector<16xf32>
        %parallel_loop3A_382 = arith.mulf %parallel_loop3A_379, %parallel_loop3A_381 : vector<16xf32>
        %parallel_loop3A_383 = arith.addf %parallel_loop3A_382, %parallel_loop3A_357 : vector<16xf32>
        tpu.vector_store_idx %arg21[%parallel_loop3A_360, %parallel_loop3A_363, %add3A_270], %parallel_loop3A_383 : memref<8x8x128xf32, #tpu.memory_space<vmem>>[vector<16xi32>, vector<16xi32>, vector<16xi32>], vector<16xf32>,
        %parallel_loop3A_384 = tpu.vector_load_idx %arg17[%add3A_273, %parallel_loop3A_352] : memref<128x64xf32, #tpu.memory_space<vmem>>[vector<16xi32>, vector<16xi32>], vector<16xf32>,
        %parallel_loop3A_385 = arith.constant 8.000000e+00 : f32
        %parallel_loop3A_386 = vector.broadcast %parallel_loop3A_385 : f32 to vector<16xf32>
        %parallel_loop3A_387 = arith.mulf %parallel_loop3A_384, %parallel_loop3A_386 : vector<16xf32>
        %parallel_loop3A_388 = arith.addf %parallel_loop3A_387, %parallel_loop3A_357 : vector<16xf32>
        tpu.vector_store_idx %arg21[%parallel_loop3A_360, %parallel_loop3A_363, %add3A_273], %parallel_loop3A_388 : memref<8x8x128xf32, #tpu.memory_space<vmem>>[vector<16xi32>, vector<16xi32>, vector<16xi32>], vector<16xf32>,
        %parallel_loop3A_389 = tpu.vector_load_idx %arg17[%add3A_276, %parallel_loop3A_352] : memref<128x64xf32, #tpu.memory_space<vmem>>[vector<16xi32>, vector<16xi32>], vector<16xf32>,
        %parallel_loop3A_390 = arith.constant 8.000000e+00 : f32
        %parallel_loop3A_391 = vector.broadcast %parallel_loop3A_390 : f32 to vector<16xf32>
        %parallel_loop3A_392 = arith.mulf %parallel_loop3A_389, %parallel_loop3A_391 : vector<16xf32>
        %parallel_loop3A_393 = arith.addf %parallel_loop3A_392, %parallel_loop3A_357 : vector<16xf32>
        tpu.vector_store_idx %arg21[%parallel_loop3A_360, %parallel_loop3A_363, %add3A_276], %parallel_loop3A_393 : memref<8x8x128xf32, #tpu.memory_space<vmem>>[vector<16xi32>, vector<16xi32>, vector<16xi32>], vector<16xf32>,
        %parallel_loop3A_394 = tpu.vector_load_idx %arg17[%add3A_279, %parallel_loop3A_352] : memref<128x64xf32, #tpu.memory_space<vmem>>[vector<16xi32>, vector<16xi32>], vector<16xf32>,
        %parallel_loop3A_395 = arith.constant 8.000000e+00 : f32
        %parallel_loop3A_396 = vector.broadcast %parallel_loop3A_395 : f32 to vector<16xf32>
        %parallel_loop3A_397 = arith.mulf %parallel_loop3A_394, %parallel_loop3A_396 : vector<16xf32>
        %parallel_loop3A_398 = arith.addf %parallel_loop3A_397, %parallel_loop3A_357 : vector<16xf32>
        tpu.vector_store_idx %arg21[%parallel_loop3A_360, %parallel_loop3A_363, %add3A_279], %parallel_loop3A_398 : memref<8x8x128xf32, #tpu.memory_space<vmem>>[vector<16xi32>, vector<16xi32>, vector<16xi32>], vector<16xf32>,
        %parallel_loop3A_399 = tpu.vector_load_idx %arg17[%add3A_282, %parallel_loop3A_352] : memref<128x64xf32, #tpu.memory_space<vmem>>[vector<16xi32>, vector<16xi32>], vector<16xf32>,
        %parallel_loop3A_400 = arith.constant 8.000000e+00 : f32
        %parallel_loop3A_401 = vector.broadcast %parallel_loop3A_400 : f32 to vector<16xf32>
        %parallel_loop3A_402 = arith.mulf %parallel_loop3A_399, %parallel_loop3A_401 : vector<16xf32>
        %parallel_loop3A_403 = arith.addf %parallel_loop3A_402, %parallel_loop3A_357 : vector<16xf32>
        tpu.vector_store_idx %arg21[%parallel_loop3A_360, %parallel_loop3A_363, %add3A_282], %parallel_loop3A_403 : memref<8x8x128xf32, #tpu.memory_space<vmem>>[vector<16xi32>, vector<16xi32>, vector<16xi32>], vector<16xf32>,
      } {sc.loop_unroll_factor = 8 : i64, sc.parallel_access}
      %add3A_286 = arith.constant 3 : i32
      %add3A_287 = arith.addi %add3A_245, %add3A_286 : i32
      %lt3A_288 = arith.constant 200 : i32
      %lt3A_289 = arith.cmpi slt, %add3A_287, %lt3A_288 : i32
      %convert_element_type3A_290 = arith.extui %lt3A_289 : i1 to i32
      %cond3A_291 = arith.constant 0 : i32
      %cond3A_292 = arith.cmpi ne, %convert_element_type3A_290, %cond3A_291 : i32
      scf.if %cond3A_292 {
        %add3A_303 = arith.constant 3 : i32
        %add3A_304 = arith.addi %add3A_245, %add3A_303 : i32
        %dma_start3A_305 = tpu.memref_slice %arg2[%add3A_304, %mul3A_2] : memref<200x4096xi32, #tpu.memory_space<hbm>> -> memref<1x128xi32, #tpu.memory_space<hbm>>
        %dma_start3A_306 = tpu.memref_squeeze %dma_start3A_305 : memref<1x128xi32, #tpu.memory_space<hbm>> -> memref<128xi32, #tpu.memory_space<hbm>>
        %dma_start3A_307 = tpu.memref_slice %arg2[%add3A_304, %mul3A_2] : memref<200x4096xi32, #tpu.memory_space<hbm>> -> memref<1x128xi32, #tpu.memory_space<hbm>>
        %dma_start3A_308 = tpu.memref_squeeze %dma_start3A_307 : memref<1x128xi32, #tpu.memory_space<hbm>> -> memref<128xi32, #tpu.memory_space<hbm>>
        tpu.enqueue_dma source(%dma_start3A_308 : memref<128xi32, #tpu.memory_space<hbm>>) target(%arg8 : memref<128xi32, #tpu.memory_space<vmem>>) target_semaphore(%arg33 : memref<!tpu.dma_semaphore, #tpu.memory_space<semaphore_mem>>)
      } else {
      }
      %dma_start3A_293 = arith.constant 0 : i32
      %dma_start3A_294 = arith.constant 0 : i32
      %dma_start3A_295 = arith.constant 0 : i32
      %dma_start3A_296 = tpu.memref_slice %arg5[%add3A_245, %dma_start3A_293, %add3A, %dma_start3A_294, %dma_start3A_295] : memref<200x8x32x8x128xf32, #tpu.memory_space<hbm>> -> memref<1x8x1x8x128xf32, #tpu.memory_space<hbm>>
      %dma_start3A_297 = tpu.memref_squeeze %dma_start3A_296 : memref<1x8x1x8x128xf32, #tpu.memory_space<hbm>> -> memref<8x8x128xf32, #tpu.memory_space<hbm>>
      %dma_start3A_298 = arith.constant 0 : i32
      %dma_start3A_299 = arith.constant 0 : i32
      %dma_start3A_300 = arith.constant 0 : i32
      %dma_start3A_301 = tpu.memref_slice %arg5[%add3A_245, %dma_start3A_298, %add3A, %dma_start3A_299, %dma_start3A_300] : memref<200x8x32x8x128xf32, #tpu.memory_space<hbm>> -> memref<1x8x1x8x128xf32, #tpu.memory_space<hbm>>
      %dma_start3A_302 = tpu.memref_squeeze %dma_start3A_301 : memref<1x8x1x8x128xf32, #tpu.memory_space<hbm>> -> memref<8x8x128xf32, #tpu.memory_space<hbm>>
      tpu.enqueue_dma source(%arg21 : memref<8x8x128xf32, #tpu.memory_space<vmem>>) target(%dma_start3A_302 : memref<8x8x128xf32, #tpu.memory_space<hbm>>) target_semaphore(%arg30 : memref<!tpu.dma_semaphore, #tpu.memory_space<semaphore_mem>>)
    }
    %scan3A_18 = arith.constant 50 : i32
    %dma_wait3A = arith.constant 196 : i32
    %dma_wait3A_19 = arith.constant 0 : i32
    %dma_wait3A_20 = arith.constant 0 : i32
    %dma_wait3A_21 = arith.constant 0 : i32
    %dma_wait3A_22 = tpu.memref_slice %arg5[%dma_wait3A, %dma_wait3A_19, %add3A, %dma_wait3A_20, %dma_wait3A_21] : memref<200x8x32x8x128xf32, #tpu.memory_space<hbm>> -> memref<1x8x1x8x128xf32, #tpu.memory_space<hbm>>
    %dma_wait3A_23 = tpu.memref_squeeze %dma_wait3A_22 : memref<1x8x1x8x128xf32, #tpu.memory_space<hbm>> -> memref<8x8x128xf32, #tpu.memory_space<hbm>>
    %dma_wait3A_24 = arith.constant 0 : i32
    %dma_wait3A_25 = arith.constant 0 : i32
    %dma_wait3A_26 = arith.constant 0 : i32
    %dma_wait3A_27 = tpu.memref_slice %arg5[%dma_wait3A, %dma_wait3A_24, %add3A, %dma_wait3A_25, %dma_wait3A_26] : memref<200x8x32x8x128xf32, #tpu.memory_space<hbm>> -> memref<1x8x1x8x128xf32, #tpu.memory_space<hbm>>
    %dma_wait3A_28 = tpu.memref_squeeze %dma_wait3A_27 : memref<1x8x1x8x128xf32, #tpu.memory_space<hbm>> -> memref<8x8x128xf32, #tpu.memory_space<hbm>>
    tpu.wait_dma2 semaphore(%arg27 : memref<!tpu.dma_semaphore, #tpu.memory_space<semaphore_mem>>) src(%arg18 : memref<8x8x128xf32, #tpu.memory_space<vmem>>) dst(%dma_wait3A_28 : memref<8x8x128xf32, #tpu.memory_space<hbm>>)
    %dma_wait3A_29 = arith.constant 197 : i32
    %dma_wait3A_30 = arith.constant 0 : i32
    %dma_wait3A_31 = arith.constant 0 : i32
    %dma_wait3A_32 = arith.constant 0 : i32
    %dma_wait3A_33 = tpu.memref_slice %arg5[%dma_wait3A_29, %dma_wait3A_30, %add3A, %dma_wait3A_31, %dma_wait3A_32] : memref<200x8x32x8x128xf32, #tpu.memory_space<hbm>> -> memref<1x8x1x8x128xf32, #tpu.memory_space<hbm>>
    %dma_wait3A_34 = tpu.memref_squeeze %dma_wait3A_33 : memref<1x8x1x8x128xf32, #tpu.memory_space<hbm>> -> memref<8x8x128xf32, #tpu.memory_space<hbm>>
    %dma_wait3A_35 = arith.constant 0 : i32
    %dma_wait3A_36 = arith.constant 0 : i32
    %dma_wait3A_37 = arith.constant 0 : i32
    %dma_wait3A_38 = tpu.memref_slice %arg5[%dma_wait3A_29, %dma_wait3A_35, %add3A, %dma_wait3A_36, %dma_wait3A_37] : memref<200x8x32x8x128xf32, #tpu.memory_space<hbm>> -> memref<1x8x1x8x128xf32, #tpu.memory_space<hbm>>
    %dma_wait3A_39 = tpu.memref_squeeze %dma_wait3A_38 : memref<1x8x1x8x128xf32, #tpu.memory_space<hbm>> -> memref<8x8x128xf32, #tpu.memory_space<hbm>>
    tpu.wait_dma2 semaphore(%arg28 : memref<!tpu.dma_semaphore, #tpu.memory_space<semaphore_mem>>) src(%arg19 : memref<8x8x128xf32, #tpu.memory_space<vmem>>) dst(%dma_wait3A_39 : memref<8x8x128xf32, #tpu.memory_space<hbm>>)
    %dma_wait3A_40 = arith.constant 198 : i32
    %dma_wait3A_41 = arith.constant 0 : i32
    %dma_wait3A_42 = arith.constant 0 : i32
    %dma_wait3A_43 = arith.constant 0 : i32
    %dma_wait3A_44 = tpu.memref_slice %arg5[%dma_wait3A_40, %dma_wait3A_41, %add3A, %dma_wait3A_42, %dma_wait3A_43] : memref<200x8x32x8x128xf32, #tpu.memory_space<hbm>> -> memref<1x8x1x8x128xf32, #tpu.memory_space<hbm>>
    %dma_wait3A_45 = tpu.memref_squeeze %dma_wait3A_44 : memref<1x8x1x8x128xf32, #tpu.memory_space<hbm>> -> memref<8x8x128xf32, #tpu.memory_space<hbm>>
    %dma_wait3A_46 = arith.constant 0 : i32
    %dma_wait3A_47 = arith.constant 0 : i32
    %dma_wait3A_48 = arith.constant 0 : i32
    %dma_wait3A_49 = tpu.memref_slice %arg5[%dma_wait3A_40, %dma_wait3A_46, %add3A, %dma_wait3A_47, %dma_wait3A_48] : memref<200x8x32x8x128xf32, #tpu.memory_space<hbm>> -> memref<1x8x1x8x128xf32, #tpu.memory_space<hbm>>
    %dma_wait3A_50 = tpu.memref_squeeze %dma_wait3A_49 : memref<1x8x1x8x128xf32, #tpu.memory_space<hbm>> -> memref<8x8x128xf32, #tpu.memory_space<hbm>>
    tpu.wait_dma2 semaphore(%arg29 : memref<!tpu.dma_semaphore, #tpu.memory_space<semaphore_mem>>) src(%arg20 : memref<8x8x128xf32, #tpu.memory_space<vmem>>) dst(%dma_wait3A_50 : memref<8x8x128xf32, #tpu.memory_space<hbm>>)
    %dma_wait3A_51 = arith.constant 199 : i32
    %dma_wait3A_52 = arith.constant 0 : i32
    %dma_wait3A_53 = arith.constant 0 : i32
    %dma_wait3A_54 = arith.constant 0 : i32
    %dma_wait3A_55 = tpu.memref_slice %arg5[%dma_wait3A_51, %dma_wait3A_52, %add3A, %dma_wait3A_53, %dma_wait3A_54] : memref<200x8x32x8x128xf32, #tpu.memory_space<hbm>> -> memref<1x8x1x8x128xf32, #tpu.memory_space<hbm>>
    %dma_wait3A_56 = tpu.memref_squeeze %dma_wait3A_55 : memref<1x8x1x8x128xf32, #tpu.memory_space<hbm>> -> memref<8x8x128xf32, #tpu.memory_space<hbm>>
    %dma_wait3A_57 = arith.constant 0 : i32
    %dma_wait3A_58 = arith.constant 0 : i32
    %dma_wait3A_59 = arith.constant 0 : i32
    %dma_wait3A_60 = tpu.memref_slice %arg5[%dma_wait3A_51, %dma_wait3A_57, %add3A, %dma_wait3A_58, %dma_wait3A_59] : memref<200x8x32x8x128xf32, #tpu.memory_space<hbm>> -> memref<1x8x1x8x128xf32, #tpu.memory_space<hbm>>
    %dma_wait3A_61 = tpu.memref_squeeze %dma_wait3A_60 : memref<1x8x1x8x128xf32, #tpu.memory_space<hbm>> -> memref<8x8x128xf32, #tpu.memory_space<hbm>>
    tpu.wait_dma2 semaphore(%arg30 : memref<!tpu.dma_semaphore, #tpu.memory_space<semaphore_mem>>) src(%arg21 : memref<8x8x128xf32, #tpu.memory_space<vmem>>) dst(%dma_wait3A_61 : memref<8x8x128xf32, #tpu.memory_space<hbm>>)
    return
  }
}

</mosaic_0001>

<sc_bundles>
// kernel: kernel.3.cloned.1.call-start
scs
__scs_entry_jumppad:
0x0: {  	(pc) =	sbr.rel $0x88, $3  }
0x1: {  	(tag) =	ssettag $0x0;
	lr =	simm.s32 $0x1  }
0x2: {  	[smem:$0x3F9E] =	sst lr;
	_ =	strace $0xD0000000  }
0x3: {  	_ = 	snop  }
0x4: {  	_ = 	snop  }
0x5: {  	_ = 	snop  }
0x6: {  	_ = 	snop  }
0x7: {  	_ = 	snop  }
__scs_overlays_trampoline_lowered:
0x8: {  	[smem:$0x3FAD] =	sst s0  }
0x9: {  	[smem:$0x3FAE] =	sst s1  }
0xa: {  	[smem:$0x3FAF] =	sst s2  }
0xb: {  	[smem:$0x3FB0] =	sst s3  }
0xc: {  	[smem:$0x3FB1] =	sst s4  }
0xd: {  	[smem:$0x3FB2] =	sst s5  }
0xe: {  	[smem:$0x3FB3] =	sst s6  }
0xf: {  	[smem:$0x3FB4] =	sst s7  }
0x10: {  	[smem:$0x3FB5] =	sst s8  }
0x11: {  	[smem:$0x3FB6] =	sst s9;
	s0 =	simm.s32 @!p0 $0x0  }
0x12: {  	s1 =	sld [smem:$0x3F9C];
	s0 =	simm.s32 @p0 $0x1  }
0x13: {  	[smem:$0x3FB7] =	sst s0;
	s0 =	simm.s32 @!p1 $0x0  }
0x14: {  	s2 =	sld [smem:$0x3F9B];
	s0 =	simm.s32 @p1 $0x1  }
0x15: {  	[smem:$0x3FB8] =	sst s0;
	s0 =	simm.s32 @!p2 $0x0  }
0x16: {  	s3 =	sld [smem:$0x3FDB];
	s0 =	simm.s32 @p2 $0x1  }
0x17: {  	s4 =	simm.s32 $0x1BF5;
	[smem:$0x3FBA] =	sst s0  }
0x18: {  	s0 =	sld [smem:$0x3F9D];
	_ =	swait.ge [sflag:s4], $0x0  }
0x19: {  	s7 =	sld [smem:$0x3F9E]  }
0x1a: {  	s8 =	sadd.s32 $0xFFFFE003, lr  }
0x1b: {  	s9 =	sadd.s32 $0xFFFFFEF7, lr;
	s5 =	simm.s32 $0xFFFFFFFF;
	p2 =	slt.u32 s8, $0xFFFFF086  }
0x1c: {  	p1 =	slt.u32 s9, $0xF7A;
	s5 =	simm.s32 @!p2 $0x0  }
0x1d: {  	s5 =	simm.s32 @p1 $0x1;
	p0 =	seq.s32 s7, s2  }
0x1e: {  	s7 =	smul.u32 @!p0 $0xF7A, s2;
	p2 =	seq.s32 @!p0 s5, $0x0  }
0x1f: {  	s9 =	smul.u32 $0xF7A, s1;
	s8 =	simm.s32 @!p0 $0x1BF5;
	p2 =	por !p2, p0  }
0x20: {  	[sflag:s8] =	ssyncset.s32 @!p0 $0xFFFFF086;
	s6 =	sadd.s32 @!p0 s3, s7;
	s7 =	simm.s32 @!p0 $0x108  }
0x21: {  	s3 =	sadd.s32 s3, s9;
	s6 =	sadd.s32 @!p0 $0x88, s6;
	s7 =	simm.s32 @p2 $0x1082  }
0x22: {  	[simem:s7], [sflag:s8] =	dma.local @!p0 [hbm:s6], $0xF7A  }
0x23: {  	s9 =	sor.u32 $0xD0000000, s2;
	s6 =	simm.s32 $0x108;
	_ =	swait.ge @!p0 [sflag:s8], $0x0  }
0x24: {  	s3 =	sadd.s32 $0x88, s3;
	s6 =	simm.s32 @!p1 $0x1082;
	[sflag:s4] =	ssyncset.s32 $0xFFFFF086  }
0x25: {  	[simem:s6], [sflag:s4] =	dma.local [hbm:s3], $0xF7A  }
0x26: {  	[smem:$0x3F9E] =	sst s1;
	(tag) =	ssettag s2;
	_ =	strace s9  }
0x27: {  	s1 =	sld [smem:$0x3FAE]  }
0x28: {  	s2 =	sld [smem:$0x3FAF]  }
0x29: {  	s4 =	sld [smem:$0x3FB1]  }
0x2a: {  	p0 =	seq.s32 s5, $0x0;
	s5 =	sld [smem:$0x3FB2]  }
0x2b: {  	s6 =	sld [smem:$0x3FB3]  }
0x2c: {  	s7 =	sld [smem:$0x3FB4]  }
0x2d: {  	s3 =	simm.s32 $0x108;
	s8 =	sld [smem:$0x3FB5]  }
0x2e: {  	s3 =	simm.s32 @!p0 $0x1082;
	s9 =	sld [smem:$0x3FB6]  }
0x2f: {  	lr =	sadd.s32 s0, s3;
	s0 =	sld [smem:$0x3FAD]  }
0x30: {  	s3 =	sld [smem:$0x3FB0]  }
0x31: {  	[smem:$0x3FB9] =	sst s10  }
0x32: {  	s10 =	sld [smem:$0x3FB7];
	_ =	sdelay $0x3  }
0x33: {  	p0 =	seq.s32 s10, $0x1;
	s10 =	sld [smem:$0x3FB9];
	_ =	sdelay $0x3  }
0x34: {  	[smem:$0x3FB9] =	sst s10  }
0x35: {  	s10 =	sld [smem:$0x3FB8];
	_ =	sdelay $0x3  }
0x36: {  	p1 =	seq.s32 s10, $0x1;
	s10 =	sld [smem:$0x3FB9];
	_ =	sdelay $0x3  }
0x37: {  	[smem:$0x3FB9] =	sst s10  }
0x38: {  	s10 =	sld [smem:$0x3FBA]  }
0x39: {  	_ = 	snop;
	(pc) =	sbr.ind lr, $3  }
0x3a: {  	_ = 	snop  }
0x3b: {  	_ = 	snop  }
0x3c: {  	p2 =	seq.s32 s10, $0x1;
	s10 =	sld [smem:$0x3FB9]  }
0x3d: {  	_ =	shalt  }
0x3e: {  	_ =	shalt  }
0x3f: {  	_ =	shalt  }
0x40: {  	_ =	shalt  }
0x41: {  	_ =	shalt  }
0x42: {  	_ =	shalt  }
0x43: {  	_ =	shalt  }
0x44: {  	_ =	shalt  }
0x45: {  	_ =	shalt  }
0x46: {  	_ =	shalt  }
0x47: {  	_ =	shalt  }
0x48: {  	_ =	shalt  }
0x49: {  	_ =	shalt  }
0x4a: {  	_ =	shalt  }
0x4b: {  	_ =	shalt  }
0x4c: {  	_ =	shalt  }
0x4d: {  	_ =	shalt  }
0x4e: {  	_ =	shalt  }
0x4f: {  	_ =	shalt  }
0x50: {  	_ =	shalt  }
0x51: {  	_ =	shalt  }
0x52: {  	_ =	shalt  }
0x53: {  	_ =	shalt  }
0x54: {  	_ =	shalt  }
0x55: {  	_ =	shalt  }
0x56: {  	_ =	shalt  }
0x57: {  	_ =	shalt  }
0x58: {  	_ =	shalt  }
0x59: {  	_ =	shalt  }
0x5a: {  	_ =	shalt  }
0x5b: {  	_ =	shalt  }
0x5c: {  	_ =	shalt  }
0x5d: {  	_ =	shalt  }
0x5e: {  	_ =	shalt  }
0x5f: {  	_ =	shalt  }
0x60: {  	_ =	shalt  }
0x61: {  	_ =	shalt  }
0x62: {  	_ =	shalt  }
0x63: {  	_ =	shalt  }
0x64: {  	_ =	shalt  }
0x65: {  	_ =	shalt  }
0x66: {  	_ =	shalt  }
0x67: {  	_ =	shalt  }
0x68: {  	_ =	shalt  }
0x69: {  	_ =	shalt  }
0x6a: {  	_ =	shalt  }
0x6b: {  	_ =	shalt  }
0x6c: {  	_ =	shalt  }
0x6d: {  	_ =	shalt  }
0x6e: {  	_ =	shalt  }
0x6f: {  	_ =	shalt  }
0x70: {  	_ =	shalt  }
0x71: {  	_ =	shalt  }
0x72: {  	_ =	shalt  }
0x73: {  	_ =	shalt  }
0x74: {  	_ =	shalt  }
0x75: {  	_ =	shalt  }
0x76: {  	_ =	shalt  }
0x77: {  	_ =	shalt  }
0x78: {  	_ =	shalt  }
0x79: {  	_ =	shalt  }
0x7a: {  	_ =	shalt  }
0x7b: {  	_ =	shalt  }
0x7c: {  	_ =	shalt  }
0x7d: {  	_ =	shalt  }
0x7e: {  	_ =	shalt  }
0x7f: {  	_ =	shalt  }
0x80: {  	_ =	shalt  }
0x81: {  	_ =	shalt  }
0x82: {  	_ =	shalt  }
0x83: {  	_ =	shalt  }
0x84: {  	_ =	shalt  }
0x85: {  	_ =	shalt  }
0x86: {  	_ =	shalt  }
0x87: {  	_ =	shalt  }
.Lfunc_end0:
.L_simem_size_0:
called_computation_lowered:
.L_overlay_start_0:
0x88: {  	s2 =	sld [smem:$0x3FD9]  }
0x89: {  	s3 =	sld [smem:$0x3FFE];
	_ =	sdelay $0x1  }
0x8a: {  	s1 =	srdreg.scid  }
0x8b: {  	s0 =	sand.u32 $0x1, s1  }
0x8c: {  	s17 =	sshll.u32 s0, $0xA;
	s2 =	sadd.s32 s3, s2  }
0x8d: {  	s2 =	sadd.s32 s2, s17  }
0x8e: {  	[smem:$0x3FC5] =	sst s2  }
0x8f: {  	_ = 	snop  }
0x90: {  	s2 =	sld [smem:$0x3FD0];
	(tm) =	ssettm $0x1  }
0x91: {  	s18 =	sld [smem:$0x3FFB];
	_ =	sdelay $0x3  }
0x92: {  	_ =	strace s18  }
0x93: {  	s3 =	sld [smem:$0x3FFC];
	_ =	sdelay $0x3  }
0x94: {  	_ =	strace s3  }
0x95: {  	s3 =	sld [smem:$0x3FFD];
	_ =	sdelay $0x3  }
0x96: {  	_ =	strace s3  }
0x97: {  	_ =	strace $0x8FFFFFFF  }
0x98: {  	s19 =	sld [smem:$0x3FDB];
	_ =	sdelay $0x1  }
0x99: {  	s4 =	simm.s32 $_scs_section_size  }
0x9a: {  	s5 =	simm.s32 $_size__tile_overlayer_lowered;
	s6 =	simm.s32 $_tile_overlayer_lowered  }
0x9b: {  	s22 =	simm.s32 $0x1BFF;
	s21 =	sshll.u32 s6, $0x1;
	s3 =	sadd.s32 s4, s19  }
0x9c: {  	s7 =	simm.s32 $0x0;
	s20 =	sshll.u32 s5, $0x1;
	s5 =	sadd.s32 s21, s3  }
0x9d: {  	[timem:s7], [sflag:s22] =	dma.local [hbm:s5], s20  }
0x9e: {  	_ =	swait.ge [sflag:s22], s20  }
0x9f: {  	s4 =	ssub.s32 $0x0, s20;
	[sflag:s22] =	ssyncset.done $0x0  }
0xa0: {  	[sflag:s22] =	ssyncadd.s32 s4;
	_ =	sdelay $0x1  }
0xa1: {  	s23 =	simm.s32 $0x1B8B  }
0xa2: {  	_ =	swait.ge [sflag:s23], $0x1  }
0xa3: {  	[sflag:s23] =	ssyncset.done $0x0  }
0xa4: {  	s25 =	simm.s32 $0x1B8E;
	s24 =	sld [smem:$0x3FFE];
	[sflag:s23] =	ssyncadd.s32 $0xFFFFFFFF  }
0xa5: {  	s26 =	simm.s32 $execute0_lowered;
	[smem:$0x3FD2] =	sst s25  }
0xa6: {  	s5 =	sshll.u32 s26, $0x1;
	_ =	strace $0x80000046;
	[dreg:$0x1] =	wrdreg $0xFFFFFFFF  }
0xa7: {  	s28 =	simm.s32 $_size_execute0_lowered;
	s3 =	sadd.s32 s3, s5;
	[dreg:$0x0] =	wrdreg $0x0  }
0xa8: {  	s5 =	sshll.u32 s28, $0x1;
	[dreg:$0x2] =	wrdreg s3  }
0xa9: {  	[dreg:$0x3] =	wrdreg s5  }
0xaa: {  	[dreg:$0x4] =	wrdreg $0xC0  }
0xab: {  	_ =	task [dreg:s7], $0x5FFFF  }
0xac: {  	[dreg:$0x1] =	wrdreg $0xFFFFFFFF  }
0xad: {  	[dreg:$0x0] =	wrdreg $0x60  }
0xae: {  	[dreg:$0x2] =	wrdreg s24  }
0xaf: {  	[dreg:$0x3] =	wrdreg s2  }
0xb0: {  	[dreg:$0x4] =	wrdreg $0x9  }
0xb1: {  	_ =	task.clear_ibuf [dreg:s7], $0x5FFFF;
	_ =	strace $0x90000046  }
0xb2: {  	s29 =	simm.s32 $0x9;
	_ =	strace $0x80000048  }
0xb3: {  	_ =	swait.ge [sflag:s29], $0x1  }
0xb4: {  	[sflag:s29] =	ssyncadd.s32 $0xFFFFFFFF  }
0xb5: {  	_ =	strace $0x90000048  }
0xb6: {  	_ =	sfence  }
0xb7: {  	s30 =	sld [smem:$0x0];
	_ =	sdelay $0x2  }
0xb8: {  	s31 =	sshll.u32 s1, $0xD;
	s1 =	sshrl.u32 s1, $0x2  }
0xb9: {  	s3 =	sand.u32 $0x4000, s31;
	s1 =	sadd.s32 s1, s30  }
0xba: {  	s0 =	sor.u32 s3, s0;
	s1 =	sshll.u32 s1, $0x11  }
0xbb: {  	s0 =	sor.u32 s1, s0  }
0xbc: {  	s0 =	sadd.s32 $0x8F2B, s0  }
0xbd: {  	[sflag:s0] =	ssyncadd.remote.s32 $0x1  }
0xbe: {  	_ =	sfence.sel $0xFFFF  }
0xbf: {  	[dreg:$0x0] =	wrdreg $0xFFFFFFFF;
	(pc) =	sbr.abs _section_cstart, $3  }
0xc0: {  	[dreg:$0x1] =	wrdreg $0xFFFFFFFF  }
0xc1: {  	_ =	task.clear_ibuf [dreg:s7], $0x2FFFF;
	_ =	strace $0x9FFFFFFF  }
0xc2: {  	(tm) =	ssettm $0x7FFFFFFF  }
0xc3: {  	_ =	shalt  }
tec
execute0_lowered:
.L_overlay_start_1:
0x0: {  	(tag) =	ssettag $0x1  }
0x1: {  	v0 =	vimm.s32 $0xC3824100;
	vm0 =	vcmask $0xF00;
	vm10 =	vcmask $0x1310  }
0x2: {  	vm9 =	vcmask $0x1714;
	vm8 =	vcmask $0x1B18;
	vm7 =	vcmask $0x1F1C  }
0x3: {  	vm6 =	vcmask $0x2320;
	vm5 =	vcmask $0x2724;
	vm4 =	vcmask $0x2B28  }
0x4: {  	vm3 =	vcmask $0x2F2C;
	vm2 =	vcmask $0x3330;
	v33 =	vlaneseq.u32  }
0x5: {  	vm1 =	vcmask $0x3734;
	v2 =	vimm.s32 $0x38F;
	vm14 =	vcmask $0x300  }
0x6: {  	vm13 =	vcmask $0x704;
	vm12 =	vcmask $0xB08;
	v12 =	vimm.s32 $0x7C7  }
0x7: {  	v3 =	vimm.s32 $0x39F;
	vm11 =	vcmask $0xF0C;
	v16 =	vimm.s32 $0xBC7  }
0x8: {  	v18 =	vimm.s32 $0x3AF;
	v35 =	vimm.s32 $0x3BF;
	v0 =	vunpack.c.0.s8.s32 v0  }
0x9: {  	v37 =	vimm.s32 $0x13C7;
	v42 =	vimm.s32 $0x17C7;
	v45 =	vimm.s32 $0x3DF  }
0xa: {  	v52 =	vimm.s32 $0x1FC7;
	v10 =	vand.u32 $0x7, v33;
	v0 =	vand.u32 $0xFF, v0  }
0xb: {  	v11 =	vsel vm14, $0x0, v2;
	v2 =	vsel vm14, $0x400, v12;
	v0 =	vnsel vm0, $0x3C7, v0  }
0xc: {  	v3 =	vsel vm14, $0x10, v3;
	v17 =	vsel vm14, $0x800, v16;
	v0 =	vsel vm10, $0x104, v0  }
0xd: {  	v36 =	vsel vm14, $0x30, v35;
	v44 =	vsel vm14, $0x1400, v42;
	v0 =	vsel vm9, $0x145, v0  }
0xe: {  	v24 =	vmul.u32 $0x40, v33;
	v54 =	vor.u32 $0x10, v33;
	v0 =	vsel vm8, $0x186, v0  }
0xf: {  	v2 =	vsel vm13, $0x441, v2;
	v3 =	vsel vm13, $0x91, v3;
	v0 =	vsel vm7, $0x1C7, v0  }
0x10: {  	v2 =	vsel vm12, $0x482, v2;
	v3 =	vsel vm12, $0x112, v3;
	v0 =	vsel vm6, $0x200, v0  }
0x11: {  	vm0 =	vcmask $0x3B38;
	v2 =	vsel vm11, $0x4C3, v2;
	v0 =	vsel vm5, $0x241, v0  }
0x12: {  	v3 =	vsel vm11, $0x193, v3;
	v2 =	vsel vm10, $0x504, v2;
	v0 =	vsel vm4, $0x282, v0  }
0x13: {  	v3 =	vsel vm10, $0x214, v3;
	v2 =	vsel vm9, $0x545, v2;
	v1 =	vsel vm3, $0x2C3, v0  }
0x14: {  	v3 =	vsel vm9, $0x295, v3;
	v2 =	vsel vm8, $0x586, v2;
	v1 =	vsel vm2, $0x304, v1  }
0x15: {  	v3 =	vsel vm8, $0x316, v3;
	v2 =	vsel vm7, $0x5C7, v2;
	v1 =	vsel vm1, $0x345, v1  }
0x16: {  	v3 =	vsel vm7, $0x397, v3;
	v4 =	vsel vm0, $0x386, v1;
	v1 =	vsel vm13, $0x81, v11  }
0x17: {  	v2 =	vsel vm6, $0x600, v2;
	v3 =	vsel vm6, $0x18, v3;
	v1 =	vsel vm12, $0x102, v1  }
0x18: {  	v2 =	vsel vm5, $0x641, v2;
	v3 =	vsel vm5, $0x99, v3;
	v1 =	vsel vm11, $0x183, v1  }
0x19: {  	v2 =	vsel vm4, $0x682, v2;
	v3 =	vsel vm4, $0x11A, v3;
	v1 =	vsel vm10, $0x204, v1  }
0x1a: {  	v2 =	vsel vm3, $0x6C3, v2;
	v3 =	vsel vm3, $0x19B, v3;
	v1 =	vsel vm9, $0x285, v1  }
0x1b: {  	v2 =	vsel vm2, $0x704, v2;
	v14 =	vsel vm2, $0x21C, v3;
	v1 =	vsel vm8, $0x306, v1  }
0x1c: {  	v3 =	vimm.s32 $0xFC7;
	v13 =	vsel vm1, $0x745, v2;
	v1 =	vsel vm7, $0x387, v1  }
0x1d: {  	v2 =	vsel vm14, $0x20, v18;
	v3 =	vsel vm14, $0xC00, v3;
	v1 =	vsel vm6, $0x8, v1  }
0x1e: {  	v2 =	vsel vm13, $0xA1, v2;
	v3 =	vsel vm13, $0xC41, v3;
	v1 =	vsel vm5, $0x89, v1  }
0x1f: {  	v2 =	vsel vm12, $0x122, v2;
	v3 =	vsel vm12, $0xC82, v3;
	v1 =	vsel vm4, $0x10A, v1  }
0x20: {  	v2 =	vsel vm11, $0x1A3, v2;
	v3 =	vsel vm11, $0xCC3, v3;
	v1 =	vsel vm3, $0x18B, v1  }
0x21: {  	v2 =	vsel vm10, $0x224, v2;
	v3 =	vsel vm10, $0xD04, v3;
	v1 =	vsel vm2, $0x20C, v1  }
0x22: {  	v2 =	vsel vm9, $0x2A5, v2;
	v3 =	vsel vm9, $0xD45, v3;
	v1 =	vsel vm1, $0x28D, v1  }
0x23: {  	v3 =	vsel vm8, $0xD86, v3;
	v23 =	vsel vm0, $0x30E, v1;
	v1 =	vsel vm13, $0x841, v17  }
0x24: {  	v2 =	vsel vm8, $0x326, v2;
	v3 =	vsel vm7, $0xDC7, v3;
	v1 =	vsel vm12, $0x882, v1  }
0x25: {  	v2 =	vsel vm7, $0x3A7, v2;
	v3 =	vsel vm6, $0xE00, v3;
	v1 =	vsel vm11, $0x8C3, v1  }
0x26: {  	v2 =	vsel vm6, $0x28, v2;
	v3 =	vsel vm5, $0xE41, v3;
	v1 =	vsel vm10, $0x904, v1  }
0x27: {  	v2 =	vsel vm5, $0xA9, v2;
	v3 =	vsel vm4, $0xE82, v3;
	v1 =	vsel vm9, $0x945, v1  }
0x28: {  	v2 =	vsel vm4, $0x12A, v2;
	v3 =	vsel vm3, $0xEC3, v3;
	v1 =	vsel vm8, $0x986, v1  }
0x29: {  	v32 =	vsel vm2, $0xF04, v3;
	v3 =	vimm.s32 $0x3CF;
	v1 =	vsel vm7, $0x9C7, v1  }
0x2a: {  	v2 =	vsel vm3, $0x1AB, v2;
	v3 =	vsel vm14, $0x40, v3;
	v1 =	vsel vm6, $0xA00, v1  }
0x2b: {  	v2 =	vsel vm2, $0x22C, v2;
	v3 =	vsel vm13, $0xC1, v3;
	v1 =	vsel vm5, $0xA41, v1  }
0x2c: {  	v19 =	vsel vm1, $0x2AD, v2;
	v3 =	vsel vm12, $0x142, v3;
	v1 =	vsel vm4, $0xA82, v1  }
0x2d: {  	v2 =	vsel vm14, $0x1000, v37;
	v3 =	vsel vm11, $0x1C3, v3;
	v1 =	vsel vm3, $0xAC3, v1  }
0x2e: {  	v2 =	vsel vm13, $0x1041, v2;
	v3 =	vsel vm10, $0x244, v3;
	v1 =	vsel vm2, $0xB04, v1  }
0x2f: {  	v2 =	vsel vm12, $0x1082, v2;
	v3 =	vsel vm9, $0x2C5, v3;
	v1 =	vsel vm1, $0xB45, v1  }
0x30: {  	v3 =	vsel vm8, $0x346, v3;
	v8 =	vsel vm0, $0xB86, v1;
	v1 =	vsel vm13, $0xB1, v36  }
0x31: {  	v2 =	vsel vm11, $0x10C3, v2;
	v3 =	vsel vm7, $0x3C7, v3;
	v1 =	vsel vm12, $0x132, v1  }
0x32: {  	v2 =	vsel vm10, $0x1104, v2;
	v3 =	vsel vm6, $0x48, v3;
	v1 =	vsel vm11, $0x1B3, v1  }
0x33: {  	v2 =	vsel vm9, $0x1145, v2;
	v3 =	vsel vm5, $0xC9, v3;
	v1 =	vsel vm10, $0x234, v1  }
0x34: {  	v2 =	vsel vm8, $0x1186, v2;
	v3 =	vsel vm4, $0x14A, v3;
	v1 =	vsel vm9, $0x2B5, v1  }
0x35: {  	v2 =	vsel vm7, $0x11C7, v2;
	v3 =	vsel vm3, $0x1CB, v3;
	v1 =	vsel vm8, $0x336, v1  }
0x36: {  	v39 =	vsel vm2, $0x24C, v3;
	v3 =	vimm.s32 $0x1BC7;
	v1 =	vsel vm7, $0x3B7, v1  }
0x37: {  	v2 =	vsel vm6, $0x1200, v2;
	v3 =	vsel vm14, $0x1800, v3;
	v1 =	vsel vm6, $0x38, v1  }
0x38: {  	v2 =	vsel vm5, $0x1241, v2;
	v3 =	vsel vm13, $0x1841, v3;
	v1 =	vsel vm5, $0xB9, v1  }
0x39: {  	v2 =	vsel vm4, $0x1282, v2;
	v3 =	vsel vm12, $0x1882, v3;
	v1 =	vsel vm4, $0x13A, v1  }
0x3a: {  	v2 =	vsel vm3, $0x12C3, v2;
	v3 =	vsel vm11, $0x18C3, v3;
	v1 =	vsel vm3, $0x1BB, v1  }
0x3b: {  	v2 =	vsel vm2, $0x1304, v2;
	v3 =	vsel vm10, $0x1904, v3;
	v1 =	vsel vm2, $0x23C, v1  }
0x3c: {  	v38 =	vsel vm1, $0x1345, v2;
	v3 =	vsel vm9, $0x1945, v3;
	v1 =	vsel vm1, $0x2BD, v1  }
0x3d: {  	v3 =	vsel vm8, $0x1986, v3;
	v11 =	vsel vm0, $0x33E, v1;
	v1 =	vsel vm13, $0x1441, v44  }
0x3e: {  	v41 =	vsel vm1, $0x2CD, v39;
	v3 =	vsel vm7, $0x19C7, v3;
	v1 =	vsel vm12, $0x1482, v1  }
0x3f: {  	v2 =	vsel vm14, $0x50, v45;
	v3 =	vsel vm6, $0x1A00, v3;
	v1 =	vsel vm11, $0x14C3, v1  }
0x40: {  	v40 =	vsel vm0, $0x1386, v38;
	v3 =	vsel vm5, $0x1A41, v3;
	v1 =	vsel vm10, $0x1504, v1  }
0x41: {  	v43 =	vsel vm0, $0x34E, v41;
	v3 =	vsel vm4, $0x1A82, v3;
	v1 =	vsel vm9, $0x1545, v1  }
0x42: {  	v2 =	vsel vm13, $0xD1, v2;
	v3 =	vsel vm3, $0x1AC3, v3;
	v1 =	vsel vm8, $0x1586, v1  }
0x43: {  	v48 =	vsel vm2, $0x1B04, v3;
	v3 =	vimm.s32 $0x3FF;
	v1 =	vsel vm7, $0x15C7, v1  }
0x44: {  	v2 =	vsel vm12, $0x152, v2;
	v3 =	vsel vm14, $0x70, v3;
	v1 =	vsel vm6, $0x1600, v1  }
0x45: {  	v2 =	vsel vm11, $0x1D3, v2;
	v3 =	vsel vm13, $0xF1, v3;
	v1 =	vsel vm5, $0x1641, v1  }
0x46: {  	v2 =	vsel vm10, $0x254, v2;
	v3 =	vsel vm12, $0x172, v3;
	v1 =	vsel vm4, $0x1682, v1  }
0x47: {  	v2 =	vsel vm9, $0x2D5, v2;
	v3 =	vsel vm11, $0x1F3, v3;
	v1 =	vsel vm3, $0x16C3, v1  }
0x48: {  	[tilespmem:$0x1FE00] =	vst v10;
	v2 =	vsel vm8, $0x356, v2;
	v3 =	vsel vm10, $0x274, v3;
	v1 =	vsel vm2, $0x1704, v1  }
0x49: {  	[tilespmem:$0x1FE10] =	vst v40;
	v2 =	vsel vm7, $0x3D7, v2;
	v3 =	vsel vm9, $0x2F5, v3;
	v1 =	vsel vm1, $0x1745, v1  }
0x4a: {  	s0 =	rddreg [dreg:$0x0];
	s2 =	simm.s32 $0x0;
	[tilespmem:$0x1FE20] =	vst v43;
	v2 =	vsel vm6, $0x58, v2;
	v3 =	vsel vm8, $0x376, v3;
	v46 =	vsel vm0, $0x1786, v1  }
0x4b: {  	[smem:$0x7FF] =	sst s2;
	v58 =	vor.u32 $0x50, v33;
	v2 =	vsel vm5, $0xD9, v2;
	v3 =	vsel vm7, $0x3F7, v3;
	[tilespmem:$0x1FE30] =	vst v46  }
0x4c: {  	s1 =	rddreg [dreg:$0x1];
	v55 =	vor.u32 $0x800, v24;
	v2 =	vsel vm4, $0x15A, v2;
	v3 =	vsel vm6, $0x78, v3;
	_ =	strace $0x80000047;
	[tilespmem:$0x1FE40] =	vst v54  }
0x4d: {  	v57 =	vor.u32 $0x1400, v24;
	v2 =	vsel vm3, $0x1DB, v2;
	v3 =	vsel vm5, $0xF9, v3;
	[tilespmem:$0x1FE50] =	vst v55  }
0x4e: {  	v61 =	vor.u32 $0x1800, v24;
	v2 =	vsel vm2, $0x25C, v2;
	v3 =	vsel vm4, $0x17A, v3;
	[tilespmem:$0x1FE60] =	vst v57  }
0x4f: {  	v47 =	vsel vm1, $0x2DD, v2;
	v2 =	vsel vm14, $0x1C00, v52;
	v3 =	vsel vm3, $0x1FB, v3;
	[tilespmem:$0x1FE70] =	vst v58  }
0x50: {  	v62 =	vor.u32 $0x60, v33;
	v2 =	vsel vm13, $0x1C41, v2;
	v3 =	vsel vm2, $0x27C, v3;
	[tilespmem:$0x1FE80] =	vst v61  }
0x51: {  	v63 =	vor.u32 $0x1C00, v24;
	v2 =	vsel vm12, $0x1C82, v2;
	v53 =	vsel vm1, $0x2FD, v3;
	[tilespmem:$0x1FE90] =	vst v62  }
0x52: {  	v2 =	vsel vm11, $0x1CC3, v2;
	v28 =	vsel vm0, $0x37E, v53;
	[tilespmem:$0x1FEA0] =	vst v63  }
0x53: {  	v29 =	vor.u32 $0x70, v33;
	v2 =	vsel vm10, $0x1D04, v2;
	[tilespmem:$0x1FEC0] =	vst v28  }
0x54: {  	v2 =	vsel vm9, $0x1D45, v2;
	[tilespmem:$0x1FED0] =	vst v29  }
0x55: {  	v25 =	vor.u32 $0x400, v24;
	v2 =	vsel vm8, $0x1D86, v2;
	[tilespmem:$0x1FEE0] =	vst v24  }
0x56: {  	s20 =	srdreg.scid;
	v59 =	vor.u32 $0x20, v33;
	v2 =	vsel vm7, $0x1DC7, v2;
	[tilespmem:$0x1FEF0] =	vst v25  }
0x57: {  	v50 =	vimm.s32 $0x3EF;
	s3 =	stileid.u32;
	s18 =	simm.s32 $0x10200;
	s28 =	simm.s32 $0x8200;
	v30 =	vor.u32 $0xC00, v24;
	v2 =	vsel vm6, $0x1E00, v2;
	[tilespmem:$0x1FF00] =	vst v59  }
0x58: {  	s9 =	simm.s32 $0xA200;
	s10 =	simm.s32 $0x3;
	s17 =	simm.s32 $0xC200;
	v51 =	vsel vm14, $0x60, v50;
	v56 =	vor.u32 $0x40, v33;
	v2 =	vsel vm5, $0x1E41, v2;
	[tilespmem:$0x1FF10] =	vst v30  }
0x59: {  	s19 =	simm.s32 $0xE200;
	s2 =	sand.u32 $0x1, s20;
	s3 =	sshll.u32 s3, $0x1;
	v12 =	vsel vm0, $0x35E, v47;
	v2 =	vsel vm4, $0x1E82, v2;
	v1 =	vsel vm13, $0xE1, v51;
	[tilespmem:$0x1FF20] =	vst v56  }
0x5a: {  	s4 =	sadd.s32 $0xA00, s0;
	s6 =	ssub.s32 $0x2, s2;
	s2 =	sor.u32 s2, s3;
	v2 =	vsel vm3, $0x1EC3, v2;
	v1 =	vsel vm12, $0x162, v1;
	[tilespmem:$0x1FF30] =	vst v12  }
0x5b: {  	s8 =	simm.s32 $0x4;
	s5 =	sadd.s32 $0xF42E00, s0;
	s3 =	sshll.u32 s2, $0x4;
	v36 =	vor.u32 $0x30, v33;
	v2 =	vsel vm2, $0x1F04, v2;
	v1 =	vsel vm11, $0x1E3, v1;
	[tilespmem:$0x1FF40] =	vst v11  }
0x5c: {  	s11 =	simm.s32 $0x0;
	s0 =	sadd.s32 $0x19A00, s0;
	s3 =	sadd.s32 s4, s3;
	v40 =	vor.u32 $0x1000, v24;
	v2 =	vsel vm1, $0x1F45, v2;
	[tilespmem:$0x1FF50] =	vst v36;
	v1 =	vsel vm10, $0x264, v1  }
0x5d: {  	s20 =	simm.s32 $0x80;
	s7 =	sadd.s32 $0x200, s3;
	v2 =	vsel vm0, $0x1F86, v2;
	[dreg:$0x3] =	wrdreg s0;
	[tilespmem:$0x1FF60] =	vst v40;
	v1 =	vsel vm9, $0x2E5, v1  }
0x5e: {  	s21 =	sshrl.u32 s6, $0x1;
	s22 =	sshll.u32 s2, $0x7;
	[dreg:$0x5] =	wrdreg s7;
	[tilespmem:$0x1FF70] =	vst v2;
	v1 =	vsel vm8, $0x366, v1  }
0x5f: {  	s14 =	sshll.u32 s2, $0xA;
	s23 =	sor.u32 $0x4000, s22;
	[dreg:$0x4] =	wrdreg s3;
	[tilespmem:$0x1FF80] =	vst v4;
	v1 =	vsel vm7, $0x3E7, v1  }
0x60: {  	s24 =	sor.u32 $0x5000, s22;
	s25 =	sor.u32 $0x6000, s22;
	v15 =	vsel vm1, $0x29D, v14;
	v6 =	vsel vm0, $0x786, v13;
	[dreg:$0x7] =	wrdreg s23;
	[tilespmem:$0x1FF90] =	vst v23;
	v1 =	vsel vm6, $0x68, v1  }
0x61: {  	s31 =	smov.u32 s22;
	s26 =	sadd.s32 s22, s1;
	v60 =	vsel vm0, $0x31E, v15;
	[dreg:$0x8] =	wrdreg s24;
	[tilespmem:$0x1FFA0] =	vst v6;
	v1 =	vsel vm5, $0xE9, v1  }
0x62: {  	s22 =	simm.s32 $0x2200;
	s29 =	sadd.s32 $0x628000, s26;
	[dreg:$0x9] =	wrdreg s25;
	[tilespmem:$0x1FFB0] =	vst v60;
	v1 =	vsel vm4, $0x16A, v1  }
0x63: {  	s30 =	sadd.s32 $0x630000, s26;
	s26 =	simm.s32 $0x1;
	v34 =	vsel vm1, $0xF45, v32;
	v9 =	vsel vm0, $0x32E, v19;
	[dreg:$0xa] =	wrdreg s29;
	[tilespmem:$0x1FFC0] =	vst v8;
	v1 =	vsel vm3, $0x1EB, v1  }
0x64: {  	v10 =	vsel vm0, $0xF86, v34;
	v49 =	vsel vm1, $0x1B45, v48;
	s0 =	ssub.s32 s6, s21;
	s3 =	sadd.s32 $0x400, s3;
	[dreg:$0xb] =	wrdreg s30;
	[tilespmem:$0x1FFD0] =	vst v9;
	v1 =	vsel vm2, $0x26C, v1  }
0x65: {  	v31 =	vsel vm0, $0x1B86, v49;
	s21 =	simm.s32 $0x200;
	s24 =	simm.s32 $0xB;
	s25 =	simm.s32 $0x4200;
	[tilespmem:$0x1FFE0] =	vst v10;
	v1 =	vsel vm1, $0x2ED, v1  }
0x66: {  	s6 =	simm.s32 $0x2;
	[tilespmem:$0x1FFF0] =	vst v31;
	[dreg:$0x6] =	wrdreg s3;
	s0 =	smax.u32 s0, $0x1;
	v32 =	vsel vm0, $0x36E, v1  }
0x67: {  	s3 =	simm.s32 $0x6200;
	[dreg:$0xc] =	wrdreg s0;
	s0 =	simm.s32 $0xC;
	[tilespmem:$0x1FEB0] =	vst v32  }
.LBB2_1:
0x68: {  	[dreg:$0xd] =	wrdreg s11  }
0x69: {  	s2 =	simm.s32 $0x0;
	s7 =	rddreg [dreg:$0x3];
	s15 =	simm.s32 $0xD  }
0x6a: {  	[tilespmem:s18], [sflag:$0xD] =	stream.linear.gather [hbm4b:s7+s2], $0x3200, $0x38;
	[tilespmem:$0x13400] =	vst v63  }
0x6b: {  	_ =	swait.ge [sflag:s15], $0x3200  }
0x6c: {  	[sflag:s15] =	ssyncset.done $0x0  }
0x6d: {  	s16 =	rddreg [dreg:$0x4];
	[sflag:s15] =	ssyncadd.s32 $0xFFFFCE00  }
0x6e: {  	[tilespmem:s2], [sflag:$0xD] =	stream.linear.gather [hbm4b:s16+s2], $0x80, $0x38;
	[tilespmem:$0x13400] =	vst v63  }
0x6f: {  	_ =	swait.ge [sflag:s15], $0x80  }
0x70: {  	[sflag:s15] =	ssyncset.done $0x0  }
0x71: {  	[sflag:s15] =	ssyncadd.s32 $0xFFFFFF80  }
0x72: {  	[tilespmem:s21], [sflag:$0x1] =	stream.indirect.gather [hbm4b:s5+s20], $0x40, s2, s20, $0xb8;
	[tilespmem:$0x13400] =	vst v63  }
0x73: {  	s23 =	rddreg [dreg:$0x5]  }
0x74: {  	[tilespmem:s20], [sflag:$0xD] =	stream.linear.gather [hbm4b:s23+s2], $0x80, $0x38;
	[tilespmem:$0x13400] =	vst v63  }
0x75: {  	_ =	swait.ge [sflag:s15], $0x80  }
0x76: {  	[sflag:s15] =	ssyncset.done $0x0  }
0x77: {  	[sflag:s15] =	ssyncadd.s32 $0xFFFFFF80  }
0x78: {  	[tilespmem:s22], [sflag:$0x2] =	stream.indirect.gather [hbm4b:s5+s20], $0x40, s20, s20, $0xb8;
	[tilespmem:$0x13400] =	vst v63  }
0x79: {  	s30 =	simm.s32 $0x100;
	s23 =	simm.s32 $0x0;
	s29 =	rddreg [dreg:$0x6]  }
0x7a: {  	[tilespmem:s30], [sflag:$0xB] =	stream.linear.gather [hbm4b:s29+s2], $0x80, $0x38;
	[tilespmem:$0x13400] =	vst v63  }
.LBB2_2:
0x7b: {  	s2 =	simm.s32 $0x0;
	v0 =	vld [tilespmem:$0x1FE00]  }
0x7c: {  	s12 =	sand.u32 $0x8, s2  }
0x7d: {  	s11 =	sshll.u32 s23, $0x8;
	s7 =	sor.u32 $0x1, s12  }
0x7e: {  	v22 =	vmovc v4;
	v15 =	vmov s11;
	s15 =	sor.u32 $0x7, s12;
	v1 =	vadd.s32 s12, v33;
	s16 =	sor.u32 $0x2, s12;
	s29 =	sor.u32 $0x3, s12;
	v4 =	vadd.s32 s7, v33  }
0x7f: {  	s30 =	sor.u32 $0x4, s12;
	v2 =	vadd.s32 s15, v33;
	v5 =	vadd.s32 s16, v33;
	v7 =	vadd.s32 s29, v33  }
0x80: {  	p0 =	seq.s32 s23, $0x0;
	s7 =	sor.u32 $0x5, s12;
	v8 =	vadd.s32 s30, v33;
	s15 =	sor.u32 $0x6, s12;
	v1 =	vand.u32 $0xF, v1;
	v0 =	vor.u32 s11, v0  }
0x81: {  	s13 =	simm.s32 @!p0 $0x7;
	v3 =	vand.u32 $0xF, v2;
	v9 =	vadd.s32 s7, v33;
	v10 =	vadd.s32 s15, v33;
	[tilespmem:$0x1FC80] =	vst v0  }
0x82: {  	s2 =	sand.u32 $0x30, s2;
	v11 =	vand.u32 $0xF, v4;
	v12 =	vand.u32 $0x7, v2;
	v13 =	vand.u32 $0xF, v5;
	_ =	swait.ge @!p0 [sflag:s13], $0x2000  }
0x83: {  	v14 =	vand.u32 $0xF, v7;
	v45 =	vor.u32 s2, v1;
	v44 =	vand.u32 $0x7, v4;
	[sflag:s13] =	ssyncset.done @!p0 $0x0  }
0x84: {  	v46 =	vand.u32 $0x7, v5;
	v47 =	vand.u32 $0x7, v7;
	v3 =	vor.u32 s2, v3;
	[sflag:s13] =	ssyncadd.s32 @!p0 $0xFFFFE000  }
0x85: {  	v62 =	vmovc v6;
	v2 =	vshll.u32 v2, $0x7;
	v48 =	vand.u32 $0x7, v8;
	v6 =	vand.u32 $0x38, v3;
	_ =	swait.ge [sflag:s24], $0x80  }
0x86: {  	v55 =	vshll.u32 v4, $0x7;
	v5 =	vshll.u32 v5, $0x7;
	v6 =	vor.u32 v12, v6;
	[sflag:s24] =	ssyncset.done $0x0  }
0x87: {  	s7 =	simm.s32 $0x100;
	v7 =	vshll.u32 v7, $0x7;
	v16 =	vand.u32 $0xF, v9;
	v35 =	vor.u32 v24, v6;
	[sflag:s24] =	ssyncadd.s32 $0xFFFFFF80  }
0x88: {  	v11 =	vor.u32 s2, v11;
	v13 =	vor.u32 s2, v13;
	v36 =	vand.u32 $0xF, v10;
	[tilespmem:s25], [sflag:$0x3] =	stream.indirect.gather [hbm4b:s5+s20], $0x40, s7, s20, $0xb8;
	[tilespmem:$0x13400] =	vst v63  }
0x89: {  	v14 =	vor.u32 s2, v14;
	v2 =	vand.u32 $0x380, v2;
	v37 =	vor.u32 v15, v6;
	_ =	swait.ge [sflag:s26], $0x2000  }
0x8a: {  	v63 =	vand.u32 $0x7, v9;
	v49 =	vand.u32 $0x7, v10;
	v9 =	vshll.u32 v9, $0x7;
	[sflag:s26] =	ssyncset.done $0x0  }
0x8b: {  	v10 =	vshll.u32 v10, $0x7;
	v7 =	vand.u32 $0x380, v7;
	v16 =	vor.u32 s2, v16;
	[sflag:s26] =	ssyncadd.s32 $0xFFFFE000  }
0x8c: {  	v36 =	vor.u32 s2, v36;
	v38 =	vand.u32 $0x38, v11;
	v12 =	vand.u32 $0xF, v8;
	v35 =	vld.idx.msk [tilespmem:v35+s21+$0x0], $0xffff  }
0x8d: {  	v39 =	vand.u32 $0x38, v13;
	v1 =	vshll.u32 v3, $0x7;
	v12 =	vor.u32 s2, v12  }
0x8e: {  	v42 =	vand.u32 $0x38, v16;
	v3 =	vand.u32 $0x1C00, v1;
	v41 =	vand.u32 $0x38, v12;
	v26 =	vld.idx.msk [tilespmem:v37+s18+$0x0], $0xffff  }
0x8f: {  	v53 =	vor.u32 v2, v3;
	v3 =	vor.u32 v44, v38;
	v19 =	vor.u32 v48, v41  }
0x90: {  	v44 =	vor.u32 v63, v42;
	v56 =	vor.u32 v33, v53;
	v63 =	vor.u32 v24, v19  }
0x91: {  	v58 =	vand.u32 $0x38, v14;
	v57 =	vor.u32 v25, v6;
	v35 =	vmul.f32 $8.000000000e+00, v35  }
0x92: {  	v11 =	vshll.u32 v11, $0x7;
	v13 =	vshll.u32 v13, $0x7;
	v14 =	vshll.u32 v14, $0x7  }
0x93: {  	v9 =	vand.u32 $0x380, v9;
	v43 =	vand.u32 $0x38, v36;
	v35 =	vadd.f32 v35, v26  }
0x94: {  	v34 =	vor.u32 v46, v39;
	v29 =	vor.u32 v47, v58;
	v58 =	vor.u32 v24, v3  }
0x95: {  	v20 =	vor.u32 v49, v43;
	v46 =	vor.u32 v24, v44;
	v43 =	vld.idx.msk [tilespmem:v63+s21+$0x0], $0xffff;
	[tilespmem:v56+s28+$0x0] =	vst.idx.msk $0xffff, v35  }
0x96: {  	v61 =	vmovc v40;
	v10 =	vand.u32 $0x380, v10;
	v1 =	vand.u32 $0x38, v45;
	v40 =	vor.u32 v24, v34;
	v39 =	vld.idx.msk [tilespmem:v57+s21+$0x0], $0xffff  }
0x97: {  	v16 =	vshll.u32 v16, $0x7;
	v36 =	vshll.u32 v36, $0x7;
	v41 =	vor.u32 v24, v29;
	v63 =	vld [tilespmem:$0x1FE40]  }
0x98: {  	v8 =	vshll.u32 v8, $0x7;
	v50 =	vor.u32 v15, v29;
	v54 =	vor.u32 v1, v0;
	v0 =	vld [tilespmem:$0x1FE50]  }
0x99: {  	v11 =	vand.u32 $0x1C00, v11;
	v13 =	vand.u32 $0x1C00, v13;
	v51 =	vor.u32 v15, v19;
	v37 =	vld.idx.msk [tilespmem:v58+s21+$0x0], $0xffff  }
0x9a: {  	v14 =	vand.u32 $0x1C00, v14;
	v36 =	vand.u32 $0x1C00, v36;
	v38 =	vor.u32 v15, v3;
	v46 =	vld.idx.msk [tilespmem:v46+s21+$0x0], $0xffff  }
0x9b: {  	v8 =	vand.u32 $0x380, v8;
	v47 =	vor.u32 v24, v20;
	v52 =	vor.u32 v15, v44;
	v40 =	vld.idx.msk [tilespmem:v40+s21+$0x0], $0xffff  }
0x9c: {  	v12 =	vshll.u32 v12, $0x7;
	v48 =	vor.u32 v15, v34;
	v41 =	vld.idx.msk [tilespmem:v41+s21+$0x0], $0xffff;
	v57 =	vor.u32 v63, v53  }
0x9d: {  	v12 =	vand.u32 $0x1C00, v12;
	v17 =	vld.idx.msk [tilespmem:v50+s18+$0x0], $0xffff;
	v4 =	vmul.f32 $8.000000000e+00, v39;
	v39 =	vor.u32 v0, v6  }
0x9e: {  	v49 =	vor.u32 v8, v12;
	v50 =	vld.idx.msk [tilespmem:v51+s18+$0x0], $0xffff;
	v37 =	vmul.f32 $8.000000000e+00, v37;
	v43 =	vmul.f32 $8.000000000e+00, v43  }
0x9f: {  	v46 =	vmul.f32 $8.000000000e+00, v46;
	v35 =	vor.u32 v22, v1;
	v58 =	vadd.f32 v4, v26;
	v4 =	vld.idx.msk [tilespmem:v38+s18+$0x0], $0xffff  }
0xa0: {  	v38 =	vmul.f32 $8.000000000e+00, v40;
	v40 =	vand.u32 $0x1C00, v16;
	v16 =	vand.u32 $0x380, v55;
	v55 =	vld.idx.msk [tilespmem:v52+s18+$0x0], $0xffff  }
0xa1: {  	v22 =	vld.idx.msk [tilespmem:v48+s18+$0x0], $0xffff;
	v52 =	vor.u32 v33, v49;
	v42 =	vor.u32 v9, v40;
	[tilespmem:v57+s28+$0x0] =	vst.idx.msk $0xffff, v58  }
0xa2: {  	v40 =	vor.u32 v33, v42;
	v58 =	vand.u32 $0x380, v5;
	v5 =	vor.u32 v16, v11;
	v39 =	vld.idx.msk [tilespmem:v39+s21+$0x0], $0xffff  }
0xa3: {  	v2 =	vmovc v26;
	v57 =	vor.u32 v10, v36;
	v21 =	vor.u32 v58, v13;
	v10 =	vor.u32 v33, v5  }
0xa4: {  	v35 =	vld.idx.msk [tilespmem:v35+s21+$0x0], $0xffff;
	v26 =	vor.u32 v7, v14;
	v36 =	vadd.f32 v43, v50;
	v14 =	vor.u32 v33, v21  }
0xa5: {  	v16 =	vld.idx.msk [tilespmem:v54+s18+$0x0], $0xffff;
	v11 =	vadd.f32 v37, v4;
	v37 =	vor.u32 v33, v26;
	v54 =	vadd.f32 v46, v55  }
0xa6: {  	v8 =	vor.u32 v59, v53;
	v41 =	vmul.f32 $8.000000000e+00, v41;
	v56 =	vor.u32 v15, v20;
	[tilespmem:v52+s28+$0x0] =	vst.idx.msk $0xffff, v36  }
0xa7: {  	v7 =	vadd.f32 v38, v22;
	[tilespmem:v40+s28+$0x0] =	vst.idx.msk $0xffff, v54;
	v9 =	vmul.f32 $8.000000000e+00, v39  }
0xa8: {  	v12 =	vor.u32 v30, v6;
	v13 =	vadd.f32 v41, v17;
	[tilespmem:v10+s28+$0x0] =	vst.idx.msk $0xffff, v11  }
0xa9: {  	v47 =	vld.idx.msk [tilespmem:v47+s21+$0x0], $0xffff;
	v35 =	vmul.f32 $8.000000000e+00, v35;
	[tilespmem:v14+s28+$0x0] =	vst.idx.msk $0xffff, v7;
	v9 =	vadd.f32 v9, v2  }
0xaa: {  	v51 =	vmov v17;
	v46 =	vshll.u32 v45, $0x7;
	[tilespmem:v37+s28+$0x0] =	vst.idx.msk $0xffff, v13  }
0xab: {  	v58 =	vld.idx.msk [tilespmem:v56+s18+$0x0], $0xffff;
	v17 =	vmov v16;
	[tilespmem:v8+s28+$0x0] =	vst.idx.msk $0xffff, v9;
	v8 =	vadd.f32 v35, v16;
	v16 =	vand.u32 $0x1C00, v46  }
0xac: {  	v10 =	vor.u32 v25, v3;
	v11 =	vor.u32 v23, v16;
	v23 =	vld [tilespmem:$0x1FF50]  }
0xad: {  	v9 =	vor.u32 v33, v57;
	v12 =	vld.idx.msk [tilespmem:v12+s21+$0x0], $0xffff  }
0xae: {  	v47 =	vmul.f32 $8.000000000e+00, v47;
	v48 =	vor.u32 v25, v34  }
0xaf: {  	v7 =	vor.u32 v25, v29  }
0xb0: {  	v47 =	vadd.f32 v47, v58;
	v14 =	vor.u32 v25, v19  }
0xb1: {  	v13 =	vor.u32 v25, v44;
	v10 =	vld.idx.msk [tilespmem:v10+s21+$0x0], $0xffff;
	v40 =	vor.u32 v23, v53  }
0xb2: {  	[tilespmem:v9+s28+$0x0] =	vst.idx.msk $0xffff, v47;
	v9 =	vmul.f32 $8.000000000e+00, v12;
	v12 =	vor.u32 v61, v6  }
0xb3: {  	v37 =	vor.u32 v25, v20;
	[tilespmem:v11+s28+$0x0] =	vst.idx.msk $0xffff, v8;
	v11 =	vld.idx.msk [tilespmem:v48+s21+$0x0], $0xffff  }
0xb4: {  	v38 =	vor.u32 v63, v5;
	v36 =	vor.u32 v62, v1;
	v7 =	vld.idx.msk [tilespmem:v7+s21+$0x0], $0xffff;
	v9 =	vadd.f32 v9, v2  }
0xb5: {  	v41 =	vor.u32 v63, v42;
	v43 =	vor.u32 v63, v57;
	v54 =	vor.u32 v0, v20;
	v14 =	vld.idx.msk [tilespmem:v14+s21+$0x0], $0xffff  }
0xb6: {  	v39 =	vor.u32 v63, v21;
	v13 =	vld.idx.msk [tilespmem:v13+s21+$0x0], $0xffff;
	v10 =	vmul.f32 $8.000000000e+00, v10;
	[tilespmem:v40+s28+$0x0] =	vst.idx.msk $0xffff, v9  }
0xb7: {  	v62 =	vmov v42;
	v35 =	vor.u32 v63, v49;
	v8 =	vor.u32 v63, v26;
	v12 =	vld.idx.msk [tilespmem:v12+s21+$0x0], $0xffff;
	[tilespmem:$0x1FD90] =	vst v21  }
0xb8: {  	v63 =	vmovc v20;
	v20 =	vor.u32 v59, v62;
	v10 =	vadd.f32 v10, v4;
	v11 =	vmul.f32 $8.000000000e+00, v11;
	v37 =	vld.idx.msk [tilespmem:v37+s21+$0x0], $0xffff  }
0xb9: {  	v56 =	vmov v22;
	v36 =	vld.idx.msk [tilespmem:v36+s21+$0x0], $0xffff;
	[tilespmem:$0x1FC60] =	vst v20  }
0xba: {  	v9 =	vld [tilespmem:$0x1FFC0];
	v11 =	vadd.f32 v11, v56;
	[tilespmem:v38+s28+$0x0] =	vst.idx.msk $0xffff, v10  }
0xbb: {  	v46 =	vor.u32 v0, v3;
	v7 =	vmul.f32 $8.000000000e+00, v7;
	v27 =	vld [tilespmem:$0x1FF20]  }
0xbc: {  	v52 =	vor.u32 v0, v19;
	v14 =	vmul.f32 $8.000000000e+00, v14;
	[tilespmem:v39+s28+$0x0] =	vst.idx.msk $0xffff, v11  }
0xbd: {  	v47 =	vor.u32 v0, v34;
	v7 =	vadd.f32 v7, v51;
	v10 =	vmul.f32 $8.000000000e+00, v13;
	v20 =	vld [tilespmem:$0x1FE60]  }
0xbe: {  	v45 =	vor.u32 v60, v16;
	v40 =	vor.u32 v0, v44;
	v11 =	vadd.f32 v14, v50  }
0xbf: {  	v48 =	vor.u32 v0, v29;
	[tilespmem:v8+s28+$0x0] =	vst.idx.msk $0xffff, v7;
	v7 =	vadd.f32 v10, v55;
	v8 =	vmul.f32 $8.000000000e+00, v37  }
0xc0: {  	v10 =	vld.idx.msk [tilespmem:v46+s21+$0x0], $0xffff;
	v12 =	vmul.f32 $8.000000000e+00, v12;
	[tilespmem:v35+s28+$0x0] =	vst.idx.msk $0xffff, v11;
	v36 =	vmul.f32 $8.000000000e+00, v36;
	v13 =	vor.u32 v27, v53  }
0xc1: {  	v18 =	vld [tilespmem:$0x1FFD0];
	[tilespmem:v41+s28+$0x0] =	vst.idx.msk $0xffff, v7;
	v7 =	vadd.f32 v8, v58  }
0xc2: {  	v11 =	vadd.f32 v12, v2;
	v12 =	vld.idx.msk [tilespmem:v47+s21+$0x0], $0xffff;
	v36 =	vadd.f32 v36, v17;
	v14 =	vor.u32 v20, v6  }
0xc3: {  	v40 =	vld.idx.msk [tilespmem:v40+s21+$0x0], $0xffff;
	[tilespmem:v43+s28+$0x0] =	vst.idx.msk $0xffff, v7  }
0xc4: {  	v8 =	vld.idx.msk [tilespmem:v48+s21+$0x0], $0xffff;
	[tilespmem:v45+s28+$0x0] =	vst.idx.msk $0xffff, v36  }
0xc5: {  	v9 =	vor.u32 v9, v1;
	[tilespmem:v13+s28+$0x0] =	vst.idx.msk $0xffff, v11;
	v11 =	vld.idx.msk [tilespmem:v52+s21+$0x0], $0xffff  }
0xc6: {  	v22 =	vor.u32 v59, v5;
	v61 =	vmovc v16;
	v16 =	vor.u32 v59, v21;
	v47 =	vor.u32 v23, v21;
	v21 =	vld [tilespmem:$0x1FE70]  }
0xc7: {  	v0 =	vmov v30;
	v30 =	vor.u32 v59, v26;
	v10 =	vmul.f32 $8.000000000e+00, v10;
	v7 =	vld.idx.msk [tilespmem:v14+s21+$0x0], $0xffff  }
0xc8: {  	v37 =	vor.u32 v0, v3;
	v35 =	vor.u32 v18, v61;
	v12 =	vmul.f32 $8.000000000e+00, v12;
	v18 =	vld [tilespmem:$0x1FFE0]  }
0xc9: {  	v45 =	vld.idx.msk [tilespmem:v54+s21+$0x0], $0xffff;
	v10 =	vadd.f32 v10, v4;
	v13 =	vor.u32 v0, v34;
	v8 =	vmul.f32 $8.000000000e+00, v8  }
0xca: {  	v42 =	vor.u32 v59, v49;
	v9 =	vld.idx.msk [tilespmem:v9+s21+$0x0], $0xffff;
	v12 =	vadd.f32 v12, v56  }
0xcb: {  	[tilespmem:v22+s28+$0x0] =	vst.idx.msk $0xffff, v10;
	v8 =	vadd.f32 v8, v51;
	v11 =	vmul.f32 $8.000000000e+00, v11;
	v52 =	vor.u32 v21, v53  }
0xcc: {  	v60 =	vmov v1;
	v22 =	vld [tilespmem:$0x1FE80];
	[tilespmem:v16+s28+$0x0] =	vst.idx.msk $0xffff, v12;
	v7 =	vmul.f32 $8.000000000e+00, v7  }
0xcd: {  	v37 =	vld.idx.msk [tilespmem:v37+s21+$0x0], $0xffff;
	[tilespmem:v30+s28+$0x0] =	vst.idx.msk $0xffff, v8;
	v41 =	vor.u32 v18, v1;
	v1 =	vadd.f32 v11, v50  }
0xce: {  	v12 =	vld.idx.msk [tilespmem:v13+s21+$0x0], $0xffff;
	[tilespmem:$0x1FC70] =	vst v2;
	v7 =	vadd.f32 v7, v2  }
0xcf: {  	v9 =	vmul.f32 $8.000000000e+00, v9;
	[tilespmem:v42+s28+$0x0] =	vst.idx.msk $0xffff, v1  }
0xd0: {  	[tilespmem:v52+s28+$0x0] =	vst.idx.msk $0xffff, v7  }
0xd1: {  	v7 =	vadd.f32 v9, v17;
	v9 =	vld [tilespmem:$0x1FC60];
	_ =	sdelay $0x1  }
0xd2: {  	v39 =	vor.u32 v0, v29  }
0xd3: {  	v10 =	vor.u32 v22, v6  }
0xd4: {  	v11 =	vmul.f32 $8.000000000e+00, v40  }
0xd5: {  	v38 =	vor.u32 v59, v57;
	v14 =	vor.u32 v0, v19  }
0xd6: {  	v8 =	vmul.f32 $8.000000000e+00, v45;
	v1 =	vadd.f32 v11, v55  }
0xd7: {  	v36 =	vor.u32 v0, v44;
	v13 =	vld.idx.msk [tilespmem:v39+s21+$0x0], $0xffff  }
0xd8: {  	v46 =	vor.u32 v23, v5;
	v8 =	vadd.f32 v8, v58;
	[tilespmem:v9+s28+$0x0] =	vst.idx.msk $0xffff, v1;
	v9 =	vld.idx.msk [tilespmem:v10+s21+$0x0], $0xffff  }
0xd9: {  	v48 =	vor.u32 v23, v26;
	v10 =	vld [tilespmem:$0x1FF40];
	[tilespmem:v35+s28+$0x0] =	vst.idx.msk $0xffff, v7;
	v7 =	vmul.f32 $8.000000000e+00, v37  }
0xda: {  	v43 =	vor.u32 v0, v63;
	v11 =	vld.idx.msk [tilespmem:v14+s21+$0x0], $0xffff;
	v14 =	vor.u32 v23, v49;
	[tilespmem:v38+s28+$0x0] =	vst.idx.msk $0xffff, v8  }
0xdb: {  	v1 =	vor.u32 v23, v62;
	v8 =	vor.u32 v23, v57;
	v23 =	vld [tilespmem:$0x1FF60];
	v7 =	vadd.f32 v7, v4  }
0xdc: {  	v12 =	vmul.f32 $8.000000000e+00, v12;
	v16 =	vld.idx.msk [tilespmem:v36+s21+$0x0], $0xffff  }
0xdd: {  	v30 =	vmov v49;
	v13 =	vmul.f32 $8.000000000e+00, v13;
	v49 =	vld [tilespmem:$0x1FE90];
	[tilespmem:v46+s28+$0x0] =	vst.idx.msk $0xffff, v7  }
0xde: {  	v12 =	vadd.f32 v12, v56;
	v7 =	vmul.f32 $8.000000000e+00, v9;
	v9 =	vld [tilespmem:$0x1FEA0]  }
0xdf: {  	v13 =	vadd.f32 v13, v51;
	v52 =	vld.idx.msk [tilespmem:v43+s21+$0x0], $0xffff  }
0xe0: {  	v54 =	vld.idx.msk [tilespmem:v41+s21+$0x0], $0xffff;
	[tilespmem:v47+s28+$0x0] =	vst.idx.msk $0xffff, v12;
	v35 =	vor.u32 v23, v3  }
0xe1: {  	v11 =	vmul.f32 $8.000000000e+00, v11;
	[tilespmem:v48+s28+$0x0] =	vst.idx.msk $0xffff, v13  }
0xe2: {  	v42 =	vmovc v62;
	v62 =	vmov v19;
	v38 =	vor.u32 v23, v34;
	v40 =	vor.u32 v23, v19;
	v19 =	vld [tilespmem:$0x1FE10]  }
0xe3: {  	v6 =	vor.u32 v9, v6;
	v9 =	vadd.f32 v11, v50;
	v11 =	vmul.f32 $8.000000000e+00, v16  }
0xe4: {  	v10 =	vor.u32 v10, v61;
	v39 =	vor.u32 v23, v29;
	v16 =	vmul.f32 $8.000000000e+00, v52  }
0xe5: {  	v47 =	vmul.f32 $8.000000000e+00, v54;
	v35 =	vld.idx.msk [tilespmem:v35+s21+$0x0], $0xffff;
	[tilespmem:v14+s28+$0x0] =	vst.idx.msk $0xffff, v9;
	v9 =	vadd.f32 v11, v55  }
0xe6: {  	v12 =	vor.u32 v23, v44;
	v14 =	vadd.f32 v16, v58  }
0xe7: {  	v37 =	vor.u32 v19, v60;
	v16 =	vadd.f32 v47, v17;
	v19 =	vld [tilespmem:$0x1FD90];
	[tilespmem:v1+s28+$0x0] =	vst.idx.msk $0xffff, v9  }
0xe8: {  	v13 =	vor.u32 v23, v63;
	v52 =	vld.idx.msk [tilespmem:v38+s21+$0x0], $0xffff;
	[tilespmem:v8+s28+$0x0] =	vst.idx.msk $0xffff, v14  }
0xe9: {  	v43 =	vmov v34;
	v11 =	vor.u32 v27, v5;
	v9 =	vld.idx.msk [tilespmem:v39+s21+$0x0], $0xffff;
	[tilespmem:v10+s28+$0x0] =	vst.idx.msk $0xffff, v16  }
0xea: {  	v14 =	vmul.f32 $8.000000000e+00, v35;
	v35 =	vld.idx.msk [tilespmem:v40+s21+$0x0], $0xffff;
	[tilespmem:$0x1FCF0] =	vst v43  }
0xeb: {  	v46 =	vmov v44;
	v12 =	vld.idx.msk [tilespmem:v12+s21+$0x0], $0xffff;
	[tilespmem:$0x1FD00] =	vst v29  }
0xec: {  	v41 =	vor.u32 v49, v53;
	v7 =	vadd.f32 v7, v2;
	v2 =	vld [tilespmem:$0x1FE20];
	[tilespmem:$0x1FD10] =	vst v62;
	v14 =	vadd.f32 v14, v4  }
0xed: {  	v8 =	vor.u32 v20, v3;
	v13 =	vld.idx.msk [tilespmem:v13+s21+$0x0], $0xffff;
	[tilespmem:$0x1FD20] =	vst v46  }
0xee: {  	v34 =	vmov v60;
	v54 =	vmov v27;
	v38 =	vor.u32 v27, v19;
	[tilespmem:v11+s28+$0x0] =	vst.idx.msk $0xffff, v14  }
0xef: {  	v1 =	vor.u32 v27, v26;
	v39 =	vor.u32 v27, v30;
	v36 =	vmul.f32 $8.000000000e+00, v52;
	v37 =	vld.idx.msk [tilespmem:v37+s21+$0x0], $0xffff;
	[tilespmem:$0x1FD30] =	vst v63  }
0xf0: {  	v10 =	vor.u32 v54, v42;
	v27 =	vmovc v42;
	v42 =	vor.u32 v20, v43;
	v9 =	vmul.f32 $8.000000000e+00, v9;
	[tilespmem:$0x1FD40] =	vst v34  }
0xf1: {  	v60 =	vmov v43;
	v36 =	vadd.f32 v36, v56;
	v40 =	vor.u32 v2, v61;
	v2 =	vld [tilespmem:$0x1FE30];
	[tilespmem:v41+s28+$0x0] =	vst.idx.msk $0xffff, v7  }
0xf2: {  	v43 =	vor.u32 v20, v29;
	v35 =	vmul.f32 $8.000000000e+00, v35;
	v9 =	vadd.f32 v9, v51;
	v8 =	vld.idx.msk [tilespmem:v8+s21+$0x0], $0xffff;
	[tilespmem:$0x1FDA0] =	vst v26  }
0xf3: {  	v18 =	vmov v30;
	[tilespmem:v38+s28+$0x0] =	vst.idx.msk $0xffff, v36  }
0xf4: {  	v44 =	vor.u32 v20, v62;
	v12 =	vmul.f32 $8.000000000e+00, v12;
	v35 =	vadd.f32 v35, v50;
	[tilespmem:v1+s28+$0x0] =	vst.idx.msk $0xffff, v9  }
0xf5: {  	v48 =	vmov v58;
	v16 =	vor.u32 v54, v57;
	v36 =	vld.idx.msk [tilespmem:v42+s21+$0x0], $0xffff;
	[tilespmem:$0x1FDB0] =	vst v18  }
0xf6: {  	v11 =	vor.u32 v20, v63;
	v13 =	vmul.f32 $8.000000000e+00, v13;
	v12 =	vadd.f32 v12, v55;
	[tilespmem:v39+s28+$0x0] =	vst.idx.msk $0xffff, v35  }
0xf7: {  	v45 =	vor.u32 v20, v46;
	v7 =	vor.u32 v21, v5;
	v9 =	vmul.f32 $8.000000000e+00, v37;
	v47 =	vld.idx.msk [tilespmem:v43+s21+$0x0], $0xffff;
	[tilespmem:$0x1FDD0] =	vst v27  }
0xf8: {  	v13 =	vadd.f32 v13, v48;
	v14 =	vor.u32 v2, v34;
	v8 =	vmul.f32 $8.000000000e+00, v8;
	[tilespmem:v10+s28+$0x0] =	vst.idx.msk $0xffff, v12  }
0xf9: {  	v41 =	vor.u32 v21, v19;
	v9 =	vadd.f32 v9, v17;
	v39 =	vld.idx.msk [tilespmem:v44+s21+$0x0], $0xffff;
	[tilespmem:$0x1FDE0] =	vst v57  }
0xfa: {  	v35 =	vor.u32 v22, v3;
	v8 =	vadd.f32 v8, v4;
	[tilespmem:v16+s28+$0x0] =	vst.idx.msk $0xffff, v13  }
0xfb: {  	[tilespmem:v40+s28+$0x0] =	vst.idx.msk $0xffff, v9;
	v9 =	vld.idx.msk [tilespmem:v11+s21+$0x0], $0xffff;
	v11 =	vmul.f32 $8.000000000e+00, v36  }
0xfc: {  	v58 =	vmov v29;
	v52 =	vmov v46;
	v46 =	vor.u32 v21, v26;
	v12 =	vld.idx.msk [tilespmem:v45+s21+$0x0], $0xffff;
	[tilespmem:v7+s28+$0x0] =	vst.idx.msk $0xffff, v8  }
0xfd: {  	v13 =	vor.u32 v22, v60;
	v14 =	vld.idx.msk [tilespmem:v14+s21+$0x0], $0xffff;
	v60 =	vmul.f32 $8.000000000e+00, v47;
	[tilespmem:$0x1FDC0] =	vst v61;
	v11 =	vadd.f32 v11, v56  }
0xfe: {  	v1 =	vor.u32 v21, v18;
	v16 =	vor.u32 v22, v58;
	v7 =	vld [tilespmem:$0x1FF30];
	[tilespmem:$0x1FD50] =	vst v56  }
0xff: {  	v35 =	vld.idx.msk [tilespmem:v35+s21+$0x0], $0xffff;
	v39 =	vmul.f32 $8.000000000e+00, v39;
	v36 =	vadd.f32 v60, v51;
	[tilespmem:v41+s28+$0x0] =	vst.idx.msk $0xffff, v11  }
0x100: {  	v6 =	vld.idx.msk [tilespmem:v6+s21+$0x0], $0xffff;
	[tilespmem:$0x1FD60] =	vst v50  }
0x101: {  	v38 =	vor.u32 v21, v27;
	v11 =	vadd.f32 v39, v50;
	[tilespmem:v46+s28+$0x0] =	vst.idx.msk $0xffff, v36  }
0x102: {  	v10 =	vor.u32 v21, v57;
	v12 =	vmul.f32 $8.000000000e+00, v12;
	v13 =	vld.idx.msk [tilespmem:v13+s21+$0x0], $0xffff;
	[tilespmem:$0x1FD70] =	vst v55  }
0x103: {  	v9 =	vmul.f32 $8.000000000e+00, v9;
	v7 =	vor.u32 v7, v61;
	[tilespmem:v1+s28+$0x0] =	vst.idx.msk $0xffff, v11  }
0x104: {  	v14 =	vmul.f32 $8.000000000e+00, v14;
	v12 =	vadd.f32 v12, v55;
	v16 =	vld.idx.msk [tilespmem:v16+s21+$0x0], $0xffff;
	[tilespmem:$0x1FD80] =	vst v48  }
0x105: {  	v58 =	vor.u32 v31, v34;
	v34 =	vor.u32 v49, v5;
	v1 =	vadd.f32 v9, v48;
	[tilespmem:$0x1FDF0] =	vst v17  }
0x106: {  	v8 =	vor.u32 v22, v62;
	v9 =	vmul.f32 $8.000000000e+00, v35;
	v11 =	vadd.f32 v14, v17;
	v62 =	vld [tilespmem:$0x1FEA0];
	[tilespmem:v38+s28+$0x0] =	vst.idx.msk $0xffff, v12  }
0x107: {  	[tilespmem:v10+s28+$0x0] =	vst.idx.msk $0xffff, v1  }
0x108: {  	v1 =	vadd.f32 v9, v4;
	[tilespmem:v7+s28+$0x0] =	vst.idx.msk $0xffff, v11  }
0x109: {  	v7 =	vld [tilespmem:$0x1FED0]  }
0x10a: {  	v2 =	vld.idx.msk [tilespmem:v58+s21+$0x0], $0xffff;
	[tilespmem:v34+s28+$0x0] =	vst.idx.msk $0xffff, v1  }
0x10b: {  	v1 =	vld [tilespmem:$0x1FC70];
	v3 =	vor.u32 v62, v3  }
0x10c: {  	v30 =	vmov v63  }
0x10d: {  	v44 =	vmov v56;
	v56 =	vor.u32 v22, v30  }
0x10e: {  	v52 =	vor.u32 v22, v52;
	v6 =	vmul.f32 $8.000000000e+00, v6  }
0x10f: {  	v8 =	vld.idx.msk [tilespmem:v8+s21+$0x0], $0xffff;
	v2 =	vmul.f32 $8.000000000e+00, v2  }
0x110: {  	v38 =	vadd.f32 v6, v1;
	v1 =	vld.idx.msk [tilespmem:v3+s21+$0x0], $0xffff  }
0x111: {  	v3 =	vor.u32 v49, v27;
	v27 =	vmov v0;
	v0 =	vadd.f32 v2, v17;
	v2 =	vld [tilespmem:$0x1FED0]  }
0x112: {  	v9 =	vld.idx.msk [tilespmem:v56+s21+$0x0], $0xffff  }
0x113: {  	v12 =	vld.idx.msk [tilespmem:v52+s21+$0x0], $0xffff;
	v10 =	vmul.f32 $8.000000000e+00, v16  }
0x114: {  	s2 =	simm.s32 $0x8;
	[tilespmem:$0x1FCA0] =	vst v3;
	v3 =	vmul.f32 $8.000000000e+00, v13  }
0x115: {  	s11 =	sand.u32 $0x8, s2;
	v40 =	vadd.f32 v10, v51;
	v1 =	vmul.f32 $8.000000000e+00, v1  }
0x116: {  	s30 =	sor.u32 $0x7, s11;
	[tilespmem:$0x1FCC0] =	vst v0;
	v37 =	vadd.f32 v3, v44;
	v3 =	vmul.f32 $8.000000000e+00, v8;
	v0 =	vor.u32 v2, v5  }
0x117: {  	v9 =	vmul.f32 $8.000000000e+00, v9;
	[tilespmem:$0x1FCD0] =	vst v0;
	v0 =	vadd.f32 v1, v4;
	v1 =	vadd.s32 s30, v33  }
0x118: {  	v63 =	vmovc v51;
	v8 =	vmul.f32 $8.000000000e+00, v12;
	v51 =	vadd.f32 v3, v50;
	s30 =	sand.u32 $0x30, s2;
	v3 =	vand.u32 $0xF, v1  }
0x119: {  	v29 =	vmovc v18;
	v18 =	vmovc v55;
	v55 =	vor.u32 v49, v26;
	v60 =	vadd.f32 v9, v48;
	v3 =	vor.u32 s30, v3  }
0x11a: {  	s16 =	sor.u32 $0x1, s11;
	v26 =	vadd.f32 v8, v18;
	v9 =	vand.u32 $0x7, v1;
	v8 =	vand.u32 $0x38, v3  }
0x11b: {  	v44 =	vadd.s32 s16, v33;
	s16 =	sor.u32 $0x4, s11;
	v42 =	vor.u32 v9, v8  }
0x11c: {  	v48 =	vadd.s32 s16, v33;
	v50 =	vor.u32 v24, v42  }
0x11d: {  	v8 =	vand.u32 $0xF, v48  }
0x11e: {  	s29 =	sor.u32 $0x2, s11;
	v6 =	vor.u32 v49, v57;
	v14 =	vor.u32 s30, v8;
	v8 =	vor.u32 v15, v42  }
0x11f: {  	s7 =	sor.u32 $0x3, s11;
	v43 =	vor.u32 v49, v19;
	v45 =	vadd.s32 s29, v33;
	v30 =	vor.u32 v32, v61;
	[tilespmem:$0x1FCB0] =	vst v6  }
0x120: {  	s29 =	sor.u32 $0x5, s11;
	v46 =	vadd.s32 s7, v33;
	v56 =	vor.u32 v49, v29;
	v39 =	vor.u32 v7, v53;
	[tilespmem:$0x1FCE0] =	vst v0  }
0x121: {  	v61 =	vmovc v49;
	v53 =	vadd.s32 s29, v33;
	v49 =	vand.u32 $0xF, v46;
	v4 =	vand.u32 $0xF, v44;
	v52 =	vld.idx.msk [tilespmem:v50+s21+$0x0], $0xffff  }
0x122: {  	v58 =	vor.u32 s30, v4;
	v1 =	vshll.u32 v1, $0x7;
	v3 =	vshll.u32 v3, $0x7  }
0x123: {  	v12 =	vor.u32 s30, v49;
	v1 =	vand.u32 $0x380, v1;
	v3 =	vand.u32 $0x1C00, v3;
	v49 =	vld.idx.msk [tilespmem:v8+s18+$0x0], $0xffff  }
0x124: {  	v16 =	vand.u32 $0x7, v44;
	v13 =	vand.u32 $0x38, v58;
	v8 =	vor.u32 v1, v3  }
0x125: {  	v13 =	vor.u32 v16, v13;
	v9 =	vand.u32 $0xF, v53;
	v16 =	vor.u32 v33, v8  }
0x126: {  	v7 =	vor.u32 s30, v9;
	v52 =	vmul.f32 $8.000000000e+00, v52  }
0x127: {  	v10 =	vand.u32 $0x38, v7;
	v1 =	vand.u32 $0x7, v53  }
0x128: {  	v11 =	vadd.s32 s11, v33;
	s11 =	sor.u32 $0x6, s11;
	v57 =	vor.u32 v1, v10;
	v10 =	vadd.f32 v52, v49  }
0x129: {  	v19 =	vmov v54;
	v36 =	vand.u32 $0xF, v45;
	v54 =	vadd.s32 s11, v33;
	v52 =	vld [tilespmem:$0x1FF40];
	[tilespmem:v39+s28+$0x0] =	vst.idx.msk $0xffff, v38  }
0x12a: {  	v6 =	vor.u32 s30, v36;
	v4 =	vand.u32 $0xF, v54;
	[tilespmem:v16+s28+$0x0] =	vst.idx.msk $0xffff, v10  }
0x12b: {  	v36 =	vor.u32 s30, v4;
	v41 =	vand.u32 $0x38, v6;
	v4 =	vand.u32 $0x7, v45;
	v0 =	vld [tilespmem:$0x1FF80]  }
0x12c: {  	v11 =	vand.u32 $0xF, v11;
	v41 =	vor.u32 v4, v41;
	v4 =	vor.u32 v25, v42  }
0x12d: {  	v2 =	vand.u32 $0x7, v46;
	v11 =	vor.u32 s30, v11;
	v47 =	vand.u32 $0x38, v12  }
0x12e: {  	v35 =	vand.u32 $0x38, v36;
	v50 =	vor.u32 v2, v47;
	v47 =	vand.u32 $0x7, v54  }
0x12f: {  	v17 =	vor.u32 v47, v35;
	v47 =	vand.u32 $0x38, v11;
	[tilespmem:v43+s28+$0x0] =	vst.idx.msk $0xffff, v37  }
0x130: {  	v39 =	vor.u32 v0, v47;
	v0 =	vld [tilespmem:$0x1FE40]  }
0x131: {  	v35 =	vor.u32 v24, v41;
	v4 =	vld.idx.msk [tilespmem:v4+s21+$0x0], $0xffff;
	_ =	sdelay $0x1  }
0x132: {  	v5 =	vand.u32 $0x7, v48;
	v9 =	vand.u32 $0x38, v14  }
0x133: {  	v9 =	vor.u32 v5, v9;
	v5 =	vor.u32 v24, v13  }
0x134: {  	v37 =	vshll.u32 v45, $0x7;
	v45 =	vshll.u32 v48, $0x7;
	v48 =	vor.u32 v0, v8  }
0x135: {  	v35 =	vld.idx.msk [tilespmem:v35+s21+$0x0], $0xffff;
	v4 =	vmul.f32 $8.000000000e+00, v4  }
0x136: {  	v1 =	vor.u32 v24, v57  }
0x137: {  	v2 =	vor.u32 v24, v17;
	[tilespmem:v55+s28+$0x0] =	vst.idx.msk $0xffff, v40;
	v4 =	vadd.f32 v4, v49  }
0x138: {  	v10 =	vor.u32 v24, v50;
	v18 =	vld [tilespmem:$0x1FE50];
	[tilespmem:v56+s28+$0x0] =	vst.idx.msk $0xffff, v51  }
0x139: {  	v5 =	vld.idx.msk [tilespmem:v5+s21+$0x0], $0xffff;
	v16 =	vor.u32 v24, v9;
	[tilespmem:v48+s28+$0x0] =	vst.idx.msk $0xffff, v4  }
0x13a: {  	v48 =	vmul.f32 $8.000000000e+00, v35;
	v35 =	vmov v0;
	v0 =	vld [tilespmem:$0x1FCA0]  }
0x13b: {  	v38 =	vshll.u32 v44, $0x7;
	v44 =	vor.u32 v15, v13;
	v1 =	vld.idx.msk [tilespmem:v1+s21+$0x0], $0xffff  }
0x13c: {  	v2 =	vld.idx.msk [tilespmem:v2+s21+$0x0], $0xffff  }
0x13d: {  	v10 =	vld.idx.msk [tilespmem:v10+s21+$0x0], $0xffff  }
0x13e: {  	v16 =	vld.idx.msk [tilespmem:v16+s21+$0x0], $0xffff  }
0x13f: {  	v4 =	vld.idx.msk [tilespmem:v39+s21+$0x0], $0xffff  }
0x140: {  	v39 =	vld.idx.msk [tilespmem:v44+s18+$0x0], $0xffff  }
0x141: {  	v29 =	vld [tilespmem:$0x1FED0];
	[tilespmem:$0x1FC90] =	vst v15  }
0x142: {  	v3 =	vld [tilespmem:$0x1FC80];
	[tilespmem:v0+s28+$0x0] =	vst.idx.msk $0xffff, v26  }
0x143: {  	v0 =	vld [tilespmem:$0x1FCB0];
	_ =	sdelay $0x7  }
0x144: {  	[tilespmem:v0+s28+$0x0] =	vst.idx.msk $0xffff, v60  }
0x145: {  	v0 =	vld [tilespmem:$0x1FCC0];
	_ =	sdelay $0x1  }
0x146: {  	v58 =	vshll.u32 v58, $0x7;
	v6 =	vshll.u32 v6, $0x7  }
0x147: {  	v12 =	vshll.u32 v12, $0x7;
	v36 =	vshll.u32 v36, $0x7;
	v6 =	vand.u32 $0x1C00, v6  }
0x148: {  	v34 =	vmovc v59;
	v12 =	vand.u32 $0x1C00, v12;
	v59 =	vand.u32 $0x1C00, v36;
	v14 =	vshll.u32 v14, $0x7  }
0x149: {  	v40 =	vshll.u32 v53, $0x7;
	v53 =	vand.u32 $0x1C00, v58;
	v58 =	vor.u32 v18, v42;
	[tilespmem:v30+s28+$0x0] =	vst.idx.msk $0xffff, v0  }
0x14a: {  	v7 =	vshll.u32 v7, $0x7;
	v43 =	vshll.u32 v46, $0x7;
	v46 =	vor.u32 v15, v41;
	v0 =	vld [tilespmem:$0x1FCD0]  }
0x14b: {  	v14 =	vand.u32 $0x1C00, v14;
	v7 =	vand.u32 $0x1C00, v7;
	v56 =	vor.u32 v15, v9  }
0x14c: {  	v51 =	vshll.u32 v54, $0x7;
	v54 =	vmul.f32 $8.000000000e+00, v5;
	v5 =	vor.u32 v15, v57  }
0x14d: {  	v38 =	vand.u32 $0x380, v38;
	v55 =	vor.u32 v15, v50;
	v60 =	vmul.f32 $8.000000000e+00, v1;
	v1 =	vld [tilespmem:$0x1FCE0]  }
0x14e: {  	v37 =	vand.u32 $0x380, v37;
	v43 =	vand.u32 $0x380, v43;
	v45 =	vand.u32 $0x380, v45;
	v58 =	vld.idx.msk [tilespmem:v58+s21+$0x0], $0xffff  }
0x14f: {  	v44 =	vshll.u32 v11, $0x7;
	v11 =	vor.u32 v47, v3;
	v3 =	vor.u32 v15, v17;
	v30 =	vld.idx.msk [tilespmem:v46+s18+$0x0], $0xffff  }
0x150: {  	v6 =	vor.u32 v37, v6;
	v40 =	vand.u32 $0x380, v40;
	v37 =	vld.idx.msk [tilespmem:v56+s18+$0x0], $0xffff;
	v56 =	vor.u32 v43, v12  }
0x151: {  	v36 =	vmovc v18;
	v18 =	vld.idx.msk [tilespmem:v5+s18+$0x0], $0xffff;
	v5 =	vor.u32 v33, v6;
	v46 =	vand.u32 $0x380, v51;
	v51 =	vor.u32 v34, v8  }
0x152: {  	v24 =	vld.idx.msk [tilespmem:v55+s18+$0x0], $0xffff;
	[tilespmem:v0+s28+$0x0] =	vst.idx.msk $0xffff, v1;
	v1 =	vor.u32 v38, v53;
	v53 =	vadd.f32 v54, v39  }
0x153: {  	v54 =	vmul.f32 $8.000000000e+00, v58;
	v38 =	vor.u32 v27, v42;
	v12 =	vor.u32 v33, v1  }
0x154: {  	v43 =	vld.idx.msk [tilespmem:v3+s18+$0x0], $0xffff;
	v3 =	vadd.f32 v48, v30;
	v48 =	vor.u32 v40, v7;
	v7 =	vor.u32 v33, v56  }
0x155: {  	v45 =	vor.u32 v45, v14;
	v10 =	vmul.f32 $8.000000000e+00, v10;
	v14 =	vadd.f32 v54, v49  }
0x156: {  	v16 =	vmul.f32 $8.000000000e+00, v16;
	[tilespmem:v5+s28+$0x0] =	vst.idx.msk $0xffff, v3  }
0x157: {  	v10 =	vadd.f32 v10, v24;
	v40 =	vld.idx.msk [tilespmem:v11+s18+$0x0], $0xffff;
	v54 =	vor.u32 v25, v13;
	[tilespmem:v51+s28+$0x0] =	vst.idx.msk $0xffff, v14  }
0x158: {  	v51 =	vld.idx.msk [tilespmem:v38+s21+$0x0], $0xffff;
	[tilespmem:v12+s28+$0x0] =	vst.idx.msk $0xffff, v53  }
0x159: {  	v2 =	vmul.f32 $8.000000000e+00, v2;
	v14 =	vadd.f32 v16, v37;
	v16 =	vor.u32 v33, v45;
	v0 =	vld [tilespmem:$0x1FF90];
	[tilespmem:v7+s28+$0x0] =	vst.idx.msk $0xffff, v10  }
0x15a: {  	v46 =	vor.u32 v46, v59;
	v11 =	vor.u32 v25, v41;
	v38 =	vor.u32 v33, v48;
	v59 =	vld [tilespmem:$0x1FF50]  }
0x15b: {  	v12 =	vor.u32 v25, v50;
	v53 =	vor.u32 v33, v46  }
0x15c: {  	v2 =	vadd.f32 v2, v43;
	v5 =	vld.idx.msk [tilespmem:v54+s21+$0x0], $0xffff  }
0x15d: {  	v60 =	vadd.f32 v60, v18;
	v3 =	vor.u32 v25, v9;
	v58 =	vand.u32 $0x1C00, v44  }
0x15e: {  	v7 =	vor.u32 v25, v57;
	[tilespmem:v16+s28+$0x0] =	vst.idx.msk $0xffff, v14;
	v55 =	vor.u32 v0, v58  }
0x15f: {  	v4 =	vmul.f32 $8.000000000e+00, v4;
	v11 =	vld.idx.msk [tilespmem:v11+s21+$0x0], $0xffff;
	[tilespmem:v38+s28+$0x0] =	vst.idx.msk $0xffff, v60;
	v10 =	vor.u32 v59, v8  }
0x160: {  	v44 =	vor.u32 v25, v17;
	v14 =	vmul.f32 $8.000000000e+00, v51;
	v12 =	vld.idx.msk [tilespmem:v12+s21+$0x0], $0xffff;
	[tilespmem:v53+s28+$0x0] =	vst.idx.msk $0xffff, v2  }
0x161: {  	v4 =	vadd.f32 v4, v40;
	v38 =	vor.u32 v35, v1;
	v5 =	vmul.f32 $8.000000000e+00, v5;
	v0 =	vld [tilespmem:$0x1FFA0]  }
0x162: {  	v16 =	vor.u32 v23, v42;
	v3 =	vld.idx.msk [tilespmem:v3+s21+$0x0], $0xffff;
	v2 =	vadd.f32 v14, v49  }
0x163: {  	v60 =	vor.u32 v35, v6;
	v5 =	vadd.f32 v5, v39;
	[tilespmem:v55+s28+$0x0] =	vst.idx.msk $0xffff, v4;
	v4 =	vld.idx.msk [tilespmem:v7+s21+$0x0], $0xffff  }
0x164: {  	v7 =	vor.u32 v35, v56;
	[tilespmem:v10+s28+$0x0] =	vst.idx.msk $0xffff, v2;
	v2 =	vmul.f32 $8.000000000e+00, v11;
	v11 =	vor.u32 v36, v13  }
0x165: {  	v12 =	vmul.f32 $8.000000000e+00, v12  }
0x166: {  	v44 =	vld.idx.msk [tilespmem:v44+s21+$0x0], $0xffff;
	[tilespmem:v38+s28+$0x0] =	vst.idx.msk $0xffff, v5;
	v14 =	vor.u32 v0, v47;
	v2 =	vadd.f32 v2, v30  }
0x167: {  	v38 =	vor.u32 v36, v41;
	v10 =	vor.u32 v35, v45;
	v12 =	vadd.f32 v12, v24;
	v16 =	vld.idx.msk [tilespmem:v16+s21+$0x0], $0xffff  }
0x168: {  	v3 =	vmul.f32 $8.000000000e+00, v3;
	[tilespmem:v60+s28+$0x0] =	vst.idx.msk $0xffff, v2  }
0x169: {  	v2 =	vor.u32 v36, v50;
	[tilespmem:v7+s28+$0x0] =	vst.idx.msk $0xffff, v12;
	v11 =	vld.idx.msk [tilespmem:v11+s21+$0x0], $0xffff  }
0x16a: {  	v54 =	vor.u32 v35, v48;
	v3 =	vadd.f32 v3, v37;
	v0 =	vld [tilespmem:$0x1FFB0]  }
0x16b: {  	v5 =	vor.u32 v35, v46;
	v14 =	vld.idx.msk [tilespmem:v14+s21+$0x0], $0xffff;
	v4 =	vmul.f32 $8.000000000e+00, v4;
	v60 =	vor.u32 v19, v8  }
0x16c: {  	v7 =	vor.u32 v36, v9;
	[tilespmem:v10+s28+$0x0] =	vst.idx.msk $0xffff, v3;
	v10 =	vmul.f32 $8.000000000e+00, v44;
	v44 =	vld.idx.msk [tilespmem:v38+s21+$0x0], $0xffff;
	v12 =	vmul.f32 $8.000000000e+00, v16  }
0x16d: {  	v3 =	vor.u32 v20, v42;
	v4 =	vadd.f32 v4, v18;
	v25 =	vld [tilespmem:$0x1FFC0]  }
0x16e: {  	v38 =	vor.u32 v34, v1;
	v10 =	vadd.f32 v10, v43;
	v12 =	vadd.f32 v12, v49;
	v2 =	vld.idx.msk [tilespmem:v2+s21+$0x0], $0xffff  }
0x16f: {  	[tilespmem:v54+s28+$0x0] =	vst.idx.msk $0xffff, v4;
	v4 =	vor.u32 v36, v57;
	v16 =	vor.u32 v0, v58;
	v11 =	vmul.f32 $8.000000000e+00, v11  }
0x170: {  	v14 =	vmul.f32 $8.000000000e+00, v14;
	[tilespmem:v5+s28+$0x0] =	vst.idx.msk $0xffff, v10  }
0x171: {  	v7 =	vld.idx.msk [tilespmem:v7+s21+$0x0], $0xffff;
	[tilespmem:v60+s28+$0x0] =	vst.idx.msk $0xffff, v12;
	v12 =	vor.u32 v36, v17;
	v11 =	vadd.f32 v11, v39  }
0x172: {  	v5 =	vor.u32 v34, v56;
	v51 =	vor.u32 v25, v47;
	v10 =	vadd.f32 v14, v40;
	v3 =	vld.idx.msk [tilespmem:v3+s21+$0x0], $0xffff  }
0x173: {  	v60 =	vor.u32 v34, v6;
	v2 =	vmul.f32 $8.000000000e+00, v2;
	[tilespmem:v38+s28+$0x0] =	vst.idx.msk $0xffff, v11;
	v11 =	vor.u32 v27, v50  }
0x174: {  	v44 =	vmul.f32 $8.000000000e+00, v44;
	v4 =	vld.idx.msk [tilespmem:v4+s21+$0x0], $0xffff;
	[tilespmem:v16+s28+$0x0] =	vst.idx.msk $0xffff, v10;
	v10 =	vor.u32 v27, v13  }
0x175: {  	v14 =	vor.u32 v34, v45;
	v16 =	vor.u32 v27, v41;
	v2 =	vadd.f32 v2, v24  }
0x176: {  	v44 =	vadd.f32 v44, v30;
	v7 =	vmul.f32 $8.000000000e+00, v7;
	v38 =	vor.u32 v21, v8;
	v12 =	vld.idx.msk [tilespmem:v12+s21+$0x0], $0xffff  }
0x177: {  	v54 =	vor.u32 v34, v48;
	v51 =	vld.idx.msk [tilespmem:v51+s21+$0x0], $0xffff;
	v3 =	vmul.f32 $8.000000000e+00, v3;
	[tilespmem:v5+s28+$0x0] =	vst.idx.msk $0xffff, v2  }
0x178: {  	[tilespmem:v60+s28+$0x0] =	vst.idx.msk $0xffff, v44;
	v60 =	vor.u32 v22, v42;
	v7 =	vadd.f32 v7, v37;
	v11 =	vld.idx.msk [tilespmem:v11+s21+$0x0], $0xffff  }
0x179: {  	v4 =	vmul.f32 $8.000000000e+00, v4;
	v3 =	vadd.f32 v3, v49;
	v10 =	vld.idx.msk [tilespmem:v10+s21+$0x0], $0xffff  }
0x17a: {  	v2 =	vor.u32 v34, v46;
	[tilespmem:v14+s28+$0x0] =	vst.idx.msk $0xffff, v7;
	v14 =	vld.idx.msk [tilespmem:v16+s21+$0x0], $0xffff  }
0x17b: {  	v16 =	vld [tilespmem:$0x1FFD0];
	v12 =	vmul.f32 $8.000000000e+00, v12;
	v4 =	vadd.f32 v4, v18;
	[tilespmem:v38+s28+$0x0] =	vst.idx.msk $0xffff, v3  }
0x17c: {  	v5 =	vor.u32 v27, v9;
	v7 =	vor.u32 v27, v57;
	v3 =	vld [tilespmem:$0x1FFE0]  }
0x17d: {  	v53 =	vld.idx.msk [tilespmem:v60+s21+$0x0], $0xffff;
	[tilespmem:v54+s28+$0x0] =	vst.idx.msk $0xffff, v4;
	v4 =	vor.u32 v59, v1;
	v12 =	vadd.f32 v12, v43  }
0x17e: {  	v38 =	vor.u32 v59, v6;
	v10 =	vmul.f32 $8.000000000e+00, v10  }
0x17f: {  	v55 =	vor.u32 v61, v8;
	[tilespmem:v2+s28+$0x0] =	vst.idx.msk $0xffff, v12;
	v2 =	vor.u32 v59, v56;
	v12 =	vmul.f32 $8.000000000e+00, v14  }
0x180: {  	v11 =	vmul.f32 $8.000000000e+00, v11;
	v16 =	vor.u32 v16, v58;
	v10 =	vadd.f32 v10, v39  }
0x181: {  	v34 =	vor.u32 v27, v17;
	v51 =	vmul.f32 $8.000000000e+00, v51;
	v7 =	vld.idx.msk [tilespmem:v7+s21+$0x0], $0xffff;
	v12 =	vadd.f32 v12, v30  }
0x182: {  	v5 =	vld.idx.msk [tilespmem:v5+s21+$0x0], $0xffff;
	[tilespmem:v4+s28+$0x0] =	vst.idx.msk $0xffff, v10;
	v4 =	vadd.f32 v11, v24;
	v10 =	vmul.f32 $8.000000000e+00, v53  }
0x183: {  	v51 =	vadd.f32 v51, v40;
	[tilespmem:v38+s28+$0x0] =	vst.idx.msk $0xffff, v12  }
0x184: {  	[tilespmem:v2+s28+$0x0] =	vst.idx.msk $0xffff, v4;
	v2 =	vadd.f32 v10, v49  }
0x185: {  	v12 =	vor.u32 v59, v48;
	[tilespmem:v16+s28+$0x0] =	vst.idx.msk $0xffff, v51  }
0x186: {  	v44 =	vld.idx.msk [tilespmem:v34+s21+$0x0], $0xffff;
	v7 =	vmul.f32 $8.000000000e+00, v7;
	v16 =	vor.u32 v59, v45;
	[tilespmem:v55+s28+$0x0] =	vst.idx.msk $0xffff, v2  }
0x187: {  	v5 =	vmul.f32 $8.000000000e+00, v5;
	v0 =	vld [tilespmem:$0x1FCF0]  }
0x188: {  	v7 =	vadd.f32 v7, v18  }
0x189: {  	v14 =	vor.u32 v23, v13;
	v5 =	vadd.f32 v5, v37  }
0x18a: {  	v3 =	vor.u32 v3, v47;
	[tilespmem:v12+s28+$0x0] =	vst.idx.msk $0xffff, v7  }
0x18b: {  	v11 =	vor.u32 v62, v42;
	v4 =	vor.u32 v59, v46;
	[tilespmem:v16+s28+$0x0] =	vst.idx.msk $0xffff, v5  }
0x18c: {  	v44 =	vmul.f32 $8.000000000e+00, v44;
	v2 =	vor.u32 v62, v0;
	v0 =	vld [tilespmem:$0x1FD00];
	_ =	sdelay $0x1  }
0x18d: {  	v14 =	vld.idx.msk [tilespmem:v14+s21+$0x0], $0xffff;
	v10 =	vor.u32 v23, v50;
	v12 =	vadd.f32 v44, v43  }
0x18e: {  	v60 =	vor.u32 v23, v41;
	v3 =	vld.idx.msk [tilespmem:v3+s21+$0x0], $0xffff  }
0x18f: {  	v11 =	vld.idx.msk [tilespmem:v11+s21+$0x0], $0xffff;
	[tilespmem:v4+s28+$0x0] =	vst.idx.msk $0xffff, v12  }
0x190: {  	v44 =	vor.u32 v62, v0;
	v0 =	vld [tilespmem:$0x1FD10]  }
0x191: {  	v16 =	vor.u32 v23, v9  }
0x192: {  	v5 =	vor.u32 v52, v58;
	v10 =	vld.idx.msk [tilespmem:v10+s21+$0x0], $0xffff  }
0x193: {  	v8 =	vor.u32 v29, v8;
	v42 =	vld.idx.msk [tilespmem:v60+s21+$0x0], $0xffff;
	v7 =	vor.u32 v23, v57;
	v3 =	vmul.f32 $8.000000000e+00, v3  }
0x194: {  	v34 =	vor.u32 v19, v1;
	v4 =	vor.u32 v23, v17;
	v11 =	vmul.f32 $8.000000000e+00, v11  }
0x195: {  	v3 =	vadd.f32 v3, v40;
	v12 =	vmul.f32 $8.000000000e+00, v14;
	v14 =	vor.u32 v62, v0;
	v0 =	vld [tilespmem:$0x1FE10]  }
0x196: {  	v59 =	vor.u32 v19, v56;
	v16 =	vld.idx.msk [tilespmem:v16+s21+$0x0], $0xffff;
	v11 =	vadd.f32 v11, v49  }
0x197: {  	v10 =	vmul.f32 $8.000000000e+00, v10;
	[tilespmem:v5+s28+$0x0] =	vst.idx.msk $0xffff, v3;
	v3 =	vor.u32 v19, v6;
	v5 =	vor.u32 v20, v13  }
0x198: {  	v42 =	vmul.f32 $8.000000000e+00, v42;
	v7 =	vld.idx.msk [tilespmem:v7+s21+$0x0], $0xffff;
	v12 =	vadd.f32 v12, v39  }
0x199: {  	v10 =	vadd.f32 v10, v24;
	v4 =	vld.idx.msk [tilespmem:v4+s21+$0x0], $0xffff;
	[tilespmem:v8+s28+$0x0] =	vst.idx.msk $0xffff, v11;
	v8 =	vor.u32 v20, v50  }
0x19a: {  	[tilespmem:v34+s28+$0x0] =	vst.idx.msk $0xffff, v12;
	v11 =	vadd.f32 v42, v30;
	v38 =	vor.u32 v0, v47  }
0x19b: {  	v60 =	vor.u32 v20, v41;
	v12 =	vor.u32 v19, v45;
	[tilespmem:v59+s28+$0x0] =	vst.idx.msk $0xffff, v10  }
0x19c: {  	v16 =	vmul.f32 $8.000000000e+00, v16;
	v34 =	vor.u32 v19, v48;
	[tilespmem:v3+s28+$0x0] =	vst.idx.msk $0xffff, v11;
	v5 =	vld.idx.msk [tilespmem:v5+s21+$0x0], $0xffff  }
0x19d: {  	v7 =	vmul.f32 $8.000000000e+00, v7;
	v11 =	vor.u32 v19, v46;
	v0 =	vld [tilespmem:$0x1FE20]  }
0x19e: {  	v16 =	vadd.f32 v16, v37;
	v4 =	vmul.f32 $8.000000000e+00, v4;
	v8 =	vld.idx.msk [tilespmem:v8+s21+$0x0], $0xffff  }
0x19f: {  	v7 =	vadd.f32 v7, v18;
	v3 =	vor.u32 v20, v9;
	v53 =	vld.idx.msk [tilespmem:v38+s21+$0x0], $0xffff  }
0x1a0: {  	v10 =	vor.u32 v20, v57;
	v4 =	vadd.f32 v4, v43;
	[tilespmem:v12+s28+$0x0] =	vst.idx.msk $0xffff, v16;
	v38 =	vld.idx.msk [tilespmem:v60+s21+$0x0], $0xffff  }
0x1a1: {  	v16 =	vor.u32 v21, v1;
	[tilespmem:v34+s28+$0x0] =	vst.idx.msk $0xffff, v7  }
0x1a2: {  	v5 =	vmul.f32 $8.000000000e+00, v5;
	v59 =	vor.u32 v0, v58;
	v0 =	vld [tilespmem:$0x1FE30];
	[tilespmem:v11+s28+$0x0] =	vst.idx.msk $0xffff, v4;
	v11 =	vor.u32 v21, v56  }
0x1a3: {  	v12 =	vor.u32 v20, v17;
	v8 =	vmul.f32 $8.000000000e+00, v8  }
0x1a4: {  	v60 =	vor.u32 v21, v6;
	v3 =	vld.idx.msk [tilespmem:v3+s21+$0x0], $0xffff;
	v5 =	vadd.f32 v5, v39;
	v53 =	vmul.f32 $8.000000000e+00, v53  }
0x1a5: {  	v10 =	vld.idx.msk [tilespmem:v10+s21+$0x0], $0xffff;
	v8 =	vadd.f32 v8, v24;
	v49 =	vmul.f32 $8.000000000e+00, v38  }
0x1a6: {  	[tilespmem:v16+s28+$0x0] =	vst.idx.msk $0xffff, v5;
	v53 =	vadd.f32 v53, v40  }
0x1a7: {  	v7 =	vor.u32 v0, v47;
	[tilespmem:v11+s28+$0x0] =	vst.idx.msk $0xffff, v8;
	v5 =	vadd.f32 v49, v30  }
0x1a8: {  	v4 =	vor.u32 v22, v13;
	v38 =	vor.u32 v21, v45;
	[tilespmem:v59+s28+$0x0] =	vst.idx.msk $0xffff, v53  }
0x1a9: {  	v12 =	vld.idx.msk [tilespmem:v12+s21+$0x0], $0xffff;
	v3 =	vmul.f32 $8.000000000e+00, v3;
	v59 =	vor.u32 v21, v48;
	[tilespmem:v60+s28+$0x0] =	vst.idx.msk $0xffff, v5  }
0x1aa: {  	v10 =	vmul.f32 $8.000000000e+00, v10;
	v0 =	vld [tilespmem:$0x1FF30]  }
0x1ab: {  	v34 =	vor.u32 v22, v41;
	v3 =	vadd.f32 v3, v37  }
0x1ac: {  	v16 =	vor.u32 v22, v50;
	v10 =	vadd.f32 v10, v18;
	v7 =	vld.idx.msk [tilespmem:v7+s21+$0x0], $0xffff  }
0x1ad: {  	v4 =	vld.idx.msk [tilespmem:v4+s21+$0x0], $0xffff;
	v5 =	vor.u32 v22, v9;
	[tilespmem:v38+s28+$0x0] =	vst.idx.msk $0xffff, v3  }
0x1ae: {  	v60 =	vor.u32 v21, v46;
	[tilespmem:v59+s28+$0x0] =	vst.idx.msk $0xffff, v10  }
0x1af: {  	v12 =	vmul.f32 $8.000000000e+00, v12;
	v8 =	vor.u32 v0, v58;
	v0 =	vld [tilespmem:$0x1FD20]  }
0x1b0: {  	v51 =	vld.idx.msk [tilespmem:v34+s21+$0x0], $0xffff  }
0x1b1: {  	v16 =	vld.idx.msk [tilespmem:v16+s21+$0x0], $0xffff;
	v12 =	vadd.f32 v12, v43;
	v34 =	vor.u32 v61, v1;
	v7 =	vmul.f32 $8.000000000e+00, v7  }
0x1b2: {  	v3 =	vor.u32 v22, v17;
	v4 =	vmul.f32 $8.000000000e+00, v4;
	v5 =	vld.idx.msk [tilespmem:v5+s21+$0x0], $0xffff  }
0x1b3: {  	[tilespmem:v60+s28+$0x0] =	vst.idx.msk $0xffff, v12;
	v12 =	vld.idx.msk [tilespmem:v14+s21+$0x0], $0xffff;
	v7 =	vadd.f32 v7, v40  }
0x1b4: {  	v4 =	vadd.f32 v4, v39;
	v14 =	vor.u32 v61, v6;
	v10 =	vor.u32 v62, v0;
	v0 =	vld [tilespmem:$0x1FD30]  }
0x1b5: {  	v11 =	vor.u32 v22, v57;
	v52 =	vmul.f32 $8.000000000e+00, v51;
	[tilespmem:v8+s28+$0x0] =	vst.idx.msk $0xffff, v7;
	v7 =	vor.u32 v61, v56  }
0x1b6: {  	v2 =	vld.idx.msk [tilespmem:v2+s21+$0x0], $0xffff;
	[tilespmem:v34+s28+$0x0] =	vst.idx.msk $0xffff, v4;
	v4 =	vor.u32 v61, v45;
	v8 =	vmul.f32 $8.000000000e+00, v16  }
0x1b7: {  	v3 =	vld.idx.msk [tilespmem:v3+s21+$0x0], $0xffff;
	v5 =	vmul.f32 $8.000000000e+00, v5;
	v16 =	vadd.f32 v52, v30  }
0x1b8: {  	v15 =	vld [tilespmem:$0x1FD40];
	v8 =	vadd.f32 v8, v24  }
0x1b9: {  	v5 =	vadd.f32 v5, v37;
	v38 =	vor.u32 v62, v0;
	v0 =	vld [tilespmem:$0x1FF70];
	[tilespmem:v14+s28+$0x0] =	vst.idx.msk $0xffff, v16  }
0x1ba: {  	v11 =	vld.idx.msk [tilespmem:v11+s21+$0x0], $0xffff;
	[tilespmem:v7+s28+$0x0] =	vst.idx.msk $0xffff, v8  }
0x1bb: {  	[tilespmem:v4+s28+$0x0] =	vst.idx.msk $0xffff, v5  }
0x1bc: {  	v4 =	vld [tilespmem:$0x1FD50]  }
0x1bd: {  	v59 =	vor.u32 v61, v46  }
0x1be: {  	v3 =	vmul.f32 $8.000000000e+00, v3;
	v14 =	vor.u32 v61, v48  }
0x1bf: {  	v2 =	vmul.f32 $8.000000000e+00, v2;
	v11 =	vmul.f32 $8.000000000e+00, v11  }
0x1c0: {  	v3 =	vadd.f32 v3, v43  }
0x1c1: {  	v61 =	vadd.f32 v2, v4;
	v2 =	vadd.f32 v11, v18  }
0x1c2: {  	[tilespmem:v59+s28+$0x0] =	vst.idx.msk $0xffff, v3  }
0x1c3: {  	[tilespmem:v14+s28+$0x0] =	vst.idx.msk $0xffff, v2  }
0x1c4: {  	v2 =	vmul.f32 $8.000000000e+00, v12;
	v12 =	vld [tilespmem:$0x1FD60];
	_ =	sdelay $0x2  }
0x1c5: {  	v10 =	vld.idx.msk [tilespmem:v10+s21+$0x0], $0xffff;
	_ =	sdelay $0x1  }
0x1c6: {  	v12 =	vadd.f32 v2, v12;
	v2 =	vld [tilespmem:$0x1FD70];
	_ =	sdelay $0x2  }
0x1c7: {  	v16 =	vld.idx.msk [tilespmem:v38+s21+$0x0], $0xffff;
	v8 =	vmul.f32 $8.000000000e+00, v10;
	_ =	sdelay $0x1  }
0x1c8: {  	v8 =	vadd.f32 v8, v2;
	v2 =	vld [tilespmem:$0x1FD80];
	_ =	sdelay $0x2  }
0x1c9: {  	v3 =	vmul.f32 $8.000000000e+00, v16;
	_ =	sdelay $0x1  }
0x1ca: {  	v2 =	vadd.f32 v3, v2;
	v3 =	vld [tilespmem:$0x1FD90];
	_ =	sdelay $0x3  }
0x1cb: {  	v54 =	vor.u32 v0, v15  }
0x1cc: {  	v25 =	vor.u32 v29, v3;
	v3 =	vld [tilespmem:$0x1FDA0];
	_ =	sdelay $0x3  }
0x1cd: {  	v4 =	vld.idx.msk [tilespmem:v54+s21+$0x0], $0xffff  }
0x1ce: {  	v22 =	vmov v24;
	v24 =	vor.u32 v29, v3;
	v3 =	vld [tilespmem:$0x1FDB0];
	_ =	sdelay $0x4  }
0x1cf: {  	v20 =	vor.u32 v29, v3;
	v3 =	vmul.f32 $8.000000000e+00, v4;
	v4 =	vld [tilespmem:$0x1FDC0];
	_ =	sdelay $0x4  }
0x1d0: {  	v10 =	vor.u32 v62, v41;
	v15 =	vor.u32 v28, v4;
	v4 =	vld [tilespmem:$0x1FDD0];
	_ =	sdelay $0x3  }
0x1d1: {  	v55 =	vor.u32 v31, v47;
	v44 =	vld.idx.msk [tilespmem:v44+s21+$0x0], $0xffff  }
0x1d2: {  	v21 =	vor.u32 v29, v4;
	v4 =	vld.idx.msk [tilespmem:v10+s21+$0x0], $0xffff  }
0x1d3: {  	v10 =	vld [tilespmem:$0x1FDE0];
	_ =	sdelay $0x1  }
0x1d4: {  	v9 =	vor.u32 v62, v9  }
0x1d5: {  	v5 =	vmul.f32 $8.000000000e+00, v44;
	v7 =	vor.u32 v62, v13;
	v11 =	vld.idx.msk [tilespmem:v55+s21+$0x0], $0xffff  }
0x1d6: {  	v57 =	vor.u32 v62, v57  }
0x1d7: {  	v54 =	vadd.f32 v5, v63;
	v5 =	vor.u32 v62, v50;
	v23 =	vor.u32 v29, v10;
	v10 =	vld [tilespmem:$0x1FDF0];
	_ =	sdelay $0x1  }
0x1d8: {  	v9 =	vld.idx.msk [tilespmem:v9+s21+$0x0], $0xffff  }
0x1d9: {  	v19 =	vmovc v37;
	v13 =	vor.u32 v29, v1;
	v1 =	vor.u32 v29, v56;
	v53 =	vld.idx.msk [tilespmem:v7+s21+$0x0], $0xffff;
	v7 =	vmul.f32 $8.000000000e+00, v11  }
0x1da: {  	s12 =	sshll.u32 s23, $0x2;
	v55 =	vor.u32 v0, v47;
	v14 =	vor.u32 v32, v58;
	v16 =	vor.u32 v62, v17;
	v11 =	vld.idx.msk [tilespmem:v57+s21+$0x0], $0xffff  }
0x1db: {  	s11 =	sor.u32 $0x2, s12;
	v47 =	vadd.f32 v7, v40;
	v3 =	vadd.f32 v3, v10;
	v10 =	vld.idx.msk [tilespmem:v5+s21+$0x0], $0xffff;
	v5 =	vor.u32 v29, v6  }
.LBB2_3:
0x1dc: {  	v0 =	vmov v43  }
0x1dd: {  	[tilespmem:$0x1FBF0] =	vst v0;
	v0 =	vmul.f32 $8.000000000e+00, v4;
	_ =	sdelay $0x2  }
0x1de: {  	[tilespmem:$0x1FBD0] =	vst v18  }
0x1df: {  	s2 =	sadd.s32 $0x8, s2;
	v6 =	vmul.f32 $8.000000000e+00, v53;
	[tilespmem:$0x1FB90] =	vst v0;
	v0 =	vmov v40  }
0x1e0: {  	v7 =	vor.u32 v29, v45;
	[tilespmem:v14+s28+$0x0] =	vst.idx.msk $0xffff, v47;
	s13 =	sand.u32 $0x8, s2  }
0x1e1: {  	v63 =	vor.u32 v29, v48;
	s16 =	sor.u32 $0x2, s13;
	v6 =	vadd.f32 v6, v39;
	[tilespmem:v25+s28+$0x0] =	vst.idx.msk $0xffff, v61  }
0x1e2: {  	v46 =	vor.u32 v29, v46;
	v32 =	vadd.s32 s13, v33;
	s15 =	sor.u32 $0x1, s13;
	s29 =	sor.u32 $0x5, s13;
	v39 =	vadd.s32 s16, v33;
	[tilespmem:$0x1FC10] =	vst v0;
	v0 =	vmovc v5  }
0x1e3: {  	s30 =	sand.u32 $0x30, s2;
	s7 =	sor.u32 $0x7, s13;
	v62 =	vor.u32 v28, v58;
	v4 =	vadd.s32 s15, v33;
	[tilespmem:v13+s28+$0x0] =	vst.idx.msk $0xffff, v6;
	v13 =	vadd.s32 s29, v33  }
0x1e4: {  	s16 =	sor.u32 $0x4, s13;
	s15 =	sor.u32 $0x3, s13;
	[tilespmem:v24+s28+$0x0] =	vst.idx.msk $0xffff, v54;
	s13 =	sor.u32 $0x6, s13;
	v37 =	vand.u32 $0xF, v39;
	v50 =	vand.u32 $0x7, v39;
	v25 =	vshll.u32 v39, $0x7  }
0x1e5: {  	v58 =	vadd.s32 s13, v33;
	v6 =	vand.u32 $0xF, v4;
	v43 =	vor.u32 s30, v37;
	[tilespmem:$0x1FC30] =	vst v0;
	v0 =	vmovc v1  }
0x1e6: {  	v14 =	vld.idx.msk [tilespmem:v55+s21+$0x0], $0xffff;
	[tilespmem:v15+s28+$0x0] =	vst.idx.msk $0xffff, v3;
	v3 =	vmovc v62;
	v60 =	vand.u32 $0x7, v4;
	v49 =	vand.u32 $0x7, v13;
	v4 =	vshll.u32 v4, $0x7  }
0x1e7: {  	v24 =	vld [tilespmem:$0x1FC90];
	v25 =	vand.u32 $0x380, v25;
	[tilespmem:$0x1FC50] =	vst v3;
	v3 =	vor.u32 s30, v6;
	v6 =	vand.u32 $0xF, v58  }
0x1e8: {  	v56 =	vand.u32 $0x38, v43;
	v43 =	vshll.u32 v43, $0x7;
	v41 =	vand.u32 $0x380, v4;
	[tilespmem:$0x1FC00] =	vst v0;
	v0 =	vmovc v46  }
0x1e9: {  	v18 =	vmovc v7;
	v17 =	vmovc v63;
	v63 =	vor.u32 s30, v6;
	v55 =	vand.u32 $0x38, v3;
	v40 =	vadd.s32 s7, v33;
	[tilespmem:$0x1FBC0] =	vst v0;
	v0 =	vld [tilespmem:$0x1FEE0]  }
0x1ea: {  	[tilespmem:$0x1FBE0] =	vst v18;
	v61 =	vor.u32 v50, v56;
	v18 =	vand.u32 $0x38, v63;
	v34 =	vand.u32 $0xF, v40  }
0x1eb: {  	[tilespmem:v20+s28+$0x0] =	vst.idx.msk $0xffff, v12;
	v60 =	vor.u32 v60, v55;
	v12 =	vand.u32 $0x7, v40;
	v54 =	vor.u32 s30, v34  }
0x1ec: {  	[tilespmem:$0x1FBB0] =	vst v19;
	v40 =	vshll.u32 v40, $0x7;
	v19 =	vor.u32 v24, v61;
	v7 =	vand.u32 $0x38, v54  }
0x1ed: {  	[tilespmem:v21+s28+$0x0] =	vst.idx.msk $0xffff, v8;
	v40 =	vand.u32 $0x380, v40;
	v5 =	vadd.s32 s16, v33;
	v8 =	vor.u32 v12, v7  }
0x1ee: {  	v16 =	vld.idx.msk [tilespmem:v16+s21+$0x0], $0xffff;
	[tilespmem:v23+s28+$0x0] =	vst.idx.msk $0xffff, v2;
	v2 =	vand.u32 $0xF, v5;
	v7 =	vand.u32 $0xF, v13;
	v12 =	vor.u32 v0, v8  }
0x1ef: {  	v51 =	vand.u32 $0x7, v5;
	v2 =	vor.u32 s30, v2;
	v42 =	vor.u32 v24, v8  }
0x1f0: {  	v62 =	vor.u32 s30, v7;
	v7 =	vshll.u32 v54, $0x7;
	v1 =	vadd.s32 s15, v33  }
0x1f1: {  	[tilespmem:$0x1FC40] =	vst v17;
	v59 =	vand.u32 $0x38, v2;
	v17 =	vand.u32 $0x38, v62;
	v7 =	vand.u32 $0x1C00, v7  }
0x1f2: {  	v31 =	vld [tilespmem:$0x1FEF0];
	v38 =	vand.u32 $0xF, v1;
	v34 =	vand.u32 $0x7, v1;
	v56 =	vor.u32 v51, v59  }
0x1f3: {  	v45 =	vor.u32 s30, v38;
	v38 =	vand.u32 $0x7, v58;
	v21 =	vor.u32 v24, v56;
	v12 =	vld.idx.msk [tilespmem:v12+s21+$0x0], $0xffff  }
0x1f4: {  	v7 =	vor.u32 v40, v7;
	v57 =	vand.u32 $0x38, v45;
	v59 =	vor.u32 v38, v18  }
0x1f5: {  	v6 =	vld.idx.msk [tilespmem:v42+s18+$0x0], $0xffff;
	v55 =	vor.u32 v34, v57;
	v57 =	vor.u32 v49, v17;
	v49 =	vor.u32 v24, v60  }
0x1f6: {  	[tilespmem:$0x1FBA0] =	vst v22;
	v20 =	vor.u32 v24, v55;
	v22 =	vor.u32 v24, v57;
	v24 =	vor.u32 v24, v59  }
0x1f7: {  	v40 =	vor.u32 v33, v7;
	v34 =	vor.u32 v31, v8;
	v42 =	vld [tilespmem:$0x1FF10];
	v17 =	vor.u32 v0, v60  }
0x1f8: {  	v4 =	vld.idx.msk [tilespmem:v21+s18+$0x0], $0xffff;
	v18 =	vor.u32 v0, v61;
	v50 =	vor.u32 v0, v55;
	v12 =	vmul.f32 $8.000000000e+00, v12  }
0x1f9: {  	v46 =	vor.u32 v0, v56;
	v52 =	vor.u32 v0, v57;
	v15 =	vor.u32 v0, v59;
	v0 =	vld [tilespmem:$0x1FF80]  }
0x1fa: {  	v43 =	vand.u32 $0x1C00, v43;
	v62 =	vshll.u32 v62, $0x7;
	v39 =	vld.idx.msk [tilespmem:v49+s18+$0x0], $0xffff;
	v12 =	vadd.f32 v12, v6  }
0x1fb: {  	v28 =	vand.u32 $0x1C00, v62;
	v62 =	vor.u32 v25, v43;
	v43 =	vld.idx.msk [tilespmem:v24+s18+$0x0], $0xffff  }
0x1fc: {  	v48 =	vand.u32 $0xF, v32;
	v17 =	vld.idx.msk [tilespmem:v17+s21+$0x0], $0xffff;
	[tilespmem:v40+s28+$0x0] =	vst.idx.msk $0xffff, v12  }
0x1fd: {  	v48 =	vor.u32 s30, v48;
	v34 =	vld.idx.msk [tilespmem:v34+s21+$0x0], $0xffff  }
0x1fe: {  	v29 =	vshll.u32 v48, $0x7;
	v3 =	vshll.u32 v3, $0x7;
	v63 =	vshll.u32 v63, $0x7;
	v18 =	vld.idx.msk [tilespmem:v18+s21+$0x0], $0xffff  }
0x1ff: {  	v3 =	vand.u32 $0x1C00, v3;
	v26 =	vshll.u32 v5, $0x7;
	v54 =	vand.u32 $0x38, v48;
	v38 =	vld.idx.msk [tilespmem:v50+s21+$0x0], $0xffff  }
0x200: {  	v13 =	vshll.u32 v13, $0x7;
	v27 =	vor.u32 v36, v8;
	v12 =	vor.u32 v0, v54;
	v0 =	vld [tilespmem:$0x1FC80]  }
0x201: {  	v26 =	vand.u32 $0x380, v26;
	v13 =	vand.u32 $0x380, v13;
	v5 =	vor.u32 v35, v7;
	v46 =	vld.idx.msk [tilespmem:v46+s21+$0x0], $0xffff  }
0x202: {  	v2 =	vshll.u32 v2, $0x7;
	v1 =	vshll.u32 v1, $0x7;
	v52 =	vld.idx.msk [tilespmem:v52+s21+$0x0], $0xffff;
	v34 =	vmul.f32 $8.000000000e+00, v34  }
0x203: {  	v58 =	vshll.u32 v58, $0x7;
	v48 =	vor.u32 v13, v28;
	v45 =	vshll.u32 v45, $0x7;
	v15 =	vld.idx.msk [tilespmem:v15+s21+$0x0], $0xffff  }
0x204: {  	v28 =	vor.u32 v33, v48;
	v50 =	vand.u32 $0x1C00, v2;
	v2 =	vld.idx.msk [tilespmem:v19+s18+$0x0], $0xffff;
	v34 =	vadd.f32 v34, v6  }
0x205: {  	v45 =	vand.u32 $0x1C00, v45;
	v32 =	vor.u32 v36, v59;
	v23 =	vor.u32 v54, v0;
	v0 =	vld [tilespmem:$0x1FF90]  }
0x206: {  	v21 =	vand.u32 $0x380, v58;
	v19 =	vmul.f32 $8.000000000e+00, v38;
	v38 =	vand.u32 $0x1C00, v63;
	[tilespmem:v5+s28+$0x0] =	vst.idx.msk $0xffff, v34;
	v5 =	vld.idx.msk [tilespmem:v20+s18+$0x0], $0xffff  }
0x207: {  	v53 =	vmovc v30;
	v30 =	vmul.f32 $8.000000000e+00, v46;
	v20 =	vand.u32 $0x380, v1;
	v1 =	vor.u32 v41, v3;
	v41 =	vld [tilespmem:$0x1FF00]  }
0x208: {  	v58 =	vand.u32 $0x1C00, v29;
	v17 =	vmul.f32 $8.000000000e+00, v17;
	v46 =	vor.u32 v21, v38;
	v27 =	vld.idx.msk [tilespmem:v27+s21+$0x0], $0xffff  }
0x209: {  	v18 =	vmul.f32 $8.000000000e+00, v18;
	v24 =	vadd.f32 v30, v4;
	v30 =	vor.u32 v33, v46  }
0x20a: {  	v52 =	vmul.f32 $8.000000000e+00, v52;
	v15 =	vmul.f32 $8.000000000e+00, v15;
	v21 =	vor.u32 v42, v8;
	v12 =	vld.idx.msk [tilespmem:v12+s21+$0x0], $0xffff  }
0x20b: {  	v38 =	vor.u32 v36, v61;
	v17 =	vadd.f32 v17, v39;
	v3 =	vld.idx.msk [tilespmem:v22+s18+$0x0], $0xffff;
	v22 =	vor.u32 v33, v1  }
0x20c: {  	v18 =	vadd.f32 v18, v2;
	v15 =	vadd.f32 v15, v43;
	v13 =	vor.u32 v41, v7  }
0x20d: {  	v29 =	vor.u32 v0, v58;
	v0 =	vld [tilespmem:$0x1FFA0];
	v63 =	vor.u32 v20, v45;
	v20 =	vmul.f32 $8.000000000e+00, v27  }
0x20e: {  	[tilespmem:v30+s28+$0x0] =	vst.idx.msk $0xffff, v15;
	v30 =	vor.u32 v36, v60;
	v40 =	vld.idx.msk [tilespmem:v23+s18+$0x0], $0xffff;
	v23 =	vor.u32 v33, v62  }
0x20f: {  	v45 =	vor.u32 v26, v50;
	v34 =	vor.u32 v35, v1;
	v20 =	vadd.f32 v20, v6  }
0x210: {  	v12 =	vmul.f32 $8.000000000e+00, v12;
	v25 =	vor.u32 v33, v63;
	v26 =	vor.u32 v33, v45;
	[tilespmem:v22+s28+$0x0] =	vst.idx.msk $0xffff, v17  }
0x211: {  	v49 =	vld [tilespmem:$0x1FF50];
	v19 =	vadd.f32 v19, v5;
	v17 =	vor.u32 v31, v60;
	[tilespmem:v13+s28+$0x0] =	vst.idx.msk $0xffff, v20;
	v13 =	vmul.f32 $8.000000000e+00, v11  }
0x212: {  	v50 =	vld [tilespmem:$0x1FF60];
	v11 =	vmul.f32 $8.000000000e+00, v16;
	v16 =	vor.u32 v0, v54;
	v0 =	vmul.f32 $8.000000000e+00, v14  }
0x213: {  	[tilespmem:v23+s28+$0x0] =	vst.idx.msk $0xffff, v18;
	v18 =	vor.u32 v31, v55;
	v22 =	vor.u32 v31, v61;
	v21 =	vld.idx.msk [tilespmem:v21+s21+$0x0], $0xffff  }
0x214: {  	v23 =	vor.u32 v31, v56;
	v33 =	vor.u32 v41, v62;
	v37 =	vor.u32 v41, v48;
	[tilespmem:$0x1FC20] =	vst v0;
	v0 =	vld [tilespmem:$0x1FFB0]  }
0x215: {  	v27 =	vadd.f32 v52, v3;
	v52 =	vor.u32 v36, v55;
	[tilespmem:v25+s28+$0x0] =	vst.idx.msk $0xffff, v19  }
0x216: {  	v44 =	vld [tilespmem:$0x1FF20];
	v19 =	vor.u32 v31, v57;
	v25 =	vor.u32 v31, v59;
	v20 =	vadd.f32 v12, v40  }
0x217: {  	[tilespmem:v26+s28+$0x0] =	vst.idx.msk $0xffff, v24;
	v24 =	vor.u32 v49, v7;
	v26 =	vor.u32 v35, v45;
	v17 =	vld.idx.msk [tilespmem:v17+s21+$0x0], $0xffff  }
0x218: {  	[tilespmem:v29+s28+$0x0] =	vst.idx.msk $0xffff, v20;
	v20 =	vld.idx.msk [tilespmem:v22+s21+$0x0], $0xffff;
	v15 =	vmul.f32 $8.000000000e+00, v21;
	v21 =	vor.u32 v50, v8  }
0x219: {  	v31 =	vor.u32 v36, v56;
	[tilespmem:v28+s28+$0x0] =	vst.idx.msk $0xffff, v27;
	v29 =	vor.u32 v0, v58;
	v0 =	vld [tilespmem:$0x1FFC0]  }
0x21a: {  	v27 =	vor.u32 v35, v48;
	v28 =	vor.u32 v35, v46;
	v18 =	vld.idx.msk [tilespmem:v18+s21+$0x0], $0xffff;
	v15 =	vadd.f32 v15, v6  }
0x21b: {  	v12 =	vmul.f32 $8.000000000e+00, v9;
	v14 =	vor.u32 v35, v62;
	v23 =	vld.idx.msk [tilespmem:v23+s21+$0x0], $0xffff;
	v9 =	vor.u32 v41, v46  }
0x21c: {  	v22 =	vor.u32 v35, v63;
	v19 =	vld.idx.msk [tilespmem:v19+s21+$0x0], $0xffff;
	v35 =	vor.u32 v41, v63;
	[tilespmem:v24+s28+$0x0] =	vst.idx.msk $0xffff, v15  }
0x21d: {  	v17 =	vmul.f32 $8.000000000e+00, v17;
	v20 =	vmul.f32 $8.000000000e+00, v20;
	v24 =	vor.u32 v36, v57;
	v21 =	vld.idx.msk [tilespmem:v21+s21+$0x0], $0xffff  }
0x21e: {  	v36 =	vor.u32 v41, v45;
	v15 =	vor.u32 v0, v54;
	v0 =	vor.u32 v41, v1;
	v41 =	vld [tilespmem:$0x1FE60]  }
0x21f: {  	v25 =	vld.idx.msk [tilespmem:v25+s21+$0x0], $0xffff;
	v17 =	vadd.f32 v17, v39  }
0x220: {  	v16 =	vld.idx.msk [tilespmem:v16+s21+$0x0], $0xffff;
	v18 =	vmul.f32 $8.000000000e+00, v18;
	v20 =	vadd.f32 v20, v2  }
0x221: {  	v23 =	vmul.f32 $8.000000000e+00, v23;
	[tilespmem:v34+s28+$0x0] =	vst.idx.msk $0xffff, v17  }
0x222: {  	v17 =	vadd.f32 v18, v5;
	v18 =	vmul.f32 $8.000000000e+00, v19;
	v19 =	vor.u32 v44, v7;
	[tilespmem:v14+s28+$0x0] =	vst.idx.msk $0xffff, v20  }
0x223: {  	v14 =	vadd.f32 v23, v4;
	v23 =	vld.idx.msk [tilespmem:v30+s21+$0x0], $0xffff;
	v20 =	vmul.f32 $8.000000000e+00, v21;
	v21 =	vor.u32 v41, v8  }
0x224: {  	[tilespmem:v22+s28+$0x0] =	vst.idx.msk $0xffff, v17;
	v17 =	vadd.f32 v18, v3;
	v18 =	vmul.f32 $8.000000000e+00, v25;
	v22 =	vld.idx.msk [tilespmem:v38+s21+$0x0], $0xffff  }
0x225: {  	v16 =	vmul.f32 $8.000000000e+00, v16;
	v38 =	vld [tilespmem:$0x1FE80];
	[tilespmem:v26+s28+$0x0] =	vst.idx.msk $0xffff, v14;
	v14 =	vadd.f32 v20, v6  }
0x226: {  	v25 =	vld.idx.msk [tilespmem:v52+s21+$0x0], $0xffff;
	[tilespmem:v27+s28+$0x0] =	vst.idx.msk $0xffff, v17;
	v17 =	vadd.f32 v18, v43  }
0x227: {  	v16 =	vadd.f32 v16, v40;
	v52 =	vld [tilespmem:$0x1FE70];
	[tilespmem:v19+s28+$0x0] =	vst.idx.msk $0xffff, v14  }
0x228: {  	[tilespmem:v28+s28+$0x0] =	vst.idx.msk $0xffff, v17;
	v17 =	vld.idx.msk [tilespmem:v21+s21+$0x0], $0xffff  }
0x229: {  	v18 =	vor.u32 v42, v60;
	[tilespmem:v29+s28+$0x0] =	vst.idx.msk $0xffff, v16;
	v23 =	vmul.f32 $8.000000000e+00, v23;
	v21 =	vld.idx.msk [tilespmem:v24+s21+$0x0], $0xffff  }
0x22a: {  	v16 =	vor.u32 v42, v56;
	v29 =	vor.u32 v42, v59;
	v28 =	vld.idx.msk [tilespmem:v32+s21+$0x0], $0xffff;
	v22 =	vmul.f32 $8.000000000e+00, v22  }
0x22b: {  	v23 =	vadd.f32 v23, v39;
	v25 =	vmul.f32 $8.000000000e+00, v25;
	v19 =	vor.u32 v42, v55  }
0x22c: {  	v26 =	vld.idx.msk [tilespmem:v31+s21+$0x0], $0xffff;
	v14 =	vor.u32 v42, v61;
	v24 =	vor.u32 v42, v57;
	v42 =	vor.u32 v52, v7  }
0x22d: {  	v27 =	vld [tilespmem:$0x1FFE0];
	[tilespmem:v0+s28+$0x0] =	vst.idx.msk $0xffff, v23;
	v0 =	vadd.f32 v25, v5;
	v23 =	vor.u32 v38, v8;
	v17 =	vmul.f32 $8.000000000e+00, v17  }
0x22e: {  	v22 =	vadd.f32 v22, v2;
	v18 =	vld.idx.msk [tilespmem:v18+s21+$0x0], $0xffff;
	v21 =	vmul.f32 $8.000000000e+00, v21  }
0x22f: {  	v20 =	vld [tilespmem:$0x1FFD0];
	[tilespmem:v35+s28+$0x0] =	vst.idx.msk $0xffff, v0;
	v0 =	vmul.f32 $8.000000000e+00, v28;
	v17 =	vadd.f32 v17, v6  }
0x230: {  	[tilespmem:v33+s28+$0x0] =	vst.idx.msk $0xffff, v22;
	v19 =	vld.idx.msk [tilespmem:v19+s21+$0x0], $0xffff;
	v21 =	vadd.f32 v21, v3  }
0x231: {  	v15 =	vld.idx.msk [tilespmem:v15+s21+$0x0], $0xffff;
	v26 =	vmul.f32 $8.000000000e+00, v26;
	v0 =	vadd.f32 v0, v43;
	[tilespmem:v42+s28+$0x0] =	vst.idx.msk $0xffff, v17  }
0x232: {  	v30 =	vor.u32 v49, v1;
	[tilespmem:v37+s28+$0x0] =	vst.idx.msk $0xffff, v21;
	v21 =	vld.idx.msk [tilespmem:v23+s21+$0x0], $0xffff  }
0x233: {  	v22 =	vadd.f32 v26, v4;
	[tilespmem:v9+s28+$0x0] =	vst.idx.msk $0xffff, v0;
	v9 =	vmul.f32 $8.000000000e+00, v18  }
0x234: {  	v14 =	vld.idx.msk [tilespmem:v14+s21+$0x0], $0xffff  }
0x235: {  	v28 =	vld [tilespmem:$0x1FE90];
	v20 =	vor.u32 v20, v58;
	[tilespmem:v36+s28+$0x0] =	vst.idx.msk $0xffff, v22;
	v9 =	vadd.f32 v9, v39;
	v19 =	vmul.f32 $8.000000000e+00, v19  }
0x236: {  	v15 =	vmul.f32 $8.000000000e+00, v15;
	v16 =	vld.idx.msk [tilespmem:v16+s21+$0x0], $0xffff  }
0x237: {  	v27 =	vor.u32 v27, v54;
	[tilespmem:v30+s28+$0x0] =	vst.idx.msk $0xffff, v9;
	v9 =	vadd.f32 v19, v5;
	v19 =	vmul.f32 $8.000000000e+00, v21;
	v21 =	vld [tilespmem:$0x1FEA0]  }
0x238: {  	v31 =	vor.u32 v49, v62;
	v15 =	vadd.f32 v15, v40  }
0x239: {  	v32 =	vor.u32 v49, v63;
	v25 =	vor.u32 v50, v61;
	v14 =	vmul.f32 $8.000000000e+00, v14;
	v24 =	vld.idx.msk [tilespmem:v24+s21+$0x0], $0xffff  }
0x23a: {  	v22 =	vor.u32 v49, v45;
	v18 =	vld.idx.msk [tilespmem:v29+s21+$0x0], $0xffff;
	[tilespmem:v20+s28+$0x0] =	vst.idx.msk $0xffff, v15;
	v15 =	vor.u32 v50, v60  }
0x23b: {  	v28 =	vor.u32 v28, v7;
	v16 =	vmul.f32 $8.000000000e+00, v16;
	v14 =	vadd.f32 v14, v2  }
0x23c: {  	v26 =	vor.u32 v50, v55;
	v0 =	vor.u32 v49, v46;
	v20 =	vld.idx.msk [tilespmem:v27+s21+$0x0], $0xffff;
	v8 =	vor.u32 v21, v8  }
0x23d: {  	v37 =	vld [tilespmem:$0x1FE10];
	v17 =	vor.u32 v49, v48;
	[tilespmem:v31+s28+$0x0] =	vst.idx.msk $0xffff, v14;
	v14 =	vadd.f32 v16, v4  }
0x23e: {  	v27 =	vor.u32 v50, v56;
	v23 =	vld [tilespmem:$0x1FF40];
	[tilespmem:v32+s28+$0x0] =	vst.idx.msk $0xffff, v9;
	v16 =	vmul.f32 $8.000000000e+00, v24;
	v19 =	vadd.f32 v19, v6  }
0x23f: {  	v15 =	vld.idx.msk [tilespmem:v15+s21+$0x0], $0xffff;
	v9 =	vmul.f32 $8.000000000e+00, v18;
	v18 =	vor.u32 v50, v59;
	[tilespmem:v22+s28+$0x0] =	vst.idx.msk $0xffff, v14  }
0x240: {  	v14 =	vadd.f32 v16, v3;
	[tilespmem:v28+s28+$0x0] =	vst.idx.msk $0xffff, v19;
	v21 =	vor.u32 v50, v57;
	v50 =	vld [tilespmem:$0x1FED0]  }
0x241: {  	v47 =	vmul.f32 $8.000000000e+00, v10;
	v29 =	vor.u32 v41, v56;
	v30 =	vor.u32 v41, v57;
	v8 =	vld.idx.msk [tilespmem:v8+s21+$0x0], $0xffff  }
0x242: {  	v42 =	vor.u32 v52, v1;
	v9 =	vadd.f32 v9, v43;
	[tilespmem:v17+s28+$0x0] =	vst.idx.msk $0xffff, v14;
	v14 =	vld.idx.msk [tilespmem:v25+s21+$0x0], $0xffff  }
0x243: {  	v10 =	vld [tilespmem:$0x1FE30];
	v20 =	vmul.f32 $8.000000000e+00, v20;
	v22 =	vor.u32 v44, v45;
	v23 =	vor.u32 v23, v58  }
0x244: {  	v24 =	vor.u32 v37, v54;
	v27 =	vld.idx.msk [tilespmem:v27+s21+$0x0], $0xffff;
	[tilespmem:v0+s28+$0x0] =	vst.idx.msk $0xffff, v9;
	v16 =	vor.u32 v44, v1  }
0x245: {  	v0 =	vld.idx.msk [tilespmem:v26+s21+$0x0], $0xffff;
	v15 =	vmul.f32 $8.000000000e+00, v15;
	v25 =	vor.u32 v41, v60;
	v7 =	vor.u32 v50, v7  }
0x246: {  	v18 =	vld.idx.msk [tilespmem:v18+s21+$0x0], $0xffff;
	v19 =	vadd.f32 v20, v40;
	v20 =	vor.u32 v44, v62;
	v8 =	vmul.f32 $8.000000000e+00, v8  }
0x247: {  	v26 =	vor.u32 v41, v61;
	v15 =	vadd.f32 v15, v39;
	v14 =	vmul.f32 $8.000000000e+00, v14;
	v21 =	vld.idx.msk [tilespmem:v21+s21+$0x0], $0xffff  }
0x248: {  	v51 =	vld [tilespmem:$0x1FE20];
	v17 =	vor.u32 v44, v63;
	[tilespmem:v23+s28+$0x0] =	vst.idx.msk $0xffff, v19;
	v6 =	vadd.f32 v8, v6  }
0x249: {  	v24 =	vld.idx.msk [tilespmem:v24+s21+$0x0], $0xffff;
	[tilespmem:v16+s28+$0x0] =	vst.idx.msk $0xffff, v15;
	v8 =	vadd.f32 v14, v2;
	v14 =	vmul.f32 $8.000000000e+00, v27  }
0x24a: {  	v19 =	vor.u32 v44, v46;
	v0 =	vmul.f32 $8.000000000e+00, v0;
	v16 =	vld.idx.msk [tilespmem:v25+s21+$0x0], $0xffff;
	[tilespmem:v7+s28+$0x0] =	vst.idx.msk $0xffff, v6  }
0x24b: {  	v31 =	vor.u32 v41, v59;
	[tilespmem:v20+s28+$0x0] =	vst.idx.msk $0xffff, v8;
	v6 =	vadd.f32 v14, v4;
	v8 =	vmul.f32 $8.000000000e+00, v18  }
0x24c: {  	v28 =	vor.u32 v41, v55;
	v0 =	vadd.f32 v0, v5;
	v21 =	vmul.f32 $8.000000000e+00, v21;
	v18 =	vld.idx.msk [tilespmem:v26+s21+$0x0], $0xffff  }
0x24d: {  	v34 =	vld [tilespmem:$0x1FE90];
	v23 =	vor.u32 v51, v58;
	[tilespmem:v22+s28+$0x0] =	vst.idx.msk $0xffff, v6;
	v6 =	vadd.f32 v8, v43  }
0x24e: {  	[tilespmem:v17+s28+$0x0] =	vst.idx.msk $0xffff, v0;
	v0 =	vadd.f32 v21, v3;
	v14 =	vmul.f32 $8.000000000e+00, v24;
	v21 =	vld.idx.msk [tilespmem:v29+s21+$0x0], $0xffff  }
0x24f: {  	v35 =	vld [tilespmem:$0x1FE40];
	v9 =	vor.u32 v44, v48;
	v41 =	vor.u32 v10, v54;
	[tilespmem:v19+s28+$0x0] =	vst.idx.msk $0xffff, v6;
	v6 =	vmul.f32 $8.000000000e+00, v16  }
0x250: {  	v49 =	vor.u32 v52, v62;
	v14 =	vadd.f32 v14, v40;
	v16 =	vld.idx.msk [tilespmem:v31+s21+$0x0], $0xffff  }
0x251: {  	v36 =	vld [tilespmem:$0x1FE50];
	v6 =	vadd.f32 v6, v39;
	v18 =	vmul.f32 $8.000000000e+00, v18  }
0x252: {  	v15 =	vor.u32 v52, v45;
	v17 =	vld.idx.msk [tilespmem:v28+s21+$0x0], $0xffff;
	[tilespmem:v23+s28+$0x0] =	vst.idx.msk $0xffff, v14  }
0x253: {  	v20 =	vld [tilespmem:$0x1FF30];
	[tilespmem:v42+s28+$0x0] =	vst.idx.msk $0xffff, v6;
	v6 =	vadd.f32 v18, v2;
	v21 =	vmul.f32 $8.000000000e+00, v21  }
0x254: {  	[tilespmem:v9+s28+$0x0] =	vst.idx.msk $0xffff, v0;
	v8 =	vor.u32 v52, v46;
	v19 =	vld.idx.msk [tilespmem:v41+s21+$0x0], $0xffff  }
0x255: {  	v44 =	vmov v10;
	v10 =	vld [tilespmem:$0x1FB90];
	[tilespmem:v49+s28+$0x0] =	vst.idx.msk $0xffff, v6;
	v6 =	vadd.f32 v21, v4;
	v16 =	vmul.f32 $8.000000000e+00, v16  }
0x256: {  	v50 =	vor.u32 v52, v63;
	v22 =	vld.idx.msk [tilespmem:v30+s21+$0x0], $0xffff  }
0x257: {  	v28 =	vld [tilespmem:$0x1FE90];
	v0 =	vor.u32 v38, v60;
	[tilespmem:v15+s28+$0x0] =	vst.idx.msk $0xffff, v6;
	v6 =	vadd.f32 v16, v43  }
0x258: {  	v25 =	vor.u32 v38, v59;
	v17 =	vmul.f32 $8.000000000e+00, v17;
	v26 =	vld [tilespmem:$0x1FFF0];
	v20 =	vor.u32 v20, v58  }
0x259: {  	v19 =	vmul.f32 $8.000000000e+00, v19;
	[tilespmem:v8+s28+$0x0] =	vst.idx.msk $0xffff, v6;
	v8 =	vld [tilespmem:$0x1FEA0]  }
0x25a: {  	v27 =	vld [tilespmem:$0x1FE90];
	v17 =	vadd.f32 v17, v5;
	v7 =	vor.u32 v52, v48  }
0x25b: {  	v29 =	vld [tilespmem:$0x1FE90];
	v23 =	vor.u32 v38, v56;
	v22 =	vmul.f32 $8.000000000e+00, v22;
	v16 =	vadd.f32 v19, v40  }
0x25c: {  	v24 =	vor.u32 v38, v57;
	[tilespmem:v50+s28+$0x0] =	vst.idx.msk $0xffff, v17;
	v0 =	vld.idx.msk [tilespmem:v0+s21+$0x0], $0xffff  }
0x25d: {  	v26 =	vor.u32 v26, v54;
	v17 =	vadd.f32 v22, v3;
	[tilespmem:v20+s28+$0x0] =	vst.idx.msk $0xffff, v16;
	v20 =	vld.idx.msk [tilespmem:v25+s21+$0x0], $0xffff  }
0x25e: {  	v25 =	vor.u32 v8, v56;
	v8 =	vld [tilespmem:$0x1FEA0]  }
0x25f: {  	[tilespmem:v7+s28+$0x0] =	vst.idx.msk $0xffff, v17;
	v7 =	vld [tilespmem:$0x1FEA0]  }
0x260: {  	v9 =	vor.u32 v38, v61;
	v19 =	vld.idx.msk [tilespmem:v23+s21+$0x0], $0xffff  }
0x261: {  	v23 =	vld.idx.msk [tilespmem:v24+s21+$0x0], $0xffff  }
0x262: {  	v24 =	vld.idx.msk [tilespmem:v26+s21+$0x0], $0xffff  }
0x263: {  	v26 =	vor.u32 v8, v57;
	v8 =	vld [tilespmem:$0x1FEA0]  }
0x264: {  	v14 =	vor.u32 v38, v55;
	v18 =	vld [tilespmem:$0x1FE90]  }
0x265: {  	v9 =	vld.idx.msk [tilespmem:v9+s21+$0x0], $0xffff  }
0x266: {  	v27 =	vor.u32 v27, v1;
	v17 =	vld [tilespmem:$0x1FEA0]  }
0x267: {  	v0 =	vmul.f32 $8.000000000e+00, v0;
	v6 =	vld [tilespmem:$0x1FEA0];
	v7 =	vor.u32 v7, v60  }
0x268: {  	v16 =	vor.u32 v8, v59;
	v8 =	vld [tilespmem:$0x1FF70]  }
0x269: {  	v22 =	vld.idx.msk [tilespmem:v14+s21+$0x0], $0xffff;
	v0 =	vadd.f32 v0, v39  }
0x26a: {  	v14 =	vld [tilespmem:$0x1FEB0]  }
0x26b: {  	v17 =	vor.u32 v17, v61;
	v61 =	vadd.f32 v10, v53;
	v10 =	vld [tilespmem:$0x1FBA0];
	[tilespmem:v27+s28+$0x0] =	vst.idx.msk $0xffff, v0  }
0x26c: {  	v28 =	vor.u32 v28, v62;
	v6 =	vor.u32 v6, v55;
	v53 =	vld.idx.msk [tilespmem:v7+s21+$0x0], $0xffff  }
0x26d: {  	v7 =	vmul.f32 $8.000000000e+00, v23;
	v23 =	vld [tilespmem:$0x1FBC0];
	v55 =	vor.u32 v8, v54;
	v8 =	vmul.f32 $8.000000000e+00, v9  }
0x26e: {  	v30 =	vmov v2;
	v9 =	vmul.f32 $8.000000000e+00, v22;
	v22 =	vmov v5;
	v5 =	vld [tilespmem:$0x1FBB0]  }
0x26f: {  	v59 =	vld [tilespmem:$0x1FEA0];
	v0 =	vadd.f32 v8, v30  }
0x270: {  	v29 =	vor.u32 v29, v45;
	v2 =	vmul.f32 $8.000000000e+00, v19;
	v8 =	vld [tilespmem:$0x1FBD0]  }
0x271: {  	v18 =	vor.u32 v18, v63;
	v19 =	vmov v4;
	[tilespmem:v28+s28+$0x0] =	vst.idx.msk $0xffff, v0;
	v28 =	vld [tilespmem:$0x1FEC0]  }
0x272: {  	v0 =	vadd.f32 v2, v19;
	v2 =	vld [tilespmem:$0x1FBF0]  }
0x273: {  	v12 =	vadd.f32 v12, v5;
	v5 =	vadd.f32 v9, v22;
	v9 =	vmul.f32 $8.000000000e+00, v20;
	v20 =	vld [tilespmem:$0x1FBE0]  }
0x274: {  	v4 =	vld.idx.msk [tilespmem:v17+s21+$0x0], $0xffff  }
0x275: {  	[tilespmem:v29+s28+$0x0] =	vst.idx.msk $0xffff, v0;
	v29 =	vld [tilespmem:$0x1FED0]  }
0x276: {  	[tilespmem:v18+s28+$0x0] =	vst.idx.msk $0xffff, v5;
	v5 =	vadd.f32 v7, v3;
	v18 =	vmov v3;
	v3 =	vld [tilespmem:$0x1FC10]  }
0x277: {  	v21 =	vor.u32 v34, v48;
	v0 =	vadd.f32 v9, v43;
	v9 =	vld.idx.msk [tilespmem:v25+s21+$0x0], $0xffff  }
0x278: {  	v15 =	vor.u32 v34, v46;
	v54 =	vadd.f32 v47, v10;
	v10 =	vld.idx.msk [tilespmem:v6+s21+$0x0], $0xffff  }
0x279: {  	p1 =	slt.u32 s2, $0x38;
	v6 =	vld [tilespmem:$0x1FC20]  }
.Ltmp0:
0x27a: {  	v25 =	vld [tilespmem:$0x1FC30];
	(pc) =	sbr.rel @p1 .LBB2_3-.Ltmp0, $4  }
0x27b: {  	v2 =	vadd.f32 v11, v2;
	v11 =	vmul.f32 $8.000000000e+00, v24;
	v24 =	vld [tilespmem:$0x1FC00]  }
0x27c: {  	v14 =	vor.u32 v14, v58;
	v8 =	vadd.f32 v13, v8;
	[tilespmem:v21+s28+$0x0] =	vst.idx.msk $0xffff, v5;
	v21 =	vld [tilespmem:$0x1FC40]  }
0x27d: {  	v33 =	vlaneseq.u32;
	[tilespmem:v15+s28+$0x0] =	vst.idx.msk $0xffff, v0;
	v15 =	vld [tilespmem:$0x1FC50];
	v47 =	vadd.f32 v11, v40;
	v13 =	vor.u32 v29, v1  }
0x27e: {  	v5 =	vor.u32 v29, v62;
	v1 =	vor.u32 v29, v63;
	v11 =	vld.idx.msk [tilespmem:v26+s21+$0x0], $0xffff;
	v3 =	vadd.f32 v6, v3  }
0x27f: {  	_ =	sdelay $0x3  }
0x280: {  	v0 =	vmul.f32 $8.000000000e+00, v53;
	[tilespmem:v14+s28+$0x0] =	vst.idx.msk $0xffff, v47  }
0x281: {  	[tilespmem:v25+s28+$0x0] =	vst.idx.msk $0xffff, v61  }
0x282: {  	[tilespmem:v20+s28+$0x0] =	vst.idx.msk $0xffff, v12;
	v0 =	vadd.f32 v0, v39  }
0x283: {  	v6 =	vld.idx.msk [tilespmem:v16+s21+$0x0], $0xffff;
	[tilespmem:v23+s28+$0x0] =	vst.idx.msk $0xffff, v2  }
0x284: {  	v4 =	vmul.f32 $8.000000000e+00, v4;
	v7 =	vor.u32 v29, v45;
	[tilespmem:v13+s28+$0x0] =	vst.idx.msk $0xffff, v0;
	v0 =	vld.idx.msk [tilespmem:v55+s21+$0x0], $0xffff  }
0x285: {  	v2 =	vmul.f32 $8.000000000e+00, v9;
	[tilespmem:v24+s28+$0x0] =	vst.idx.msk $0xffff, v54  }
0x286: {  	[tilespmem:v21+s28+$0x0] =	vst.idx.msk $0xffff, v8;
	v8 =	vmul.f32 $8.000000000e+00, v10;
	v10 =	vor.u32 v29, v48;
	v4 =	vadd.f32 v4, v30  }
0x287: {  	v9 =	vor.u32 v29, v46;
	v2 =	vadd.f32 v2, v19;
	[tilespmem:v15+s28+$0x0] =	vst.idx.msk $0xffff, v3;
	v3 =	vmul.f32 $8.000000000e+00, v11  }
0x288: {  	v8 =	vadd.f32 v8, v22;
	v11 =	vor.u32 v28, v58;
	[tilespmem:v5+s28+$0x0] =	vst.idx.msk $0xffff, v4;
	v6 =	vmul.f32 $8.000000000e+00, v6  }
0x289: {  	s2 =	sor.u32 $0x3, s12;
	[tilespmem:v7+s28+$0x0] =	vst.idx.msk $0xffff, v2;
	v3 =	vadd.f32 v3, v18;
	v0 =	vmul.f32 $8.000000000e+00, v0  }
0x28a: {  	s7 =	sshll.u32 s2, $0xC;
	[tilespmem:v1+s28+$0x0] =	vst.idx.msk $0xffff, v8;
	v1 =	vadd.f32 v6, v43  }
0x28b: {  	s7 =	sor.u32 s31, s7;
	[tilespmem:v10+s28+$0x0] =	vst.idx.msk $0xffff, v3;
	v0 =	vadd.f32 v0, v40  }
0x28c: {  	s13 =	simm.s32 $0x0;
	s7 =	sshrl.u32 s7, $0x3;
	[tilespmem:v9+s28+$0x0] =	vst.idx.msk $0xffff, v1  }
0x28d: {  	s30 =	simm.s32 $0x180;
	s15 =	sshll.u32 s23, $0x14;
	s7 =	sadd.s32 s4, s7;
	[tilespmem:v11+s28+$0x0] =	vst.idx.msk $0xffff, v0  }
0x28e: {  	[tilespmem:s30], [sflag:$0xC] =	stream.linear.gather [hbm4b:s7+s13], $0x80, $0x38;
	[tilespmem:$0x13400] =	vst v63  }
0x28f: {  	s7 =	sor.u32 s14, s15  }
0x290: {  	v0 =	vld [tilespmem:$0x1FE00];
	s7 =	sshrl.u32 s7, $0x3  }
0x291: {  	s16 =	simm.s32 $0x400;
	s15 =	simm.s32 $0x8000;
	s7 =	sadd.s32 s1, s7  }
0x292: {  	[hbm4b:s7+s16] =	stream.strided.scatter [tilespmem:s28], [sflag:$0x5], $0x2000, s15, s16, $0x38;
	[tilespmem:$0x13400] =	vst v63  }
0x293: {  	s13 =	sor.u32 $0x1, s12;
	s7 =	simm.s32 $0x0  }
0x294: {  	s12 =	sshll.u32 s13, $0x6;
	s15 =	sand.u32 $0x8, s7  }
0x295: {  	v41 =	vmov s12;
	v35 =	vor.u32 s12, v0;
	s12 =	sor.u32 $0x1, s15  }
0x296: {  	[tilespmem:$0x1FA70] =	vst v35;
	v0 =	vadd.s32 s12, v33;
	s12 =	simm.s32 @!p0 $0x8  }
0x297: {  	_ =	swait.ge @!p0 [sflag:s12], $0x2000  }
0x298: {  	[sflag:s12] =	ssyncset.done @!p0 $0x0  }
0x299: {  	[sflag:s12] =	ssyncadd.s32 @!p0 $0xFFFFE000  }
0x29a: {  	s29 =	sor.u32 $0x7, s15;
	_ =	swait.ge [sflag:s0], $0x80  }
0x29b: {  	v1 =	vadd.s32 s29, v33;
	v54 =	vld [tilespmem:$0x1FEE0]  }
0x29c: {  	s7 =	sand.u32 $0x30, s7;
	s16 =	sor.u32 $0x2, s15;
	v2 =	vand.u32 $0xF, v1  }
0x29d: {  	v4 =	vadd.s32 s15, v33;
	v3 =	vadd.s32 s16, v33;
	v2 =	vor.u32 s7, v2  }
0x29e: {  	s16 =	sor.u32 $0x3, s15;
	s29 =	sor.u32 $0x4, s15;
	v4 =	vand.u32 $0xF, v4;
	v11 =	vand.u32 $0x7, v1;
	v6 =	vand.u32 $0x38, v2  }
0x29f: {  	v5 =	vadd.s32 s16, v33;
	v7 =	vadd.s32 s29, v33;
	v6 =	vor.u32 v11, v6;
	[sflag:s0] =	ssyncset.done $0x0  }
0x2a0: {  	v10 =	vand.u32 $0xF, v0;
	v12 =	vand.u32 $0xF, v3;
	[sflag:s0] =	ssyncadd.s32 $0xFFFFFF80;
	v15 =	vor.u32 v54, v6  }
0x2a1: {  	v24 =	vor.u32 s7, v4;
	v4 =	vand.u32 $0x7, v0;
	v25 =	vand.u32 $0x7, v3;
	[tilespmem:s3], [sflag:$0x4] =	stream.indirect.gather [hbm4b:s5+s20], $0x40, s30, s20, $0xb8;
	[tilespmem:$0x13400] =	vst v63  }
0x2a2: {  	v27 =	vshll.u32 v1, $0x7;
	v0 =	vshll.u32 v0, $0x7;
	v17 =	vor.u32 v41, v6;
	_ =	swait.ge [sflag:s6], $0x2000  }
0x2a3: {  	v13 =	vand.u32 $0xF, v5;
	v12 =	vor.u32 s7, v12;
	v26 =	vand.u32 $0x7, v5;
	[sflag:s6] =	ssyncset.done $0x0  }
0x2a4: {  	v28 =	vand.u32 $0x7, v7;
	v13 =	vor.u32 s7, v13;
	v19 =	vand.u32 $0x38, v12;
	[sflag:s6] =	ssyncadd.s32 $0xFFFFE000  }
0x2a5: {  	v2 =	vshll.u32 v2, $0x7;
	v11 =	vand.u32 $0xF, v7;
	v20 =	vand.u32 $0x38, v13;
	v15 =	vld.idx.msk [tilespmem:v15+s22+$0x0], $0xffff  }
0x2a6: {  	v2 =	vand.u32 $0x1C00, v2;
	v50 =	vor.u32 v25, v19;
	v11 =	vor.u32 s7, v11;
	v53 =	vld [tilespmem:$0x1FEF0]  }
0x2a7: {  	v43 =	vor.u32 v26, v20;
	v21 =	vand.u32 $0x38, v11;
	v46 =	vld.idx.msk [tilespmem:v17+s18+$0x0], $0xffff;
	v17 =	vand.u32 $0x380, v27  }
0x2a8: {  	v26 =	vor.u32 v41, v50;
	v62 =	vor.u32 v28, v21;
	v2 =	vor.u32 v17, v2  }
0x2a9: {  	s29 =	sor.u32 $0x5, s15;
	v32 =	vshll.u32 v3, $0x7;
	v28 =	vor.u32 v41, v62;
	v17 =	vor.u32 v33, v2  }
0x2aa: {  	s15 =	sor.u32 $0x6, s15;
	v8 =	vadd.s32 s29, v33;
	v10 =	vor.u32 s7, v10;
	v15 =	vmul.f32 $8.000000000e+00, v15  }
0x2ab: {  	v9 =	vadd.s32 s15, v33;
	v38 =	vand.u32 $0x38, v24;
	v18 =	vand.u32 $0x38, v10  }
0x2ac: {  	v42 =	vmovc v51;
	v51 =	vor.u32 v4, v18;
	v18 =	vor.u32 v53, v6;
	v15 =	vadd.f32 v15, v46  }
0x2ad: {  	v5 =	vshll.u32 v5, $0x7;
	v16 =	vand.u32 $0xF, v9;
	v19 =	vor.u32 v54, v51;
	v48 =	vld.idx.msk [tilespmem:v26+s18+$0x0], $0xffff  }
0x2ae: {  	v14 =	vand.u32 $0xF, v8;
	v16 =	vor.u32 s7, v16;
	v20 =	vor.u32 v54, v50;
	v56 =	vld.idx.msk [tilespmem:v28+s18+$0x0], $0xffff;
	[tilespmem:v17+s9+$0x0] =	vst.idx.msk $0xffff, v15  }
0x2af: {  	v29 =	vand.u32 $0x7, v9;
	v23 =	vand.u32 $0x38, v16;
	v21 =	vor.u32 v54, v43;
	v1 =	vld [tilespmem:$0x1FF80]  }
0x2b0: {  	v14 =	vor.u32 s7, v14;
	v49 =	vor.u32 v29, v23;
	v17 =	vor.u32 v41, v51;
	v3 =	vld [tilespmem:$0x1FE40]  }
0x2b1: {  	v22 =	vand.u32 $0x38, v14;
	v25 =	vor.u32 v54, v49;
	v27 =	vand.u32 $0x7, v8;
	v18 =	vld.idx.msk [tilespmem:v18+s22+$0x0], $0xffff  }
0x2b2: {  	v0 =	vand.u32 $0x380, v0;
	v61 =	vor.u32 v27, v22;
	v22 =	vor.u32 v54, v62;
	v19 =	vld.idx.msk [tilespmem:v19+s22+$0x0], $0xffff  }
0x2b3: {  	v10 =	vshll.u32 v10, $0x7;
	v30 =	vor.u32 v38, v35;
	v27 =	vor.u32 v41, v43;
	v20 =	vld.idx.msk [tilespmem:v20+s22+$0x0], $0xffff  }
0x2b4: {  	v12 =	vshll.u32 v12, $0x7;
	v10 =	vand.u32 $0x1C00, v10;
	v23 =	vor.u32 v54, v61;
	v21 =	vld.idx.msk [tilespmem:v21+s22+$0x0], $0xffff  }
0x2b5: {  	v31 =	vor.u32 v41, v49;
	v15 =	vor.u32 v1, v38;
	v35 =	vor.u32 v3, v2;
	v1 =	vld.idx.msk [tilespmem:v17+s18+$0x0], $0xffff  }
0x2b6: {  	v12 =	vand.u32 $0x1C00, v12;
	v16 =	vshll.u32 v16, $0x7;
	v25 =	vld.idx.msk [tilespmem:v25+s22+$0x0], $0xffff;
	v3 =	vmul.f32 $8.000000000e+00, v18  }
0x2b7: {  	v47 =	vor.u32 v0, v10;
	v26 =	vand.u32 $0x380, v5;
	v22 =	vld.idx.msk [tilespmem:v22+s22+$0x0], $0xffff;
	v18 =	vor.u32 v36, v6  }
0x2b8: {  	v29 =	vor.u32 v41, v61;
	v45 =	vld.idx.msk [tilespmem:v27+s18+$0x0], $0xffff;
	v19 =	vmul.f32 $8.000000000e+00, v19;
	v57 =	vadd.f32 v3, v46  }
0x2b9: {  	v23 =	vld.idx.msk [tilespmem:v23+s22+$0x0], $0xffff;
	v17 =	vmul.f32 $8.000000000e+00, v20;
	v20 =	vmul.f32 $8.000000000e+00, v21;
	v21 =	vand.u32 $0x1C00, v16  }
0x2ba: {  	v16 =	vand.u32 $0x380, v32;
	[tilespmem:v35+s9+$0x0] =	vst.idx.msk $0xffff, v57;
	v0 =	vadd.f32 v19, v1;
	v5 =	vmov v1;
	v1 =	vld.idx.msk [tilespmem:v31+s18+$0x0], $0xffff  }
0x2bb: {  	v32 =	vor.u32 v16, v12;
	v16 =	vld [tilespmem:$0x1FF00]  }
0x2bc: {  	v9 =	vshll.u32 v9, $0x7;
	v13 =	vshll.u32 v13, $0x7;
	v7 =	vshll.u32 v7, $0x7;
	v18 =	vld.idx.msk [tilespmem:v18+s22+$0x0], $0xffff  }
0x2bd: {  	v9 =	vand.u32 $0x380, v9;
	v14 =	vshll.u32 v14, $0x7;
	v13 =	vand.u32 $0x1C00, v13;
	v58 =	vld.idx.msk [tilespmem:v29+s18+$0x0], $0xffff  }
0x2be: {  	v7 =	vand.u32 $0x380, v7;
	v11 =	vshll.u32 v11, $0x7;
	v8 =	vshll.u32 v8, $0x7;
	v15 =	vld.idx.msk [tilespmem:v15+s22+$0x0], $0xffff  }
0x2bf: {  	v14 =	vand.u32 $0x1C00, v14;
	v10 =	vor.u32 v33, v47;
	v8 =	vand.u32 $0x380, v8;
	v55 =	vld [tilespmem:$0x1FF10];
	[tilespmem:$0x1FB10] =	vst v1  }
0x2c0: {  	v27 =	vor.u32 v26, v13;
	v26 =	vld.idx.msk [tilespmem:v30+s18+$0x0], $0xffff;
	v30 =	vor.u32 v8, v14;
	v8 =	vor.u32 v16, v2  }
0x2c1: {  	v11 =	vand.u32 $0x1C00, v11;
	v29 =	vor.u32 v9, v21;
	v9 =	vmul.f32 $8.000000000e+00, v18  }
0x2c2: {  	v40 =	vor.u32 v7, v11;
	v25 =	vmul.f32 $8.000000000e+00, v25  }
0x2c3: {  	v7 =	vadd.f32 v17, v48;
	v13 =	vor.u32 v33, v32;
	v9 =	vadd.f32 v9, v46  }
0x2c4: {  	v22 =	vmul.f32 $8.000000000e+00, v22;
	v17 =	vor.u32 v33, v27;
	[tilespmem:v10+s9+$0x0] =	vst.idx.msk $0xffff, v0;
	v0 =	vor.u32 v53, v51  }
0x2c5: {  	v11 =	vor.u32 v55, v6;
	v18 =	vor.u32 v33, v40;
	[tilespmem:v8+s9+$0x0] =	vst.idx.msk $0xffff, v9  }
0x2c6: {  	v14 =	vadd.f32 v22, v56;
	v22 =	vadd.f32 v25, v1;
	v1 =	vld [tilespmem:$0x1FF90]  }
0x2c7: {  	v12 =	vadd.f32 v20, v45;
	v20 =	vor.u32 v33, v30  }
0x2c8: {  	v23 =	vmul.f32 $8.000000000e+00, v23;
	[tilespmem:v13+s9+$0x0] =	vst.idx.msk $0xffff, v7  }
0x2c9: {  	v21 =	vshll.u32 v24, $0x7;
	v15 =	vmul.f32 $8.000000000e+00, v15;
	v9 =	vor.u32 v33, v29;
	v0 =	vld.idx.msk [tilespmem:v0+s22+$0x0], $0xffff;
	[tilespmem:v17+s9+$0x0] =	vst.idx.msk $0xffff, v12  }
0x2ca: {  	v52 =	vand.u32 $0x1C00, v21;
	v19 =	vadd.f32 v23, v58;
	v11 =	vld.idx.msk [tilespmem:v11+s22+$0x0], $0xffff;
	[tilespmem:v18+s9+$0x0] =	vst.idx.msk $0xffff, v14  }
0x2cb: {  	v8 =	vadd.f32 v15, v26;
	v15 =	vor.u32 v53, v50;
	v18 =	vld [tilespmem:$0x1FE40];
	v10 =	vor.u32 v1, v52  }
0x2cc: {  	v1 =	vld [tilespmem:$0x1FFA0];
	[tilespmem:v20+s9+$0x0] =	vst.idx.msk $0xffff, v19  }
0x2cd: {  	v19 =	vld [tilespmem:$0x1FE40]  }
0x2ce: {  	v3 =	vmov v46;
	v46 =	vmov v58;
	v58 =	vld [tilespmem:$0x1FF50];
	[tilespmem:v9+s9+$0x0] =	vst.idx.msk $0xffff, v22  }
0x2cf: {  	v63 =	vld [tilespmem:$0x1FF60]  }
0x2d0: {  	[tilespmem:v10+s9+$0x0] =	vst.idx.msk $0xffff, v8;
	v10 =	vld.idx.msk [tilespmem:v15+s22+$0x0], $0xffff  }
0x2d1: {  	v8 =	vld [tilespmem:$0x1FE40]  }
0x2d2: {  	v22 =	vld [tilespmem:$0x1FE40]  }
0x2d3: {  	v25 =	vld [tilespmem:$0x1FE50]  }
0x2d4: {  	v20 =	vor.u32 v58, v2;
	v15 =	vld [tilespmem:$0x1FE40]  }
0x2d5: {  	v9 =	vmul.f32 $8.000000000e+00, v11;
	v14 =	vor.u32 v1, v38;
	v1 =	vld [tilespmem:$0x1FFB0]  }
0x2d6: {  	v31 =	vmovc v49;
	v36 =	vmov v26;
	v7 =	vor.u32 v53, v43;
	v13 =	vor.u32 v53, v62;
	v21 =	vld [tilespmem:$0x1FE40]  }
0x2d7: {  	v26 =	vmovc v50;
	v12 =	vor.u32 v53, v61;
	v17 =	vor.u32 v53, v49;
	v9 =	vadd.f32 v9, v3;
	v24 =	vld [tilespmem:$0x1FE50]  }
0x2d8: {  	v49 =	vmovc v29;
	[tilespmem:$0x1FB60] =	vst v30;
	v22 =	vor.u32 v22, v29;
	v25 =	vor.u32 v25, v26;
	v29 =	vmov v26;
	v26 =	vld [tilespmem:$0x1FE50]  }
0x2d9: {  	v35 =	vmov v27;
	v8 =	vor.u32 v8, v27;
	v27 =	vld [tilespmem:$0x1FE50];
	[tilespmem:v20+s9+$0x0] =	vst.idx.msk $0xffff, v9  }
0x2da: {  	v23 =	vor.u32 v1, v52;
	v1 =	vld [tilespmem:$0x1FFC0]  }
0x2db: {  	v11 =	vor.u32 v63, v6;
	v7 =	vld.idx.msk [tilespmem:v7+s22+$0x0], $0xffff  }
0x2dc: {  	v13 =	vld.idx.msk [tilespmem:v13+s22+$0x0], $0xffff  }
0x2dd: {  	v0 =	vmul.f32 $8.000000000e+00, v0;
	v18 =	vor.u32 v18, v47;
	v12 =	vld.idx.msk [tilespmem:v12+s22+$0x0], $0xffff  }
0x2de: {  	v60 =	vmov v30;
	v17 =	vld.idx.msk [tilespmem:v17+s22+$0x0], $0xffff  }
0x2df: {  	v0 =	vadd.f32 v0, v5;
	v14 =	vld.idx.msk [tilespmem:v14+s22+$0x0], $0xffff;
	v9 =	vor.u32 v1, v38;
	v1 =	vor.u32 v16, v40  }
0x2e0: {  	v19 =	vor.u32 v19, v32;
	v11 =	vld.idx.msk [tilespmem:v11+s22+$0x0], $0xffff;
	[tilespmem:$0x1FA30] =	vst v1;
	v1 =	vor.u32 v16, v60  }
0x2e1: {  	v10 =	vmul.f32 $8.000000000e+00, v10;
	v20 =	vld [tilespmem:$0x1FE50];
	[tilespmem:$0x1FA40] =	vst v1  }
0x2e2: {  	v15 =	vor.u32 v15, v40;
	v28 =	vld [tilespmem:$0x1FE50];
	v7 =	vmul.f32 $8.000000000e+00, v7;
	[tilespmem:v18+s9+$0x0] =	vst.idx.msk $0xffff, v0  }
0x2e3: {  	v21 =	vor.u32 v21, v30;
	v10 =	vadd.f32 v10, v48;
	v13 =	vmul.f32 $8.000000000e+00, v13;
	v50 =	vld [tilespmem:$0x1FF20]  }
0x2e4: {  	v0 =	vadd.f32 v7, v45;
	v7 =	vmul.f32 $8.000000000e+00, v12  }
0x2e5: {  	[tilespmem:v19+s9+$0x0] =	vst.idx.msk $0xffff, v10;
	v10 =	vadd.f32 v13, v56  }
0x2e6: {  	v60 =	vld [tilespmem:$0x1FE60];
	[tilespmem:v8+s9+$0x0] =	vst.idx.msk $0xffff, v0;
	v0 =	vadd.f32 v7, v46  }
0x2e7: {  	v4 =	vmov v3;
	[tilespmem:v15+s9+$0x0] =	vst.idx.msk $0xffff, v10  }
0x2e8: {  	v3 =	vmov v2;
	v24 =	vor.u32 v24, v51;
	v12 =	vor.u32 v50, v2;
	v2 =	vld [tilespmem:$0x1FFD0];
	[tilespmem:v21+s9+$0x0] =	vst.idx.msk $0xffff, v0  }
0x2e9: {  	v1 =	vld [tilespmem:$0x1FB10]  }
0x2ea: {  	v14 =	vmul.f32 $8.000000000e+00, v14;
	v20 =	vor.u32 v20, v61  }
0x2eb: {  	v26 =	vor.u32 v26, v43;
	v11 =	vmul.f32 $8.000000000e+00, v11  }
0x2ec: {  	v14 =	vadd.f32 v14, v36;
	v7 =	vmul.f32 $8.000000000e+00, v17  }
0x2ed: {  	v8 =	vld.idx.msk [tilespmem:v24+s22+$0x0], $0xffff;
	v10 =	vadd.f32 v11, v4  }
0x2ee: {  	v27 =	vor.u32 v27, v62;
	v11 =	vld.idx.msk [tilespmem:v25+s22+$0x0], $0xffff;
	[tilespmem:v23+s9+$0x0] =	vst.idx.msk $0xffff, v14;
	v0 =	vadd.f32 v7, v1  }
0x2ef: {  	v13 =	vor.u32 v60, v6;
	v20 =	vld.idx.msk [tilespmem:v20+s22+$0x0], $0xffff;
	[tilespmem:v12+s9+$0x0] =	vst.idx.msk $0xffff, v10  }
0x2f0: {  	v28 =	vor.u32 v28, v31;
	v7 =	vld.idx.msk [tilespmem:v26+s22+$0x0], $0xffff;
	[tilespmem:v22+s9+$0x0] =	vst.idx.msk $0xffff, v0  }
0x2f1: {  	v15 =	vor.u32 v2, v52;
	v2 =	vld [tilespmem:$0x1FFE0]  }
0x2f2: {  	v39 =	vor.u32 v16, v47;
	v9 =	vld.idx.msk [tilespmem:v9+s22+$0x0], $0xffff  }
0x2f3: {  	v30 =	vor.u32 v16, v32;
	v8 =	vmul.f32 $8.000000000e+00, v8;
	v10 =	vld.idx.msk [tilespmem:v27+s22+$0x0], $0xffff  }
0x2f4: {  	v17 =	vor.u32 v55, v51;
	v11 =	vmul.f32 $8.000000000e+00, v11;
	v0 =	vld.idx.msk [tilespmem:v13+s22+$0x0], $0xffff  }
0x2f5: {  	v57 =	vor.u32 v16, v35;
	v8 =	vadd.f32 v8, v5;
	v23 =	vld.idx.msk [tilespmem:v28+s22+$0x0], $0xffff  }
0x2f6: {  	v11 =	vadd.f32 v11, v48;
	[tilespmem:$0x1FA50] =	vst v3;
	v7 =	vmul.f32 $8.000000000e+00, v7;
	v21 =	vor.u32 v2, v38;
	v2 =	vmovc v48;
	v48 =	vld [tilespmem:$0x1FE70]  }
0x2f7: {  	[tilespmem:v39+s9+$0x0] =	vst.idx.msk $0xffff, v8  }
0x2f8: {  	v7 =	vadd.f32 v7, v45;
	v39 =	vld [tilespmem:$0x1FE80];
	[tilespmem:v30+s9+$0x0] =	vst.idx.msk $0xffff, v11  }
0x2f9: {  	v17 =	vld.idx.msk [tilespmem:v17+s22+$0x0], $0xffff;
	[tilespmem:$0x1FAF0] =	vst v56  }
0x2fa: {  	[tilespmem:v57+s9+$0x0] =	vst.idx.msk $0xffff, v7  }
0x2fb: {  	v28 =	vmov v3;
	v27 =	vor.u32 v48, v3;
	v3 =	vld [tilespmem:$0x1FA30]  }
0x2fc: {  	v12 =	vor.u32 v55, v29;
	_ =	sdelay $0x1  }
0x2fd: {  	v0 =	vmul.f32 $8.000000000e+00, v0  }
0x2fe: {  	v10 =	vmul.f32 $8.000000000e+00, v10  }
0x2ff: {  	v0 =	vadd.f32 v0, v4  }
0x300: {  	v10 =	vadd.f32 v10, v56;
	v12 =	vld.idx.msk [tilespmem:v12+s22+$0x0], $0xffff;
	[tilespmem:$0x1FA60] =	vst v4  }
0x301: {  	v7 =	vmul.f32 $8.000000000e+00, v23;
	[tilespmem:v27+s9+$0x0] =	vst.idx.msk $0xffff, v0  }
0x302: {  	[tilespmem:v3+s9+$0x0] =	vst.idx.msk $0xffff, v10  }
0x303: {  	v30 =	vmov v4;
	v4 =	vmov v1;
	v7 =	vadd.f32 v7, v1;
	v1 =	vld [tilespmem:$0x1FA40]  }
0x304: {  	v19 =	vor.u32 v55, v43  }
0x305: {  	v8 =	vor.u32 v39, v6  }
0x306: {  	v13 =	vor.u32 v55, v62  }
0x307: {  	v11 =	vmul.f32 $8.000000000e+00, v20;
	_ =	sdelay $0x1  }
0x308: {  	v18 =	vor.u32 v16, v49;
	v14 =	vor.u32 v55, v61;
	v19 =	vld.idx.msk [tilespmem:v19+s22+$0x0], $0xffff;
	v10 =	vadd.f32 v11, v46  }
0x309: {  	v22 =	vor.u32 v55, v31;
	v8 =	vld.idx.msk [tilespmem:v8+s22+$0x0], $0xffff  }
0x30a: {  	v9 =	vmul.f32 $8.000000000e+00, v9;
	v11 =	vld.idx.msk [tilespmem:v13+s22+$0x0], $0xffff;
	[tilespmem:v1+s9+$0x0] =	vst.idx.msk $0xffff, v10  }
0x30b: {  	v57 =	vmov v40;
	v13 =	vor.u32 v58, v40;
	v40 =	vld [tilespmem:$0x1FB60]  }
0x30c: {  	v0 =	vadd.f32 v9, v36;
	v3 =	vld [tilespmem:$0x1FF40]  }
0x30d: {  	v24 =	vor.u32 v58, v47;
	v12 =	vmul.f32 $8.000000000e+00, v12;
	v14 =	vld.idx.msk [tilespmem:v14+s22+$0x0], $0xffff;
	[tilespmem:v18+s9+$0x0] =	vst.idx.msk $0xffff, v7  }
0x30e: {  	v25 =	vor.u32 v58, v32;
	v19 =	vmul.f32 $8.000000000e+00, v19;
	[tilespmem:v15+s9+$0x0] =	vst.idx.msk $0xffff, v0;
	v0 =	vmul.f32 $8.000000000e+00, v17;
	v17 =	vld.idx.msk [tilespmem:v22+s22+$0x0], $0xffff  }
0x30f: {  	v26 =	vor.u32 v58, v35;
	v20 =	vor.u32 v63, v29;
	v12 =	vadd.f32 v12, v2;
	v18 =	vld.idx.msk [tilespmem:v21+s22+$0x0], $0xffff  }
0x310: {  	v19 =	vadd.f32 v19, v45;
	v11 =	vmul.f32 $8.000000000e+00, v11;
	v0 =	vadd.f32 v0, v5  }
0x311: {  	v7 =	vor.u32 v58, v49;
	v15 =	vor.u32 v63, v51;
	v9 =	vor.u32 v58, v40  }
0x312: {  	[tilespmem:v24+s9+$0x0] =	vst.idx.msk $0xffff, v0;
	v0 =	vmul.f32 $8.000000000e+00, v8;
	v8 =	vor.u32 v59, v6;
	v6 =	vmul.f32 $8.000000000e+00, v14  }
0x313: {  	v11 =	vadd.f32 v11, v56;
	[tilespmem:v25+s9+$0x0] =	vst.idx.msk $0xffff, v12;
	v10 =	vor.u32 v3, v52;
	v14 =	vmul.f32 $8.000000000e+00, v17  }
0x314: {  	[tilespmem:v26+s9+$0x0] =	vst.idx.msk $0xffff, v19;
	v21 =	vor.u32 v63, v43;
	v18 =	vmul.f32 $8.000000000e+00, v18;
	v6 =	vadd.f32 v6, v46  }
0x315: {  	[tilespmem:v13+s9+$0x0] =	vst.idx.msk $0xffff, v11;
	v22 =	vor.u32 v63, v62;
	v11 =	vadd.f32 v14, v4  }
0x316: {  	v14 =	vld.idx.msk [tilespmem:v15+s22+$0x0], $0xffff;
	v15 =	vadd.f32 v18, v36;
	[tilespmem:v9+s9+$0x0] =	vst.idx.msk $0xffff, v6  }
0x317: {  	v12 =	vor.u32 v63, v61;
	[tilespmem:v7+s9+$0x0] =	vst.idx.msk $0xffff, v11  }
0x318: {  	v17 =	vor.u32 v63, v31;
	v6 =	vld.idx.msk [tilespmem:v20+s22+$0x0], $0xffff;
	[tilespmem:v10+s9+$0x0] =	vst.idx.msk $0xffff, v15  }
0x319: {  	v27 =	vmov v43;
	v7 =	vld.idx.msk [tilespmem:v21+s22+$0x0], $0xffff;
	[tilespmem:$0x1FA90] =	vst v29  }
0x31a: {  	v23 =	vor.u32 v34, v28;
	v13 =	vor.u32 v37, v38;
	v22 =	vld.idx.msk [tilespmem:v22+s22+$0x0], $0xffff;
	[tilespmem:$0x1FAA0] =	vst v27  }
0x31b: {  	[tilespmem:$0x1FAB0] =	vst v62  }
0x31c: {  	v9 =	vor.u32 v50, v47;
	v12 =	vld.idx.msk [tilespmem:v12+s22+$0x0], $0xffff;
	[tilespmem:$0x1FAC0] =	vst v61  }
0x31d: {  	v0 =	vadd.f32 v0, v30;
	v14 =	vmul.f32 $8.000000000e+00, v14;
	v17 =	vld.idx.msk [tilespmem:v17+s22+$0x0], $0xffff;
	[tilespmem:$0x1FAD0] =	vst v31  }
0x31e: {  	v28 =	vor.u32 v60, v31;
	v18 =	vor.u32 v50, v32;
	[tilespmem:$0x1FAE0] =	vst v38  }
0x31f: {  	v37 =	vmov v31;
	v31 =	vld.idx.msk [tilespmem:v13+s22+$0x0], $0xffff;
	v13 =	vadd.f32 v14, v5;
	v14 =	vmul.f32 $8.000000000e+00, v6;
	[tilespmem:v23+s9+$0x0] =	vst.idx.msk $0xffff, v0  }
0x320: {  	[tilespmem:$0x1FB20] =	vst v32  }
0x321: {  	[tilespmem:v9+s9+$0x0] =	vst.idx.msk $0xffff, v13;
	v9 =	vadd.f32 v14, v2;
	_ =	sdelay $0x1  }
0x322: {  	[tilespmem:v18+s9+$0x0] =	vst.idx.msk $0xffff, v9  }
0x323: {  	v19 =	vor.u32 v50, v35;
	v25 =	vor.u32 v60, v43;
	v4 =	vmovc v43;
	v11 =	vor.u32 v60, v51;
	v43 =	vld [tilespmem:$0x1FAF0]  }
0x324: {  	v24 =	vor.u32 v60, v29;
	v23 =	vmul.f32 $8.000000000e+00, v7  }
0x325: {  	v20 =	vor.u32 v50, v57  }
0x326: {  	v13 =	vmul.f32 $8.000000000e+00, v22;
	v22 =	vadd.f32 v23, v45  }
0x327: {  	v3 =	vmov v32;
	v0 =	vor.u32 v48, v32;
	v32 =	vld.idx.msk [tilespmem:v8+s22+$0x0], $0xffff  }
0x328: {  	v56 =	vmov v35;
	v14 =	vld.idx.msk [tilespmem:v11+s22+$0x0], $0xffff;
	[tilespmem:v19+s9+$0x0] =	vst.idx.msk $0xffff, v22;
	v9 =	vadd.f32 v13, v43  }
0x329: {  	v24 =	vld.idx.msk [tilespmem:v24+s22+$0x0], $0xffff;
	[tilespmem:$0x1FB30] =	vst v56  }
0x32a: {  	v35 =	vmov v29;
	[tilespmem:v20+s9+$0x0] =	vst.idx.msk $0xffff, v9  }
0x32b: {  	v21 =	vor.u32 v42, v52;
	v42 =	vmovc v47;
	v29 =	vor.u32 v44, v38;
	v44 =	vor.u32 v48, v47;
	v47 =	vld [tilespmem:$0x1FB10]  }
0x32c: {  	v10 =	vor.u32 v50, v40  }
0x32d: {  	v26 =	vor.u32 v60, v62;
	v15 =	vor.u32 v50, v49;
	v23 =	vmul.f32 $8.000000000e+00, v12  }
0x32e: {  	v27 =	vor.u32 v60, v61;
	v17 =	vmul.f32 $8.000000000e+00, v17  }
0x32f: {  	v19 =	vadd.f32 v23, v46  }
0x330: {  	v18 =	vmul.f32 $8.000000000e+00, v31;
	v23 =	vld.idx.msk [tilespmem:v25+s22+$0x0], $0xffff;
	[tilespmem:$0x1FB40] =	vst v57;
	v9 =	vadd.f32 v17, v47  }
0x331: {  	[tilespmem:v10+s9+$0x0] =	vst.idx.msk $0xffff, v19  }
0x332: {  	v18 =	vadd.f32 v18, v36;
	v20 =	vld.idx.msk [tilespmem:v26+s22+$0x0], $0xffff;
	[tilespmem:v15+s9+$0x0] =	vst.idx.msk $0xffff, v9  }
0x333: {  	v19 =	vor.u32 v39, v51;
	v25 =	vld.idx.msk [tilespmem:v27+s22+$0x0], $0xffff;
	v9 =	vmul.f32 $8.000000000e+00, v14;
	[tilespmem:$0x1FB70] =	vst v49  }
0x334: {  	v22 =	vor.u32 v48, v56;
	v31 =	vor.u32 v39, v61;
	[tilespmem:v21+s9+$0x0] =	vst.idx.msk $0xffff, v18;
	v14 =	vld.idx.msk [tilespmem:v28+s22+$0x0], $0xffff  }
0x335: {  	v1 =	vmovc v36;
	v61 =	vmovc v39;
	v24 =	vmul.f32 $8.000000000e+00, v24;
	v10 =	vmul.f32 $8.000000000e+00, v32;
	v9 =	vadd.f32 v9, v5;
	v18 =	vld [tilespmem:$0x1FF30];
	[tilespmem:$0x1FB50] =	vst v52  }
0x336: {  	v32 =	vor.u32 v39, v37;
	v17 =	vor.u32 v48, v57;
	v21 =	vor.u32 v39, v35;
	v27 =	vld.idx.msk [tilespmem:v29+s22+$0x0], $0xffff  }
0x337: {  	v23 =	vmul.f32 $8.000000000e+00, v23;
	v28 =	vor.u32 v39, v4;
	v29 =	vor.u32 v39, v62;
	v39 =	vld [tilespmem:$0x1FFF0];
	[tilespmem:v44+s9+$0x0] =	vst.idx.msk $0xffff, v9  }
0x338: {  	v24 =	vadd.f32 v24, v2;
	v20 =	vmul.f32 $8.000000000e+00, v20;
	v15 =	vor.u32 v48, v40;
	v19 =	vld.idx.msk [tilespmem:v19+s22+$0x0], $0xffff;
	[tilespmem:$0x1FB00] =	vst v46  }
0x339: {  	v26 =	vor.u32 v48, v49;
	v23 =	vadd.f32 v23, v45;
	v25 =	vmul.f32 $8.000000000e+00, v25;
	[tilespmem:$0x1FB80] =	vst v1  }
0x33a: {  	v20 =	vadd.f32 v20, v43;
	[tilespmem:v0+s9+$0x0] =	vst.idx.msk $0xffff, v24;
	v14 =	vmul.f32 $8.000000000e+00, v14  }
0x33b: {  	v25 =	vadd.f32 v25, v46;
	[tilespmem:v22+s9+$0x0] =	vst.idx.msk $0xffff, v23  }
0x33c: {  	[tilespmem:v17+s9+$0x0] =	vst.idx.msk $0xffff, v20;
	v30 =	vadd.f32 v14, v47  }
0x33d: {  	[tilespmem:v15+s9+$0x0] =	vst.idx.msk $0xffff, v25  }
0x33e: {  	v27 =	vmul.f32 $8.000000000e+00, v27;
	[tilespmem:v26+s9+$0x0] =	vst.idx.msk $0xffff, v30  }
0x33f: {  	v26 =	vld [tilespmem:$0x1FED0]  }
0x340: {  	s12 =	simm.s32 $0x8;
	v62 =	vmovc v45;
	v45 =	vmov v43;
	v43 =	vmov v1;
	v27 =	vadd.f32 v27, v1;
	v1 =	vld [tilespmem:$0x1FA50]  }
0x341: {  	s15 =	sand.u32 $0x8, s12  }
0x342: {  	s29 =	sor.u32 $0x1, s15;
	s16 =	sor.u32 $0x7, s15;
	s30 =	sor.u32 $0x2, s15  }
0x343: {  	v6 =	vadd.s32 s29, v33;
	v7 =	vadd.s32 s30, v33;
	s29 =	sor.u32 $0x3, s15;
	v8 =	vadd.s32 s16, v33;
	s16 =	sor.u32 $0x5, s15  }
0x344: {  	s30 =	sor.u32 $0x4, s15;
	v11 =	vadd.s32 s29, v33;
	v12 =	vadd.s32 s16, v33;
	v36 =	vadd.s32 s15, v33  }
0x345: {  	v13 =	vadd.s32 s30, v33;
	v18 =	vor.u32 v18, v52;
	v26 =	vor.u32 v26, v1;
	v1 =	vld [tilespmem:$0x1FA60]  }
0x346: {  	s30 =	sand.u32 $0x30, s12;
	v37 =	vand.u32 $0xF, v8;
	v9 =	vor.u32 v34, v42;
	v21 =	vld.idx.msk [tilespmem:v21+s22+$0x0], $0xffff;
	v35 =	vor.u32 v39, v38  }
0x347: {  	v37 =	vor.u32 s30, v37;
	v4 =	vor.u32 v59, v51;
	v28 =	vld.idx.msk [tilespmem:v28+s22+$0x0], $0xffff;
	v19 =	vmul.f32 $8.000000000e+00, v19  }
0x348: {  	v51 =	vand.u32 $0xF, v11;
	v0 =	vand.u32 $0xF, v6;
	v24 =	vand.u32 $0xF, v7  }
0x349: {  	v22 =	vand.u32 $0xF, v13;
	v23 =	vand.u32 $0xF, v12;
	v25 =	vld.idx.msk [tilespmem:v31+s22+$0x0], $0xffff;
	v19 =	vadd.f32 v19, v5  }
0x34a: {  	v0 =	vor.u32 s30, v0;
	v17 =	vor.u32 s30, v24;
	[tilespmem:v18+s9+$0x0] =	vst.idx.msk $0xffff, v27;
	v30 =	vadd.f32 v10, v1;
	v1 =	vld.idx.msk [tilespmem:v32+s22+$0x0], $0xffff  }
0x34b: {  	v44 =	vmovc v2;
	v24 =	vor.u32 s30, v51;
	v15 =	vor.u32 s30, v22;
	[tilespmem:v9+s9+$0x0] =	vst.idx.msk $0xffff, v19;
	v9 =	vmul.f32 $8.000000000e+00, v21;
	v2 =	vld.idx.msk [tilespmem:v35+s22+$0x0], $0xffff  }
0x34c: {  	v22 =	vand.u32 $0xF, v36;
	v23 =	vor.u32 s30, v23;
	v10 =	vmul.f32 $8.000000000e+00, v28  }
0x34d: {  	v51 =	vand.u32 $0x7, v8;
	v28 =	vadd.f32 v9, v44;
	v9 =	vand.u32 $0x38, v37  }
0x34e: {  	v18 =	vor.u32 v34, v3;
	v36 =	vadd.f32 v10, v62;
	v10 =	vor.u32 v51, v9  }
0x34f: {  	v3 =	vld [tilespmem:$0x1FEB0];
	v9 =	vmul.f32 $8.000000000e+00, v25;
	v25 =	vor.u32 v54, v10;
	v1 =	vmul.f32 $8.000000000e+00, v1  }
0x350: {  	v31 =	vor.u32 v34, v40;
	v22 =	vor.u32 s30, v22;
	v2 =	vmul.f32 $8.000000000e+00, v2  }
0x351: {  	s29 =	sor.u32 $0x6, s15;
	v40 =	vand.u32 $0x38, v23;
	v38 =	vadd.f32 v1, v47;
	v1 =	vor.u32 v41, v10  }
0x352: {  	v23 =	vshll.u32 v23, $0x7;
	v14 =	vadd.s32 s29, v33;
	v32 =	vadd.f32 v2, v43;
	v2 =	vld [tilespmem:$0x1FED0]  }
0x353: {  	v39 =	vand.u32 $0x38, v15;
	v20 =	vand.u32 $0xF, v14;
	v27 =	vor.u32 v34, v56  }
0x354: {  	v19 =	vor.u32 v34, v57;
	v57 =	vor.u32 v3, v52;
	v3 =	vand.u32 $0x38, v17;
	v25 =	vld.idx.msk [tilespmem:v25+s22+$0x0], $0xffff  }
0x355: {  	v29 =	vld.idx.msk [tilespmem:v29+s22+$0x0], $0xffff;
	v52 =	vshll.u32 v8, $0x7;
	v35 =	vadd.f32 v9, v46;
	v9 =	vshll.u32 v37, $0x7  }
0x356: {  	v46 =	vand.u32 $0x7, v6;
	v8 =	vld.idx.msk [tilespmem:v1+s18+$0x0], $0xffff;
	v1 =	vand.u32 $0x1C00, v9;
	v9 =	vand.u32 $0x380, v52  }
0x357: {  	v4 =	vld.idx.msk [tilespmem:v4+s22+$0x0], $0xffff;
	v56 =	vor.u32 v2, v42;
	v2 =	vand.u32 $0x38, v0;
	v9 =	vor.u32 v9, v1  }
0x358: {  	v47 =	vand.u32 $0x7, v7;
	v1 =	vor.u32 v46, v2;
	v46 =	vor.u32 v33, v9  }
0x359: {  	v42 =	vand.u32 $0x7, v12;
	v2 =	vor.u32 v47, v3;
	v25 =	vmul.f32 $8.000000000e+00, v25  }
0x35a: {  	v29 =	vmul.f32 $8.000000000e+00, v29;
	v40 =	vor.u32 v42, v40;
	v42 =	vor.u32 v54, v2  }
0x35b: {  	v15 =	vshll.u32 v15, $0x7;
	v20 =	vor.u32 s30, v20;
	v25 =	vadd.f32 v25, v8  }
0x35c: {  	v29 =	vadd.f32 v29, v45;
	v4 =	vmul.f32 $8.000000000e+00, v4;
	[tilespmem:v26+s9+$0x0] =	vst.idx.msk $0xffff, v30;
	v47 =	vor.u32 v53, v10  }
0x35d: {  	v45 =	vand.u32 $0x38, v20;
	v21 =	vor.u32 v34, v49;
	v49 =	vand.u32 $0x7, v13;
	[tilespmem:v46+s9+$0x0] =	vst.idx.msk $0xffff, v25  }
0x35e: {  	v43 =	vadd.f32 v4, v5;
	v4 =	vand.u32 $0x38, v24;
	v3 =	vor.u32 v49, v39;
	v30 =	vld [tilespmem:$0x1FF80]  }
0x35f: {  	v37 =	vand.u32 $0x7, v11;
	v39 =	vor.u32 v54, v1;
	[tilespmem:v18+s9+$0x0] =	vst.idx.msk $0xffff, v28;
	v18 =	vshll.u32 v20, $0x7;
	v20 =	vld.idx.msk [tilespmem:v42+s22+$0x0], $0xffff  }
0x360: {  	v23 =	vand.u32 $0x1C00, v23;
	v4 =	vor.u32 v37, v4;
	v49 =	vor.u32 v54, v40;
	v42 =	vld [tilespmem:$0x1FE40]  }
0x361: {  	v15 =	vand.u32 $0x1C00, v15;
	v37 =	vand.u32 $0x7, v14;
	v25 =	vor.u32 v54, v4;
	v47 =	vld.idx.msk [tilespmem:v47+s22+$0x0], $0xffff;
	[tilespmem:v27+s9+$0x0] =	vst.idx.msk $0xffff, v36  }
0x362: {  	v13 =	vshll.u32 v13, $0x7;
	v52 =	vmovc v34;
	v34 =	vor.u32 v37, v45;
	v46 =	vor.u32 v54, v3;
	v51 =	vld [tilespmem:$0x1FE50]  }
0x363: {  	v13 =	vand.u32 $0x380, v13;
	v17 =	vshll.u32 v17, $0x7;
	v54 =	vor.u32 v54, v34  }
0x364: {  	v17 =	vand.u32 $0x1C00, v17;
	v45 =	vand.u32 $0x38, v22;
	v26 =	vld.idx.msk [tilespmem:v39+s22+$0x0], $0xffff;
	v39 =	vor.u32 v41, v1  }
0x365: {  	[tilespmem:v19+s9+$0x0] =	vst.idx.msk $0xffff, v29;
	v19 =	vld.idx.msk [tilespmem:v49+s22+$0x0], $0xffff;
	v30 =	vor.u32 v30, v45;
	v37 =	vor.u32 v42, v9  }
0x366: {  	v24 =	vshll.u32 v24, $0x7;
	v6 =	vshll.u32 v6, $0x7;
	v25 =	vld.idx.msk [tilespmem:v25+s22+$0x0], $0xffff;
	v27 =	vmul.f32 $8.000000000e+00, v47  }
0x367: {  	v11 =	vshll.u32 v11, $0x7;
	v24 =	vand.u32 $0x1C00, v24;
	v36 =	vld.idx.msk [tilespmem:v46+s22+$0x0], $0xffff;
	v47 =	vor.u32 v51, v10  }
0x368: {  	v14 =	vshll.u32 v14, $0x7;
	v6 =	vand.u32 $0x380, v6;
	v29 =	vld.idx.msk [tilespmem:v54+s22+$0x0], $0xffff;
	v27 =	vadd.f32 v27, v8  }
0x369: {  	v11 =	vand.u32 $0x380, v11;
	v14 =	vand.u32 $0x380, v14;
	v28 =	vor.u32 v41, v2;
	v39 =	vld.idx.msk [tilespmem:v39+s18+$0x0], $0xffff  }
0x36a: {  	v7 =	vshll.u32 v7, $0x7;
	v0 =	vshll.u32 v0, $0x7;
	v12 =	vshll.u32 v12, $0x7;
	[tilespmem:v37+s9+$0x0] =	vst.idx.msk $0xffff, v27;
	v27 =	vld.idx.msk [tilespmem:v30+s22+$0x0], $0xffff  }
0x36b: {  	v7 =	vand.u32 $0x380, v7;
	v0 =	vand.u32 $0x1C00, v0;
	v12 =	vand.u32 $0x380, v12;
	v30 =	vld [tilespmem:$0x1FA70];
	[tilespmem:$0x1FA80] =	vst v41  }
0x36c: {  	v22 =	vshll.u32 v22, $0x7;
	v18 =	vand.u32 $0x1C00, v18;
	v49 =	vor.u32 v41, v3;
	[tilespmem:v31+s9+$0x0] =	vst.idx.msk $0xffff, v35;
	v31 =	vld.idx.msk [tilespmem:v47+s22+$0x0], $0xffff  }
0x36d: {  	v46 =	vor.u32 v41, v4;
	v26 =	vmul.f32 $8.000000000e+00, v26;
	v20 =	vmul.f32 $8.000000000e+00, v20;
	v35 =	vld [tilespmem:$0x1FE40]  }
0x36e: {  	v42 =	vor.u32 v41, v40;
	v51 =	vor.u32 v41, v34;
	[tilespmem:v21+s9+$0x0] =	vst.idx.msk $0xffff, v38;
	v38 =	vld.idx.msk [tilespmem:v28+s18+$0x0], $0xffff  }
0x36f: {  	v21 =	vmul.f32 $8.000000000e+00, v36;
	v28 =	vmul.f32 $8.000000000e+00, v29;
	v29 =	vor.u32 v55, v10;
	v36 =	vld [tilespmem:$0x1FE50];
	[tilespmem:v57+s9+$0x0] =	vst.idx.msk $0xffff, v32  }
0x370: {  	v25 =	vmul.f32 $8.000000000e+00, v25;
	[tilespmem:v56+s9+$0x0] =	vst.idx.msk $0xffff, v43;
	v32 =	vor.u32 v6, v0;
	v0 =	vor.u32 v16, v9  }
0x371: {  	v6 =	vor.u32 v7, v17;
	v57 =	vld.idx.msk [tilespmem:v49+s18+$0x0], $0xffff;
	v17 =	vadd.f32 v26, v39;
	v26 =	vmul.f32 $8.000000000e+00, v31  }
0x372: {  	v56 =	vld.idx.msk [tilespmem:v46+s18+$0x0], $0xffff;
	v7 =	vor.u32 v11, v24;
	v46 =	vor.u32 v13, v15;
	v11 =	vor.u32 v33, v32  }
0x373: {  	v24 =	vor.u32 v53, v1;
	v13 =	vor.u32 v33, v6;
	v15 =	vadd.f32 v26, v8  }
0x374: {  	v37 =	vmovc v59;
	v59 =	vand.u32 $0x1C00, v22;
	v47 =	vor.u32 v14, v18;
	v43 =	vld.idx.msk [tilespmem:v51+s18+$0x0], $0xffff;
	v49 =	vor.u32 v12, v23  }
0x375: {  	v12 =	vor.u32 v33, v7;
	v18 =	vor.u32 v33, v46;
	v31 =	vld.idx.msk [tilespmem:v42+s18+$0x0], $0xffff;
	[tilespmem:v0+s9+$0x0] =	vst.idx.msk $0xffff, v15  }
0x376: {  	v22 =	vor.u32 v33, v49;
	v20 =	vadd.f32 v20, v38;
	v15 =	vadd.f32 v21, v57;
	v21 =	vld.idx.msk [tilespmem:v29+s22+$0x0], $0xffff  }
0x377: {  	v19 =	vmul.f32 $8.000000000e+00, v19;
	v30 =	vor.u32 v45, v30;
	v14 =	vadd.f32 v25, v56;
	v26 =	vld [tilespmem:$0x1FED0];
	[tilespmem:v11+s9+$0x0] =	vst.idx.msk $0xffff, v17  }
0x378: {  	v0 =	vor.u32 v53, v2;
	v17 =	vor.u32 v33, v47;
	[tilespmem:v13+s9+$0x0] =	vst.idx.msk $0xffff, v20;
	v20 =	vld.idx.msk [tilespmem:v24+s22+$0x0], $0xffff  }
0x379: {  	v24 =	vld [tilespmem:$0x1FF90]  }
0x37a: {  	v11 =	vor.u32 v53, v4;
	v19 =	vadd.f32 v19, v31;
	v25 =	vld [tilespmem:$0x1FEC0];
	[tilespmem:v12+s9+$0x0] =	vst.idx.msk $0xffff, v14  }
0x37b: {  	v23 =	vadd.f32 v28, v43;
	v13 =	vor.u32 v53, v3;
	[tilespmem:v18+s9+$0x0] =	vst.idx.msk $0xffff, v15  }
0x37c: {  	v41 =	vld.idx.msk [tilespmem:v30+s18+$0x0], $0xffff;
	v12 =	vor.u32 v53, v40;
	[tilespmem:v22+s9+$0x0] =	vst.idx.msk $0xffff, v19;
	v18 =	vmul.f32 $8.000000000e+00, v21  }
0x37d: {  	v14 =	vor.u32 v58, v9;
	v0 =	vld.idx.msk [tilespmem:v0+s22+$0x0], $0xffff;
	[tilespmem:v17+s9+$0x0] =	vst.idx.msk $0xffff, v23  }
0x37e: {  	v24 =	vor.u32 v24, v59;
	v17 =	vadd.f32 v18, v8;
	v18 =	vmul.f32 $8.000000000e+00, v20;
	v20 =	vld [tilespmem:$0x1FFA0]  }
0x37f: {  	v27 =	vmul.f32 $8.000000000e+00, v27;
	v21 =	vor.u32 v63, v10;
	v11 =	vld.idx.msk [tilespmem:v11+s22+$0x0], $0xffff  }
0x380: {  	v19 =	vor.u32 v53, v34;
	v22 =	vor.u32 v35, v32;
	v13 =	vld.idx.msk [tilespmem:v13+s22+$0x0], $0xffff  }
0x381: {  	v15 =	vadd.f32 v27, v41;
	v23 =	vor.u32 v35, v6;
	v12 =	vld.idx.msk [tilespmem:v12+s22+$0x0], $0xffff  }
0x382: {  	[tilespmem:v14+s9+$0x0] =	vst.idx.msk $0xffff, v17;
	v0 =	vmul.f32 $8.000000000e+00, v0;
	v14 =	vadd.f32 v18, v39;
	v18 =	vor.u32 v36, v1  }
0x383: {  	[tilespmem:v24+s9+$0x0] =	vst.idx.msk $0xffff, v15;
	v15 =	vor.u32 v35, v7;
	v20 =	vor.u32 v20, v45  }
0x384: {  	v21 =	vld.idx.msk [tilespmem:v21+s22+$0x0], $0xffff;
	v11 =	vmul.f32 $8.000000000e+00, v11;
	v0 =	vadd.f32 v0, v38  }
0x385: {  	v19 =	vld.idx.msk [tilespmem:v19+s22+$0x0], $0xffff;
	v17 =	vor.u32 v35, v46;
	[tilespmem:v22+s9+$0x0] =	vst.idx.msk $0xffff, v14;
	v22 =	vor.u32 v36, v2  }
0x386: {  	v13 =	vmul.f32 $8.000000000e+00, v13;
	v11 =	vadd.f32 v11, v56;
	[tilespmem:v23+s9+$0x0] =	vst.idx.msk $0xffff, v0;
	v0 =	vor.u32 v36, v4  }
0x387: {  	v24 =	vor.u32 v35, v49;
	v12 =	vmul.f32 $8.000000000e+00, v12;
	v18 =	vld.idx.msk [tilespmem:v18+s22+$0x0], $0xffff  }
0x388: {  	v13 =	vadd.f32 v13, v57;
	[tilespmem:v15+s9+$0x0] =	vst.idx.msk $0xffff, v11;
	v11 =	vor.u32 v36, v3;
	v20 =	vld.idx.msk [tilespmem:v20+s22+$0x0], $0xffff  }
0x389: {  	v23 =	vor.u32 v50, v9;
	v15 =	vmul.f32 $8.000000000e+00, v21;
	v21 =	vld [tilespmem:$0x1FFB0]  }
0x38a: {  	v12 =	vadd.f32 v12, v31;
	[tilespmem:v17+s9+$0x0] =	vst.idx.msk $0xffff, v13;
	v17 =	vmul.f32 $8.000000000e+00, v19;
	v19 =	vld.idx.msk [tilespmem:v22+s22+$0x0], $0xffff  }
0x38b: {  	v14 =	vor.u32 v35, v47;
	v0 =	vld.idx.msk [tilespmem:v0+s22+$0x0], $0xffff  }
0x38c: {  	v13 =	vor.u32 v60, v10;
	v15 =	vadd.f32 v15, v8;
	v22 =	vld [tilespmem:$0x1FFC0];
	[tilespmem:v24+s9+$0x0] =	vst.idx.msk $0xffff, v12  }
0x38d: {  	v12 =	vor.u32 v36, v40;
	v24 =	vor.u32 v16, v32;
	v17 =	vadd.f32 v17, v43;
	v11 =	vld.idx.msk [tilespmem:v11+s22+$0x0], $0xffff  }
0x38e: {  	v18 =	vmul.f32 $8.000000000e+00, v18;
	[tilespmem:v23+s9+$0x0] =	vst.idx.msk $0xffff, v15;
	v15 =	vor.u32 v36, v34;
	v23 =	vor.u32 v16, v6  }
0x38f: {  	v21 =	vor.u32 v21, v59;
	v20 =	vmul.f32 $8.000000000e+00, v20;
	v19 =	vmul.f32 $8.000000000e+00, v19  }
0x390: {  	[tilespmem:v14+s9+$0x0] =	vst.idx.msk $0xffff, v17;
	v14 =	vor.u32 v16, v7;
	v18 =	vadd.f32 v18, v39;
	v0 =	vmul.f32 $8.000000000e+00, v0  }
0x391: {  	v17 =	vadd.f32 v20, v41;
	v20 =	vor.u32 v16, v46;
	v19 =	vadd.f32 v19, v38  }
0x392: {  	v13 =	vld.idx.msk [tilespmem:v13+s22+$0x0], $0xffff;
	[tilespmem:v24+s9+$0x0] =	vst.idx.msk $0xffff, v18;
	v11 =	vmul.f32 $8.000000000e+00, v11  }
0x393: {  	v22 =	vor.u32 v22, v45;
	v0 =	vadd.f32 v0, v56;
	[tilespmem:v23+s9+$0x0] =	vst.idx.msk $0xffff, v19  }
0x394: {  	v12 =	vld.idx.msk [tilespmem:v12+s22+$0x0], $0xffff;
	[tilespmem:v21+s9+$0x0] =	vst.idx.msk $0xffff, v17;
	v17 =	vor.u32 v55, v1;
	v11 =	vadd.f32 v11, v57  }
0x395: {  	v18 =	vor.u32 v55, v4;
	[tilespmem:v14+s9+$0x0] =	vst.idx.msk $0xffff, v0  }
0x396: {  	v15 =	vld.idx.msk [tilespmem:v15+s22+$0x0], $0xffff;
	v19 =	vor.u32 v48, v9;
	v21 =	vor.u32 v55, v2;
	[tilespmem:v20+s9+$0x0] =	vst.idx.msk $0xffff, v11  }
0x397: {  	v23 =	vor.u32 v61, v10;
	v13 =	vmul.f32 $8.000000000e+00, v13;
	v5 =	vld [tilespmem:$0x1FFD0]  }
0x398: {  	v24 =	vor.u32 v16, v49;
	v22 =	vld.idx.msk [tilespmem:v22+s22+$0x0], $0xffff  }
0x399: {  	v14 =	vor.u32 v55, v3;
	v12 =	vmul.f32 $8.000000000e+00, v12;
	v13 =	vadd.f32 v13, v8;
	v17 =	vld.idx.msk [tilespmem:v17+s22+$0x0], $0xffff  }
0x39a: {  	v0 =	vor.u32 v16, v47;
	v18 =	vld.idx.msk [tilespmem:v18+s22+$0x0], $0xffff  }
0x39b: {  	v15 =	vmul.f32 $8.000000000e+00, v15;
	v12 =	vadd.f32 v12, v31;
	[tilespmem:v19+s9+$0x0] =	vst.idx.msk $0xffff, v13;
	v20 =	vld.idx.msk [tilespmem:v21+s22+$0x0], $0xffff  }
0x39c: {  	v23 =	vld.idx.msk [tilespmem:v23+s22+$0x0], $0xffff;
	v21 =	vor.u32 v5, v59  }
0x39d: {  	v15 =	vadd.f32 v15, v43;
	v22 =	vmul.f32 $8.000000000e+00, v22;
	v5 =	vld [tilespmem:$0x1FFE0];
	[tilespmem:v24+s9+$0x0] =	vst.idx.msk $0xffff, v12;
	v12 =	vor.u32 v58, v32  }
0x39e: {  	v11 =	vor.u32 v55, v40;
	v19 =	vor.u32 v55, v34;
	v14 =	vld.idx.msk [tilespmem:v14+s22+$0x0], $0xffff;
	v17 =	vmul.f32 $8.000000000e+00, v17  }
0x39f: {  	v22 =	vadd.f32 v22, v41;
	[tilespmem:v0+s9+$0x0] =	vst.idx.msk $0xffff, v15;
	v0 =	vor.u32 v58, v7  }
0x3a0: {  	v18 =	vmul.f32 $8.000000000e+00, v18;
	v24 =	vor.u32 v58, v6;
	v17 =	vadd.f32 v17, v39  }
0x3a1: {  	v15 =	vmul.f32 $8.000000000e+00, v20;
	[tilespmem:v21+s9+$0x0] =	vst.idx.msk $0xffff, v22;
	v22 =	vor.u32 v52, v9  }
0x3a2: {  	v21 =	vor.u32 v58, v46;
	[tilespmem:v12+s9+$0x0] =	vst.idx.msk $0xffff, v17;
	v12 =	vadd.f32 v18, v56;
	v17 =	vmul.f32 $8.000000000e+00, v23  }
0x3a3: {  	v11 =	vld.idx.msk [tilespmem:v11+s22+$0x0], $0xffff;
	v14 =	vmul.f32 $8.000000000e+00, v14;
	v15 =	vadd.f32 v15, v38  }
0x3a4: {  	v13 =	vor.u32 v5, v45;
	[tilespmem:v0+s9+$0x0] =	vst.idx.msk $0xffff, v12;
	v0 =	vadd.f32 v17, v8  }
0x3a5: {  	v10 =	vor.u32 v37, v10;
	v19 =	vld.idx.msk [tilespmem:v19+s22+$0x0], $0xffff;
	v14 =	vadd.f32 v14, v57;
	[tilespmem:v24+s9+$0x0] =	vst.idx.msk $0xffff, v15  }
0x3a6: {  	v20 =	vor.u32 v63, v1;
	[tilespmem:v22+s9+$0x0] =	vst.idx.msk $0xffff, v0  }
0x3a7: {  	v15 =	vor.u32 v58, v49;
	v0 =	vld [tilespmem:$0x1FA90];
	[tilespmem:v21+s9+$0x0] =	vst.idx.msk $0xffff, v14  }
0x3a8: {  	v11 =	vmul.f32 $8.000000000e+00, v11;
	v5 =	vld [tilespmem:$0x1FF40]  }
0x3a9: {  	v12 =	vor.u32 v58, v47;
	v17 =	vor.u32 v63, v4;
	v13 =	vld.idx.msk [tilespmem:v13+s22+$0x0], $0xffff  }
0x3aa: {  	v18 =	vor.u32 v63, v2;
	v19 =	vmul.f32 $8.000000000e+00, v19;
	v11 =	vadd.f32 v11, v31;
	v10 =	vld.idx.msk [tilespmem:v10+s22+$0x0], $0xffff  }
0x3ab: {  	v20 =	vld.idx.msk [tilespmem:v20+s22+$0x0], $0xffff  }
0x3ac: {  	[tilespmem:v15+s9+$0x0] =	vst.idx.msk $0xffff, v11;
	v15 =	vadd.f32 v19, v43  }
0x3ad: {  	v14 =	vor.u32 v5, v59;
	v5 =	vld [tilespmem:$0x1FAA0]  }
0x3ae: {  	v9 =	vor.u32 v26, v9;
	[tilespmem:v12+s9+$0x0] =	vst.idx.msk $0xffff, v15;
	v15 =	vld.idx.msk [tilespmem:v17+s22+$0x0], $0xffff  }
0x3af: {  	v18 =	vld.idx.msk [tilespmem:v18+s22+$0x0], $0xffff;
	v21 =	vor.u32 v63, v3;
	v13 =	vmul.f32 $8.000000000e+00, v13;
	v10 =	vmul.f32 $8.000000000e+00, v10  }
0x3b0: {  	v22 =	vor.u32 v50, v32;
	v11 =	vor.u32 v63, v40;
	v17 =	vmul.f32 $8.000000000e+00, v20  }
0x3b1: {  	v12 =	vor.u32 v63, v34;
	v13 =	vadd.f32 v13, v41;
	v8 =	vadd.f32 v10, v8  }
0x3b2: {  	v23 =	vld [tilespmem:$0x1FE10];
	v10 =	vor.u32 v50, v7;
	v17 =	vadd.f32 v17, v39;
	v19 =	vor.u32 v37, v5  }
0x3b3: {  	v5 =	vld [tilespmem:$0x1FAB0];
	[tilespmem:v14+s9+$0x0] =	vst.idx.msk $0xffff, v13;
	v13 =	vor.u32 v50, v6;
	v14 =	vor.u32 v60, v1;
	v15 =	vmul.f32 $8.000000000e+00, v15  }
0x3b4: {  	v18 =	vmul.f32 $8.000000000e+00, v18;
	v21 =	vld.idx.msk [tilespmem:v21+s22+$0x0], $0xffff;
	[tilespmem:v9+s9+$0x0] =	vst.idx.msk $0xffff, v8;
	v8 =	vor.u32 v60, v4  }
0x3b5: {  	v11 =	vld.idx.msk [tilespmem:v11+s22+$0x0], $0xffff;
	[tilespmem:v22+s9+$0x0] =	vst.idx.msk $0xffff, v17;
	v22 =	vor.u32 v60, v2;
	v15 =	vadd.f32 v15, v56  }
0x3b6: {  	v12 =	vld.idx.msk [tilespmem:v12+s22+$0x0], $0xffff;
	v9 =	vadd.f32 v18, v38  }
0x3b7: {  	v23 =	vor.u32 v23, v45;
	[tilespmem:v10+s9+$0x0] =	vst.idx.msk $0xffff, v15  }
0x3b8: {  	v17 =	vor.u32 v50, v46;
	[tilespmem:v13+s9+$0x0] =	vst.idx.msk $0xffff, v9;
	v13 =	vld.idx.msk [tilespmem:v14+s22+$0x0], $0xffff  }
0x3b9: {  	v21 =	vmul.f32 $8.000000000e+00, v21;
	v18 =	vor.u32 v50, v49;
	v8 =	vld.idx.msk [tilespmem:v8+s22+$0x0], $0xffff  }
0x3ba: {  	v11 =	vmul.f32 $8.000000000e+00, v11;
	v14 =	vor.u32 v50, v47;
	v15 =	vld.idx.msk [tilespmem:v22+s22+$0x0], $0xffff  }
0x3bb: {  	v21 =	vadd.f32 v21, v57;
	v12 =	vmul.f32 $8.000000000e+00, v12;
	v22 =	vld [tilespmem:$0x1FE20]  }
0x3bc: {  	v11 =	vadd.f32 v11, v31;
	v10 =	vor.u32 v60, v40;
	v23 =	vld.idx.msk [tilespmem:v23+s22+$0x0], $0xffff  }
0x3bd: {  	v9 =	vor.u32 v60, v3;
	[tilespmem:v17+s9+$0x0] =	vst.idx.msk $0xffff, v21;
	v12 =	vadd.f32 v12, v43  }
0x3be: {  	v21 =	vor.u32 v48, v32;
	[tilespmem:v18+s9+$0x0] =	vst.idx.msk $0xffff, v11  }
0x3bf: {  	v11 =	vld [tilespmem:$0x1FE30];
	v13 =	vmul.f32 $8.000000000e+00, v13;
	[tilespmem:v14+s9+$0x0] =	vst.idx.msk $0xffff, v12;
	v14 =	vor.u32 v48, v7  }
0x3c0: {  	v17 =	vor.u32 v60, v34;
	v8 =	vmul.f32 $8.000000000e+00, v8;
	v22 =	vor.u32 v22, v59  }
0x3c1: {  	v18 =	vor.u32 v48, v6;
	v10 =	vld.idx.msk [tilespmem:v10+s22+$0x0], $0xffff;
	v23 =	vmul.f32 $8.000000000e+00, v23;
	v13 =	vadd.f32 v13, v39  }
0x3c2: {  	v9 =	vld.idx.msk [tilespmem:v9+s22+$0x0], $0xffff;
	v15 =	vmul.f32 $8.000000000e+00, v15;
	v8 =	vadd.f32 v8, v56  }
0x3c3: {  	v23 =	vadd.f32 v23, v41;
	[tilespmem:v21+s9+$0x0] =	vst.idx.msk $0xffff, v13  }
0x3c4: {  	v12 =	vor.u32 v61, v1;
	v13 =	vadd.f32 v15, v38;
	[tilespmem:v14+s9+$0x0] =	vst.idx.msk $0xffff, v8  }
0x3c5: {  	v11 =	vor.u32 v11, v45;
	v21 =	vor.u32 v48, v49;
	[tilespmem:v22+s9+$0x0] =	vst.idx.msk $0xffff, v23  }
0x3c6: {  	v17 =	vld.idx.msk [tilespmem:v17+s22+$0x0], $0xffff;
	v10 =	vmul.f32 $8.000000000e+00, v10;
	v23 =	vor.u32 v48, v46;
	[tilespmem:v18+s9+$0x0] =	vst.idx.msk $0xffff, v13  }
0x3c7: {  	v20 =	vor.u32 v37, v5;
	v9 =	vmul.f32 $8.000000000e+00, v9;
	v5 =	vld [tilespmem:$0x1FF30]  }
0x3c8: {  	v10 =	vadd.f32 v10, v31  }
0x3c9: {  	v9 =	vadd.f32 v9, v57  }
0x3ca: {  	v0 =	vor.u32 v37, v0;
	v11 =	vld.idx.msk [tilespmem:v11+s22+$0x0], $0xffff;
	[tilespmem:v21+s9+$0x0] =	vst.idx.msk $0xffff, v10  }
0x3cb: {  	v15 =	vor.u32 v61, v4;
	v12 =	vld.idx.msk [tilespmem:v12+s22+$0x0], $0xffff;
	v18 =	vor.u32 v48, v47;
	[tilespmem:v23+s9+$0x0] =	vst.idx.msk $0xffff, v9  }
0x3cc: {  	v17 =	vmul.f32 $8.000000000e+00, v17;
	v8 =	vor.u32 v5, v59;
	v5 =	vld [tilespmem:$0x1FAC0]  }
0x3cd: {  	v22 =	vor.u32 v61, v2  }
0x3ce: {  	v13 =	vor.u32 v61, v3;
	v17 =	vadd.f32 v17, v43  }
0x3cf: {  	v0 =	vld.idx.msk [tilespmem:v0+s22+$0x0], $0xffff;
	v23 =	vor.u32 v52, v32;
	v11 =	vmul.f32 $8.000000000e+00, v11  }
0x3d0: {  	v15 =	vld.idx.msk [tilespmem:v15+s22+$0x0], $0xffff;
	v12 =	vmul.f32 $8.000000000e+00, v12;
	[tilespmem:v18+s9+$0x0] =	vst.idx.msk $0xffff, v17  }
0x3d1: {  	v11 =	vadd.f32 v11, v41;
	v10 =	vor.u32 v37, v5;
	v5 =	vld [tilespmem:$0x1FAD0]  }
0x3d2: {  	v14 =	vor.u32 v61, v40;
	v22 =	vld.idx.msk [tilespmem:v22+s22+$0x0], $0xffff;
	v12 =	vadd.f32 v12, v39  }
0x3d3: {  	v9 =	vor.u32 v61, v34;
	v13 =	vld.idx.msk [tilespmem:v13+s22+$0x0], $0xffff;
	[tilespmem:v8+s9+$0x0] =	vst.idx.msk $0xffff, v11  }
0x3d4: {  	v17 =	vld.idx.msk [tilespmem:v20+s22+$0x0], $0xffff;
	[tilespmem:v23+s9+$0x0] =	vst.idx.msk $0xffff, v12  }
0x3d5: {  	v16 =	vld [tilespmem:$0x1FAE0]  }
0x3d6: {  	v18 =	vor.u32 v52, v6;
	v20 =	vor.u32 v37, v5;
	v5 =	vld [tilespmem:$0x1FF70]  }
0x3d7: {  	v14 =	vld.idx.msk [tilespmem:v14+s22+$0x0], $0xffff;
	v21 =	vmul.f32 $8.000000000e+00, v22  }
0x3d8: {  	v9 =	vld.idx.msk [tilespmem:v9+s22+$0x0], $0xffff;
	v8 =	vor.u32 v52, v7;
	v12 =	vmul.f32 $8.000000000e+00, v15  }
0x3d9: {  	v15 =	vadd.f32 v21, v38  }
0x3da: {  	v11 =	vor.u32 v52, v46;
	v12 =	vadd.f32 v12, v56  }
0x3db: {  	v13 =	vmul.f32 $8.000000000e+00, v13;
	v21 =	vor.u32 v5, v16;
	v16 =	vld [tilespmem:$0x1FFF0];
	[tilespmem:v18+s9+$0x0] =	vst.idx.msk $0xffff, v15;
	v15 =	vor.u32 v52, v49  }
0x3dc: {  	v0 =	vmul.f32 $8.000000000e+00, v0;
	v14 =	vmul.f32 $8.000000000e+00, v14;
	v18 =	vld.idx.msk [tilespmem:v20+s22+$0x0], $0xffff;
	v20 =	vor.u32 v52, v47  }
0x3dd: {  	v13 =	vadd.f32 v13, v57;
	[tilespmem:v8+s9+$0x0] =	vst.idx.msk $0xffff, v12;
	v8 =	vmul.f32 $8.000000000e+00, v9  }
0x3de: {  	v61 =	vadd.f32 v0, v44;
	v0 =	vadd.f32 v14, v31  }
0x3df: {  	[tilespmem:v11+s9+$0x0] =	vst.idx.msk $0xffff, v13;
	v8 =	vadd.f32 v8, v43  }
0x3e0: {  	[tilespmem:v15+s9+$0x0] =	vst.idx.msk $0xffff, v0  }
0x3e1: {  	[tilespmem:v20+s9+$0x0] =	vst.idx.msk $0xffff, v8  }
0x3e2: {  	v8 =	vld [tilespmem:$0x1FAF0];
	_ =	sdelay $0x2  }
0x3e3: {  	v10 =	vld.idx.msk [tilespmem:v10+s22+$0x0], $0xffff;
	v0 =	vmul.f32 $8.000000000e+00, v17;
	_ =	sdelay $0x1  }
0x3e4: {  	v12 =	vadd.f32 v0, v8;
	v0 =	vld [tilespmem:$0x1FB00];
	_ =	sdelay $0x2  }
0x3e5: {  	v10 =	vmul.f32 $8.000000000e+00, v10;
	_ =	sdelay $0x1  }
0x3e6: {  	v8 =	vadd.f32 v10, v0;
	v0 =	vor.u32 v37, v3;
	v3 =	vld [tilespmem:$0x1FB10];
	_ =	sdelay $0x2  }
0x3e7: {  	v13 =	vor.u32 v37, v2;
	v2 =	vmul.f32 $8.000000000e+00, v18  }
0x3e8: {  	v19 =	vld.idx.msk [tilespmem:v19+s22+$0x0], $0xffff  }
0x3e9: {  	v2 =	vadd.f32 v2, v3;
	v3 =	vld [tilespmem:$0x1FB20];
	_ =	sdelay $0x4  }
0x3ea: {  	v11 =	vmul.f32 $8.000000000e+00, v19;
	v19 =	vor.u32 v26, v3;
	v3 =	vld [tilespmem:$0x1FB30];
	_ =	sdelay $0x3  }
0x3eb: {  	v22 =	vor.u32 v16, v45;
	v9 =	vld.idx.msk [tilespmem:v21+s22+$0x0], $0xffff  }
0x3ec: {  	v21 =	vor.u32 v26, v3;
	v3 =	vld [tilespmem:$0x1FB40];
	_ =	sdelay $0x2  }
0x3ed: {  	v1 =	vor.u32 v37, v1  }
0x3ee: {  	v14 =	vld.idx.msk [tilespmem:v22+s22+$0x0], $0xffff  }
0x3ef: {  	v22 =	vor.u32 v26, v3;
	v3 =	vmul.f32 $8.000000000e+00, v9;
	v9 =	vld [tilespmem:$0x1FB70];
	_ =	sdelay $0x2  }
0x3f0: {  	v53 =	vld.idx.msk [tilespmem:v1+s22+$0x0], $0xffff  }
0x3f1: {  	v1 =	vld [tilespmem:$0x1FB50]  }
0x3f2: {  	v27 =	vor.u32 v26, v9;
	v9 =	vld [tilespmem:$0x1FB80];
	_ =	sdelay $0x3  }
0x3f3: {  	v54 =	vadd.f32 v11, v62;
	v11 =	vor.u32 v37, v40;
	v24 =	vor.u32 v25, v1;
	v1 =	vld [tilespmem:$0x1FB60]  }
0x3f4: {  	v4 =	vor.u32 v37, v4;
	v3 =	vadd.f32 v3, v9;
	v9 =	vld [tilespmem:$0x1FEB0];
	_ =	sdelay $0x2  }
0x3f5: {  	v13 =	vld.idx.msk [tilespmem:v13+s22+$0x0], $0xffff  }
0x3f6: {  	v55 =	vor.u32 v5, v45;
	v11 =	vld.idx.msk [tilespmem:v11+s22+$0x0], $0xffff;
	v23 =	vor.u32 v26, v1;
	v1 =	vmul.f32 $8.000000000e+00, v14  }
0x3f7: {  	v5 =	vor.u32 v26, v32;
	v16 =	vor.u32 v37, v34;
	v10 =	vld.idx.msk [tilespmem:v4+s22+$0x0], $0xffff;
	v14 =	vor.u32 v9, v59  }
0x3f8: {  	v4 =	vor.u32 v26, v6;
	v45 =	vadd.f32 v1, v41;
	v1 =	vor.u32 v26, v7;
	v9 =	vld.idx.msk [tilespmem:v0+s22+$0x0], $0xffff  }
.LBB2_5:
0x3f9: {  	_ =	sdelay $0x1  }
0x3fa: {  	[tilespmem:$0x1F9D0] =	vst v31  }
0x3fb: {  	v0 =	vmul.f32 $8.000000000e+00, v53;
	v7 =	vmov v43;
	[tilespmem:v14+s9+$0x0] =	vst.idx.msk $0xffff, v45  }
0x3fc: {  	[tilespmem:$0x1F9E0] =	vst v7  }
0x3fd: {  	v0 =	vadd.f32 v0, v39;
	[tilespmem:v19+s9+$0x0] =	vst.idx.msk $0xffff, v61  }
0x3fe: {  	[tilespmem:v21+s9+$0x0] =	vst.idx.msk $0xffff, v54  }
0x3ff: {  	[tilespmem:v5+s9+$0x0] =	vst.idx.msk $0xffff, v0  }
0x400: {  	s12 =	sadd.s32 $0x8, s12;
	[tilespmem:v22+s9+$0x0] =	vst.idx.msk $0xffff, v12  }
0x401: {  	s7 =	sand.u32 $0x8, s12;
	v20 =	vmul.f32 $8.000000000e+00, v13;
	[tilespmem:v23+s9+$0x0] =	vst.idx.msk $0xffff, v8  }
0x402: {  	v16 =	vld.idx.msk [tilespmem:v16+s22+$0x0], $0xffff;
	s29 =	sor.u32 $0x7, s7;
	[tilespmem:v27+s9+$0x0] =	vst.idx.msk $0xffff, v2  }
0x403: {  	v6 =	vor.u32 v26, v46;
	v15 =	vor.u32 v26, v49;
	v34 =	vld [tilespmem:$0x1FEE0];
	v21 =	vmovc v4;
	[tilespmem:$0x1F970] =	vst v20;
	v20 =	vadd.s32 s29, v33  }
0x404: {  	v17 =	vor.u32 v26, v47;
	v48 =	vld [tilespmem:$0x1FA80];
	v18 =	vadd.s32 s7, v33;
	v13 =	vmovc v41;
	[tilespmem:$0x1F9A0] =	vst v21;
	s29 =	sand.u32 $0x30, s12;
	v21 =	vand.u32 $0xF, v20  }
0x405: {  	s16 =	sor.u32 $0x2, s7;
	v18 =	vand.u32 $0xF, v18;
	v7 =	vor.u32 v25, v59;
	v12 =	vmovc v6;
	[tilespmem:$0x1F9F0] =	vst v13;
	v21 =	vor.u32 s29, v21  }
0x406: {  	s15 =	sor.u32 $0x1, s7;
	s30 =	sor.u32 $0x5, s7;
	v19 =	vadd.s32 s16, v33;
	v8 =	vmovc v15;
	[tilespmem:$0x1F9C0] =	vst v12;
	v22 =	vand.u32 $0x7, v20;
	v12 =	vand.u32 $0x38, v21  }
0x407: {  	s16 =	sor.u32 $0x4, s7;
	v4 =	vmovc v1;
	v0 =	vadd.s32 s30, v33;
	v13 =	vadd.s32 s15, v33;
	[tilespmem:$0x1FA00] =	vst v8;
	v8 =	vor.u32 v22, v12  }
0x408: {  	v14 =	vld.idx.msk [tilespmem:v55+s22+$0x0], $0xffff;
	v2 =	vmovc v17;
	[tilespmem:$0x1FA10] =	vst v4;
	v4 =	vadd.s32 s16, v33;
	v15 =	vand.u32 $0xF, v19;
	v17 =	vor.u32 v34, v8  }
0x409: {  	[tilespmem:v24+s9+$0x0] =	vst.idx.msk $0xffff, v3;
	s15 =	sor.u32 $0x3, s7;
	s7 =	sor.u32 $0x6, s7;
	v3 =	vmovc v7;
	v31 =	vand.u32 $0x7, v19;
	v49 =	vand.u32 $0x7, v0;
	v7 =	vor.u32 v48, v8  }
0x40a: {  	v19 =	vshll.u32 v19, $0x7;
	v1 =	vadd.s32 s15, v33;
	v5 =	vadd.s32 s7, v33  }
0x40b: {  	[tilespmem:$0x1F990] =	vst v2;
	v6 =	vand.u32 $0xF, v13;
	v2 =	vand.u32 $0xF, v4;
	v30 =	vand.u32 $0x7, v13  }
0x40c: {  	v37 =	vld [tilespmem:$0x1FEF0];
	v13 =	vshll.u32 v13, $0x7;
	v19 =	vand.u32 $0x380, v19;
	v23 =	vand.u32 $0xF, v1  }
0x40d: {  	[tilespmem:$0x1FA20] =	vst v3;
	v3 =	vor.u32 s29, v6;
	v6 =	vand.u32 $0xF, v5;
	v20 =	vshll.u32 v20, $0x7;
	v17 =	vld.idx.msk [tilespmem:v17+s22+$0x0], $0xffff  }
0x40e: {  	v22 =	vor.u32 s29, v23;
	v23 =	vor.u32 s29, v6;
	v6 =	vld.idx.msk [tilespmem:v7+s18+$0x0], $0xffff;
	v7 =	vshll.u32 v21, $0x7  }
0x40f: {  	v15 =	vor.u32 s29, v15;
	v20 =	vand.u32 $0x380, v20;
	v7 =	vand.u32 $0x1C00, v7  }
0x410: {  	v2 =	vor.u32 s29, v2;
	v18 =	vor.u32 s29, v18;
	v7 =	vor.u32 v20, v7  }
0x411: {  	v32 =	vand.u32 $0x7, v1;
	v24 =	vand.u32 $0x38, v3;
	v20 =	vor.u32 v33, v7  }
0x412: {  	v60 =	vor.u32 v30, v24;
	v24 =	vor.u32 v37, v8;
	v17 =	vmul.f32 $8.000000000e+00, v17  }
0x413: {  	v50 =	vand.u32 $0x7, v5;
	v25 =	vand.u32 $0x38, v15;
	v27 =	vand.u32 $0x38, v2  }
0x414: {  	v51 =	vld [tilespmem:$0x1FA70];
	v61 =	vor.u32 v31, v25;
	v26 =	vand.u32 $0x38, v22;
	v17 =	vadd.f32 v17, v6  }
0x415: {  	v53 =	vmovc v56;
	v25 =	vor.u32 v34, v61;
	v55 =	vor.u32 v32, v26;
	v21 =	vand.u32 $0x7, v4  }
0x416: {  	v1 =	vshll.u32 v1, $0x7;
	v26 =	vor.u32 v34, v55;
	v56 =	vor.u32 v21, v27;
	[tilespmem:v20+s9+$0x0] =	vst.idx.msk $0xffff, v17  }
0x417: {  	v13 =	vand.u32 $0x380, v13;
	v54 =	vand.u32 $0x38, v18;
	v27 =	vor.u32 v34, v56;
	v24 =	vld.idx.msk [tilespmem:v24+s22+$0x0], $0xffff  }
0x418: {  	v3 =	vshll.u32 v3, $0x7;
	v15 =	vshll.u32 v15, $0x7;
	v2 =	vshll.u32 v2, $0x7  }
0x419: {  	v18 =	vshll.u32 v18, $0x7;
	v47 =	vor.u32 v54, v51;
	v12 =	vand.u32 $0xF, v0  }
0x41a: {  	v12 =	vor.u32 s29, v12;
	v29 =	vand.u32 $0x38, v23;
	v63 =	vor.u32 v36, v8;
	v25 =	vld.idx.msk [tilespmem:v25+s22+$0x0], $0xffff  }
0x41b: {  	v28 =	vand.u32 $0x38, v12;
	v26 =	vld.idx.msk [tilespmem:v26+s22+$0x0], $0xffff;
	v62 =	vor.u32 v35, v7;
	v20 =	vor.u32 v48, v60  }
0x41c: {  	[tilespmem:$0x1F9B0] =	vst v57;
	v58 =	vor.u32 v50, v29;
	v57 =	vor.u32 v49, v28;
	v27 =	vld.idx.msk [tilespmem:v27+s22+$0x0], $0xffff;
	v24 =	vmul.f32 $8.000000000e+00, v24  }
0x41d: {  	v40 =	vld [tilespmem:$0x1FF00];
	v3 =	vand.u32 $0x1C00, v3;
	v29 =	vor.u32 v34, v58;
	v28 =	vor.u32 v34, v57  }
0x41e: {  	v21 =	vor.u32 v34, v60;
	v34 =	vshll.u32 v5, $0x7;
	v17 =	vld [tilespmem:$0x1FF80];
	v5 =	vadd.f32 v24, v6  }
0x41f: {  	v42 =	vld [tilespmem:$0x1FF10];
	v15 =	vand.u32 $0x1C00, v15;
	v59 =	vand.u32 $0x1C00, v18;
	v52 =	vor.u32 v48, v58  }
0x420: {  	v30 =	vor.u32 v48, v61;
	v0 =	vshll.u32 v0, $0x7;
	v39 =	vld.idx.msk [tilespmem:v20+s18+$0x0], $0xffff;
	v20 =	vmul.f32 $8.000000000e+00, v25;
	[tilespmem:v62+s9+$0x0] =	vst.idx.msk $0xffff, v5  }
0x421: {  	v22 =	vshll.u32 v22, $0x7;
	v25 =	vmul.f32 $8.000000000e+00, v26;
	v26 =	vmul.f32 $8.000000000e+00, v27;
	v27 =	vld.idx.msk [tilespmem:v63+s22+$0x0], $0xffff  }
0x422: {  	v23 =	vshll.u32 v23, $0x7;
	v0 =	vand.u32 $0x380, v0;
	v41 =	vor.u32 v48, v57;
	v29 =	vld.idx.msk [tilespmem:v29+s22+$0x0], $0xffff  }
0x423: {  	v12 =	vshll.u32 v12, $0x7;
	v22 =	vand.u32 $0x1C00, v22;
	v21 =	vld.idx.msk [tilespmem:v21+s22+$0x0], $0xffff;
	v17 =	vor.u32 v17, v54  }
0x424: {  	v23 =	vand.u32 $0x1C00, v23;
	v31 =	vor.u32 v48, v55;
	v12 =	vand.u32 $0x1C00, v12;
	v43 =	vld.idx.msk [tilespmem:v52+s18+$0x0], $0xffff  }
0x425: {  	v49 =	vor.u32 v0, v12;
	v4 =	vshll.u32 v4, $0x7;
	v28 =	vld.idx.msk [tilespmem:v28+s22+$0x0], $0xffff;
	v0 =	vor.u32 v40, v7  }
0x426: {  	v32 =	vor.u32 v48, v56;
	v24 =	vand.u32 $0x1C00, v2;
	v2 =	vld.idx.msk [tilespmem:v30+s18+$0x0], $0xffff;
	v12 =	vmul.f32 $8.000000000e+00, v27  }
0x427: {  	[tilespmem:$0x1F980] =	vst v38;
	v38 =	vand.u32 $0x380, v34;
	v30 =	vand.u32 $0x380, v1;
	v1 =	vor.u32 v13, v3;
	v3 =	vld.idx.msk [tilespmem:v41+s18+$0x0], $0xffff  }
0x428: {  	v34 =	vor.u32 v36, v56;
	v21 =	vmul.f32 $8.000000000e+00, v21;
	v17 =	vld.idx.msk [tilespmem:v17+s22+$0x0], $0xffff;
	v12 =	vadd.f32 v12, v6  }
0x429: {  	v41 =	vld.idx.msk [tilespmem:v47+s18+$0x0], $0xffff;
	v47 =	vor.u32 v38, v23;
	v38 =	vor.u32 v36, v58;
	v18 =	vor.u32 v33, v1  }
0x42a: {  	v29 =	vmul.f32 $8.000000000e+00, v29;
	v62 =	vor.u32 v19, v15;
	v19 =	vor.u32 v42, v8;
	[tilespmem:v0+s9+$0x0] =	vst.idx.msk $0xffff, v12;
	v12 =	vld [tilespmem:$0x1FF90]  }
0x42b: {  	v5 =	vld.idx.msk [tilespmem:v31+s18+$0x0], $0xffff;
	v31 =	vand.u32 $0x380, v4;
	v13 =	vadd.f32 v21, v39;
	v63 =	vor.u32 v30, v22  }
0x42c: {  	v4 =	vld.idx.msk [tilespmem:v32+s18+$0x0], $0xffff;
	v46 =	vor.u32 v31, v24;
	v21 =	vor.u32 v33, v62;
	v23 =	vor.u32 v33, v63  }
0x42d: {  	v50 =	vld [tilespmem:$0x1FF60];
	v24 =	vor.u32 v33, v46;
	v15 =	vadd.f32 v20, v2;
	v17 =	vmul.f32 $8.000000000e+00, v17  }
0x42e: {  	v48 =	vld [tilespmem:$0x1FF50];
	[tilespmem:v18+s9+$0x0] =	vst.idx.msk $0xffff, v13;
	v18 =	vor.u32 v37, v60;
	v27 =	vadd.f32 v29, v43  }
0x42f: {  	v29 =	vor.u32 v37, v61;
	v0 =	vadd.f32 v17, v41;
	v19 =	vld.idx.msk [tilespmem:v19+s22+$0x0], $0xffff;
	v17 =	vor.u32 v12, v59  }
0x430: {  	v52 =	vor.u32 v40, v1;
	v20 =	vadd.f32 v25, v5;
	v12 =	vmul.f32 $8.000000000e+00, v9;
	v9 =	vld [tilespmem:$0x1FFA0]  }
0x431: {  	v28 =	vmul.f32 $8.000000000e+00, v28;
	v22 =	vadd.f32 v26, v4;
	[tilespmem:v21+s9+$0x0] =	vst.idx.msk $0xffff, v15;
	v15 =	vor.u32 v37, v55  }
0x432: {  	v32 =	vor.u32 v36, v55;
	v13 =	vmul.f32 $8.000000000e+00, v11;
	v26 =	vor.u32 v33, v49;
	[tilespmem:v23+s9+$0x0] =	vst.idx.msk $0xffff, v20  }
0x433: {  	v20 =	vor.u32 v37, v57;
	[tilespmem:v24+s9+$0x0] =	vst.idx.msk $0xffff, v22;
	v22 =	vor.u32 v48, v7;
	v18 =	vld.idx.msk [tilespmem:v18+s22+$0x0], $0xffff  }
0x434: {  	v11 =	vmul.f32 $8.000000000e+00, v16;
	v24 =	vor.u32 v50, v8;
	v19 =	vmul.f32 $8.000000000e+00, v19;
	[tilespmem:v17+s9+$0x0] =	vst.idx.msk $0xffff, v0;
	v0 =	vld.idx.msk [tilespmem:v29+s22+$0x0], $0xffff  }
0x435: {  	v25 =	vadd.f32 v28, v3;
	v28 =	vor.u32 v33, v47;
	v16 =	vor.u32 v9, v54;
	v9 =	vld [tilespmem:$0x1FFB0]  }
0x436: {  	v30 =	vor.u32 v35, v1;
	v23 =	vor.u32 v37, v58;
	v15 =	vld.idx.msk [tilespmem:v15+s22+$0x0], $0xffff;
	v19 =	vadd.f32 v19, v6  }
0x437: {  	v45 =	vmul.f32 $8.000000000e+00, v14;
	v14 =	vor.u32 v35, v62;
	v21 =	vor.u32 v37, v56;
	[tilespmem:v26+s9+$0x0] =	vst.idx.msk $0xffff, v25  }
0x438: {  	v31 =	vor.u32 v36, v61;
	v33 =	vor.u32 v40, v62;
	v20 =	vld.idx.msk [tilespmem:v20+s22+$0x0], $0xffff;
	[tilespmem:v22+s9+$0x0] =	vst.idx.msk $0xffff, v19  }
0x439: {  	v37 =	vor.u32 v40, v49;
	v18 =	vmul.f32 $8.000000000e+00, v18;
	v29 =	vor.u32 v36, v60;
	v24 =	vld.idx.msk [tilespmem:v24+s22+$0x0], $0xffff  }
0x43a: {  	[tilespmem:v28+s9+$0x0] =	vst.idx.msk $0xffff, v27;
	v25 =	vor.u32 v35, v46;
	v28 =	vor.u32 v9, v59;
	v9 =	vld [tilespmem:$0x1FFC0];
	v0 =	vmul.f32 $8.000000000e+00, v0  }
0x43b: {  	v23 =	vld.idx.msk [tilespmem:v23+s22+$0x0], $0xffff;
	v18 =	vadd.f32 v18, v39;
	v15 =	vmul.f32 $8.000000000e+00, v15;
	v17 =	vor.u32 v35, v63  }
0x43c: {  	v26 =	vor.u32 v35, v49;
	v27 =	vor.u32 v35, v47;
	v21 =	vld.idx.msk [tilespmem:v21+s22+$0x0], $0xffff;
	v0 =	vadd.f32 v0, v2  }
0x43d: {  	v44 =	vld [tilespmem:$0x1FF20];
	[tilespmem:v30+s9+$0x0] =	vst.idx.msk $0xffff, v18;
	v15 =	vadd.f32 v15, v5;
	v22 =	vor.u32 v36, v57  }
0x43e: {  	v18 =	vmul.f32 $8.000000000e+00, v20;
	v35 =	vor.u32 v40, v63;
	[tilespmem:v14+s9+$0x0] =	vst.idx.msk $0xffff, v0;
	v14 =	vmul.f32 $8.000000000e+00, v24;
	v24 =	vld.idx.msk [tilespmem:v29+s22+$0x0], $0xffff  }
0x43f: {  	v36 =	vor.u32 v40, v46;
	v19 =	vor.u32 v9, v54;
	v9 =	vor.u32 v40, v47;
	v40 =	vld [tilespmem:$0x1FE60]  }
0x440: {  	[tilespmem:v17+s9+$0x0] =	vst.idx.msk $0xffff, v15;
	v15 =	vadd.f32 v18, v3;
	v17 =	vmul.f32 $8.000000000e+00, v23  }
0x441: {  	v21 =	vmul.f32 $8.000000000e+00, v21  }
0x442: {  	v20 =	vor.u32 v44, v7;
	v16 =	vld.idx.msk [tilespmem:v16+s22+$0x0], $0xffff;
	[tilespmem:v26+s9+$0x0] =	vst.idx.msk $0xffff, v15;
	v15 =	vadd.f32 v17, v43  }
0x443: {  	v23 =	vld.idx.msk [tilespmem:v32+s22+$0x0], $0xffff;
	v0 =	vadd.f32 v21, v4  }
0x444: {  	[tilespmem:v27+s9+$0x0] =	vst.idx.msk $0xffff, v15;
	v18 =	vld.idx.msk [tilespmem:v31+s22+$0x0], $0xffff;
	v24 =	vmul.f32 $8.000000000e+00, v24;
	v21 =	vor.u32 v40, v8  }
0x445: {  	v27 =	vld.idx.msk [tilespmem:v38+s22+$0x0], $0xffff;
	[tilespmem:v25+s9+$0x0] =	vst.idx.msk $0xffff, v0;
	v0 =	vadd.f32 v14, v6  }
0x446: {  	v38 =	vld [tilespmem:$0x1FE70];
	v24 =	vadd.f32 v24, v39  }
0x447: {  	v16 =	vmul.f32 $8.000000000e+00, v16;
	v25 =	vld.idx.msk [tilespmem:v34+s22+$0x0], $0xffff;
	[tilespmem:v20+s9+$0x0] =	vst.idx.msk $0xffff, v0  }
0x448: {  	v30 =	vor.u32 v48, v62;
	v17 =	vor.u32 v42, v60;
	[tilespmem:v52+s9+$0x0] =	vst.idx.msk $0xffff, v24;
	v52 =	vld [tilespmem:$0x1FE80]  }
0x449: {  	v23 =	vmul.f32 $8.000000000e+00, v23;
	v16 =	vadd.f32 v16, v41;
	v20 =	vor.u32 v42, v55;
	v15 =	vld.idx.msk [tilespmem:v21+s22+$0x0], $0xffff  }
0x44a: {  	v29 =	vor.u32 v48, v1;
	v0 =	vor.u32 v42, v61;
	v18 =	vmul.f32 $8.000000000e+00, v18;
	v21 =	vld.idx.msk [tilespmem:v22+s22+$0x0], $0xffff  }
0x44b: {  	v14 =	vld [tilespmem:$0x1FFD0];
	v23 =	vadd.f32 v23, v5;
	[tilespmem:v28+s9+$0x0] =	vst.idx.msk $0xffff, v16;
	v16 =	vor.u32 v42, v56  }
0x44c: {  	v28 =	vor.u32 v42, v58;
	v19 =	vld.idx.msk [tilespmem:v19+s22+$0x0], $0xffff;
	v18 =	vadd.f32 v18, v2;
	v25 =	vmul.f32 $8.000000000e+00, v25  }
0x44d: {  	v26 =	vld [tilespmem:$0x1FFE0];
	[tilespmem:v35+s9+$0x0] =	vst.idx.msk $0xffff, v23;
	v23 =	vmul.f32 $8.000000000e+00, v27;
	v22 =	vor.u32 v42, v57;
	v42 =	vor.u32 v38, v7  }
0x44e: {  	v20 =	vld.idx.msk [tilespmem:v20+s22+$0x0], $0xffff;
	[tilespmem:v33+s9+$0x0] =	vst.idx.msk $0xffff, v18;
	v18 =	vadd.f32 v25, v4;
	v15 =	vmul.f32 $8.000000000e+00, v15  }
0x44f: {  	v23 =	vadd.f32 v23, v43;
	v17 =	vld.idx.msk [tilespmem:v17+s22+$0x0], $0xffff;
	v24 =	vor.u32 v52, v8;
	v21 =	vmul.f32 $8.000000000e+00, v21  }
0x450: {  	v31 =	vor.u32 v48, v63;
	v0 =	vld.idx.msk [tilespmem:v0+s22+$0x0], $0xffff;
	[tilespmem:v36+s9+$0x0] =	vst.idx.msk $0xffff, v18;
	v15 =	vadd.f32 v15, v6  }
0x451: {  	v14 =	vor.u32 v14, v59;
	[tilespmem:v9+s9+$0x0] =	vst.idx.msk $0xffff, v23;
	v16 =	vld.idx.msk [tilespmem:v16+s22+$0x0], $0xffff;
	v18 =	vadd.f32 v21, v3  }
0x452: {  	v26 =	vor.u32 v26, v54;
	v9 =	vor.u32 v48, v47;
	v19 =	vmul.f32 $8.000000000e+00, v19;
	[tilespmem:v42+s9+$0x0] =	vst.idx.msk $0xffff, v15;
	v42 =	vld [tilespmem:$0x1FE90]  }
0x453: {  	v21 =	vor.u32 v48, v46;
	[tilespmem:v37+s9+$0x0] =	vst.idx.msk $0xffff, v18;
	v18 =	vor.u32 v48, v49;
	v48 =	vld [tilespmem:$0x1FEA0]  }
0x454: {  	v15 =	vadd.f32 v19, v41;
	v19 =	vld.idx.msk [tilespmem:v24+s22+$0x0], $0xffff  }
0x455: {  	v0 =	vmul.f32 $8.000000000e+00, v0;
	v22 =	vld.idx.msk [tilespmem:v22+s22+$0x0], $0xffff  }
0x456: {  	v27 =	vor.u32 v50, v56;
	v24 =	vld [tilespmem:$0x1FF40];
	[tilespmem:v14+s9+$0x0] =	vst.idx.msk $0xffff, v15;
	v14 =	vmul.f32 $8.000000000e+00, v17  }
0x457: {  	v20 =	vmul.f32 $8.000000000e+00, v20;
	v0 =	vadd.f32 v0, v2;
	v16 =	vmul.f32 $8.000000000e+00, v16;
	v17 =	vld.idx.msk [tilespmem:v28+s22+$0x0], $0xffff  }
0x458: {  	v15 =	vor.u32 v50, v60;
	v23 =	vld.idx.msk [tilespmem:v26+s22+$0x0], $0xffff;
	v14 =	vadd.f32 v14, v39;
	v28 =	vor.u32 v42, v7  }
0x459: {  	[tilespmem:v30+s9+$0x0] =	vst.idx.msk $0xffff, v0;
	v0 =	vadd.f32 v16, v4;
	v8 =	vor.u32 v48, v8;
	v19 =	vmul.f32 $8.000000000e+00, v19  }
0x45a: {  	v25 =	vor.u32 v50, v61;
	[tilespmem:v29+s9+$0x0] =	vst.idx.msk $0xffff, v14;
	v14 =	vadd.f32 v20, v5;
	v16 =	vmul.f32 $8.000000000e+00, v22  }
0x45b: {  	v26 =	vor.u32 v50, v55;
	[tilespmem:v21+s9+$0x0] =	vst.idx.msk $0xffff, v0;
	v19 =	vadd.f32 v19, v6  }
0x45c: {  	v37 =	vld [tilespmem:$0x1FE10];
	v24 =	vor.u32 v24, v59;
	[tilespmem:v31+s9+$0x0] =	vst.idx.msk $0xffff, v14;
	v14 =	vmul.f32 $8.000000000e+00, v17;
	v0 =	vadd.f32 v16, v3  }
0x45d: {  	v21 =	vor.u32 v44, v62;
	v15 =	vld.idx.msk [tilespmem:v15+s22+$0x0], $0xffff;
	v22 =	vmul.f32 $8.000000000e+00, v23;
	[tilespmem:v28+s9+$0x0] =	vst.idx.msk $0xffff, v19  }
0x45e: {  	v20 =	vor.u32 v50, v57;
	v14 =	vadd.f32 v14, v43;
	[tilespmem:v18+s9+$0x0] =	vst.idx.msk $0xffff, v0;
	v0 =	vld.idx.msk [tilespmem:v8+s22+$0x0], $0xffff  }
0x45f: {  	v17 =	vor.u32 v50, v58;
	v16 =	vor.u32 v44, v1;
	v19 =	vadd.f32 v22, v41;
	v8 =	vld.idx.msk [tilespmem:v25+s22+$0x0], $0xffff  }
0x460: {  	v18 =	vor.u32 v44, v63;
	v22 =	vor.u32 v44, v46;
	[tilespmem:v9+s9+$0x0] =	vst.idx.msk $0xffff, v14;
	v9 =	vld.idx.msk [tilespmem:v26+s22+$0x0], $0xffff  }
0x461: {  	[tilespmem:v24+s9+$0x0] =	vst.idx.msk $0xffff, v19;
	v14 =	vor.u32 v44, v49;
	v19 =	vor.u32 v44, v47;
	v44 =	vld [tilespmem:$0x1FED0]  }
0x462: {  	v51 =	vld [tilespmem:$0x1FE30];
	v23 =	vor.u32 v37, v54  }
0x463: {  	v20 =	vld.idx.msk [tilespmem:v20+s22+$0x0], $0xffff  }
0x464: {  	v27 =	vld.idx.msk [tilespmem:v27+s22+$0x0], $0xffff;
	v28 =	vor.u32 v40, v55;
	v15 =	vmul.f32 $8.000000000e+00, v15  }
0x465: {  	v34 =	vld [tilespmem:$0x1FE20];
	v25 =	vor.u32 v40, v60;
	v0 =	vmul.f32 $8.000000000e+00, v0;
	v8 =	vmul.f32 $8.000000000e+00, v8  }
0x466: {  	v17 =	vld.idx.msk [tilespmem:v17+s22+$0x0], $0xffff;
	v15 =	vadd.f32 v15, v39;
	v7 =	vor.u32 v44, v7;
	v9 =	vmul.f32 $8.000000000e+00, v9  }
0x467: {  	v26 =	vor.u32 v40, v61;
	v23 =	vld.idx.msk [tilespmem:v23+s22+$0x0], $0xffff;
	v0 =	vadd.f32 v0, v6;
	v6 =	vadd.f32 v8, v2  }
0x468: {  	v32 =	vor.u32 v51, v54;
	[tilespmem:v16+s9+$0x0] =	vst.idx.msk $0xffff, v15;
	v20 =	vmul.f32 $8.000000000e+00, v20;
	v9 =	vadd.f32 v9, v5  }
0x469: {  	v35 =	vld [tilespmem:$0x1FE40];
	v30 =	vor.u32 v40, v57;
	v29 =	vor.u32 v40, v56;
	v8 =	vmul.f32 $8.000000000e+00, v27;
	[tilespmem:v21+s9+$0x0] =	vst.idx.msk $0xffff, v6  }
0x46a: {  	v24 =	vor.u32 v34, v59;
	v16 =	vld.idx.msk [tilespmem:v25+s22+$0x0], $0xffff;
	[tilespmem:v18+s9+$0x0] =	vst.idx.msk $0xffff, v9;
	v9 =	vadd.f32 v20, v3  }
0x46b: {  	[tilespmem:v7+s9+$0x0] =	vst.idx.msk $0xffff, v0;
	v0 =	vadd.f32 v8, v4;
	v7 =	vmul.f32 $8.000000000e+00, v17;
	v18 =	vld.idx.msk [tilespmem:v28+s22+$0x0], $0xffff  }
0x46c: {  	v31 =	vor.u32 v40, v58;
	v8 =	vmul.f32 $8.000000000e+00, v23;
	v17 =	vld.idx.msk [tilespmem:v26+s22+$0x0], $0xffff;
	[tilespmem:v14+s9+$0x0] =	vst.idx.msk $0xffff, v9  }
0x46d: {  	v33 =	vor.u32 v38, v1;
	v20 =	vld [tilespmem:$0x1FF30];
	[tilespmem:v22+s9+$0x0] =	vst.idx.msk $0xffff, v0;
	v0 =	vadd.f32 v7, v43  }
0x46e: {  	v40 =	vor.u32 v38, v62;
	v44 =	vor.u32 v38, v63;
	v8 =	vadd.f32 v8, v41;
	v22 =	vld.idx.msk [tilespmem:v30+s22+$0x0], $0xffff  }
0x46f: {  	v9 =	vor.u32 v52, v60;
	v21 =	vld.idx.msk [tilespmem:v29+s22+$0x0], $0xffff;
	[tilespmem:v19+s9+$0x0] =	vst.idx.msk $0xffff, v0;
	v0 =	vmul.f32 $8.000000000e+00, v16  }
0x470: {  	v15 =	vor.u32 v38, v46;
	v26 =	vld [tilespmem:$0x1FFF0];
	[tilespmem:v24+s9+$0x0] =	vst.idx.msk $0xffff, v8;
	v8 =	vor.u32 v52, v55;
	v18 =	vmul.f32 $8.000000000e+00, v18  }
0x471: {  	v14 =	vor.u32 v52, v61;
	v16 =	vld.idx.msk [tilespmem:v31+s22+$0x0], $0xffff;
	v17 =	vmul.f32 $8.000000000e+00, v17;
	v0 =	vadd.f32 v0, v39  }
0x472: {  	v25 =	vor.u32 v52, v58;
	v6 =	vor.u32 v38, v49;
	v19 =	vld.idx.msk [tilespmem:v32+s22+$0x0], $0xffff;
	v18 =	vadd.f32 v18, v5  }
0x473: {  	v36 =	vld [tilespmem:$0x1FE50];
	v24 =	vor.u32 v52, v57;
	v22 =	vmul.f32 $8.000000000e+00, v22;
	[tilespmem:v33+s9+$0x0] =	vst.idx.msk $0xffff, v0;
	v0 =	vadd.f32 v17, v2  }
0x474: {  	v23 =	vor.u32 v52, v56;
	v21 =	vmul.f32 $8.000000000e+00, v21;
	v9 =	vld.idx.msk [tilespmem:v9+s22+$0x0], $0xffff;
	[tilespmem:v44+s9+$0x0] =	vst.idx.msk $0xffff, v18  }
0x475: {  	v7 =	vor.u32 v38, v47;
	v18 =	vadd.f32 v22, v3;
	[tilespmem:v40+s9+$0x0] =	vst.idx.msk $0xffff, v0;
	v8 =	vld.idx.msk [tilespmem:v8+s22+$0x0], $0xffff  }
0x476: {  	v20 =	vor.u32 v20, v59;
	v0 =	vadd.f32 v21, v4;
	v16 =	vmul.f32 $8.000000000e+00, v16;
	v30 =	vld.idx.msk [tilespmem:v14+s22+$0x0], $0xffff  }
0x477: {  	v26 =	vor.u32 v26, v54;
	v19 =	vmul.f32 $8.000000000e+00, v19;
	v14 =	vld [tilespmem:$0x1FEB0];
	[tilespmem:v6+s9+$0x0] =	vst.idx.msk $0xffff, v18  }
0x478: {  	[tilespmem:v15+s9+$0x0] =	vst.idx.msk $0xffff, v0;
	v0 =	vadd.f32 v16, v43;
	v22 =	vld.idx.msk [tilespmem:v24+s22+$0x0], $0xffff  }
0x479: {  	v16 =	vadd.f32 v19, v41;
	v19 =	vld.idx.msk [tilespmem:v23+s22+$0x0], $0xffff  }
0x47a: {  	v27 =	vor.u32 v42, v1;
	v23 =	vor.u32 v48, v56;
	v56 =	vmov v5;
	v5 =	vld [tilespmem:$0x1F9B0];
	[tilespmem:v7+s9+$0x0] =	vst.idx.msk $0xffff, v0  }
0x47b: {  	[tilespmem:v20+s9+$0x0] =	vst.idx.msk $0xffff, v16;
	v0 =	vmul.f32 $8.000000000e+00, v9;
	v9 =	vld.idx.msk [tilespmem:v25+s22+$0x0], $0xffff  }
0x47c: {  	v20 =	vld.idx.msk [tilespmem:v26+s22+$0x0], $0xffff  }
0x47d: {  	v25 =	vld [tilespmem:$0x1FF70];
	v0 =	vadd.f32 v0, v39  }
0x47e: {  	v6 =	vor.u32 v48, v60;
	v26 =	vld [tilespmem:$0x1F970]  }
0x47f: {  	v17 =	vor.u32 v42, v63;
	v8 =	vmul.f32 $8.000000000e+00, v8;
	[tilespmem:v27+s9+$0x0] =	vst.idx.msk $0xffff, v0;
	v27 =	vld [tilespmem:$0x1F990]  }
0x480: {  	v38 =	vmov v2;
	v7 =	vor.u32 v48, v55;
	v2 =	vmul.f32 $8.000000000e+00, v19;
	v19 =	vld [tilespmem:$0x1F9A0]  }
0x481: {  	v10 =	vmul.f32 $8.000000000e+00, v10;
	v12 =	vadd.f32 v12, v5;
	v5 =	vadd.f32 v8, v56;
	v8 =	vld [tilespmem:$0x1F9D0]  }
0x482: {  	v55 =	vor.u32 v25, v54;
	v25 =	vmul.f32 $8.000000000e+00, v30;
	v30 =	vld [tilespmem:$0x1F980]  }
0x483: {  	v28 =	vor.u32 v42, v62;
	v54 =	vadd.f32 v10, v53;
	v53 =	vld.idx.msk [tilespmem:v6+s22+$0x0], $0xffff  }
0x484: {  	v21 =	vor.u32 v42, v49;
	v6 =	vmul.f32 $8.000000000e+00, v22;
	v22 =	vld [tilespmem:$0x1F9C0];
	[tilespmem:v17+s9+$0x0] =	vst.idx.msk $0xffff, v5  }
0x485: {  	v10 =	vld.idx.msk [tilespmem:v7+s22+$0x0], $0xffff  }
0x486: {  	v29 =	vor.u32 v42, v46;
	v18 =	vor.u32 v48, v61;
	v0 =	vadd.f32 v25, v38;
	v25 =	vld [tilespmem:$0x1FEC0]  }
0x487: {  	v31 =	vmovc v3;
	v24 =	vor.u32 v48, v57;
	v57 =	vmov v4;
	v6 =	vadd.f32 v6, v3;
	v3 =	vld [tilespmem:$0x1F9F0]  }
0x488: {  	[tilespmem:v28+s9+$0x0] =	vst.idx.msk $0xffff, v0;
	v0 =	vadd.f32 v2, v57;
	v2 =	vld [tilespmem:$0x1F9E0]  }
0x489: {  	v15 =	vor.u32 v42, v47;
	v4 =	vmul.f32 $8.000000000e+00, v9;
	[tilespmem:v21+s9+$0x0] =	vst.idx.msk $0xffff, v6;
	v21 =	vld [tilespmem:$0x1FA10]  }
0x48a: {  	p0 =	slt.u32 s12, $0x38;
	v9 =	vmul.f32 $8.000000000e+00, v20;
	v61 =	vadd.f32 v26, v30;
	v26 =	vld [tilespmem:$0x1FED0]  }
.Ltmp1:
0x48b: {  	v8 =	vadd.f32 v13, v8;
	v13 =	vld.idx.msk [tilespmem:v18+s22+$0x0], $0xffff;
	[tilespmem:v29+s9+$0x0] =	vst.idx.msk $0xffff, v0;
	v0 =	vadd.f32 v4, v43;
	(pc) =	sbr.rel @p0 .LBB2_5-.Ltmp1, $4  }
0x48c: {  	v3 =	vadd.f32 v45, v3;
	v45 =	vadd.f32 v9, v41;
	v9 =	vld.idx.msk [tilespmem:v23+s22+$0x0], $0xffff  }
0x48d: {  	v16 =	vor.u32 v48, v58;
	v23 =	vld [tilespmem:$0x1FA00]  }
0x48e: {  	v33 =	vlaneseq.u32;
	v14 =	vor.u32 v14, v59;
	[tilespmem:v15+s9+$0x0] =	vst.idx.msk $0xffff, v0;
	v2 =	vadd.f32 v11, v2;
	v11 =	vld.idx.msk [tilespmem:v24+s22+$0x0], $0xffff  }
0x48f: {  	v50 =	vmovc v34;
	v24 =	vld [tilespmem:$0x1FA20];
	v5 =	vor.u32 v26, v1;
	v4 =	vor.u32 v26, v62;
	v1 =	vor.u32 v26, v63  }
0x490: {  	_ =	sdelay $0x3  }
0x491: {  	v0 =	vmul.f32 $8.000000000e+00, v53;
	[tilespmem:v14+s9+$0x0] =	vst.idx.msk $0xffff, v45  }
0x492: {  	[tilespmem:v19+s9+$0x0] =	vst.idx.msk $0xffff, v61  }
0x493: {  	[tilespmem:v21+s9+$0x0] =	vst.idx.msk $0xffff, v54;
	v0 =	vadd.f32 v0, v39  }
0x494: {  	v6 =	vld.idx.msk [tilespmem:v16+s22+$0x0], $0xffff;
	v7 =	vor.u32 v26, v46;
	[tilespmem:v27+s9+$0x0] =	vst.idx.msk $0xffff, v2  }
0x495: {  	v2 =	vmul.f32 $8.000000000e+00, v9;
	[tilespmem:v5+s9+$0x0] =	vst.idx.msk $0xffff, v0;
	v0 =	vld.idx.msk [tilespmem:v55+s22+$0x0], $0xffff  }
0x496: {  	[tilespmem:v23+s9+$0x0] =	vst.idx.msk $0xffff, v8;
	v8 =	vmul.f32 $8.000000000e+00, v10  }
0x497: {  	[tilespmem:v22+s9+$0x0] =	vst.idx.msk $0xffff, v12;
	v10 =	vor.u32 v26, v49;
	v2 =	vadd.f32 v2, v57;
	v5 =	vmul.f32 $8.000000000e+00, v13  }
0x498: {  	v9 =	vor.u32 v26, v47;
	[tilespmem:v24+s9+$0x0] =	vst.idx.msk $0xffff, v3;
	v3 =	vmul.f32 $8.000000000e+00, v11;
	v8 =	vadd.f32 v8, v56  }
0x499: {  	v11 =	vor.u32 v25, v59;
	v6 =	vmul.f32 $8.000000000e+00, v6;
	[tilespmem:v7+s9+$0x0] =	vst.idx.msk $0xffff, v2;
	v5 =	vadd.f32 v5, v38  }
0x49a: {  	v3 =	vadd.f32 v3, v31;
	[tilespmem:v1+s9+$0x0] =	vst.idx.msk $0xffff, v8;
	v0 =	vmul.f32 $8.000000000e+00, v0  }
0x49b: {  	v1 =	vadd.f32 v6, v43;
	[tilespmem:v4+s9+$0x0] =	vst.idx.msk $0xffff, v5  }
0x49c: {  	[tilespmem:v10+s9+$0x0] =	vst.idx.msk $0xffff, v3;
	v0 =	vadd.f32 v0, v41  }
0x49d: {  	p0 =	seq.s32 s23, $0x31;
	[tilespmem:v9+s9+$0x0] =	vst.idx.msk $0xffff, v1  }
0x49e: {  	s7 =	simm.s32 @p0 $0x400;
	[tilespmem:v11+s9+$0x0] =	vst.idx.msk $0xffff, v0  }
0x49f: {  	s12 =	simm.s32 @p0 $0x8000;
	s15 =	simm.s32 @p0 $0xA200;
	s16 =	rddreg [dreg:$0xa]  }
0x4a0: {  	[hbm4b:s16+s7] =	stream.strided.scatter @p0 [tilespmem:s15], [sflag:$0x6], $0x2000, s12, s7, $0x38;
	[tilespmem:$0x13400] =	vst v63  }
0x4a1: {  	s12 =	sshll.u32 @!p0 s23, $0xE;
	s7 =	rddreg [dreg:$0x7]  }
0x4a2: {  	s7 =	sadd.s32 @!p0 s7, s12  }
0x4a3: {  	s7 =	sshrl.u32 @!p0 s7, $0x3  }
0x4a4: {  	s15 =	simm.s32 @!p0 $0x0;
	s7 =	sadd.s32 @!p0 s4, s7  }
0x4a5: {  	[tilespmem:s15], [sflag:$0x9] =	stream.linear.gather @!p0 [hbm4b:s7+s15], $0x80, $0x38;
	[tilespmem:$0x13400] =	vst v63  }
0x4a6: {  	v0 =	vld [tilespmem:$0x1FE00];
	s7 =	sshll.u32 @!p0 s13, $0x12  }
0x4a7: {  	s7 =	sor.u32 @!p0 s14, s7  }
0x4a8: {  	s30 =	sshll.u32 s11, $0x6;
	s29 =	simm.s32 @!p0 $0xA200;
	s7 =	sshrl.u32 @!p0 s7, $0x3  }
0x4a9: {  	s16 =	simm.s32 @!p0 $0x8000;
	s13 =	simm.s32 @!p0 $0x400;
	s7 =	sadd.s32 @!p0 s1, s7  }
0x4aa: {  	[hbm4b:s7+s13] =	stream.strided.scatter @!p0 [tilespmem:s29], [sflag:$0x6], $0x2000, s16, s13, $0x38;
	[tilespmem:$0x13400] =	vst v63  }
0x4ab: {  	v39 =	vor.u32 s30, v0;
	s7 =	simm.s32 $0x0  }
0x4ac: {  	[tilespmem:$0x1F870] =	vst v39;
	s29 =	simm.s32 @!p0 $0x5;
	s16 =	sand.u32 $0x8, s7  }
0x4ad: {  	_ =	swait.ge @!p0 [sflag:s29], $0x2000;
	s13 =	sor.u32 $0x1, s16  }
0x4ae: {  	v34 =	vmov s30;
	s30 =	sor.u32 $0x7, s16;
	[sflag:s29] =	ssyncset.done @!p0 $0x0;
	v4 =	vadd.s32 s13, v33;
	s13 =	sor.u32 $0x2, s16  }
0x4af: {  	v1 =	vadd.s32 s30, v33;
	s30 =	sor.u32 $0x3, s16;
	[sflag:s29] =	ssyncadd.s32 @!p0 $0xFFFFE000;
	v5 =	vadd.s32 s13, v33;
	s13 =	sor.u32 $0x4, s16  }
0x4b0: {  	v0 =	vadd.s32 s16, v33;
	v7 =	vadd.s32 s30, v33;
	s30 =	sor.u32 $0x5, s16;
	v8 =	vadd.s32 s13, v33;
	s13 =	sor.u32 $0x6, s16;
	s16 =	simm.s32 @!p0 $0x9  }
0x4b1: {  	_ =	swait.ge @!p0 [sflag:s16], $0x80  }
0x4b2: {  	v59 =	vld [tilespmem:$0x1FEE0]  }
0x4b3: {  	s7 =	sand.u32 $0x30, s7;
	v2 =	vand.u32 $0xF, v1  }
0x4b4: {  	v2 =	vor.u32 s7, v2  }
0x4b5: {  	v11 =	vand.u32 $0x7, v1;
	v6 =	vand.u32 $0x38, v2  }
0x4b6: {  	v0 =	vand.u32 $0xF, v0;
	v3 =	vand.u32 $0xF, v4;
	[sflag:s16] =	ssyncset.done @!p0 $0x0;
	v6 =	vor.u32 v11, v6  }
0x4b7: {  	v0 =	vor.u32 s7, v0;
	v10 =	vadd.s32 s13, v33;
	s13 =	simm.s32 @!p0 $0x80;
	[sflag:s16] =	ssyncadd.s32 @!p0 $0xFFFFFF80;
	s16 =	simm.s32 @!p0 $0x200;
	v15 =	vor.u32 v59, v6  }
0x4b8: {  	v24 =	vand.u32 $0x7, v4;
	v27 =	vshll.u32 v1, $0x7;
	v57 =	vshll.u32 v4, $0x7;
	[tilespmem:s16], [sflag:$0x1] =	stream.indirect.gather @!p0 [hbm4b:s5+s13], $0x40, s15, s13, $0xb8;
	[tilespmem:$0x13400] =	vst v63  }
0x4b9: {  	v9 =	vadd.s32 s30, v33;
	v12 =	vand.u32 $0xF, v5;
	v17 =	vor.u32 v34, v6;
	_ =	swait.ge [sflag:s10], $0x2000  }
0x4ba: {  	v13 =	vand.u32 $0xF, v7;
	v16 =	vor.u32 s7, v3;
	v25 =	vand.u32 $0x7, v5;
	[sflag:s10] =	ssyncset.done $0x0  }
0x4bb: {  	v26 =	vand.u32 $0x7, v7;
	v43 =	vand.u32 $0x38, v0;
	v5 =	vshll.u32 v5, $0x7;
	[sflag:s10] =	ssyncadd.s32 $0xFFFFE000  }
0x4bc: {  	v7 =	vshll.u32 v7, $0x7;
	v14 =	vand.u32 $0xF, v9;
	v12 =	vor.u32 s7, v12;
	v15 =	vld.idx.msk [tilespmem:v15+s25+$0x0], $0xffff  }
0x4bd: {  	v13 =	vor.u32 s7, v13;
	v2 =	vshll.u32 v2, $0x7;
	v28 =	vand.u32 $0x7, v8;
	v42 =	vld [tilespmem:$0x1FEF0]  }
0x4be: {  	v30 =	vor.u32 v43, v39;
	v2 =	vand.u32 $0x1C00, v2;
	v53 =	vld.idx.msk [tilespmem:v17+s18+$0x0], $0xffff;
	v17 =	vand.u32 $0x380, v27  }
0x4bf: {  	v7 =	vand.u32 $0x380, v7;
	v11 =	vand.u32 $0xF, v8;
	v45 =	vor.u32 v17, v2  }
0x4c0: {  	v3 =	vand.u32 $0xF, v10;
	v14 =	vor.u32 s7, v14;
	v17 =	vor.u32 v33, v45  }
0x4c1: {  	v19 =	vand.u32 $0x38, v12;
	v20 =	vand.u32 $0x38, v13;
	v15 =	vmul.f32 $8.000000000e+00, v15  }
0x4c2: {  	v11 =	vor.u32 s7, v11;
	v49 =	vor.u32 v25, v19;
	v19 =	vor.u32 v42, v6  }
0x4c3: {  	v18 =	vor.u32 s7, v3;
	v22 =	vand.u32 $0x38, v14;
	v15 =	vadd.f32 v15, v53  }
0x4c4: {  	v44 =	vmovc v51;
	v63 =	vor.u32 v26, v20;
	v21 =	vand.u32 $0x38, v11;
	v26 =	vor.u32 v34, v49  }
0x4c5: {  	v51 =	vor.u32 v28, v21;
	v21 =	vor.u32 v59, v49;
	v27 =	vand.u32 $0x7, v9;
	[tilespmem:v17+s17+$0x0] =	vst.idx.msk $0xffff, v15  }
0x4c6: {  	v3 =	vand.u32 $0x38, v16;
	v1 =	vor.u32 v27, v22;
	v22 =	vor.u32 v59, v63;
	v4 =	vld [tilespmem:$0x1FE40]  }
0x4c7: {  	v29 =	vand.u32 $0x7, v10;
	v3 =	vor.u32 v24, v3;
	v28 =	vor.u32 v34, v51;
	v19 =	vld.idx.msk [tilespmem:v19+s25+$0x0], $0xffff  }
0x4c8: {  	v12 =	vshll.u32 v12, $0x7;
	v23 =	vand.u32 $0x38, v18;
	v20 =	vor.u32 v59, v3  }
0x4c9: {  	v13 =	vshll.u32 v13, $0x7;
	v32 =	vor.u32 v29, v23;
	v23 =	vor.u32 v59, v51;
	v47 =	vld.idx.msk [tilespmem:v26+s18+$0x0], $0xffff  }
0x4ca: {  	v8 =	vshll.u32 v8, $0x7;
	v10 =	vshll.u32 v10, $0x7;
	v16 =	vshll.u32 v16, $0x7;
	v21 =	vld.idx.msk [tilespmem:v21+s25+$0x0], $0xffff  }
0x4cb: {  	v14 =	vshll.u32 v14, $0x7;
	v22 =	vld.idx.msk [tilespmem:v22+s25+$0x0], $0xffff;
	v17 =	vor.u32 v34, v3;
	v35 =	vor.u32 v4, v45  }
0x4cc: {  	v12 =	vand.u32 $0x1C00, v12;
	v13 =	vand.u32 $0x1C00, v13;
	v46 =	vld.idx.msk [tilespmem:v28+s18+$0x0], $0xffff;
	v4 =	vmul.f32 $8.000000000e+00, v19  }
0x4cd: {  	v8 =	vand.u32 $0x380, v8;
	v10 =	vand.u32 $0x380, v10;
	v20 =	vld.idx.msk [tilespmem:v20+s25+$0x0], $0xffff;
	v19 =	vor.u32 v36, v6  }
0x4ce: {  	v11 =	vshll.u32 v11, $0x7;
	v27 =	vor.u32 v34, v63;
	v23 =	vld.idx.msk [tilespmem:v23+s25+$0x0], $0xffff;
	v58 =	vadd.f32 v4, v53  }
0x4cf: {  	v18 =	vshll.u32 v18, $0x7;
	v16 =	vand.u32 $0x1C00, v16;
	v29 =	vor.u32 v34, v1;
	v2 =	vld [tilespmem:$0x1FF80]  }
0x4d0: {  	v4 =	vld.idx.msk [tilespmem:v17+s18+$0x0], $0xffff;
	v17 =	vmul.f32 $8.000000000e+00, v21;
	v21 =	vmul.f32 $8.000000000e+00, v22;
	v22 =	vand.u32 $0x380, v57;
	[tilespmem:v35+s17+$0x0] =	vst.idx.msk $0xffff, v58  }
0x4d1: {  	v14 =	vand.u32 $0x1C00, v14;
	v26 =	vand.u32 $0x380, v5;
	v5 =	vor.u32 v22, v16;
	v16 =	vld [tilespmem:$0x1FF00]  }
0x4d2: {  	v11 =	vand.u32 $0x1C00, v11;
	v9 =	vshll.u32 v9, $0x7;
	v24 =	vor.u32 v59, v1;
	v19 =	vld.idx.msk [tilespmem:v19+s25+$0x0], $0xffff  }
0x4d3: {  	v18 =	vand.u32 $0x1C00, v18;
	v31 =	vor.u32 v34, v32;
	v9 =	vand.u32 $0x380, v9;
	v62 =	vld.idx.msk [tilespmem:v27+s18+$0x0], $0xffff  }
0x4d4: {  	v40 =	vor.u32 v9, v14;
	v28 =	vor.u32 v8, v11;
	v27 =	vor.u32 v26, v12;
	v48 =	vld [tilespmem:$0x1FF10]  }
0x4d5: {  	v20 =	vmul.f32 $8.000000000e+00, v20;
	v36 =	vld.idx.msk [tilespmem:v29+s18+$0x0], $0xffff;
	v29 =	vor.u32 v10, v18;
	v10 =	vor.u32 v33, v5  }
0x4d6: {  	v14 =	vor.u32 v33, v27;
	v15 =	vor.u32 v2, v43;
	v8 =	vor.u32 v16, v45  }
0x4d7: {  	v24 =	vld.idx.msk [tilespmem:v24+s25+$0x0], $0xffff;
	v12 =	vadd.f32 v20, v4;
	v20 =	vor.u32 v7, v13;
	v9 =	vmul.f32 $8.000000000e+00, v19  }
0x4d8: {  	v25 =	vor.u32 v59, v32;
	v18 =	vor.u32 v33, v20  }
0x4d9: {  	v55 =	vld.idx.msk [tilespmem:v30+s18+$0x0], $0xffff;
	v11 =	vor.u32 v48, v6;
	v19 =	vor.u32 v33, v28;
	v9 =	vadd.f32 v9, v53  }
0x4da: {  	v56 =	vld.idx.msk [tilespmem:v31+s18+$0x0], $0xffff;
	v23 =	vmul.f32 $8.000000000e+00, v23;
	v7 =	vadd.f32 v17, v47;
	[tilespmem:v10+s17+$0x0] =	vst.idx.msk $0xffff, v12  }
0x4db: {  	v15 =	vld.idx.msk [tilespmem:v15+s25+$0x0], $0xffff;
	v13 =	vadd.f32 v21, v62;
	v21 =	vor.u32 v33, v40;
	[tilespmem:v8+s17+$0x0] =	vst.idx.msk $0xffff, v9  }
0x4dc: {  	v24 =	vmul.f32 $8.000000000e+00, v24;
	v17 =	vadd.f32 v23, v46;
	v2 =	vld [tilespmem:$0x1FF90];
	[tilespmem:v14+s17+$0x0] =	vst.idx.msk $0xffff, v7  }
0x4dd: {  	v25 =	vld.idx.msk [tilespmem:v25+s25+$0x0], $0xffff;
	v9 =	vor.u32 v42, v3;
	[tilespmem:v18+s17+$0x0] =	vst.idx.msk $0xffff, v13  }
0x4de: {  	v23 =	vmov v20;
	v20 =	vadd.f32 v24, v36;
	v11 =	vld.idx.msk [tilespmem:v11+s25+$0x0], $0xffff;
	[tilespmem:v19+s17+$0x0] =	vst.idx.msk $0xffff, v17  }
0x4df: {  	v30 =	vmov v1;
	v7 =	vor.u32 v42, v63;
	v13 =	vor.u32 v42, v1;
	v1 =	vld [tilespmem:$0x1FFA0]  }
0x4e0: {  	v0 =	vshll.u32 v0, $0x7;
	v14 =	vor.u32 v42, v51;
	v18 =	vld [tilespmem:$0x1FE40];
	[tilespmem:v21+s17+$0x0] =	vst.idx.msk $0xffff, v20  }
0x4e1: {  	v52 =	vand.u32 $0x1C00, v0;
	v0 =	vor.u32 v33, v29;
	v15 =	vmul.f32 $8.000000000e+00, v15;
	v19 =	vld [tilespmem:$0x1FE40]  }
0x4e2: {  	v39 =	vmov v32;
	v25 =	vmul.f32 $8.000000000e+00, v25;
	v9 =	vld.idx.msk [tilespmem:v9+s25+$0x0], $0xffff  }
0x4e3: {  	v8 =	vadd.f32 v15, v55;
	v15 =	vor.u32 v42, v39;
	v10 =	vor.u32 v2, v52;
	v2 =	vmovc v51;
	v51 =	vld [tilespmem:$0x1FF50]  }
0x4e4: {  	v22 =	vadd.f32 v25, v56;
	v12 =	vor.u32 v42, v49;
	v7 =	vld.idx.msk [tilespmem:v7+s25+$0x0], $0xffff  }
0x4e5: {  	v14 =	vld.idx.msk [tilespmem:v14+s25+$0x0], $0xffff  }
0x4e6: {  	[tilespmem:v0+s17+$0x0] =	vst.idx.msk $0xffff, v22;
	v13 =	vld.idx.msk [tilespmem:v13+s25+$0x0], $0xffff  }
0x4e7: {  	v61 =	vld [tilespmem:$0x1FF60]  }
0x4e8: {  	v15 =	vld.idx.msk [tilespmem:v15+s25+$0x0], $0xffff  }
0x4e9: {  	[tilespmem:v10+s17+$0x0] =	vst.idx.msk $0xffff, v8;
	v10 =	vld.idx.msk [tilespmem:v12+s25+$0x0], $0xffff  }
0x4ea: {  	v8 =	vld [tilespmem:$0x1FE40]  }
0x4eb: {  	v12 =	vld [tilespmem:$0x1FE40]  }
0x4ec: {  	v21 =	vld [tilespmem:$0x1FE40]  }
0x4ed: {  	v17 =	vor.u32 v1, v43;
	v1 =	vld [tilespmem:$0x1FFB0]  }
0x4ee: {  	v20 =	vor.u32 v51, v45;
	v25 =	vld [tilespmem:$0x1FE50]  }
0x4ef: {  	v0 =	vmul.f32 $8.000000000e+00, v11;
	v22 =	vld [tilespmem:$0x1FE40]  }
0x4f0: {  	v26 =	vmov v49;
	v24 =	vld [tilespmem:$0x1FE50]  }
0x4f1: {  	v31 =	vmovc v27;
	v19 =	vor.u32 v19, v27;
	v0 =	vadd.f32 v0, v53;
	v11 =	vor.u32 v61, v6;
	v27 =	vld [tilespmem:$0x1FE50]  }
0x4f2: {  	v32 =	vmovc v23;
	v18 =	vor.u32 v18, v5;
	v9 =	vmul.f32 $8.000000000e+00, v9;
	v17 =	vld.idx.msk [tilespmem:v17+s25+$0x0], $0xffff;
	v8 =	vor.u32 v8, v23  }
0x4f3: {  	v23 =	vor.u32 v1, v52;
	v25 =	vor.u32 v25, v26;
	v1 =	vmov v26;
	v26 =	vld [tilespmem:$0x1FE50];
	[tilespmem:v20+s17+$0x0] =	vst.idx.msk $0xffff, v0  }
0x4f4: {  	v0 =	vld [tilespmem:$0x1FFC0]  }
0x4f5: {  	v60 =	vor.u32 v16, v40;
	v9 =	vadd.f32 v9, v4;
	v10 =	vmul.f32 $8.000000000e+00, v10;
	v20 =	vld [tilespmem:$0x1FE50]  }
0x4f6: {  	v11 =	vld.idx.msk [tilespmem:v11+s25+$0x0], $0xffff;
	[tilespmem:$0x1F860] =	vst v60  }
0x4f7: {  	v35 =	vmov v28;
	v12 =	vor.u32 v12, v28;
	v28 =	vld [tilespmem:$0x1FE50];
	v10 =	vadd.f32 v10, v47;
	[tilespmem:v18+s17+$0x0] =	vst.idx.msk $0xffff, v9  }
0x4f8: {  	v7 =	vmul.f32 $8.000000000e+00, v7;
	v58 =	vld [tilespmem:$0x1FF20]  }
0x4f9: {  	v14 =	vmul.f32 $8.000000000e+00, v14;
	v21 =	vor.u32 v21, v40;
	[tilespmem:v19+s17+$0x0] =	vst.idx.msk $0xffff, v10  }
0x4fa: {  	v7 =	vadd.f32 v7, v62;
	v24 =	vor.u32 v24, v3;
	v9 =	vmul.f32 $8.000000000e+00, v13;
	v60 =	vld [tilespmem:$0x1FE60]  }
0x4fb: {  	v22 =	vor.u32 v22, v29;
	v10 =	vadd.f32 v14, v46  }
0x4fc: {  	v26 =	vor.u32 v26, v63;
	[tilespmem:v8+s17+$0x0] =	vst.idx.msk $0xffff, v7;
	v7 =	vadd.f32 v9, v36;
	v8 =	vmul.f32 $8.000000000e+00, v15  }
0x4fd: {  	v27 =	vor.u32 v27, v2;
	v15 =	vmul.f32 $8.000000000e+00, v17;
	[tilespmem:v12+s17+$0x0] =	vst.idx.msk $0xffff, v10;
	v13 =	vor.u32 v58, v45  }
0x4fe: {  	v11 =	vmul.f32 $8.000000000e+00, v11;
	v12 =	vld [tilespmem:$0x1FFD0];
	[tilespmem:v21+s17+$0x0] =	vst.idx.msk $0xffff, v7;
	v7 =	vadd.f32 v8, v56  }
0x4ff: {  	v9 =	vld.idx.msk [tilespmem:v24+s25+$0x0], $0xffff;
	v15 =	vadd.f32 v15, v55;
	v14 =	vor.u32 v60, v6  }
0x500: {  	v10 =	vadd.f32 v11, v53;
	v11 =	vld.idx.msk [tilespmem:v25+s25+$0x0], $0xffff;
	[tilespmem:v22+s17+$0x0] =	vst.idx.msk $0xffff, v7  }
0x501: {  	[tilespmem:v23+s17+$0x0] =	vst.idx.msk $0xffff, v15;
	v8 =	vld.idx.msk [tilespmem:v26+s25+$0x0], $0xffff  }
0x502: {  	[tilespmem:v13+s17+$0x0] =	vst.idx.msk $0xffff, v10;
	v10 =	vld.idx.msk [tilespmem:v27+s25+$0x0], $0xffff  }
0x503: {  	v28 =	vor.u32 v28, v39;
	v57 =	vld [tilespmem:$0x1FE70]  }
0x504: {  	v49 =	vmov v29;
	v29 =	vor.u32 v16, v5;
	v7 =	vld.idx.msk [tilespmem:v14+s25+$0x0], $0xffff  }
0x505: {  	v38 =	vor.u32 v16, v31;
	v9 =	vmul.f32 $8.000000000e+00, v9  }
0x506: {  	v41 =	vmovc v39;
	v54 =	vor.u32 v16, v35;
	v39 =	vor.u32 v16, v32;
	v11 =	vmul.f32 $8.000000000e+00, v11  }
0x507: {  	v20 =	vor.u32 v20, v30;
	v9 =	vadd.f32 v9, v4;
	v8 =	vmul.f32 $8.000000000e+00, v8  }
0x508: {  	v23 =	vld.idx.msk [tilespmem:v28+s25+$0x0], $0xffff;
	v11 =	vadd.f32 v11, v47;
	v10 =	vmul.f32 $8.000000000e+00, v10;
	v27 =	vor.u32 v57, v45  }
0x509: {  	v21 =	vld [tilespmem:$0x1FFE0];
	[tilespmem:v29+s17+$0x0] =	vst.idx.msk $0xffff, v9;
	v8 =	vadd.f32 v8, v62;
	v7 =	vmul.f32 $8.000000000e+00, v7  }
0x50a: {  	v0 =	vor.u32 v0, v43;
	v28 =	vmov v62;
	v62 =	vld [tilespmem:$0x1FE80];
	[tilespmem:v38+s17+$0x0] =	vst.idx.msk $0xffff, v11;
	v10 =	vadd.f32 v10, v46  }
0x50b: {  	[tilespmem:v39+s17+$0x0] =	vst.idx.msk $0xffff, v8;
	v7 =	vadd.f32 v7, v53  }
0x50c: {  	[tilespmem:v54+s17+$0x0] =	vst.idx.msk $0xffff, v10  }
0x50d: {  	v17 =	vor.u32 v48, v3;
	v20 =	vld.idx.msk [tilespmem:v20+s25+$0x0], $0xffff;
	[tilespmem:v27+s17+$0x0] =	vst.idx.msk $0xffff, v7  }
0x50e: {  	v13 =	vor.u32 v48, v1;
	v7 =	vld [tilespmem:$0x1F860]  }
0x50f: {  	v19 =	vor.u32 v48, v63;
	v0 =	vld.idx.msk [tilespmem:v0+s25+$0x0], $0xffff  }
0x510: {  	v14 =	vor.u32 v48, v2  }
0x511: {  	v9 =	vor.u32 v62, v6  }
0x512: {  	v18 =	vor.u32 v16, v49;
	v17 =	vld.idx.msk [tilespmem:v17+s25+$0x0], $0xffff;
	v11 =	vmul.f32 $8.000000000e+00, v20  }
0x513: {  	v15 =	vor.u32 v48, v30;
	v12 =	vor.u32 v12, v52;
	v13 =	vld.idx.msk [tilespmem:v13+s25+$0x0], $0xffff;
	v8 =	vmul.f32 $8.000000000e+00, v23  }
0x514: {  	v22 =	vor.u32 v48, v41;
	v0 =	vmul.f32 $8.000000000e+00, v0;
	v19 =	vld.idx.msk [tilespmem:v19+s25+$0x0], $0xffff;
	v10 =	vadd.f32 v11, v36  }
0x515: {  	v21 =	vor.u32 v21, v43;
	v8 =	vadd.f32 v8, v56;
	v11 =	vld.idx.msk [tilespmem:v14+s25+$0x0], $0xffff  }
0x516: {  	v0 =	vadd.f32 v0, v55;
	v9 =	vld.idx.msk [tilespmem:v9+s25+$0x0], $0xffff;
	[tilespmem:v7+s17+$0x0] =	vst.idx.msk $0xffff, v10  }
0x517: {  	v24 =	vor.u32 v51, v5;
	v10 =	vld [tilespmem:$0x1FF40];
	[tilespmem:v18+s17+$0x0] =	vst.idx.msk $0xffff, v8  }
0x518: {  	v15 =	vld.idx.msk [tilespmem:v15+s25+$0x0], $0xffff;
	[tilespmem:v12+s17+$0x0] =	vst.idx.msk $0xffff, v0;
	v0 =	vmul.f32 $8.000000000e+00, v17;
	v12 =	vor.u32 v61, v3  }
0x519: {  	v25 =	vor.u32 v51, v31;
	v13 =	vmul.f32 $8.000000000e+00, v13;
	v19 =	vmul.f32 $8.000000000e+00, v19;
	v17 =	vld.idx.msk [tilespmem:v22+s25+$0x0], $0xffff  }
0x51a: {  	v26 =	vor.u32 v51, v32;
	v20 =	vor.u32 v61, v1;
	v18 =	vld.idx.msk [tilespmem:v21+s25+$0x0], $0xffff;
	v0 =	vadd.f32 v0, v4  }
0x51b: {  	v29 =	vmovc v53;
	v14 =	vor.u32 v51, v35;
	v13 =	vadd.f32 v13, v47;
	v19 =	vadd.f32 v19, v28  }
0x51c: {  	v11 =	vmul.f32 $8.000000000e+00, v11;
	v7 =	vor.u32 v51, v40;
	v8 =	vor.u32 v51, v49;
	v53 =	vld [tilespmem:$0x1FE90];
	[tilespmem:v24+s17+$0x0] =	vst.idx.msk $0xffff, v0  }
0x51d: {  	v39 =	vmovc v56;
	v21 =	vor.u32 v61, v63;
	v22 =	vor.u32 v61, v2;
	v0 =	vmul.f32 $8.000000000e+00, v9;
	v12 =	vld.idx.msk [tilespmem:v12+s25+$0x0], $0xffff  }
0x51e: {  	v9 =	vadd.f32 v11, v46;
	v10 =	vor.u32 v10, v52;
	v56 =	vld [tilespmem:$0x1FEA0];
	[tilespmem:v25+s17+$0x0] =	vst.idx.msk $0xffff, v13;
	v11 =	vmul.f32 $8.000000000e+00, v15  }
0x51f: {  	v38 =	vmovc v36;
	v13 =	vor.u32 v61, v30;
	[tilespmem:v26+s17+$0x0] =	vst.idx.msk $0xffff, v19;
	v15 =	vmul.f32 $8.000000000e+00, v17;
	v18 =	vmul.f32 $8.000000000e+00, v18  }
0x520: {  	v36 =	vmov v55;
	v17 =	vor.u32 v61, v41;
	[tilespmem:v14+s17+$0x0] =	vst.idx.msk $0xffff, v9;
	v9 =	vadd.f32 v11, v38  }
0x521: {  	v11 =	vor.u32 v58, v5;
	v14 =	vadd.f32 v15, v39;
	v15 =	vadd.f32 v18, v36;
	v18 =	vld.idx.msk [tilespmem:v20+s25+$0x0], $0xffff  }
0x522: {  	v19 =	vor.u32 v37, v43;
	[tilespmem:v7+s17+$0x0] =	vst.idx.msk $0xffff, v9;
	v9 =	vld.idx.msk [tilespmem:v21+s25+$0x0], $0xffff;
	v12 =	vmul.f32 $8.000000000e+00, v12  }
0x523: {  	[tilespmem:v10+s17+$0x0] =	vst.idx.msk $0xffff, v15;
	v15 =	vld.idx.msk [tilespmem:v22+s25+$0x0], $0xffff  }
0x524: {  	v23 =	vor.u32 v53, v45;
	[tilespmem:v8+s17+$0x0] =	vst.idx.msk $0xffff, v14;
	v13 =	vld.idx.msk [tilespmem:v13+s25+$0x0], $0xffff;
	v12 =	vadd.f32 v12, v4  }
0x525: {  	v8 =	vor.u32 v60, v3;
	v17 =	vld.idx.msk [tilespmem:v17+s25+$0x0], $0xffff;
	[tilespmem:$0x1F890] =	vst v30  }
0x526: {  	[tilespmem:v11+s17+$0x0] =	vst.idx.msk $0xffff, v12  }
0x527: {  	v0 =	vadd.f32 v0, v29;
	v20 =	vor.u32 v58, v31;
	v19 =	vld.idx.msk [tilespmem:v19+s25+$0x0], $0xffff;
	[tilespmem:$0x1F8A0] =	vst v41  }
0x528: {  	v55 =	vmov v29;
	v7 =	vor.u32 v58, v32;
	v18 =	vmul.f32 $8.000000000e+00, v18;
	[tilespmem:$0x1F8B0] =	vst v43  }
0x529: {  	v24 =	vor.u32 v60, v1;
	v29 =	vmovc v38;
	v38 =	vmov v31;
	v9 =	vmul.f32 $8.000000000e+00, v9;
	[tilespmem:v23+s17+$0x0] =	vst.idx.msk $0xffff, v0  }
0x52a: {  	v21 =	vor.u32 v58, v35;
	v18 =	vadd.f32 v18, v47;
	v8 =	vld.idx.msk [tilespmem:v8+s25+$0x0], $0xffff;
	[tilespmem:$0x1F900] =	vst v38  }
0x52b: {  	v25 =	vor.u32 v60, v63;
	v15 =	vmul.f32 $8.000000000e+00, v15;
	v9 =	vadd.f32 v9, v28;
	[tilespmem:$0x1F910] =	vst v32  }
0x52c: {  	v27 =	vor.u32 v60, v30;
	v10 =	vor.u32 v58, v40;
	[tilespmem:v20+s17+$0x0] =	vst.idx.msk $0xffff, v18  }
0x52d: {  	v26 =	vor.u32 v60, v2;
	v13 =	vmul.f32 $8.000000000e+00, v13;
	v15 =	vadd.f32 v15, v46;
	[tilespmem:v7+s17+$0x0] =	vst.idx.msk $0xffff, v9  }
0x52e: {  	v14 =	vor.u32 v58, v49;
	v22 =	vor.u32 v50, v52;
	v18 =	vld.idx.msk [tilespmem:v24+s25+$0x0], $0xffff;
	[tilespmem:$0x1F920] =	vst v35  }
0x52f: {  	v11 =	vor.u32 v60, v41;
	v17 =	vmul.f32 $8.000000000e+00, v17;
	v13 =	vadd.f32 v13, v29;
	[tilespmem:v21+s17+$0x0] =	vst.idx.msk $0xffff, v15  }
0x530: {  	v12 =	vor.u32 v44, v43;
	v0 =	vor.u32 v57, v5;
	v9 =	vmul.f32 $8.000000000e+00, v19;
	v19 =	vld.idx.msk [tilespmem:v25+s25+$0x0], $0xffff;
	[tilespmem:$0x1F940] =	vst v40  }
0x531: {  	v15 =	vadd.f32 v17, v39;
	v8 =	vmul.f32 $8.000000000e+00, v8;
	[tilespmem:v10+s17+$0x0] =	vst.idx.msk $0xffff, v13  }
0x532: {  	v17 =	vor.u32 v62, v3;
	v9 =	vadd.f32 v9, v36;
	v21 =	vld.idx.msk [tilespmem:v26+s25+$0x0], $0xffff;
	[tilespmem:$0x1F950] =	vst v49  }
0x533: {  	v6 =	vor.u32 v56, v6;
	v8 =	vadd.f32 v8, v4;
	v13 =	vld.idx.msk [tilespmem:v27+s25+$0x0], $0xffff;
	[tilespmem:v14+s17+$0x0] =	vst.idx.msk $0xffff, v15  }
0x534: {  	v23 =	vor.u32 v57, v38;
	[tilespmem:v22+s17+$0x0] =	vst.idx.msk $0xffff, v9;
	v9 =	vld.idx.msk [tilespmem:v11+s25+$0x0], $0xffff  }
0x535: {  	v11 =	vmul.f32 $8.000000000e+00, v18;
	v12 =	vld.idx.msk [tilespmem:v12+s25+$0x0], $0xffff;
	[tilespmem:v0+s17+$0x0] =	vst.idx.msk $0xffff, v8  }
0x536: {  	v37 =	vmov v28;
	v31 =	vmov v1;
	v28 =	vor.u32 v57, v32;
	v0 =	vld [tilespmem:$0x1FF30];
	[tilespmem:$0x1F930] =	vst v52  }
0x537: {  	v50 =	vmovc v2;
	v14 =	vor.u32 v62, v31;
	v18 =	vmul.f32 $8.000000000e+00, v19;
	v11 =	vadd.f32 v11, v47;
	v17 =	vld.idx.msk [tilespmem:v17+s25+$0x0], $0xffff  }
0x538: {  	v2 =	vmov v41;
	v7 =	vor.u32 v57, v35;
	v15 =	vor.u32 v62, v63;
	v6 =	vld.idx.msk [tilespmem:v6+s25+$0x0], $0xffff;
	[tilespmem:$0x1F8C0] =	vst v37  }
0x539: {  	v22 =	vor.u32 v62, v2;
	v2 =	vld [tilespmem:$0x1FFF0];
	v21 =	vmul.f32 $8.000000000e+00, v21;
	v18 =	vadd.f32 v18, v37;
	[tilespmem:v23+s17+$0x0] =	vst.idx.msk $0xffff, v11  }
0x53a: {  	[tilespmem:$0x1F8D0] =	vst v46  }
0x53b: {  	v1 =	vmov v29;
	v20 =	vor.u32 v57, v40;
	v11 =	vadd.f32 v21, v46;
	[tilespmem:v28+s17+$0x0] =	vst.idx.msk $0xffff, v18  }
0x53c: {  	v10 =	vor.u32 v57, v49;
	v13 =	vmul.f32 $8.000000000e+00, v13;
	v14 =	vld.idx.msk [tilespmem:v14+s25+$0x0], $0xffff;
	[tilespmem:$0x1F8E0] =	vst v1  }
0x53d: {  	v9 =	vmul.f32 $8.000000000e+00, v9;
	v0 =	vor.u32 v0, v52;
	[tilespmem:v7+s17+$0x0] =	vst.idx.msk $0xffff, v11  }
0x53e: {  	v12 =	vmul.f32 $8.000000000e+00, v12;
	v18 =	vor.u32 v53, v5;
	v13 =	vadd.f32 v13, v1;
	v15 =	vld.idx.msk [tilespmem:v15+s25+$0x0], $0xffff;
	[tilespmem:$0x1F8F0] =	vst v39  }
0x53f: {  	v54 =	vmovc v43;
	v3 =	vor.u32 v56, v3;
	v7 =	vadd.f32 v9, v39;
	v9 =	vmul.f32 $8.000000000e+00, v17;
	[tilespmem:$0x1F960] =	vst v36  }
0x540: {  	v24 =	vor.u32 v2, v54;
	v11 =	vadd.f32 v12, v36;
	[tilespmem:v20+s17+$0x0] =	vst.idx.msk $0xffff, v13  }
0x541: {  	s13 =	simm.s32 $0x8;
	v8 =	vor.u32 v62, v50;
	[tilespmem:v10+s17+$0x0] =	vst.idx.msk $0xffff, v7;
	v7 =	vadd.f32 v9, v4  }
0x542: {  	s7 =	sand.u32 $0x8, s13;
	v19 =	vor.u32 v62, v30;
	[tilespmem:v0+s17+$0x0] =	vst.idx.msk $0xffff, v11;
	v0 =	vld.idx.msk [tilespmem:v22+s25+$0x0], $0xffff  }
0x543: {  	s16 =	sor.u32 $0x1, s7;
	s15 =	sor.u32 $0x3, s7;
	v9 =	vld [tilespmem:$0x1FED0];
	[tilespmem:v18+s17+$0x0] =	vst.idx.msk $0xffff, v7  }
0x544: {  	s30 =	sor.u32 $0x2, s7;
	v25 =	vadd.s32 s16, v33;
	v27 =	vadd.s32 s15, v33;
	v1 =	vld.idx.msk [tilespmem:v3+s25+$0x0], $0xffff  }
0x545: {  	v44 =	vmovc v31;
	s16 =	sor.u32 $0x4, s7;
	v26 =	vadd.s32 s30, v33;
	v31 =	vand.u32 $0xF, v27;
	v6 =	vmul.f32 $8.000000000e+00, v6;
	v2 =	vld.idx.msk [tilespmem:v24+s25+$0x0], $0xffff  }
0x546: {  	v21 =	vor.u32 v53, v35;
	v28 =	vadd.s32 s16, v33;
	v8 =	vld.idx.msk [tilespmem:v8+s25+$0x0], $0xffff;
	v20 =	vor.u32 v53, v32  }
0x547: {  	v12 =	vld.idx.msk [tilespmem:v19+s25+$0x0], $0xffff;
	v19 =	vor.u32 v53, v38;
	v11 =	vor.u32 v53, v40;
	v18 =	vadd.f32 v6, v55  }
0x548: {  	v7 =	vor.u32 v53, v49;
	v49 =	vand.u32 $0x7, v26;
	v3 =	vmul.f32 $8.000000000e+00, v14;
	v6 =	vld [tilespmem:$0x1FEB0]  }
0x549: {  	v0 =	vmul.f32 $8.000000000e+00, v0;
	v17 =	vor.u32 v9, v45;
	v1 =	vmul.f32 $8.000000000e+00, v1  }
0x54a: {  	s29 =	sor.u32 $0x7, s7;
	v9 =	vmul.f32 $8.000000000e+00, v15;
	v15 =	vadd.f32 v3, v47;
	v2 =	vmul.f32 $8.000000000e+00, v2  }
0x54b: {  	v3 =	vmul.f32 $8.000000000e+00, v8;
	v13 =	vadd.f32 v1, v4;
	v1 =	vadd.s32 s29, v33  }
0x54c: {  	v8 =	vmul.f32 $8.000000000e+00, v12;
	v12 =	vadd.f32 v2, v36;
	s29 =	sand.u32 $0x30, s13;
	v2 =	vand.u32 $0xF, v1  }
0x54d: {  	v55 =	vmovc v47;
	v47 =	vand.u32 $0x7, v25;
	v6 =	vor.u32 v6, v52;
	v2 =	vor.u32 s29, v2  }
0x54e: {  	v24 =	vadd.f32 v8, v29;
	v8 =	vand.u32 $0x7, v1;
	v4 =	vand.u32 $0x38, v2  }
0x54f: {  	v14 =	vadd.f32 v0, v39;
	v0 =	vld [tilespmem:$0x1FED0];
	v52 =	vand.u32 $0x7, v28;
	v10 =	vor.u32 v8, v4  }
0x550: {  	s30 =	sor.u32 $0x5, s7;
	v22 =	vadd.f32 v9, v37;
	v23 =	vadd.f32 v3, v46;
	v54 =	vor.u32 v59, v10  }
0x551: {  	v29 =	vadd.s32 s30, v33;
	v3 =	vand.u32 $0xF, v25;
	v4 =	vand.u32 $0xF, v28  }
0x552: {  	v9 =	vand.u32 $0xF, v26;
	v37 =	vor.u32 s29, v4;
	v4 =	vor.u32 v34, v10  }
0x553: {  	v35 =	vor.u32 s29, v3;
	v36 =	vor.u32 s29, v9;
	v1 =	vshll.u32 v1, $0x7  }
0x554: {  	v40 =	vand.u32 $0x38, v36;
	v5 =	vor.u32 v0, v5;
	v0 =	vadd.s32 s7, v33;
	s7 =	sor.u32 $0x6, s7  }
0x555: {  	v1 =	vand.u32 $0x380, v1;
	v2 =	vshll.u32 v2, $0x7;
	v30 =	vadd.s32 s7, v33;
	v32 =	vld.idx.msk [tilespmem:v54+s25+$0x0], $0xffff  }
0x556: {  	v8 =	vand.u32 $0xF, v29;
	v2 =	vand.u32 $0x1C00, v2;
	v3 =	vand.u32 $0xF, v30  }
0x557: {  	v38 =	vor.u32 s29, v8;
	v39 =	vor.u32 s29, v3;
	v3 =	vand.u32 $0x38, v35;
	v8 =	vld.idx.msk [tilespmem:v4+s18+$0x0], $0xffff  }
0x558: {  	v9 =	vor.u32 v1, v2;
	v43 =	vand.u32 $0x38, v37;
	v1 =	vor.u32 v47, v3  }
0x559: {  	v47 =	vor.u32 v33, v9;
	v3 =	vor.u32 v52, v43;
	v43 =	vor.u32 v59, v1  }
0x55a: {  	v2 =	vor.u32 v49, v40;
	v49 =	vor.u32 v42, v10;
	v32 =	vmul.f32 $8.000000000e+00, v32  }
0x55b: {  	v31 =	vor.u32 s29, v31  }
0x55c: {  	v41 =	vand.u32 $0x38, v31;
	v45 =	vand.u32 $0x38, v38;
	v32 =	vadd.f32 v32, v8  }
0x55d: {  	[tilespmem:v17+s17+$0x0] =	vst.idx.msk $0xffff, v18;
	v18 =	vshll.u32 v37, $0x7;
	v46 =	vand.u32 $0x38, v39;
	v4 =	vand.u32 $0x7, v27  }
0x55e: {  	v54 =	vand.u32 $0x7, v29;
	v4 =	vor.u32 v4, v41;
	v41 =	vand.u32 $0x7, v30;
	v37 =	vld.idx.msk [tilespmem:v43+s25+$0x0], $0xffff;
	[tilespmem:v47+s17+$0x0] =	vst.idx.msk $0xffff, v32  }
0x55f: {  	v40 =	vor.u32 v54, v45;
	v52 =	vor.u32 v41, v46;
	v47 =	vld.idx.msk [tilespmem:v49+s25+$0x0], $0xffff  }
0x560: {  	v41 =	vor.u32 v59, v2;
	v46 =	vor.u32 v59, v3;
	v43 =	vld [tilespmem:$0x1FF80];
	[tilespmem:v19+s17+$0x0] =	vst.idx.msk $0xffff, v15  }
0x561: {  	v54 =	vor.u32 v59, v52;
	v32 =	vor.u32 v59, v4;
	v49 =	vor.u32 v59, v40;
	v59 =	vld [tilespmem:$0x1FE40];
	_ =	sdelay $0x2  }
0x562: {  	v17 =	vshll.u32 v31, $0x7;
	v0 =	vand.u32 $0xF, v0  }
0x563: {  	v0 =	vor.u32 s29, v0;
	v35 =	vshll.u32 v35, $0x7;
	v31 =	vshll.u32 v38, $0x7;
	[tilespmem:v20+s17+$0x0] =	vst.idx.msk $0xffff, v22  }
0x564: {  	v45 =	vand.u32 $0x38, v0;
	v19 =	vshll.u32 v39, $0x7;
	v39 =	vor.u32 v59, v9;
	v59 =	vld [tilespmem:$0x1FE50]  }
0x565: {  	v15 =	vshll.u32 v26, $0x7;
	v26 =	vshll.u32 v27, $0x7;
	v27 =	vld.idx.msk [tilespmem:v41+s25+$0x0], $0xffff;
	v38 =	vor.u32 v43, v45  }
0x566: {  	v22 =	vshll.u32 v29, $0x7;
	v20 =	vld.idx.msk [tilespmem:v32+s25+$0x0], $0xffff;
	v43 =	vor.u32 v34, v1;
	v29 =	vmul.f32 $8.000000000e+00, v47  }
0x567: {  	v36 =	vshll.u32 v36, $0x7;
	v32 =	vand.u32 $0x1C00, v35;
	v35 =	vld.idx.msk [tilespmem:v46+s25+$0x0], $0xffff  }
0x568: {  	v41 =	vor.u32 v34, v2;
	[tilespmem:v21+s17+$0x0] =	vst.idx.msk $0xffff, v23;
	v21 =	vld.idx.msk [tilespmem:v49+s25+$0x0], $0xffff;
	v29 =	vadd.f32 v29, v8  }
0x569: {  	v23 =	vshll.u32 v30, $0x7;
	v30 =	vmul.f32 $8.000000000e+00, v37;
	v37 =	vld.idx.msk [tilespmem:v54+s25+$0x0], $0xffff;
	v47 =	vor.u32 v59, v10  }
0x56a: {  	v46 =	vand.u32 $0x1C00, v36;
	v36 =	vor.u32 v34, v4;
	[tilespmem:v39+s17+$0x0] =	vst.idx.msk $0xffff, v29;
	v29 =	vld.idx.msk [tilespmem:v38+s25+$0x0], $0xffff  }
0x56b: {  	v25 =	vshll.u32 v25, $0x7;
	v17 =	vand.u32 $0x1C00, v17;
	v39 =	vld.idx.msk [tilespmem:v43+s18+$0x0], $0xffff  }
0x56c: {  	v28 =	vshll.u32 v28, $0x7;
	v18 =	vand.u32 $0x1C00, v18;
	v31 =	vand.u32 $0x1C00, v31;
	v59 =	vld [tilespmem:$0x1F870];
	[tilespmem:$0x1F880] =	vst v34  }
0x56d: {  	v49 =	vor.u32 v34, v3;
	v54 =	vor.u32 v34, v40;
	v43 =	vor.u32 v34, v52;
	v34 =	vld.idx.msk [tilespmem:v41+s18+$0x0], $0xffff  }
0x56e: {  	v0 =	vshll.u32 v0, $0x7;
	v19 =	vand.u32 $0x1C00, v19;
	v22 =	vand.u32 $0x380, v22;
	[tilespmem:v11+s17+$0x0] =	vst.idx.msk $0xffff, v24;
	v24 =	vld.idx.msk [tilespmem:v47+s25+$0x0], $0xffff  }
0x56f: {  	v27 =	vmul.f32 $8.000000000e+00, v27;
	v11 =	vmul.f32 $8.000000000e+00, v20;
	v20 =	vand.u32 $0x380, v25;
	[tilespmem:v7+s17+$0x0] =	vst.idx.msk $0xffff, v14;
	v38 =	vld.idx.msk [tilespmem:v36+s18+$0x0], $0xffff  }
0x570: {  	v7 =	vand.u32 $0x380, v15;
	v14 =	vmul.f32 $8.000000000e+00, v35;
	v15 =	vand.u32 $0x380, v26;
	v35 =	vld [tilespmem:$0x1FE40];
	[tilespmem:v6+s17+$0x0] =	vst.idx.msk $0xffff, v12  }
0x571: {  	v12 =	vand.u32 $0x380, v28;
	[tilespmem:v5+s17+$0x0] =	vst.idx.msk $0xffff, v13;
	v5 =	vor.u32 v20, v32;
	v6 =	vor.u32 v7, v46  }
0x572: {  	v20 =	vor.u32 v16, v9;
	v32 =	vld.idx.msk [tilespmem:v49+s18+$0x0], $0xffff;
	v28 =	vor.u32 v48, v10;
	v59 =	vor.u32 v45, v59  }
0x573: {  	v36 =	vld [tilespmem:$0x1FE50];
	v46 =	vor.u32 v12, v18;
	v12 =	vor.u32 v33, v5;
	v24 =	vmul.f32 $8.000000000e+00, v24  }
0x574: {  	v7 =	vor.u32 v15, v17;
	v15 =	vor.u32 v33, v6;
	v25 =	vmul.f32 $8.000000000e+00, v29;
	v29 =	vld [tilespmem:$0x1FED0]  }
0x575: {  	v23 =	vand.u32 $0x380, v23;
	v26 =	vadd.f32 v30, v39;
	v30 =	vld.idx.msk [tilespmem:v54+s18+$0x0], $0xffff;
	v17 =	vadd.f32 v24, v8  }
0x576: {  	v21 =	vmul.f32 $8.000000000e+00, v21;
	v49 =	vor.u32 v22, v31;
	v43 =	vld.idx.msk [tilespmem:v43+s18+$0x0], $0xffff;
	v47 =	vor.u32 v23, v19  }
0x577: {  	v19 =	vor.u32 v33, v7;
	v41 =	vld.idx.msk [tilespmem:v59+s18+$0x0], $0xffff;
	v24 =	vadd.f32 v27, v34;
	[tilespmem:v20+s17+$0x0] =	vst.idx.msk $0xffff, v17  }
0x578: {  	v18 =	vor.u32 v42, v1;
	v59 =	vand.u32 $0x1C00, v0;
	v0 =	vor.u32 v33, v49;
	v27 =	vld [tilespmem:$0x1FEC0];
	[tilespmem:v12+s17+$0x0] =	vst.idx.msk $0xffff, v26  }
0x579: {  	v17 =	vor.u32 v42, v2;
	v20 =	vor.u32 v33, v46;
	v22 =	vld.idx.msk [tilespmem:v28+s25+$0x0], $0xffff;
	[tilespmem:v15+s17+$0x0] =	vst.idx.msk $0xffff, v24  }
0x57a: {  	v23 =	vor.u32 v33, v47;
	v11 =	vadd.f32 v11, v38;
	v12 =	vor.u32 v42, v4;
	v24 =	vld [tilespmem:$0x1FF90]  }
0x57b: {  	v13 =	vmul.f32 $8.000000000e+00, v37;
	v21 =	vadd.f32 v21, v30  }
0x57c: {  	v14 =	vadd.f32 v14, v32;
	[tilespmem:v19+s17+$0x0] =	vst.idx.msk $0xffff, v11  }
0x57d: {  	v13 =	vadd.f32 v13, v43;
	v15 =	vor.u32 v42, v3;
	v18 =	vld.idx.msk [tilespmem:v18+s25+$0x0], $0xffff;
	[tilespmem:v0+s17+$0x0] =	vst.idx.msk $0xffff, v21  }
0x57e: {  	v19 =	vor.u32 v51, v9;
	v17 =	vld.idx.msk [tilespmem:v17+s25+$0x0], $0xffff;
	[tilespmem:v20+s17+$0x0] =	vst.idx.msk $0xffff, v14;
	v20 =	vmul.f32 $8.000000000e+00, v22  }
0x57f: {  	[tilespmem:v23+s17+$0x0] =	vst.idx.msk $0xffff, v13;
	v22 =	vor.u32 v61, v10;
	v12 =	vld.idx.msk [tilespmem:v12+s25+$0x0], $0xffff;
	v24 =	vor.u32 v24, v59  }
0x580: {  	v11 =	vor.u32 v42, v40;
	v13 =	vadd.f32 v20, v8;
	v20 =	vld [tilespmem:$0x1FFA0]  }
0x581: {  	v0 =	vor.u32 v42, v52;
	v21 =	vor.u32 v35, v5  }
0x582: {  	v23 =	vor.u32 v35, v6;
	v14 =	vadd.f32 v25, v41;
	v15 =	vld.idx.msk [tilespmem:v15+s25+$0x0], $0xffff;
	v18 =	vmul.f32 $8.000000000e+00, v18  }
0x583: {  	[tilespmem:v19+s17+$0x0] =	vst.idx.msk $0xffff, v13;
	v13 =	vmul.f32 $8.000000000e+00, v17;
	v17 =	vor.u32 v35, v7;
	v19 =	vor.u32 v36, v1  }
0x584: {  	v22 =	vld.idx.msk [tilespmem:v22+s25+$0x0], $0xffff;
	v12 =	vmul.f32 $8.000000000e+00, v12;
	[tilespmem:v24+s17+$0x0] =	vst.idx.msk $0xffff, v14;
	v14 =	vadd.f32 v18, v39  }
0x585: {  	v11 =	vld.idx.msk [tilespmem:v11+s25+$0x0], $0xffff;
	v18 =	vor.u32 v35, v46;
	v13 =	vadd.f32 v13, v34;
	v20 =	vor.u32 v20, v45  }
0x586: {  	v0 =	vld.idx.msk [tilespmem:v0+s25+$0x0], $0xffff;
	v12 =	vadd.f32 v12, v38;
	[tilespmem:v21+s17+$0x0] =	vst.idx.msk $0xffff, v14;
	v21 =	vor.u32 v36, v2  }
0x587: {  	v15 =	vmul.f32 $8.000000000e+00, v15;
	[tilespmem:v23+s17+$0x0] =	vst.idx.msk $0xffff, v13  }
0x588: {  	v24 =	vor.u32 v35, v49;
	v13 =	vor.u32 v36, v4;
	[tilespmem:v17+s17+$0x0] =	vst.idx.msk $0xffff, v12;
	v19 =	vld.idx.msk [tilespmem:v19+s25+$0x0], $0xffff  }
0x589: {  	v15 =	vadd.f32 v15, v32;
	v12 =	vor.u32 v36, v3;
	v17 =	vmul.f32 $8.000000000e+00, v22;
	v22 =	vld [tilespmem:$0x1FFB0]  }
0x58a: {  	v11 =	vmul.f32 $8.000000000e+00, v11;
	v14 =	vor.u32 v35, v47;
	v20 =	vld.idx.msk [tilespmem:v20+s25+$0x0], $0xffff  }
0x58b: {  	v0 =	vmul.f32 $8.000000000e+00, v0;
	v23 =	vor.u32 v58, v9;
	[tilespmem:v18+s17+$0x0] =	vst.idx.msk $0xffff, v15;
	v18 =	vld.idx.msk [tilespmem:v21+s25+$0x0], $0xffff  }
0x58c: {  	v11 =	vadd.f32 v11, v30;
	v21 =	vld [tilespmem:$0x1FFC0]  }
0x58d: {  	v0 =	vadd.f32 v0, v43;
	v15 =	vor.u32 v60, v10;
	v13 =	vld.idx.msk [tilespmem:v13+s25+$0x0], $0xffff  }
0x58e: {  	v17 =	vadd.f32 v17, v8;
	[tilespmem:v24+s17+$0x0] =	vst.idx.msk $0xffff, v11;
	v24 =	vor.u32 v16, v5;
	v12 =	vld.idx.msk [tilespmem:v12+s25+$0x0], $0xffff  }
0x58f: {  	v11 =	vor.u32 v36, v40;
	[tilespmem:v14+s17+$0x0] =	vst.idx.msk $0xffff, v0;
	v19 =	vmul.f32 $8.000000000e+00, v19;
	v22 =	vor.u32 v22, v59  }
0x590: {  	v0 =	vor.u32 v16, v7;
	[tilespmem:v23+s17+$0x0] =	vst.idx.msk $0xffff, v17;
	v23 =	vor.u32 v16, v6;
	v20 =	vmul.f32 $8.000000000e+00, v20  }
0x591: {  	v17 =	vor.u32 v36, v52;
	v19 =	vadd.f32 v19, v39;
	v18 =	vmul.f32 $8.000000000e+00, v18  }
0x592: {  	v13 =	vmul.f32 $8.000000000e+00, v13;
	v14 =	vadd.f32 v20, v41;
	v20 =	vor.u32 v16, v46  }
0x593: {  	v15 =	vld.idx.msk [tilespmem:v15+s25+$0x0], $0xffff;
	[tilespmem:v24+s17+$0x0] =	vst.idx.msk $0xffff, v19;
	v12 =	vmul.f32 $8.000000000e+00, v12;
	v18 =	vadd.f32 v18, v34  }
0x594: {  	v21 =	vor.u32 v21, v45;
	v13 =	vadd.f32 v13, v38;
	[tilespmem:v22+s17+$0x0] =	vst.idx.msk $0xffff, v14  }
0x595: {  	v11 =	vld.idx.msk [tilespmem:v11+s25+$0x0], $0xffff;
	v14 =	vor.u32 v48, v1;
	v12 =	vadd.f32 v12, v32;
	[tilespmem:v23+s17+$0x0] =	vst.idx.msk $0xffff, v18  }
0x596: {  	v19 =	vor.u32 v48, v4;
	v17 =	vld.idx.msk [tilespmem:v17+s25+$0x0], $0xffff;
	[tilespmem:v0+s17+$0x0] =	vst.idx.msk $0xffff, v13  }
0x597: {  	v22 =	vor.u32 v48, v2;
	v18 =	vor.u32 v57, v9;
	[tilespmem:v20+s17+$0x0] =	vst.idx.msk $0xffff, v12  }
0x598: {  	v24 =	vor.u32 v16, v49;
	v15 =	vmul.f32 $8.000000000e+00, v15;
	v0 =	vor.u32 v16, v47;
	v16 =	vld [tilespmem:$0x1FFD0]  }
0x599: {  	v23 =	vor.u32 v62, v10;
	v21 =	vld.idx.msk [tilespmem:v21+s25+$0x0], $0xffff  }
0x59a: {  	v13 =	vor.u32 v48, v3;
	v11 =	vmul.f32 $8.000000000e+00, v11;
	v15 =	vadd.f32 v15, v8;
	v14 =	vld.idx.msk [tilespmem:v14+s25+$0x0], $0xffff  }
0x59b: {  	v19 =	vld.idx.msk [tilespmem:v19+s25+$0x0], $0xffff;
	v17 =	vmul.f32 $8.000000000e+00, v17  }
0x59c: {  	v11 =	vadd.f32 v11, v30;
	v20 =	vld.idx.msk [tilespmem:v22+s25+$0x0], $0xffff;
	[tilespmem:v18+s17+$0x0] =	vst.idx.msk $0xffff, v15  }
0x59d: {  	v17 =	vadd.f32 v17, v43;
	v15 =	vld [tilespmem:$0x1FFE0];
	v22 =	vor.u32 v16, v59  }
0x59e: {  	v21 =	vmul.f32 $8.000000000e+00, v21;
	[tilespmem:v24+s17+$0x0] =	vst.idx.msk $0xffff, v11;
	v11 =	vor.u32 v51, v5;
	v23 =	vld.idx.msk [tilespmem:v23+s25+$0x0], $0xffff  }
0x59f: {  	v12 =	vor.u32 v48, v40;
	v13 =	vld.idx.msk [tilespmem:v13+s25+$0x0], $0xffff;
	v14 =	vmul.f32 $8.000000000e+00, v14  }
0x5a0: {  	[tilespmem:v0+s17+$0x0] =	vst.idx.msk $0xffff, v17;
	v0 =	vor.u32 v51, v7;
	v21 =	vadd.f32 v21, v41  }
0x5a1: {  	v24 =	vor.u32 v51, v6;
	v19 =	vmul.f32 $8.000000000e+00, v19;
	v14 =	vadd.f32 v14, v39  }
0x5a2: {  	v18 =	vor.u32 v48, v52;
	v17 =	vmul.f32 $8.000000000e+00, v20;
	[tilespmem:v22+s17+$0x0] =	vst.idx.msk $0xffff, v21;
	v22 =	vor.u32 v53, v9  }
0x5a3: {  	v21 =	vor.u32 v51, v46;
	[tilespmem:v11+s17+$0x0] =	vst.idx.msk $0xffff, v14;
	v11 =	vadd.f32 v19, v38;
	v14 =	vmul.f32 $8.000000000e+00, v23  }
0x5a4: {  	v13 =	vmul.f32 $8.000000000e+00, v13;
	v17 =	vadd.f32 v17, v34  }
0x5a5: {  	v10 =	vor.u32 v56, v10;
	v12 =	vld.idx.msk [tilespmem:v12+s25+$0x0], $0xffff;
	[tilespmem:v0+s17+$0x0] =	vst.idx.msk $0xffff, v11;
	v0 =	vadd.f32 v14, v8  }
0x5a6: {  	v15 =	vor.u32 v15, v45;
	v13 =	vadd.f32 v13, v32;
	[tilespmem:v24+s17+$0x0] =	vst.idx.msk $0xffff, v17  }
0x5a7: {  	v20 =	vor.u32 v61, v1;
	v18 =	vld.idx.msk [tilespmem:v18+s25+$0x0], $0xffff;
	[tilespmem:v22+s17+$0x0] =	vst.idx.msk $0xffff, v0  }
0x5a8: {  	[tilespmem:v21+s17+$0x0] =	vst.idx.msk $0xffff, v13  }
0x5a9: {  	v17 =	vor.u32 v51, v49;
	v14 =	vor.u32 v61, v4;
	v13 =	vld [tilespmem:$0x1FF40]  }
0x5aa: {  	v12 =	vmul.f32 $8.000000000e+00, v12;
	v10 =	vld.idx.msk [tilespmem:v10+s25+$0x0], $0xffff  }
0x5ab: {  	v19 =	vor.u32 v61, v2;
	v11 =	vor.u32 v51, v47;
	v15 =	vld.idx.msk [tilespmem:v15+s25+$0x0], $0xffff  }
0x5ac: {  	v20 =	vld.idx.msk [tilespmem:v20+s25+$0x0], $0xffff;
	v12 =	vadd.f32 v12, v30;
	v18 =	vmul.f32 $8.000000000e+00, v18  }
0x5ad: {  	v21 =	vor.u32 v61, v3  }
0x5ae: {  	v9 =	vor.u32 v29, v9;
	[tilespmem:v17+s17+$0x0] =	vst.idx.msk $0xffff, v12;
	v17 =	vadd.f32 v18, v43;
	v14 =	vld.idx.msk [tilespmem:v14+s25+$0x0], $0xffff  }
0x5af: {  	v12 =	vor.u32 v61, v40;
	v13 =	vor.u32 v13, v59;
	v10 =	vmul.f32 $8.000000000e+00, v10  }
0x5b0: {  	v22 =	vor.u32 v58, v5;
	v19 =	vld.idx.msk [tilespmem:v19+s25+$0x0], $0xffff;
	v15 =	vmul.f32 $8.000000000e+00, v15;
	[tilespmem:v11+s17+$0x0] =	vst.idx.msk $0xffff, v17  }
0x5b1: {  	v11 =	vor.u32 v61, v52;
	v17 =	vmul.f32 $8.000000000e+00, v20;
	v23 =	vld [tilespmem:$0x1FE10];
	v8 =	vadd.f32 v10, v8  }
0x5b2: {  	v15 =	vadd.f32 v15, v41;
	v21 =	vld.idx.msk [tilespmem:v21+s25+$0x0], $0xffff;
	v10 =	vor.u32 v58, v7  }
0x5b3: {  	v17 =	vadd.f32 v17, v39;
	v14 =	vmul.f32 $8.000000000e+00, v14;
	[tilespmem:v9+s17+$0x0] =	vst.idx.msk $0xffff, v8;
	v8 =	vor.u32 v60, v4  }
0x5b4: {  	v12 =	vld.idx.msk [tilespmem:v12+s25+$0x0], $0xffff;
	[tilespmem:v13+s17+$0x0] =	vst.idx.msk $0xffff, v15;
	v13 =	vor.u32 v58, v6;
	v15 =	vor.u32 v60, v1  }
0x5b5: {  	v19 =	vmul.f32 $8.000000000e+00, v19;
	[tilespmem:v22+s17+$0x0] =	vst.idx.msk $0xffff, v17;
	v22 =	vor.u32 v60, v2;
	v14 =	vadd.f32 v14, v38  }
0x5b6: {  	v17 =	vor.u32 v58, v46;
	v11 =	vld.idx.msk [tilespmem:v11+s25+$0x0], $0xffff  }
0x5b7: {  	v23 =	vor.u32 v23, v45;
	v9 =	vadd.f32 v19, v34;
	[tilespmem:v10+s17+$0x0] =	vst.idx.msk $0xffff, v14  }
0x5b8: {  	v19 =	vor.u32 v58, v49;
	v21 =	vmul.f32 $8.000000000e+00, v21;
	v8 =	vld.idx.msk [tilespmem:v8+s25+$0x0], $0xffff  }
0x5b9: {  	v12 =	vmul.f32 $8.000000000e+00, v12;
	[tilespmem:v13+s17+$0x0] =	vst.idx.msk $0xffff, v9;
	v13 =	vld.idx.msk [tilespmem:v15+s25+$0x0], $0xffff  }
0x5ba: {  	v21 =	vadd.f32 v21, v32;
	v15 =	vor.u32 v58, v47;
	v14 =	vld.idx.msk [tilespmem:v22+s25+$0x0], $0xffff  }
0x5bb: {  	v11 =	vmul.f32 $8.000000000e+00, v11;
	v12 =	vadd.f32 v12, v30;
	v22 =	vld [tilespmem:$0x1FE20]  }
0x5bc: {  	v23 =	vld.idx.msk [tilespmem:v23+s25+$0x0], $0xffff;
	[tilespmem:v17+s17+$0x0] =	vst.idx.msk $0xffff, v21  }
0x5bd: {  	v11 =	vadd.f32 v11, v43;
	v9 =	vor.u32 v60, v3;
	[tilespmem:v19+s17+$0x0] =	vst.idx.msk $0xffff, v12  }
0x5be: {  	v10 =	vor.u32 v60, v40;
	v21 =	vor.u32 v57, v5;
	v12 =	vld [tilespmem:$0x1FE30]  }
0x5bf: {  	v17 =	vor.u32 v60, v52;
	v13 =	vmul.f32 $8.000000000e+00, v13;
	[tilespmem:v15+s17+$0x0] =	vst.idx.msk $0xffff, v11;
	v15 =	vor.u32 v57, v7  }
0x5c0: {  	v19 =	vor.u32 v57, v6;
	v8 =	vmul.f32 $8.000000000e+00, v8;
	v22 =	vor.u32 v22, v59  }
0x5c1: {  	v23 =	vmul.f32 $8.000000000e+00, v23;
	v11 =	vor.u32 v62, v1;
	v13 =	vadd.f32 v13, v39  }
0x5c2: {  	v9 =	vld.idx.msk [tilespmem:v9+s25+$0x0], $0xffff;
	v14 =	vmul.f32 $8.000000000e+00, v14;
	v8 =	vadd.f32 v8, v38  }
0x5c3: {  	v10 =	vld.idx.msk [tilespmem:v10+s25+$0x0], $0xffff;
	v23 =	vadd.f32 v23, v41;
	v12 =	vor.u32 v12, v45;
	[tilespmem:v21+s17+$0x0] =	vst.idx.msk $0xffff, v13  }
0x5c4: {  	v17 =	vld.idx.msk [tilespmem:v17+s25+$0x0], $0xffff;
	v13 =	vadd.f32 v14, v34;
	[tilespmem:v15+s17+$0x0] =	vst.idx.msk $0xffff, v8  }
0x5c5: {  	[tilespmem:v22+s17+$0x0] =	vst.idx.msk $0xffff, v23  }
0x5c6: {  	v0 =	vor.u32 v56, v44;
	v11 =	vld.idx.msk [tilespmem:v11+s25+$0x0], $0xffff;
	v23 =	vor.u32 v57, v46;
	[tilespmem:v19+s17+$0x0] =	vst.idx.msk $0xffff, v13  }
0x5c7: {  	v14 =	vor.u32 v62, v4;
	v21 =	vor.u32 v57, v49;
	v9 =	vmul.f32 $8.000000000e+00, v9;
	v8 =	vld [tilespmem:$0x1FF30]  }
0x5c8: {  	v10 =	vmul.f32 $8.000000000e+00, v10;
	v19 =	vor.u32 v57, v47;
	v12 =	vld.idx.msk [tilespmem:v12+s25+$0x0], $0xffff  }
0x5c9: {  	v20 =	vor.u32 v56, v50;
	v17 =	vmul.f32 $8.000000000e+00, v17;
	v9 =	vadd.f32 v9, v32  }
0x5ca: {  	v10 =	vadd.f32 v10, v30;
	v22 =	vor.u32 v62, v2;
	v13 =	vor.u32 v62, v3  }
0x5cb: {  	v0 =	vld.idx.msk [tilespmem:v0+s25+$0x0], $0xffff;
	v17 =	vadd.f32 v17, v43;
	[tilespmem:v23+s17+$0x0] =	vst.idx.msk $0xffff, v9;
	v23 =	vor.u32 v53, v5  }
0x5cc: {  	v14 =	vld.idx.msk [tilespmem:v14+s25+$0x0], $0xffff;
	[tilespmem:v21+s17+$0x0] =	vst.idx.msk $0xffff, v10;
	v11 =	vmul.f32 $8.000000000e+00, v11;
	v8 =	vor.u32 v8, v59  }
0x5cd: {  	v12 =	vmul.f32 $8.000000000e+00, v12;
	v10 =	vld [tilespmem:$0x1F890];
	[tilespmem:v19+s17+$0x0] =	vst.idx.msk $0xffff, v17  }
0x5ce: {  	v11 =	vadd.f32 v11, v39;
	v16 =	vld [tilespmem:$0x1F8A0]  }
0x5cf: {  	v15 =	vor.u32 v62, v40;
	v22 =	vld.idx.msk [tilespmem:v22+s25+$0x0], $0xffff;
	v12 =	vadd.f32 v12, v41  }
0x5d0: {  	v9 =	vor.u32 v62, v52;
	v13 =	vld.idx.msk [tilespmem:v13+s25+$0x0], $0xffff;
	[tilespmem:v23+s17+$0x0] =	vst.idx.msk $0xffff, v11  }
0x5d1: {  	v17 =	vld.idx.msk [tilespmem:v20+s25+$0x0], $0xffff;
	[tilespmem:v8+s17+$0x0] =	vst.idx.msk $0xffff, v12  }
0x5d2: {  	v23 =	vld [tilespmem:$0x1FF70]  }
0x5d3: {  	v19 =	vor.u32 v53, v6;
	v20 =	vor.u32 v56, v16;
	v16 =	vld [tilespmem:$0x1F8B0]  }
0x5d4: {  	v15 =	vld.idx.msk [tilespmem:v15+s25+$0x0], $0xffff;
	v21 =	vmul.f32 $8.000000000e+00, v22  }
0x5d5: {  	v9 =	vld.idx.msk [tilespmem:v9+s25+$0x0], $0xffff;
	v8 =	vor.u32 v53, v7;
	v12 =	vmul.f32 $8.000000000e+00, v14  }
0x5d6: {  	v14 =	vadd.f32 v21, v34  }
0x5d7: {  	v11 =	vor.u32 v53, v46;
	v12 =	vadd.f32 v12, v38  }
0x5d8: {  	v13 =	vmul.f32 $8.000000000e+00, v13;
	v21 =	vor.u32 v23, v16;
	v16 =	vld [tilespmem:$0x1FFF0];
	[tilespmem:v19+s17+$0x0] =	vst.idx.msk $0xffff, v14;
	v14 =	vor.u32 v53, v49  }
0x5d9: {  	v0 =	vmul.f32 $8.000000000e+00, v0;
	v15 =	vmul.f32 $8.000000000e+00, v15;
	v19 =	vld.idx.msk [tilespmem:v20+s25+$0x0], $0xffff;
	v20 =	vor.u32 v53, v47  }
0x5da: {  	v13 =	vadd.f32 v13, v32;
	[tilespmem:v8+s17+$0x0] =	vst.idx.msk $0xffff, v12;
	v8 =	vmul.f32 $8.000000000e+00, v9  }
0x5db: {  	v61 =	vadd.f32 v0, v55;
	v0 =	vadd.f32 v15, v30  }
0x5dc: {  	[tilespmem:v11+s17+$0x0] =	vst.idx.msk $0xffff, v13;
	v8 =	vadd.f32 v8, v43  }
0x5dd: {  	v10 =	vor.u32 v56, v10;
	[tilespmem:v14+s17+$0x0] =	vst.idx.msk $0xffff, v0  }
0x5de: {  	[tilespmem:v20+s17+$0x0] =	vst.idx.msk $0xffff, v8  }
0x5df: {  	v8 =	vld [tilespmem:$0x1F8D0]  }
0x5e0: {  	v18 =	vor.u32 v56, v63;
	_ =	sdelay $0x1  }
0x5e1: {  	v10 =	vld.idx.msk [tilespmem:v10+s25+$0x0], $0xffff;
	v0 =	vmul.f32 $8.000000000e+00, v17;
	_ =	sdelay $0x1  }
0x5e2: {  	v12 =	vadd.f32 v0, v8;
	v0 =	vld [tilespmem:$0x1F8E0]  }
0x5e3: {  	v18 =	vld.idx.msk [tilespmem:v18+s25+$0x0], $0xffff;
	_ =	sdelay $0x1  }
0x5e4: {  	v13 =	vor.u32 v56, v2;
	v10 =	vmul.f32 $8.000000000e+00, v10;
	v2 =	vld [tilespmem:$0x1F8C0];
	_ =	sdelay $0x1  }
0x5e5: {  	v8 =	vadd.f32 v10, v0;
	v0 =	vor.u32 v56, v3;
	v3 =	vld [tilespmem:$0x1F8F0]  }
0x5e6: {  	v11 =	vmul.f32 $8.000000000e+00, v18;
	_ =	sdelay $0x1  }
0x5e7: {  	v54 =	vadd.f32 v11, v2;
	v2 =	vmul.f32 $8.000000000e+00, v19;
	_ =	sdelay $0x1  }
0x5e8: {  	v2 =	vadd.f32 v2, v3;
	v3 =	vld [tilespmem:$0x1F900];
	_ =	sdelay $0x4  }
0x5e9: {  	v19 =	vor.u32 v29, v3;
	v3 =	vld [tilespmem:$0x1F910];
	_ =	sdelay $0x3  }
0x5ea: {  	v22 =	vor.u32 v16, v45;
	v9 =	vld.idx.msk [tilespmem:v21+s25+$0x0], $0xffff  }
0x5eb: {  	v21 =	vor.u32 v29, v3;
	v3 =	vld [tilespmem:$0x1F920];
	_ =	sdelay $0x2  }
0x5ec: {  	v1 =	vor.u32 v56, v1  }
0x5ed: {  	v14 =	vld.idx.msk [tilespmem:v22+s25+$0x0], $0xffff  }
0x5ee: {  	v22 =	vor.u32 v29, v3;
	v3 =	vmul.f32 $8.000000000e+00, v9;
	v9 =	vld [tilespmem:$0x1F950];
	_ =	sdelay $0x2  }
0x5ef: {  	v53 =	vld.idx.msk [tilespmem:v1+s25+$0x0], $0xffff  }
0x5f0: {  	v1 =	vld [tilespmem:$0x1F930]  }
0x5f1: {  	v26 =	vor.u32 v29, v9;
	v9 =	vld [tilespmem:$0x1F960];
	_ =	sdelay $0x3  }
0x5f2: {  	v24 =	vor.u32 v27, v1;
	v1 =	vld [tilespmem:$0x1F940]  }
0x5f3: {  	v4 =	vor.u32 v56, v4;
	v3 =	vadd.f32 v3, v9;
	v9 =	vld [tilespmem:$0x1FEB0]  }
0x5f4: {  	v11 =	vor.u32 v56, v40;
	_ =	sdelay $0x2  }
0x5f5: {  	v13 =	vld.idx.msk [tilespmem:v13+s25+$0x0], $0xffff  }
0x5f6: {  	v25 =	vor.u32 v29, v1;
	v1 =	vmul.f32 $8.000000000e+00, v14;
	v10 =	vld.idx.msk [tilespmem:v4+s25+$0x0], $0xffff;
	v14 =	vor.u32 v9, v59  }
0x5f7: {  	v5 =	vor.u32 v29, v5;
	v55 =	vor.u32 v23, v45;
	v16 =	vor.u32 v56, v52;
	v11 =	vld.idx.msk [tilespmem:v11+s25+$0x0], $0xffff  }
0x5f8: {  	v4 =	vor.u32 v29, v6;
	v45 =	vadd.f32 v1, v41;
	v1 =	vor.u32 v29, v7;
	v9 =	vld.idx.msk [tilespmem:v0+s25+$0x0], $0xffff  }
.LBB2_7:
0x5f9: {  	_ = 	snop  }
0x5fa: {  	[tilespmem:$0x1F7D0] =	vst v38  }
0x5fb: {  	v0 =	vmul.f32 $8.000000000e+00, v53;
	v7 =	vmov v43;
	[tilespmem:v14+s17+$0x0] =	vst.idx.msk $0xffff, v45  }
0x5fc: {  	[tilespmem:$0x1F820] =	vst v7  }
0x5fd: {  	v0 =	vadd.f32 v0, v39;
	[tilespmem:v19+s17+$0x0] =	vst.idx.msk $0xffff, v61  }
0x5fe: {  	[tilespmem:v21+s17+$0x0] =	vst.idx.msk $0xffff, v54  }
0x5ff: {  	[tilespmem:v5+s17+$0x0] =	vst.idx.msk $0xffff, v0  }
0x600: {  	s13 =	sadd.s32 $0x8, s13;
	[tilespmem:v22+s17+$0x0] =	vst.idx.msk $0xffff, v12  }
0x601: {  	s7 =	sand.u32 $0x8, s13;
	v20 =	vmul.f32 $8.000000000e+00, v13;
	[tilespmem:v25+s17+$0x0] =	vst.idx.msk $0xffff, v8  }
0x602: {  	v16 =	vld.idx.msk [tilespmem:v16+s25+$0x0], $0xffff;
	s29 =	sor.u32 $0x7, s7;
	[tilespmem:v26+s17+$0x0] =	vst.idx.msk $0xffff, v2  }
0x603: {  	v6 =	vor.u32 v29, v46;
	v17 =	vor.u32 v29, v47;
	v47 =	vld [tilespmem:$0x1FEE0];
	v21 =	vmovc v4;
	[tilespmem:$0x1F7B0] =	vst v20;
	v20 =	vadd.s32 s29, v33  }
0x604: {  	v15 =	vor.u32 v29, v49;
	v38 =	vld [tilespmem:$0x1F880];
	v18 =	vadd.s32 s7, v33;
	v13 =	vmovc v41;
	[tilespmem:$0x1F7F0] =	vst v21;
	s29 =	sand.u32 $0x30, s13;
	v21 =	vand.u32 $0xF, v20  }
0x605: {  	s16 =	sor.u32 $0x2, s7;
	v18 =	vand.u32 $0xF, v18;
	v7 =	vor.u32 v27, v59;
	v12 =	vmovc v6;
	[tilespmem:$0x1F830] =	vst v13;
	v21 =	vor.u32 s29, v21  }
0x606: {  	s15 =	sor.u32 $0x1, s7;
	s30 =	sor.u32 $0x5, s7;
	v19 =	vadd.s32 s16, v33;
	v8 =	vmovc v15;
	[tilespmem:$0x1F800] =	vst v12;
	v22 =	vand.u32 $0x7, v20;
	v12 =	vand.u32 $0x38, v21  }
0x607: {  	s16 =	sor.u32 $0x4, s7;
	v4 =	vmovc v1;
	v0 =	vadd.s32 s30, v33;
	v13 =	vadd.s32 s15, v33;
	[tilespmem:$0x1F7E0] =	vst v8;
	v8 =	vor.u32 v22, v12  }
0x608: {  	v14 =	vld.idx.msk [tilespmem:v55+s25+$0x0], $0xffff;
	v2 =	vmovc v17;
	[tilespmem:$0x1F840] =	vst v4;
	v4 =	vadd.s32 s16, v33;
	v15 =	vand.u32 $0xF, v19;
	v17 =	vor.u32 v47, v8  }
0x609: {  	[tilespmem:v24+s17+$0x0] =	vst.idx.msk $0xffff, v3;
	s15 =	sor.u32 $0x3, s7;
	s7 =	sor.u32 $0x6, s7;
	v3 =	vmovc v7;
	v31 =	vand.u32 $0x7, v19;
	v49 =	vand.u32 $0x7, v0;
	v7 =	vor.u32 v38, v8  }
0x60a: {  	[tilespmem:$0x1F810] =	vst v30;
	v19 =	vshll.u32 v19, $0x7;
	v1 =	vadd.s32 s15, v33;
	v5 =	vadd.s32 s7, v33  }
0x60b: {  	[tilespmem:$0x1F7A0] =	vst v2;
	v6 =	vand.u32 $0xF, v13;
	v2 =	vand.u32 $0xF, v4;
	v30 =	vand.u32 $0x7, v13  }
0x60c: {  	v37 =	vld [tilespmem:$0x1FEF0];
	v13 =	vshll.u32 v13, $0x7;
	v19 =	vand.u32 $0x380, v19;
	v23 =	vand.u32 $0xF, v1  }
0x60d: {  	[tilespmem:$0x1F850] =	vst v3;
	v3 =	vor.u32 s29, v6;
	v6 =	vand.u32 $0xF, v5;
	v20 =	vshll.u32 v20, $0x7;
	v17 =	vld.idx.msk [tilespmem:v17+s25+$0x0], $0xffff  }
0x60e: {  	v22 =	vor.u32 s29, v23;
	v23 =	vor.u32 s29, v6;
	v6 =	vld.idx.msk [tilespmem:v7+s18+$0x0], $0xffff;
	v7 =	vshll.u32 v21, $0x7  }
0x60f: {  	v15 =	vor.u32 s29, v15;
	v20 =	vand.u32 $0x380, v20;
	v7 =	vand.u32 $0x1C00, v7  }
0x610: {  	v2 =	vor.u32 s29, v2;
	v18 =	vor.u32 s29, v18;
	v7 =	vor.u32 v20, v7  }
0x611: {  	v48 =	vand.u32 $0x7, v1;
	v24 =	vand.u32 $0x38, v3;
	v20 =	vor.u32 v33, v7  }
0x612: {  	v60 =	vor.u32 v30, v24;
	v24 =	vor.u32 v37, v8;
	v17 =	vmul.f32 $8.000000000e+00, v17  }
0x613: {  	v50 =	vand.u32 $0x7, v5;
	v25 =	vand.u32 $0x38, v15;
	v27 =	vand.u32 $0x38, v2  }
0x614: {  	v61 =	vor.u32 v31, v25;
	v26 =	vand.u32 $0x38, v22;
	v17 =	vadd.f32 v17, v6  }
0x615: {  	v25 =	vor.u32 v47, v61;
	v55 =	vor.u32 v48, v26;
	v21 =	vand.u32 $0x7, v4  }
0x616: {  	v1 =	vshll.u32 v1, $0x7;
	v26 =	vor.u32 v47, v55;
	v56 =	vor.u32 v21, v27;
	[tilespmem:v20+s17+$0x0] =	vst.idx.msk $0xffff, v17  }
0x617: {  	[tilespmem:$0x1F7C0] =	vst v34;
	v34 =	vshll.u32 v5, $0x7;
	v13 =	vand.u32 $0x380, v13;
	v27 =	vor.u32 v47, v56;
	v24 =	vld.idx.msk [tilespmem:v24+s25+$0x0], $0xffff  }
0x618: {  	v54 =	vand.u32 $0x38, v18;
	v3 =	vshll.u32 v3, $0x7;
	v15 =	vshll.u32 v15, $0x7  }
0x619: {  	v51 =	vld [tilespmem:$0x1F870];
	v2 =	vshll.u32 v2, $0x7;
	v18 =	vshll.u32 v18, $0x7;
	v3 =	vand.u32 $0x1C00, v3  }
0x61a: {  	v15 =	vand.u32 $0x1C00, v15;
	v59 =	vand.u32 $0x1C00, v18;
	v12 =	vand.u32 $0xF, v0;
	v25 =	vld.idx.msk [tilespmem:v25+s25+$0x0], $0xffff  }
0x61b: {  	v29 =	vand.u32 $0x38, v23;
	v26 =	vld.idx.msk [tilespmem:v26+s25+$0x0], $0xffff;
	v62 =	vor.u32 v35, v7;
	v20 =	vor.u32 v38, v60  }
0x61c: {  	v63 =	vor.u32 v36, v8;
	v58 =	vor.u32 v50, v29;
	v27 =	vld.idx.msk [tilespmem:v27+s25+$0x0], $0xffff;
	v24 =	vmul.f32 $8.000000000e+00, v24  }
0x61d: {  	v40 =	vld [tilespmem:$0x1FF00];
	v30 =	vor.u32 v38, v61;
	v12 =	vor.u32 s29, v12;
	v29 =	vor.u32 v47, v58  }
0x61e: {  	v28 =	vand.u32 $0x38, v12;
	v21 =	vor.u32 v47, v60;
	v17 =	vld [tilespmem:$0x1FF80];
	v5 =	vadd.f32 v24, v6  }
0x61f: {  	v42 =	vld [tilespmem:$0x1FF10];
	v0 =	vshll.u32 v0, $0x7;
	v57 =	vor.u32 v49, v28;
	v52 =	vor.u32 v38, v58  }
0x620: {  	v22 =	vshll.u32 v22, $0x7;
	v28 =	vor.u32 v47, v57;
	v39 =	vld.idx.msk [tilespmem:v20+s18+$0x0], $0xffff;
	v20 =	vmul.f32 $8.000000000e+00, v25;
	[tilespmem:v62+s17+$0x0] =	vst.idx.msk $0xffff, v5  }
0x621: {  	v23 =	vshll.u32 v23, $0x7;
	v25 =	vmul.f32 $8.000000000e+00, v26;
	v26 =	vmul.f32 $8.000000000e+00, v27;
	v27 =	vld.idx.msk [tilespmem:v63+s25+$0x0], $0xffff  }
0x622: {  	v0 =	vand.u32 $0x380, v0;
	v12 =	vshll.u32 v12, $0x7;
	v41 =	vor.u32 v38, v57;
	v29 =	vld.idx.msk [tilespmem:v29+s25+$0x0], $0xffff  }
0x623: {  	v22 =	vand.u32 $0x1C00, v22;
	v23 =	vand.u32 $0x1C00, v23;
	v21 =	vld.idx.msk [tilespmem:v21+s25+$0x0], $0xffff;
	v17 =	vor.u32 v17, v54  }
0x624: {  	v31 =	vor.u32 v38, v55;
	v12 =	vand.u32 $0x1C00, v12;
	v47 =	vor.u32 v54, v51;
	v43 =	vld.idx.msk [tilespmem:v52+s18+$0x0], $0xffff  }
0x625: {  	v49 =	vor.u32 v0, v12;
	v4 =	vshll.u32 v4, $0x7;
	v28 =	vld.idx.msk [tilespmem:v28+s25+$0x0], $0xffff;
	v0 =	vor.u32 v40, v7  }
0x626: {  	v53 =	vmovc v32;
	v32 =	vor.u32 v38, v56;
	v24 =	vand.u32 $0x1C00, v2;
	v2 =	vld.idx.msk [tilespmem:v30+s18+$0x0], $0xffff;
	v12 =	vmul.f32 $8.000000000e+00, v27  }
0x627: {  	v38 =	vand.u32 $0x380, v34;
	v30 =	vand.u32 $0x380, v1;
	v1 =	vor.u32 v13, v3;
	v3 =	vld.idx.msk [tilespmem:v41+s18+$0x0], $0xffff  }
0x628: {  	v34 =	vor.u32 v36, v56;
	v21 =	vmul.f32 $8.000000000e+00, v21;
	v17 =	vld.idx.msk [tilespmem:v17+s25+$0x0], $0xffff;
	v12 =	vadd.f32 v12, v6  }
0x629: {  	v41 =	vld.idx.msk [tilespmem:v47+s18+$0x0], $0xffff;
	v47 =	vor.u32 v38, v23;
	v38 =	vor.u32 v36, v58;
	v18 =	vor.u32 v33, v1  }
0x62a: {  	v29 =	vmul.f32 $8.000000000e+00, v29;
	v62 =	vor.u32 v19, v15;
	v19 =	vor.u32 v42, v8;
	[tilespmem:v0+s17+$0x0] =	vst.idx.msk $0xffff, v12;
	v12 =	vld [tilespmem:$0x1FF90]  }
0x62b: {  	v5 =	vld.idx.msk [tilespmem:v31+s18+$0x0], $0xffff;
	v31 =	vand.u32 $0x380, v4;
	v13 =	vadd.f32 v21, v39;
	v63 =	vor.u32 v30, v22  }
0x62c: {  	v4 =	vld.idx.msk [tilespmem:v32+s18+$0x0], $0xffff;
	v46 =	vor.u32 v31, v24;
	v21 =	vor.u32 v33, v62;
	v23 =	vor.u32 v33, v63  }
0x62d: {  	v48 =	vld [tilespmem:$0x1FF50];
	v24 =	vor.u32 v33, v46;
	v15 =	vadd.f32 v20, v2;
	v17 =	vmul.f32 $8.000000000e+00, v17  }
0x62e: {  	v50 =	vld [tilespmem:$0x1FF60];
	[tilespmem:v18+s17+$0x0] =	vst.idx.msk $0xffff, v13;
	v18 =	vor.u32 v37, v60;
	v27 =	vadd.f32 v29, v43  }
0x62f: {  	v29 =	vor.u32 v37, v61;
	v0 =	vadd.f32 v17, v41;
	v19 =	vld.idx.msk [tilespmem:v19+s25+$0x0], $0xffff;
	v17 =	vor.u32 v12, v59  }
0x630: {  	v52 =	vor.u32 v40, v1;
	v20 =	vadd.f32 v25, v5;
	v12 =	vmul.f32 $8.000000000e+00, v9;
	v9 =	vld [tilespmem:$0x1FFA0]  }
0x631: {  	v28 =	vmul.f32 $8.000000000e+00, v28;
	v22 =	vadd.f32 v26, v4;
	[tilespmem:v21+s17+$0x0] =	vst.idx.msk $0xffff, v15;
	v15 =	vor.u32 v37, v55  }
0x632: {  	v32 =	vor.u32 v36, v55;
	v13 =	vmul.f32 $8.000000000e+00, v11;
	v26 =	vor.u32 v33, v49;
	[tilespmem:v23+s17+$0x0] =	vst.idx.msk $0xffff, v20  }
0x633: {  	v20 =	vor.u32 v37, v57;
	[tilespmem:v24+s17+$0x0] =	vst.idx.msk $0xffff, v22;
	v22 =	vor.u32 v48, v7;
	v18 =	vld.idx.msk [tilespmem:v18+s25+$0x0], $0xffff  }
0x634: {  	v11 =	vmul.f32 $8.000000000e+00, v16;
	v24 =	vor.u32 v50, v8;
	v19 =	vmul.f32 $8.000000000e+00, v19;
	[tilespmem:v17+s17+$0x0] =	vst.idx.msk $0xffff, v0;
	v0 =	vld.idx.msk [tilespmem:v29+s25+$0x0], $0xffff  }
0x635: {  	v25 =	vadd.f32 v28, v3;
	v28 =	vor.u32 v33, v47;
	v16 =	vor.u32 v9, v54;
	v9 =	vld [tilespmem:$0x1FFB0]  }
0x636: {  	v30 =	vor.u32 v35, v1;
	v23 =	vor.u32 v37, v58;
	v15 =	vld.idx.msk [tilespmem:v15+s25+$0x0], $0xffff;
	v19 =	vadd.f32 v19, v6  }
0x637: {  	v45 =	vmul.f32 $8.000000000e+00, v14;
	v14 =	vor.u32 v35, v62;
	v21 =	vor.u32 v37, v56;
	[tilespmem:v26+s17+$0x0] =	vst.idx.msk $0xffff, v25  }
0x638: {  	v31 =	vor.u32 v36, v61;
	v33 =	vor.u32 v40, v62;
	v20 =	vld.idx.msk [tilespmem:v20+s25+$0x0], $0xffff;
	[tilespmem:v22+s17+$0x0] =	vst.idx.msk $0xffff, v19  }
0x639: {  	v37 =	vor.u32 v40, v49;
	v18 =	vmul.f32 $8.000000000e+00, v18;
	v29 =	vor.u32 v36, v60;
	v24 =	vld.idx.msk [tilespmem:v24+s25+$0x0], $0xffff  }
0x63a: {  	[tilespmem:v28+s17+$0x0] =	vst.idx.msk $0xffff, v27;
	v25 =	vor.u32 v35, v46;
	v28 =	vor.u32 v9, v59;
	v9 =	vld [tilespmem:$0x1FFC0];
	v0 =	vmul.f32 $8.000000000e+00, v0  }
0x63b: {  	v23 =	vld.idx.msk [tilespmem:v23+s25+$0x0], $0xffff;
	v18 =	vadd.f32 v18, v39;
	v15 =	vmul.f32 $8.000000000e+00, v15;
	v17 =	vor.u32 v35, v63  }
0x63c: {  	v26 =	vor.u32 v35, v49;
	v27 =	vor.u32 v35, v47;
	v21 =	vld.idx.msk [tilespmem:v21+s25+$0x0], $0xffff;
	v0 =	vadd.f32 v0, v2  }
0x63d: {  	v44 =	vld [tilespmem:$0x1FF20];
	[tilespmem:v30+s17+$0x0] =	vst.idx.msk $0xffff, v18;
	v15 =	vadd.f32 v15, v5;
	v22 =	vor.u32 v36, v57  }
0x63e: {  	v18 =	vmul.f32 $8.000000000e+00, v20;
	v35 =	vor.u32 v40, v63;
	[tilespmem:v14+s17+$0x0] =	vst.idx.msk $0xffff, v0;
	v14 =	vmul.f32 $8.000000000e+00, v24;
	v24 =	vld.idx.msk [tilespmem:v29+s25+$0x0], $0xffff  }
0x63f: {  	v36 =	vor.u32 v40, v46;
	v19 =	vor.u32 v9, v54;
	v9 =	vor.u32 v40, v47;
	v40 =	vld [tilespmem:$0x1FE60]  }
0x640: {  	[tilespmem:v17+s17+$0x0] =	vst.idx.msk $0xffff, v15;
	v15 =	vadd.f32 v18, v3;
	v17 =	vmul.f32 $8.000000000e+00, v23  }
0x641: {  	v21 =	vmul.f32 $8.000000000e+00, v21  }
0x642: {  	v20 =	vor.u32 v44, v7;
	v16 =	vld.idx.msk [tilespmem:v16+s25+$0x0], $0xffff;
	[tilespmem:v26+s17+$0x0] =	vst.idx.msk $0xffff, v15;
	v15 =	vadd.f32 v17, v43  }
0x643: {  	v23 =	vld.idx.msk [tilespmem:v32+s25+$0x0], $0xffff;
	v0 =	vadd.f32 v21, v4  }
0x644: {  	[tilespmem:v27+s17+$0x0] =	vst.idx.msk $0xffff, v15;
	v18 =	vld.idx.msk [tilespmem:v31+s25+$0x0], $0xffff;
	v24 =	vmul.f32 $8.000000000e+00, v24;
	v21 =	vor.u32 v40, v8  }
0x645: {  	v27 =	vld.idx.msk [tilespmem:v38+s25+$0x0], $0xffff;
	[tilespmem:v25+s17+$0x0] =	vst.idx.msk $0xffff, v0;
	v0 =	vadd.f32 v14, v6  }
0x646: {  	v38 =	vld [tilespmem:$0x1FE70];
	v24 =	vadd.f32 v24, v39  }
0x647: {  	v16 =	vmul.f32 $8.000000000e+00, v16;
	v25 =	vld.idx.msk [tilespmem:v34+s25+$0x0], $0xffff;
	[tilespmem:v20+s17+$0x0] =	vst.idx.msk $0xffff, v0  }
0x648: {  	v30 =	vor.u32 v48, v62;
	[tilespmem:v52+s17+$0x0] =	vst.idx.msk $0xffff, v24;
	v52 =	vld [tilespmem:$0x1FE80]  }
0x649: {  	v23 =	vmul.f32 $8.000000000e+00, v23;
	v16 =	vadd.f32 v16, v41;
	v20 =	vor.u32 v42, v55;
	v15 =	vld.idx.msk [tilespmem:v21+s25+$0x0], $0xffff  }
0x64a: {  	v17 =	vor.u32 v42, v60;
	v0 =	vor.u32 v42, v61;
	v18 =	vmul.f32 $8.000000000e+00, v18;
	v21 =	vld.idx.msk [tilespmem:v22+s25+$0x0], $0xffff  }
0x64b: {  	v14 =	vld [tilespmem:$0x1FFD0];
	v23 =	vadd.f32 v23, v5;
	[tilespmem:v28+s17+$0x0] =	vst.idx.msk $0xffff, v16;
	v16 =	vor.u32 v42, v56  }
0x64c: {  	v28 =	vor.u32 v42, v58;
	v19 =	vld.idx.msk [tilespmem:v19+s25+$0x0], $0xffff;
	v18 =	vadd.f32 v18, v2;
	v25 =	vmul.f32 $8.000000000e+00, v25  }
0x64d: {  	v26 =	vld [tilespmem:$0x1FFE0];
	[tilespmem:v35+s17+$0x0] =	vst.idx.msk $0xffff, v23;
	v23 =	vmul.f32 $8.000000000e+00, v27;
	v22 =	vor.u32 v42, v57;
	v42 =	vor.u32 v38, v7  }
0x64e: {  	v20 =	vld.idx.msk [tilespmem:v20+s25+$0x0], $0xffff;
	[tilespmem:v33+s17+$0x0] =	vst.idx.msk $0xffff, v18;
	v18 =	vadd.f32 v25, v4;
	v15 =	vmul.f32 $8.000000000e+00, v15  }
0x64f: {  	v23 =	vadd.f32 v23, v43;
	v17 =	vld.idx.msk [tilespmem:v17+s25+$0x0], $0xffff;
	v24 =	vor.u32 v52, v8;
	v21 =	vmul.f32 $8.000000000e+00, v21  }
0x650: {  	v29 =	vor.u32 v48, v1;
	v0 =	vld.idx.msk [tilespmem:v0+s25+$0x0], $0xffff;
	[tilespmem:v36+s17+$0x0] =	vst.idx.msk $0xffff, v18;
	v15 =	vadd.f32 v15, v6  }
0x651: {  	v14 =	vor.u32 v14, v59;
	[tilespmem:v9+s17+$0x0] =	vst.idx.msk $0xffff, v23;
	v16 =	vld.idx.msk [tilespmem:v16+s25+$0x0], $0xffff;
	v18 =	vadd.f32 v21, v3  }
0x652: {  	v31 =	vor.u32 v48, v63;
	v9 =	vor.u32 v48, v47;
	v19 =	vmul.f32 $8.000000000e+00, v19;
	[tilespmem:v42+s17+$0x0] =	vst.idx.msk $0xffff, v15;
	v42 =	vld [tilespmem:$0x1FE90]  }
0x653: {  	v21 =	vor.u32 v48, v46;
	[tilespmem:v37+s17+$0x0] =	vst.idx.msk $0xffff, v18;
	v18 =	vor.u32 v48, v49;
	v48 =	vld [tilespmem:$0x1FEA0]  }
0x654: {  	v15 =	vadd.f32 v19, v41;
	v19 =	vld.idx.msk [tilespmem:v24+s25+$0x0], $0xffff  }
0x655: {  	v0 =	vmul.f32 $8.000000000e+00, v0;
	v22 =	vld.idx.msk [tilespmem:v22+s25+$0x0], $0xffff  }
0x656: {  	v26 =	vor.u32 v26, v54;
	[tilespmem:v14+s17+$0x0] =	vst.idx.msk $0xffff, v15;
	v14 =	vmul.f32 $8.000000000e+00, v17  }
0x657: {  	v20 =	vmul.f32 $8.000000000e+00, v20;
	v0 =	vadd.f32 v0, v2;
	v16 =	vmul.f32 $8.000000000e+00, v16;
	v17 =	vld.idx.msk [tilespmem:v28+s25+$0x0], $0xffff  }
0x658: {  	v15 =	vor.u32 v50, v60;
	v14 =	vadd.f32 v14, v39;
	v28 =	vor.u32 v42, v7  }
0x659: {  	[tilespmem:v30+s17+$0x0] =	vst.idx.msk $0xffff, v0;
	v0 =	vadd.f32 v16, v4;
	v8 =	vor.u32 v48, v8;
	v19 =	vmul.f32 $8.000000000e+00, v19  }
0x65a: {  	v25 =	vor.u32 v50, v61;
	v37 =	vld [tilespmem:$0x1FE10];
	[tilespmem:v29+s17+$0x0] =	vst.idx.msk $0xffff, v14;
	v14 =	vadd.f32 v20, v5;
	v16 =	vmul.f32 $8.000000000e+00, v22  }
0x65b: {  	v23 =	vld.idx.msk [tilespmem:v26+s25+$0x0], $0xffff;
	v26 =	vor.u32 v50, v55;
	[tilespmem:v21+s17+$0x0] =	vst.idx.msk $0xffff, v0;
	v19 =	vadd.f32 v19, v6  }
0x65c: {  	v24 =	vld [tilespmem:$0x1FF40];
	[tilespmem:v31+s17+$0x0] =	vst.idx.msk $0xffff, v14;
	v14 =	vmul.f32 $8.000000000e+00, v17;
	v0 =	vadd.f32 v16, v3  }
0x65d: {  	v15 =	vld.idx.msk [tilespmem:v15+s25+$0x0], $0xffff;
	[tilespmem:v28+s17+$0x0] =	vst.idx.msk $0xffff, v19  }
0x65e: {  	v27 =	vor.u32 v50, v56;
	v14 =	vadd.f32 v14, v43;
	[tilespmem:v18+s17+$0x0] =	vst.idx.msk $0xffff, v0;
	v0 =	vld.idx.msk [tilespmem:v8+s25+$0x0], $0xffff  }
0x65f: {  	v30 =	vor.u32 v40, v57;
	v20 =	vor.u32 v50, v57;
	v29 =	vor.u32 v40, v56;
	v8 =	vld.idx.msk [tilespmem:v25+s25+$0x0], $0xffff  }
0x660: {  	v17 =	vor.u32 v50, v58;
	v31 =	vor.u32 v40, v58;
	[tilespmem:v9+s17+$0x0] =	vst.idx.msk $0xffff, v14;
	v9 =	vld.idx.msk [tilespmem:v26+s25+$0x0], $0xffff  }
0x661: {  	v28 =	vor.u32 v40, v55;
	v25 =	vor.u32 v40, v60;
	v26 =	vor.u32 v40, v61;
	v40 =	vld [tilespmem:$0x1FED0]  }
0x662: {  	v24 =	vor.u32 v24, v59;
	v22 =	vmul.f32 $8.000000000e+00, v23  }
0x663: {  	v34 =	vld [tilespmem:$0x1FE30];
	v23 =	vor.u32 v37, v54;
	v16 =	vor.u32 v44, v1  }
0x664: {  	v21 =	vor.u32 v44, v62;
	v27 =	vld.idx.msk [tilespmem:v27+s25+$0x0], $0xffff;
	v19 =	vadd.f32 v22, v41;
	v15 =	vmul.f32 $8.000000000e+00, v15  }
0x665: {  	v18 =	vor.u32 v44, v63;
	v20 =	vld.idx.msk [tilespmem:v20+s25+$0x0], $0xffff;
	v0 =	vmul.f32 $8.000000000e+00, v0;
	v8 =	vmul.f32 $8.000000000e+00, v8  }
0x666: {  	v17 =	vld.idx.msk [tilespmem:v17+s25+$0x0], $0xffff;
	v15 =	vadd.f32 v15, v39;
	v7 =	vor.u32 v40, v7;
	v9 =	vmul.f32 $8.000000000e+00, v9  }
0x667: {  	v51 =	vld [tilespmem:$0x1FE20];
	[tilespmem:v24+s17+$0x0] =	vst.idx.msk $0xffff, v19;
	v0 =	vadd.f32 v0, v6;
	v6 =	vadd.f32 v8, v2  }
0x668: {  	v22 =	vor.u32 v44, v46;
	v23 =	vld.idx.msk [tilespmem:v23+s25+$0x0], $0xffff;
	[tilespmem:v16+s17+$0x0] =	vst.idx.msk $0xffff, v15;
	v9 =	vadd.f32 v9, v5  }
0x669: {  	v35 =	vld [tilespmem:$0x1FE40];
	v32 =	vor.u32 v34, v54;
	v14 =	vor.u32 v44, v49;
	v8 =	vmul.f32 $8.000000000e+00, v27;
	[tilespmem:v21+s17+$0x0] =	vst.idx.msk $0xffff, v6  }
0x66a: {  	v19 =	vor.u32 v44, v47;
	v20 =	vmul.f32 $8.000000000e+00, v20;
	v16 =	vld.idx.msk [tilespmem:v25+s25+$0x0], $0xffff;
	[tilespmem:v18+s17+$0x0] =	vst.idx.msk $0xffff, v9  }
0x66b: {  	[tilespmem:v7+s17+$0x0] =	vst.idx.msk $0xffff, v0;
	v0 =	vadd.f32 v8, v4;
	v7 =	vmul.f32 $8.000000000e+00, v17;
	v18 =	vld.idx.msk [tilespmem:v28+s25+$0x0], $0xffff  }
0x66c: {  	v33 =	vor.u32 v38, v1;
	v24 =	vor.u32 v51, v59;
	v9 =	vadd.f32 v20, v3;
	v17 =	vld.idx.msk [tilespmem:v26+s25+$0x0], $0xffff  }
0x66d: {  	v36 =	vld [tilespmem:$0x1FE50];
	v50 =	vor.u32 v38, v63;
	v8 =	vmul.f32 $8.000000000e+00, v23;
	[tilespmem:v22+s17+$0x0] =	vst.idx.msk $0xffff, v0;
	v0 =	vadd.f32 v7, v43  }
0x66e: {  	v44 =	vor.u32 v38, v62;
	v15 =	vor.u32 v38, v46;
	[tilespmem:v14+s17+$0x0] =	vst.idx.msk $0xffff, v9;
	v21 =	vld.idx.msk [tilespmem:v29+s25+$0x0], $0xffff  }
0x66f: {  	v8 =	vadd.f32 v8, v41;
	v22 =	vld.idx.msk [tilespmem:v30+s25+$0x0], $0xffff;
	[tilespmem:v19+s17+$0x0] =	vst.idx.msk $0xffff, v0;
	v0 =	vmul.f32 $8.000000000e+00, v16  }
0x670: {  	v25 =	vor.u32 v52, v58;
	v9 =	vor.u32 v52, v60;
	v16 =	vld.idx.msk [tilespmem:v31+s25+$0x0], $0xffff;
	v18 =	vmul.f32 $8.000000000e+00, v18  }
0x671: {  	v20 =	vld [tilespmem:$0x1FF30];
	[tilespmem:v24+s17+$0x0] =	vst.idx.msk $0xffff, v8;
	v8 =	vor.u32 v52, v55;
	v17 =	vmul.f32 $8.000000000e+00, v17;
	v0 =	vadd.f32 v0, v39  }
0x672: {  	v6 =	vor.u32 v38, v49;
	v26 =	vld [tilespmem:$0x1FFF0];
	v14 =	vor.u32 v52, v61;
	v18 =	vadd.f32 v18, v5  }
0x673: {  	v19 =	vld.idx.msk [tilespmem:v32+s25+$0x0], $0xffff;
	[tilespmem:v33+s17+$0x0] =	vst.idx.msk $0xffff, v0;
	v0 =	vadd.f32 v17, v2;
	v21 =	vmul.f32 $8.000000000e+00, v21  }
0x674: {  	v7 =	vor.u32 v38, v47;
	v24 =	vor.u32 v52, v57;
	v31 =	vld [tilespmem:$0x1F7C0];
	v22 =	vmul.f32 $8.000000000e+00, v22;
	[tilespmem:v50+s17+$0x0] =	vst.idx.msk $0xffff, v18  }
0x675: {  	v9 =	vld.idx.msk [tilespmem:v9+s25+$0x0], $0xffff;
	[tilespmem:v44+s17+$0x0] =	vst.idx.msk $0xffff, v0;
	v0 =	vadd.f32 v21, v4;
	v16 =	vmul.f32 $8.000000000e+00, v16  }
0x676: {  	v23 =	vor.u32 v52, v56;
	v18 =	vadd.f32 v22, v3;
	v8 =	vld.idx.msk [tilespmem:v8+s25+$0x0], $0xffff  }
0x677: {  	v20 =	vor.u32 v20, v59;
	v30 =	vld.idx.msk [tilespmem:v14+s25+$0x0], $0xffff;
	[tilespmem:v15+s17+$0x0] =	vst.idx.msk $0xffff, v0;
	v0 =	vadd.f32 v16, v43  }
0x678: {  	v26 =	vor.u32 v26, v54;
	v19 =	vmul.f32 $8.000000000e+00, v19;
	v14 =	vld [tilespmem:$0x1FEB0];
	[tilespmem:v6+s17+$0x0] =	vst.idx.msk $0xffff, v18  }
0x679: {  	v22 =	vld.idx.msk [tilespmem:v24+s25+$0x0], $0xffff;
	[tilespmem:v7+s17+$0x0] =	vst.idx.msk $0xffff, v0  }
0x67a: {  	v16 =	vadd.f32 v19, v41;
	v0 =	vmul.f32 $8.000000000e+00, v9;
	v9 =	vld.idx.msk [tilespmem:v25+s25+$0x0], $0xffff  }
0x67b: {  	v25 =	vld [tilespmem:$0x1FF70]  }
0x67c: {  	v19 =	vld.idx.msk [tilespmem:v23+s25+$0x0], $0xffff;
	[tilespmem:v20+s17+$0x0] =	vst.idx.msk $0xffff, v16  }
0x67d: {  	v27 =	vor.u32 v42, v1;
	v20 =	vld.idx.msk [tilespmem:v26+s25+$0x0], $0xffff;
	v8 =	vmul.f32 $8.000000000e+00, v8  }
0x67e: {  	v38 =	vmov v5;
	v6 =	vor.u32 v48, v60;
	v26 =	vld [tilespmem:$0x1F7A0]  }
0x67f: {  	v7 =	vor.u32 v48, v55;
	v5 =	vadd.f32 v8, v38;
	v8 =	vld [tilespmem:$0x1F810]  }
0x680: {  	v0 =	vadd.f32 v0, v39;
	v55 =	vor.u32 v25, v54;
	v25 =	vmul.f32 $8.000000000e+00, v30;
	v30 =	vld [tilespmem:$0x1F7B0]  }
0x681: {  	v40 =	vmov v34;
	v34 =	vmov v2;
	v2 =	vmul.f32 $8.000000000e+00, v19;
	v19 =	vld [tilespmem:$0x1F7F0]  }
0x682: {  	v28 =	vor.u32 v42, v62;
	[tilespmem:v27+s17+$0x0] =	vst.idx.msk $0xffff, v0;
	v27 =	vld [tilespmem:$0x1FEC0]  }
0x683: {  	v12 =	vadd.f32 v12, v53;
	v21 =	vor.u32 v42, v49;
	v53 =	vld.idx.msk [tilespmem:v6+s25+$0x0], $0xffff  }
0x684: {  	v29 =	vor.u32 v42, v46;
	v6 =	vmul.f32 $8.000000000e+00, v22;
	v22 =	vld [tilespmem:$0x1F800]  }
0x685: {  	v18 =	vor.u32 v48, v61;
	v0 =	vadd.f32 v25, v34;
	v61 =	vadd.f32 v30, v31;
	v30 =	vld [tilespmem:$0x1F7D0]  }
0x686: {  	v32 =	vmov v4;
	v6 =	vadd.f32 v6, v3;
	v25 =	vld [tilespmem:$0x1F7E0]  }
0x687: {  	v24 =	vor.u32 v48, v57;
	[tilespmem:v28+s17+$0x0] =	vst.idx.msk $0xffff, v0;
	v0 =	vadd.f32 v2, v32;
	v2 =	vld [tilespmem:$0x1F820]  }
0x688: {  	v10 =	vmul.f32 $8.000000000e+00, v10;
	v17 =	vor.u32 v42, v63;
	[tilespmem:v21+s17+$0x0] =	vst.idx.msk $0xffff, v6;
	v21 =	vld [tilespmem:$0x1F840]  }
0x689: {  	v15 =	vor.u32 v42, v47;
	[tilespmem:v29+s17+$0x0] =	vst.idx.msk $0xffff, v0;
	v29 =	vld [tilespmem:$0x1FED0]  }
0x68a: {  	p1 =	slt.u32 s13, $0x38;
	v23 =	vor.u32 v48, v56;
	v4 =	vmul.f32 $8.000000000e+00, v9;
	v54 =	vadd.f32 v10, v30;
	v30 =	vmovc v3;
	v3 =	vld [tilespmem:$0x1F830]  }
.Ltmp2:
0x68b: {  	v8 =	vadd.f32 v13, v8;
	v13 =	vld.idx.msk [tilespmem:v18+s25+$0x0], $0xffff;
	(pc) =	sbr.rel @p1 .LBB2_7-.Ltmp2, $4  }
0x68c: {  	v0 =	vadd.f32 v4, v43;
	v2 =	vadd.f32 v11, v2;
	v11 =	vld.idx.msk [tilespmem:v24+s25+$0x0], $0xffff  }
0x68d: {  	v16 =	vor.u32 v48, v58;
	v14 =	vor.u32 v14, v59;
	[tilespmem:v17+s17+$0x0] =	vst.idx.msk $0xffff, v5;
	v9 =	vmul.f32 $8.000000000e+00, v20;
	v24 =	vld [tilespmem:$0x1F850]  }
0x68e: {  	v33 =	vlaneseq.u32;
	[tilespmem:v15+s17+$0x0] =	vst.idx.msk $0xffff, v0;
	v10 =	vld.idx.msk [tilespmem:v7+s25+$0x0], $0xffff;
	v5 =	vor.u32 v29, v1;
	v4 =	vor.u32 v29, v62  }
0x68f: {  	v1 =	vor.u32 v29, v63;
	v3 =	vadd.f32 v45, v3;
	v45 =	vadd.f32 v9, v41;
	v9 =	vld.idx.msk [tilespmem:v23+s25+$0x0], $0xffff  }
0x690: {  	_ =	sdelay $0x3  }
0x691: {  	v0 =	vmul.f32 $8.000000000e+00, v53;
	[tilespmem:v19+s17+$0x0] =	vst.idx.msk $0xffff, v61  }
0x692: {  	[tilespmem:v21+s17+$0x0] =	vst.idx.msk $0xffff, v54  }
0x693: {  	[tilespmem:v25+s17+$0x0] =	vst.idx.msk $0xffff, v8;
	v0 =	vadd.f32 v0, v39  }
0x694: {  	v6 =	vld.idx.msk [tilespmem:v16+s25+$0x0], $0xffff;
	[tilespmem:v14+s17+$0x0] =	vst.idx.msk $0xffff, v45  }
0x695: {  	v8 =	vmul.f32 $8.000000000e+00, v10;
	[tilespmem:v5+s17+$0x0] =	vst.idx.msk $0xffff, v0;
	v0 =	vld.idx.msk [tilespmem:v55+s25+$0x0], $0xffff  }
0x696: {  	[tilespmem:v22+s17+$0x0] =	vst.idx.msk $0xffff, v12;
	v7 =	vor.u32 v29, v46;
	v5 =	vmul.f32 $8.000000000e+00, v13  }
0x697: {  	[tilespmem:v26+s17+$0x0] =	vst.idx.msk $0xffff, v2;
	v10 =	vor.u32 v29, v49;
	v2 =	vmul.f32 $8.000000000e+00, v9;
	v8 =	vadd.f32 v8, v38  }
0x698: {  	[tilespmem:v24+s17+$0x0] =	vst.idx.msk $0xffff, v3;
	v3 =	vmul.f32 $8.000000000e+00, v11;
	v9 =	vor.u32 v29, v47;
	v5 =	vadd.f32 v5, v34  }
0x699: {  	v11 =	vor.u32 v27, v59;
	v6 =	vmul.f32 $8.000000000e+00, v6;
	v2 =	vadd.f32 v2, v32;
	[tilespmem:v1+s17+$0x0] =	vst.idx.msk $0xffff, v8  }
0x69a: {  	v3 =	vadd.f32 v3, v30;
	[tilespmem:v4+s17+$0x0] =	vst.idx.msk $0xffff, v5;
	v0 =	vmul.f32 $8.000000000e+00, v0  }
0x69b: {  	v1 =	vadd.f32 v6, v43;
	[tilespmem:v7+s17+$0x0] =	vst.idx.msk $0xffff, v2  }
0x69c: {  	[tilespmem:v10+s17+$0x0] =	vst.idx.msk $0xffff, v3;
	v0 =	vadd.f32 v0, v41  }
0x69d: {  	[tilespmem:v9+s17+$0x0] =	vst.idx.msk $0xffff, v1  }
0x69e: {  	s7 =	simm.s32 @p0 $0x400;
	[tilespmem:v11+s17+$0x0] =	vst.idx.msk $0xffff, v0  }
0x69f: {  	s13 =	simm.s32 @p0 $0x8000;
	s15 =	simm.s32 @p0 $0xC200;
	s16 =	rddreg [dreg:$0xb]  }
0x6a0: {  	[hbm4b:s16+s7] =	stream.strided.scatter @p0 [tilespmem:s15], [sflag:$0x7], $0x2000, s13, s7, $0x38;
	[tilespmem:$0x13400] =	vst v63  }
0x6a1: {  	s7 =	rddreg [dreg:$0x8]  }
0x6a2: {  	s7 =	sadd.s32 @!p0 s7, s12  }
0x6a3: {  	s7 =	sshrl.u32 @!p0 s7, $0x3  }
0x6a4: {  	s13 =	simm.s32 @!p0 $0x0;
	s15 =	simm.s32 @!p0 $0x80;
	s7 =	sadd.s32 @!p0 s4, s7  }
0x6a5: {  	[tilespmem:s15], [sflag:$0xA] =	stream.linear.gather @!p0 [hbm4b:s7+s13], $0x80, $0x38;
	[tilespmem:$0x13400] =	vst v63  }
0x6a6: {  	v0 =	vld [tilespmem:$0x1FE00];
	s7 =	sshll.u32 @!p0 s11, $0x12  }
0x6a7: {  	s7 =	sor.u32 @!p0 s14, s7  }
0x6a8: {  	s29 =	sshll.u32 s2, $0x6;
	s16 =	simm.s32 @!p0 $0xC200;
	s7 =	sshrl.u32 @!p0 s7, $0x3  }
0x6a9: {  	s11 =	simm.s32 @!p0 $0x400;
	s13 =	simm.s32 @!p0 $0x8000;
	s7 =	sadd.s32 @!p0 s1, s7  }
0x6aa: {  	[hbm4b:s7+s11] =	stream.strided.scatter @!p0 [tilespmem:s16], [sflag:$0x7], $0x2000, s13, s11, $0x38;
	[tilespmem:$0x13400] =	vst v63  }
0x6ab: {  	v55 =	vor.u32 s29, v0;
	s7 =	simm.s32 $0x0  }
0x6ac: {  	[tilespmem:$0x1F660] =	vst v55;
	s16 =	simm.s32 @!p0 $0x6;
	s13 =	sand.u32 $0x8, s7  }
0x6ad: {  	_ =	swait.ge @!p0 [sflag:s16], $0x2000;
	s30 =	sor.u32 $0x1, s13  }
0x6ae: {  	v42 =	vmov s29;
	s29 =	sor.u32 $0x7, s13;
	[sflag:s16] =	ssyncset.done @!p0 $0x0;
	v4 =	vadd.s32 s30, v33;
	s30 =	sor.u32 $0x2, s13  }
0x6af: {  	v1 =	vadd.s32 s29, v33;
	s29 =	sor.u32 $0x3, s13;
	[sflag:s16] =	ssyncadd.s32 @!p0 $0xFFFFE000;
	v5 =	vadd.s32 s30, v33;
	s30 =	sor.u32 $0x4, s13  }
0x6b0: {  	v0 =	vadd.s32 s13, v33;
	v7 =	vadd.s32 s29, v33;
	s29 =	sor.u32 $0x5, s13;
	v8 =	vadd.s32 s30, v33;
	s30 =	sor.u32 $0x6, s13;
	s13 =	simm.s32 @!p0 $0xA  }
0x6b1: {  	_ =	swait.ge @!p0 [sflag:s13], $0x80  }
0x6b2: {  	v59 =	vld [tilespmem:$0x1FEE0]  }
0x6b3: {  	s7 =	sand.u32 $0x30, s7;
	v2 =	vand.u32 $0xF, v1  }
0x6b4: {  	v2 =	vor.u32 s7, v2  }
0x6b5: {  	v11 =	vand.u32 $0x7, v1;
	v6 =	vand.u32 $0x38, v2  }
0x6b6: {  	v0 =	vand.u32 $0xF, v0;
	v3 =	vand.u32 $0xF, v4;
	[sflag:s13] =	ssyncset.done @!p0 $0x0;
	v6 =	vor.u32 v11, v6  }
0x6b7: {  	s11 =	simm.s32 @!p0 $0x2200;
	v0 =	vor.u32 s7, v0;
	v24 =	vand.u32 $0x7, v4;
	[sflag:s13] =	ssyncadd.s32 @!p0 $0xFFFFFF80;
	v15 =	vor.u32 v59, v6  }
0x6b8: {  	v27 =	vshll.u32 v1, $0x7;
	v9 =	vadd.s32 s29, v33;
	v12 =	vand.u32 $0xF, v5;
	[tilespmem:s11], [sflag:$0x2] =	stream.indirect.gather @!p0 [hbm4b:s5+s15], $0x40, s15, s15, $0xb8;
	[tilespmem:$0x13400] =	vst v63  }
0x6b9: {  	v13 =	vand.u32 $0xF, v7;
	v16 =	vor.u32 s7, v3;
	v17 =	vor.u32 v42, v6;
	_ =	swait.ge [sflag:s8], $0x2000  }
0x6ba: {  	v25 =	vand.u32 $0x7, v5;
	v26 =	vand.u32 $0x7, v7;
	v10 =	vadd.s32 s30, v33;
	[sflag:s8] =	ssyncset.done $0x0  }
0x6bb: {  	v14 =	vand.u32 $0xF, v9;
	v12 =	vor.u32 s7, v12;
	v13 =	vor.u32 s7, v13;
	v48 =	vld [tilespmem:$0x1FEF0];
	[sflag:s8] =	ssyncadd.s32 $0xFFFFE000  }
0x6bc: {  	v2 =	vshll.u32 v2, $0x7;
	v28 =	vand.u32 $0x7, v8;
	v11 =	vand.u32 $0xF, v8;
	v15 =	vld.idx.msk [tilespmem:v15+s3+$0x0], $0xffff  }
0x6bd: {  	v3 =	vand.u32 $0xF, v10;
	v14 =	vor.u32 s7, v14;
	v19 =	vand.u32 $0x38, v12  }
0x6be: {  	v20 =	vand.u32 $0x38, v13;
	v2 =	vand.u32 $0x1C00, v2;
	v45 =	vld.idx.msk [tilespmem:v17+s18+$0x0], $0xffff;
	v17 =	vand.u32 $0x380, v27  }
0x6bf: {  	v11 =	vor.u32 s7, v11;
	v18 =	vor.u32 s7, v3;
	v2 =	vor.u32 v17, v2  }
0x6c0: {  	v22 =	vand.u32 $0x38, v14;
	v61 =	vor.u32 v25, v19;
	v17 =	vor.u32 v33, v2  }
0x6c1: {  	v21 =	vand.u32 $0x38, v11;
	v19 =	vor.u32 v48, v6;
	v15 =	vmul.f32 $8.000000000e+00, v15  }
0x6c2: {  	v63 =	vor.u32 v26, v20;
	v26 =	vor.u32 v42, v61;
	v46 =	vor.u32 v28, v21  }
0x6c3: {  	v21 =	vor.u32 v59, v61;
	v27 =	vand.u32 $0x7, v9;
	v15 =	vadd.f32 v15, v45  }
0x6c4: {  	v3 =	vand.u32 $0x38, v16;
	v43 =	vor.u32 v27, v22;
	v22 =	vor.u32 v59, v63  }
0x6c5: {  	v60 =	vshll.u32 v4, $0x7;
	v38 =	vand.u32 $0x38, v0;
	v44 =	vor.u32 v24, v3;
	[tilespmem:v17+s19+$0x0] =	vst.idx.msk $0xffff, v15  }
0x6c6: {  	v29 =	vand.u32 $0x7, v10;
	v23 =	vand.u32 $0x38, v18;
	v20 =	vor.u32 v59, v44;
	v19 =	vld.idx.msk [tilespmem:v19+s3+$0x0], $0xffff  }
0x6c7: {  	v5 =	vshll.u32 v5, $0x7;
	v39 =	vor.u32 v29, v23;
	v23 =	vor.u32 v59, v46;
	v57 =	vld.idx.msk [tilespmem:v26+s18+$0x0], $0xffff  }
0x6c8: {  	v7 =	vshll.u32 v7, $0x7;
	v30 =	vor.u32 v38, v55;
	v25 =	vor.u32 v59, v39;
	v21 =	vld.idx.msk [tilespmem:v21+s3+$0x0], $0xffff  }
0x6c9: {  	v7 =	vand.u32 $0x380, v7;
	v12 =	vshll.u32 v12, $0x7;
	v22 =	vld.idx.msk [tilespmem:v22+s3+$0x0], $0xffff;
	v17 =	vor.u32 v42, v44  }
0x6ca: {  	v13 =	vshll.u32 v13, $0x7;
	v29 =	vor.u32 v42, v43;
	v62 =	vor.u32 v35, v2;
	v1 =	vld [tilespmem:$0x1FF80]  }
0x6cb: {  	v8 =	vshll.u32 v8, $0x7;
	v10 =	vshll.u32 v10, $0x7;
	v20 =	vld.idx.msk [tilespmem:v20+s3+$0x0], $0xffff;
	v4 =	vmul.f32 $8.000000000e+00, v19  }
0x6cc: {  	v16 =	vshll.u32 v16, $0x7;
	v14 =	vshll.u32 v14, $0x7;
	v23 =	vld.idx.msk [tilespmem:v23+s3+$0x0], $0xffff;
	v19 =	vor.u32 v36, v6  }
0x6cd: {  	v16 =	vand.u32 $0x1C00, v16;
	v24 =	vor.u32 v59, v43;
	v25 =	vld.idx.msk [tilespmem:v25+s3+$0x0], $0xffff;
	v41 =	vadd.f32 v4, v45  }
0x6ce: {  	v28 =	vor.u32 v42, v46;
	v27 =	vor.u32 v42, v63;
	v56 =	vld.idx.msk [tilespmem:v17+s18+$0x0], $0xffff;
	v17 =	vmul.f32 $8.000000000e+00, v21  }
0x6cf: {  	v21 =	vmul.f32 $8.000000000e+00, v22;
	v22 =	vand.u32 $0x380, v60;
	v15 =	vor.u32 v1, v38;
	v1 =	vld.idx.msk [tilespmem:v29+s18+$0x0], $0xffff;
	[tilespmem:v62+s19+$0x0] =	vst.idx.msk $0xffff, v41  }
0x6d0: {  	v12 =	vand.u32 $0x1C00, v12;
	v26 =	vand.u32 $0x380, v5;
	v5 =	vor.u32 v22, v16;
	v16 =	vld [tilespmem:$0x1FF00]  }
0x6d1: {  	v8 =	vand.u32 $0x380, v8;
	v10 =	vand.u32 $0x380, v10;
	v11 =	vshll.u32 v11, $0x7;
	v19 =	vld.idx.msk [tilespmem:v19+s3+$0x0], $0xffff  }
0x6d2: {  	v18 =	vshll.u32 v18, $0x7;
	v14 =	vand.u32 $0x1C00, v14;
	v11 =	vand.u32 $0x1C00, v11;
	v24 =	vld.idx.msk [tilespmem:v24+s3+$0x0], $0xffff  }
0x6d3: {  	v18 =	vand.u32 $0x1C00, v18;
	v31 =	vor.u32 v42, v39;
	v9 =	vshll.u32 v9, $0x7;
	v60 =	vld.idx.msk [tilespmem:v28+s18+$0x0], $0xffff  }
0x6d4: {  	v34 =	vmovc v35;
	v52 =	vor.u32 v10, v18;
	v9 =	vand.u32 $0x380, v9;
	v10 =	vor.u32 v33, v5;
	v4 =	vld.idx.msk [tilespmem:v27+s18+$0x0], $0xffff  }
0x6d5: {  	v35 =	vor.u32 v8, v11;
	v20 =	vmul.f32 $8.000000000e+00, v20;
	v15 =	vld.idx.msk [tilespmem:v15+s3+$0x0], $0xffff;
	[tilespmem:$0x1F710] =	vst v1;
	v8 =	vor.u32 v16, v2  }
0x6d6: {  	v13 =	vand.u32 $0x1C00, v13;
	v3 =	vld.idx.msk [tilespmem:v30+s18+$0x0], $0xffff;
	v30 =	vor.u32 v9, v14;
	v9 =	vmul.f32 $8.000000000e+00, v19  }
0x6d7: {  	v23 =	vmul.f32 $8.000000000e+00, v23;
	v27 =	vor.u32 v26, v12;
	v12 =	vadd.f32 v20, v56  }
0x6d8: {  	v20 =	vor.u32 v7, v13;
	v55 =	vld [tilespmem:$0x1FF10];
	v14 =	vor.u32 v33, v27;
	v9 =	vadd.f32 v9, v45  }
0x6d9: {  	v24 =	vmul.f32 $8.000000000e+00, v24;
	v7 =	vadd.f32 v17, v57;
	v18 =	vor.u32 v33, v20;
	[tilespmem:v10+s19+$0x0] =	vst.idx.msk $0xffff, v12  }
0x6da: {  	v17 =	vadd.f32 v23, v60;
	v47 =	vld.idx.msk [tilespmem:v31+s18+$0x0], $0xffff;
	v19 =	vor.u32 v33, v35;
	[tilespmem:v8+s19+$0x0] =	vst.idx.msk $0xffff, v9  }
0x6db: {  	v23 =	vmovc v20;
	v20 =	vadd.f32 v24, v1;
	v13 =	vadd.f32 v21, v4;
	v21 =	vor.u32 v33, v30;
	v1 =	vld [tilespmem:$0x1FF90]  }
0x6dc: {  	v0 =	vshll.u32 v0, $0x7  }
0x6dd: {  	v29 =	vand.u32 $0x1C00, v0;
	v0 =	vor.u32 v33, v52;
	v11 =	vor.u32 v55, v6;
	[tilespmem:v14+s19+$0x0] =	vst.idx.msk $0xffff, v7  }
0x6de: {  	v25 =	vmul.f32 $8.000000000e+00, v25;
	[tilespmem:v18+s19+$0x0] =	vst.idx.msk $0xffff, v13  }
0x6df: {  	[tilespmem:v19+s19+$0x0] =	vst.idx.msk $0xffff, v17  }
0x6e0: {  	v22 =	vadd.f32 v25, v47;
	v10 =	vor.u32 v1, v29;
	v1 =	vld [tilespmem:$0x1FFA0];
	[tilespmem:v21+s19+$0x0] =	vst.idx.msk $0xffff, v20  }
0x6e1: {  	v58 =	vld [tilespmem:$0x1FF50]  }
0x6e2: {  	v9 =	vor.u32 v48, v44;
	v11 =	vld.idx.msk [tilespmem:v11+s3+$0x0], $0xffff;
	[tilespmem:v0+s19+$0x0] =	vst.idx.msk $0xffff, v22  }
0x6e3: {  	v12 =	vor.u32 v48, v61;
	v15 =	vmul.f32 $8.000000000e+00, v15;
	v49 =	vld [tilespmem:$0x1FF60]  }
0x6e4: {  	v7 =	vor.u32 v48, v63  }
0x6e5: {  	v8 =	vadd.f32 v15, v3  }
0x6e6: {  	v14 =	vor.u32 v48, v46;
	v20 =	vor.u32 v58, v2  }
0x6e7: {  	v13 =	vor.u32 v48, v43;
	v9 =	vld.idx.msk [tilespmem:v9+s3+$0x0], $0xffff;
	v0 =	vmul.f32 $8.000000000e+00, v11;
	[tilespmem:v10+s19+$0x0] =	vst.idx.msk $0xffff, v8  }
0x6e8: {  	v10 =	vld.idx.msk [tilespmem:v12+s3+$0x0], $0xffff;
	[tilespmem:$0x1F770] =	vst v30;
	v11 =	vor.u32 v49, v6  }
0x6e9: {  	v15 =	vor.u32 v48, v39;
	v0 =	vadd.f32 v0, v45;
	v7 =	vld.idx.msk [tilespmem:v7+s3+$0x0], $0xffff  }
0x6ea: {  	v17 =	vor.u32 v1, v38;
	v1 =	vld [tilespmem:$0x1FFB0]  }
0x6eb: {  	v18 =	vor.u32 v34, v5;
	v14 =	vld.idx.msk [tilespmem:v14+s3+$0x0], $0xffff;
	[tilespmem:v20+s19+$0x0] =	vst.idx.msk $0xffff, v0  }
0x6ec: {  	v9 =	vmul.f32 $8.000000000e+00, v9;
	v13 =	vld.idx.msk [tilespmem:v13+s3+$0x0], $0xffff;
	[tilespmem:$0x1F6B0] =	vst v43  }
0x6ed: {  	v54 =	vmovc v2;
	v19 =	vor.u32 v34, v27;
	v2 =	vor.u32 v16, v30;
	v10 =	vmul.f32 $8.000000000e+00, v10;
	v11 =	vld.idx.msk [tilespmem:v11+s3+$0x0], $0xffff  }
0x6ee: {  	v8 =	vor.u32 v34, v23;
	v9 =	vadd.f32 v9, v56;
	v7 =	vmul.f32 $8.000000000e+00, v7;
	v15 =	vld.idx.msk [tilespmem:v15+s3+$0x0], $0xffff  }
0x6ef: {  	v10 =	vadd.f32 v10, v57;
	v17 =	vld.idx.msk [tilespmem:v17+s3+$0x0], $0xffff;
	[tilespmem:$0x1F620] =	vst v2  }
0x6f0: {  	v0 =	vld [tilespmem:$0x1FFC0];
	v2 =	vmov v4;
	[tilespmem:v18+s19+$0x0] =	vst.idx.msk $0xffff, v9;
	v7 =	vadd.f32 v7, v4;
	v4 =	vor.u32 v16, v52  }
0x6f1: {  	v50 =	vmov v51;
	v51 =	vmov v36;
	v14 =	vmul.f32 $8.000000000e+00, v14;
	[tilespmem:$0x1F630] =	vst v4  }
0x6f2: {  	v53 =	vmov v57;
	v25 =	vor.u32 v51, v61;
	v57 =	vld [tilespmem:$0x1FF20];
	[tilespmem:v19+s19+$0x0] =	vst.idx.msk $0xffff, v10  }
0x6f3: {  	v12 =	vor.u32 v34, v35;
	v10 =	vadd.f32 v14, v60;
	v4 =	vmov v60;
	v60 =	vld [tilespmem:$0x1FE60];
	[tilespmem:v8+s19+$0x0] =	vst.idx.msk $0xffff, v7  }
0x6f4: {  	v21 =	vor.u32 v34, v30;
	v30 =	vld [tilespmem:$0x1F710]  }
0x6f5: {  	v28 =	vor.u32 v51, v39  }
0x6f6: {  	v26 =	vor.u32 v51, v63;
	v24 =	vor.u32 v51, v44;
	v11 =	vmul.f32 $8.000000000e+00, v11  }
0x6f7: {  	v31 =	vmovc v27;
	v27 =	vor.u32 v51, v46;
	v9 =	vmul.f32 $8.000000000e+00, v13;
	v13 =	vor.u32 v57, v54  }
0x6f8: {  	v22 =	vor.u32 v34, v52;
	[tilespmem:v12+s19+$0x0] =	vst.idx.msk $0xffff, v10;
	v10 =	vadd.f32 v11, v45;
	v11 =	vld.idx.msk [tilespmem:v25+s3+$0x0], $0xffff  }
0x6f9: {  	v32 =	vmovc v23;
	v23 =	vor.u32 v1, v29;
	v8 =	vmul.f32 $8.000000000e+00, v15;
	v7 =	vadd.f32 v9, v30  }
0x6fa: {  	v62 =	vor.u32 v16, v5;
	v15 =	vmul.f32 $8.000000000e+00, v17;
	v12 =	vld [tilespmem:$0x1FFD0]  }
0x6fb: {  	v14 =	vor.u32 v60, v6;
	v9 =	vld.idx.msk [tilespmem:v24+s3+$0x0], $0xffff;
	[tilespmem:v21+s19+$0x0] =	vst.idx.msk $0xffff, v7;
	v7 =	vadd.f32 v8, v47  }
0x6fc: {  	v20 =	vor.u32 v51, v43;
	v15 =	vadd.f32 v15, v3;
	v8 =	vld.idx.msk [tilespmem:v26+s3+$0x0], $0xffff;
	[tilespmem:v13+s19+$0x0] =	vst.idx.msk $0xffff, v10  }
0x6fd: {  	v0 =	vor.u32 v0, v38;
	v10 =	vld.idx.msk [tilespmem:v27+s3+$0x0], $0xffff;
	v11 =	vmul.f32 $8.000000000e+00, v11;
	[tilespmem:v22+s19+$0x0] =	vst.idx.msk $0xffff, v7  }
0x6fe: {  	v25 =	vor.u32 v58, v31;
	[tilespmem:v23+s19+$0x0] =	vst.idx.msk $0xffff, v15;
	v24 =	vor.u32 v58, v5;
	v23 =	vld.idx.msk [tilespmem:v28+s3+$0x0], $0xffff  }
0x6ff: {  	v26 =	vor.u32 v58, v32;
	v11 =	vadd.f32 v11, v53;
	v28 =	vmovc v58;
	v58 =	vmov v53;
	v53 =	vld [tilespmem:$0x1FE70]  }
0x700: {  	v36 =	vor.u32 v16, v31;
	v7 =	vld.idx.msk [tilespmem:v14+s3+$0x0], $0xffff;
	v9 =	vmul.f32 $8.000000000e+00, v9  }
0x701: {  	v41 =	vor.u32 v16, v32;
	v17 =	vor.u32 v55, v44  }
0x702: {  	v0 =	vld.idx.msk [tilespmem:v0+s3+$0x0], $0xffff;
	v13 =	vor.u32 v55, v61;
	v9 =	vadd.f32 v9, v56;
	v8 =	vmul.f32 $8.000000000e+00, v8  }
0x703: {  	v1 =	vmov v43;
	v43 =	vor.u32 v16, v35;
	v20 =	vld.idx.msk [tilespmem:v20+s3+$0x0], $0xffff;
	[tilespmem:$0x1F640] =	vst v54  }
0x704: {  	v21 =	vld [tilespmem:$0x1FFE0];
	v10 =	vmul.f32 $8.000000000e+00, v10;
	[tilespmem:v62+s19+$0x0] =	vst.idx.msk $0xffff, v9;
	v8 =	vadd.f32 v8, v2;
	v27 =	vor.u32 v53, v54  }
0x705: {  	v7 =	vmul.f32 $8.000000000e+00, v7;
	v62 =	vld [tilespmem:$0x1FE80];
	[tilespmem:v36+s19+$0x0] =	vst.idx.msk $0xffff, v11  }
0x706: {  	v10 =	vadd.f32 v10, v4;
	v17 =	vld.idx.msk [tilespmem:v17+s3+$0x0], $0xffff;
	[tilespmem:v41+s19+$0x0] =	vst.idx.msk $0xffff, v8  }
0x707: {  	v13 =	vld.idx.msk [tilespmem:v13+s3+$0x0], $0xffff;
	v7 =	vadd.f32 v7, v45;
	[tilespmem:$0x1F650] =	vst v45  }
0x708: {  	[tilespmem:v43+s19+$0x0] =	vst.idx.msk $0xffff, v10  }
0x709: {  	[tilespmem:v27+s19+$0x0] =	vst.idx.msk $0xffff, v7  }
0x70a: {  	v18 =	vor.u32 v12, v29;
	v12 =	vmovc v29;
	v29 =	vmov v3;
	v3 =	vmov v2;
	v2 =	vld [tilespmem:$0x1F620];
	_ =	sdelay $0x3  }
0x70b: {  	v11 =	vmul.f32 $8.000000000e+00, v20;
	_ =	sdelay $0x1  }
0x70c: {  	v10 =	vadd.f32 v11, v30;
	_ =	sdelay $0x1  }
0x70d: {  	[tilespmem:v2+s19+$0x0] =	vst.idx.msk $0xffff, v10  }
0x70e: {  	v2 =	vld [tilespmem:$0x1F630]  }
0x70f: {  	v19 =	vor.u32 v55, v63;
	_ =	sdelay $0x1  }
0x710: {  	v0 =	vmul.f32 $8.000000000e+00, v0;
	v21 =	vor.u32 v21, v38  }
0x711: {  	v22 =	vor.u32 v55, v39;
	v8 =	vmul.f32 $8.000000000e+00, v23;
	v10 =	vld [tilespmem:$0x1FF40]  }
0x712: {  	v0 =	vadd.f32 v0, v29  }
0x713: {  	v14 =	vor.u32 v55, v46;
	v19 =	vld.idx.msk [tilespmem:v19+s3+$0x0], $0xffff;
	v8 =	vadd.f32 v8, v47;
	v13 =	vmul.f32 $8.000000000e+00, v13  }
0x714: {  	v15 =	vor.u32 v55, v1;
	v1 =	vmov v54;
	v9 =	vor.u32 v62, v6;
	v36 =	vld [tilespmem:$0x1F770];
	[tilespmem:v18+s19+$0x0] =	vst.idx.msk $0xffff, v0  }
0x715: {  	v20 =	vor.u32 v49, v61;
	v13 =	vadd.f32 v13, v58;
	v18 =	vld.idx.msk [tilespmem:v21+s3+$0x0], $0xffff;
	[tilespmem:v2+s19+$0x0] =	vst.idx.msk $0xffff, v8  }
0x716: {  	v54 =	vmovc v12;
	v0 =	vmul.f32 $8.000000000e+00, v17;
	v21 =	vor.u32 v49, v63;
	v10 =	vor.u32 v10, v12;
	v17 =	vld.idx.msk [tilespmem:v22+s3+$0x0], $0xffff  }
0x717: {  	v27 =	vmovc v46;
	v12 =	vor.u32 v49, v44;
	v22 =	vor.u32 v49, v46;
	v46 =	vmovc v49;
	v49 =	vmov v58;
	v58 =	vld [tilespmem:$0x1FE90]  }
0x718: {  	v11 =	vld.idx.msk [tilespmem:v14+s3+$0x0], $0xffff  }
0x719: {  	v9 =	vld.idx.msk [tilespmem:v9+s3+$0x0], $0xffff;
	v0 =	vadd.f32 v0, v56  }
0x71a: {  	v15 =	vld.idx.msk [tilespmem:v15+s3+$0x0], $0xffff  }
0x71b: {  	[tilespmem:v24+s19+$0x0] =	vst.idx.msk $0xffff, v0  }
0x71c: {  	v14 =	vor.u32 v28, v35;
	v23 =	vor.u32 v58, v1;
	v1 =	vld [tilespmem:$0x1FEA0];
	[tilespmem:v25+s19+$0x0] =	vst.idx.msk $0xffff, v13  }
0x71d: {  	v11 =	vmul.f32 $8.000000000e+00, v11;
	v7 =	vor.u32 v28, v36;
	v8 =	vor.u32 v28, v52;
	v28 =	vld [tilespmem:$0x1F6B0]  }
0x71e: {  	v19 =	vmul.f32 $8.000000000e+00, v19  }
0x71f: {  	v0 =	vmul.f32 $8.000000000e+00, v9;
	v9 =	vadd.f32 v11, v4;
	v11 =	vmul.f32 $8.000000000e+00, v15  }
0x720: {  	v19 =	vadd.f32 v19, v3;
	v12 =	vld.idx.msk [tilespmem:v12+s3+$0x0], $0xffff;
	v15 =	vmul.f32 $8.000000000e+00, v17  }
0x721: {  	v18 =	vmul.f32 $8.000000000e+00, v18;
	[tilespmem:v14+s19+$0x0] =	vst.idx.msk $0xffff, v9;
	v9 =	vadd.f32 v11, v30  }
0x722: {  	[tilespmem:v26+s19+$0x0] =	vst.idx.msk $0xffff, v19;
	v14 =	vadd.f32 v15, v47;
	v13 =	vor.u32 v46, v28  }
0x723: {  	v15 =	vadd.f32 v18, v29;
	[tilespmem:v7+s19+$0x0] =	vst.idx.msk $0xffff, v9  }
0x724: {  	v17 =	vor.u32 v46, v39;
	v11 =	vor.u32 v57, v5;
	v18 =	vld.idx.msk [tilespmem:v20+s3+$0x0], $0xffff;
	[tilespmem:v8+s19+$0x0] =	vst.idx.msk $0xffff, v14  }
0x725: {  	v19 =	vor.u32 v37, v38;
	v12 =	vmul.f32 $8.000000000e+00, v12;
	v9 =	vld.idx.msk [tilespmem:v21+s3+$0x0], $0xffff;
	[tilespmem:v10+s19+$0x0] =	vst.idx.msk $0xffff, v15  }
0x726: {  	v15 =	vld.idx.msk [tilespmem:v22+s3+$0x0], $0xffff;
	[tilespmem:$0x1F680] =	vst v61  }
0x727: {  	v12 =	vadd.f32 v12, v56;
	v13 =	vld.idx.msk [tilespmem:v13+s3+$0x0], $0xffff;
	[tilespmem:$0x1F690] =	vst v63  }
0x728: {  	v8 =	vor.u32 v60, v44;
	[tilespmem:$0x1F6A0] =	vst v27  }
0x729: {  	v24 =	vor.u32 v60, v61;
	v17 =	vld.idx.msk [tilespmem:v17+s3+$0x0], $0xffff;
	[tilespmem:v11+s19+$0x0] =	vst.idx.msk $0xffff, v12  }
0x72a: {  	v0 =	vadd.f32 v0, v45;
	v20 =	vor.u32 v57, v31;
	v19 =	vld.idx.msk [tilespmem:v19+s3+$0x0], $0xffff;
	[tilespmem:$0x1F6C0] =	vst v39  }
0x72b: {  	v25 =	vor.u32 v60, v63;
	v7 =	vor.u32 v57, v32;
	v18 =	vmul.f32 $8.000000000e+00, v18;
	[tilespmem:$0x1F6D0] =	vst v38  }
0x72c: {  	v26 =	vor.u32 v60, v27;
	v21 =	vor.u32 v57, v35;
	v9 =	vmul.f32 $8.000000000e+00, v9;
	[tilespmem:v23+s19+$0x0] =	vst.idx.msk $0xffff, v0  }
0x72d: {  	v10 =	vor.u32 v57, v36;
	v18 =	vadd.f32 v18, v49;
	v8 =	vld.idx.msk [tilespmem:v8+s3+$0x0], $0xffff;
	[tilespmem:$0x1F730] =	vst v31  }
0x72e: {  	v14 =	vor.u32 v57, v52;
	v15 =	vmul.f32 $8.000000000e+00, v15;
	v9 =	vadd.f32 v9, v3;
	[tilespmem:$0x1F740] =	vst v32  }
0x72f: {  	v43 =	vmovc v52;
	v22 =	vor.u32 v50, v54;
	v46 =	vmov v30;
	v13 =	vmul.f32 $8.000000000e+00, v13;
	[tilespmem:v20+s19+$0x0] =	vst.idx.msk $0xffff, v18  }
0x730: {  	v30 =	vmov v27;
	v27 =	vor.u32 v60, v28;
	v15 =	vadd.f32 v15, v4;
	[tilespmem:v7+s19+$0x0] =	vst.idx.msk $0xffff, v9  }
0x731: {  	v11 =	vor.u32 v60, v39;
	v17 =	vmul.f32 $8.000000000e+00, v17;
	v18 =	vld.idx.msk [tilespmem:v24+s3+$0x0], $0xffff;
	[tilespmem:$0x1F750] =	vst v35;
	v13 =	vadd.f32 v13, v46  }
0x732: {  	v12 =	vor.u32 v40, v38;
	v0 =	vor.u32 v53, v5;
	v9 =	vmul.f32 $8.000000000e+00, v19;
	[tilespmem:v21+s19+$0x0] =	vst.idx.msk $0xffff, v15  }
0x733: {  	v2 =	vmov v29;
	v19 =	vld.idx.msk [tilespmem:v25+s3+$0x0], $0xffff;
	v15 =	vadd.f32 v17, v47;
	v8 =	vmul.f32 $8.000000000e+00, v8;
	[tilespmem:v10+s19+$0x0] =	vst.idx.msk $0xffff, v13  }
0x734: {  	v9 =	vadd.f32 v9, v2;
	v21 =	vld.idx.msk [tilespmem:v26+s3+$0x0], $0xffff;
	[tilespmem:$0x1F780] =	vst v43  }
0x735: {  	v17 =	vor.u32 v62, v44;
	v8 =	vadd.f32 v8, v56;
	[tilespmem:v14+s19+$0x0] =	vst.idx.msk $0xffff, v15  }
0x736: {  	v6 =	vor.u32 v1, v6;
	v13 =	vld.idx.msk [tilespmem:v27+s3+$0x0], $0xffff;
	[tilespmem:v22+s19+$0x0] =	vst.idx.msk $0xffff, v9  }
0x737: {  	v23 =	vor.u32 v53, v31;
	v9 =	vld.idx.msk [tilespmem:v11+s3+$0x0], $0xffff;
	[tilespmem:v0+s19+$0x0] =	vst.idx.msk $0xffff, v8  }
0x738: {  	v11 =	vmul.f32 $8.000000000e+00, v18;
	v12 =	vld.idx.msk [tilespmem:v12+s3+$0x0], $0xffff;
	[tilespmem:$0x1F760] =	vst v54  }
0x739: {  	v29 =	vmovc v38;
	v38 =	vmov v31;
	v31 =	vor.u32 v53, v32;
	v7 =	vor.u32 v53, v35;
	v0 =	vld [tilespmem:$0x1FF30];
	[tilespmem:$0x1F6E0] =	vst v49  }
0x73a: {  	v14 =	vor.u32 v62, v61;
	v18 =	vmul.f32 $8.000000000e+00, v19;
	v11 =	vadd.f32 v11, v49;
	v17 =	vld.idx.msk [tilespmem:v17+s3+$0x0], $0xffff  }
0x73b: {  	v15 =	vor.u32 v62, v63;
	v21 =	vmul.f32 $8.000000000e+00, v21;
	v6 =	vld.idx.msk [tilespmem:v6+s3+$0x0], $0xffff;
	[tilespmem:$0x1F6F0] =	vst v3  }
0x73c: {  	v1 =	vld [tilespmem:$0x1FFF0];
	v18 =	vadd.f32 v18, v3;
	[tilespmem:v23+s19+$0x0] =	vst.idx.msk $0xffff, v11  }
0x73d: {  	v20 =	vor.u32 v53, v36;
	v11 =	vadd.f32 v21, v4;
	[tilespmem:$0x1F700] =	vst v4  }
0x73e: {  	v10 =	vor.u32 v53, v43;
	v13 =	vmul.f32 $8.000000000e+00, v13;
	[tilespmem:v31+s19+$0x0] =	vst.idx.msk $0xffff, v18  }
0x73f: {  	v9 =	vmul.f32 $8.000000000e+00, v9;
	v0 =	vor.u32 v0, v54;
	v14 =	vld.idx.msk [tilespmem:v14+s3+$0x0], $0xffff;
	[tilespmem:v7+s19+$0x0] =	vst.idx.msk $0xffff, v11  }
0x740: {  	v12 =	vmul.f32 $8.000000000e+00, v12;
	v13 =	vadd.f32 v13, v46;
	v15 =	vld.idx.msk [tilespmem:v15+s3+$0x0], $0xffff;
	[tilespmem:$0x1F720] =	vst v47  }
0x741: {  	v7 =	vadd.f32 v9, v47;
	[tilespmem:$0x1F790] =	vst v2  }
0x742: {  	v61 =	vld [tilespmem:$0x1FEA0];
	v11 =	vadd.f32 v12, v2;
	[tilespmem:v20+s19+$0x0] =	vst.idx.msk $0xffff, v13  }
0x743: {  	v9 =	vmul.f32 $8.000000000e+00, v17;
	[tilespmem:v10+s19+$0x0] =	vst.idx.msk $0xffff, v7  }
0x744: {  	[tilespmem:v0+s19+$0x0] =	vst.idx.msk $0xffff, v11  }
0x745: {  	v18 =	vor.u32 v58, v5;
	v7 =	vadd.f32 v9, v56;
	v9 =	vld [tilespmem:$0x1FED0]  }
0x746: {  	v24 =	vor.u32 v1, v29;
	v1 =	vld [tilespmem:$0x1F640];
	_ =	sdelay $0x3  }
0x747: {  	v22 =	vor.u32 v62, v39;
	[tilespmem:v18+s19+$0x0] =	vst.idx.msk $0xffff, v7  }
0x748: {  	v45 =	vmov v3;
	v3 =	vor.u32 v61, v44;
	v17 =	vor.u32 v9, v1;
	v1 =	vld [tilespmem:$0x1F650];
	_ =	sdelay $0x1  }
0x749: {  	v8 =	vor.u32 v62, v30  }
0x74a: {  	s11 =	simm.s32 $0x8;
	v19 =	vor.u32 v62, v28;
	v6 =	vmul.f32 $8.000000000e+00, v6  }
0x74b: {  	s7 =	sand.u32 $0x8, s11;
	v0 =	vld.idx.msk [tilespmem:v22+s3+$0x0], $0xffff  }
0x74c: {  	s29 =	sor.u32 $0x2, s7;
	v18 =	vadd.f32 v6, v1;
	v1 =	vld.idx.msk [tilespmem:v3+s3+$0x0], $0xffff  }
0x74d: {  	s30 =	sor.u32 $0x3, s7;
	v25 =	vmov v36;
	v36 =	vmov v2;
	v26 =	vadd.s32 s29, v33;
	v2 =	vld.idx.msk [tilespmem:v24+s3+$0x0], $0xffff  }
0x74e: {  	s29 =	sor.u32 $0x5, s7;
	v27 =	vadd.s32 s30, v33;
	v63 =	vand.u32 $0x7, v26;
	v21 =	vor.u32 v58, v35;
	v8 =	vld.idx.msk [tilespmem:v8+s3+$0x0], $0xffff  }
0x74f: {  	v29 =	vadd.s32 s29, v33;
	v31 =	vand.u32 $0xF, v27;
	v20 =	vor.u32 v58, v32;
	v12 =	vld.idx.msk [tilespmem:v19+s3+$0x0], $0xffff  }
0x750: {  	v41 =	vmovc v4;
	v19 =	vor.u32 v58, v38;
	v4 =	vld [tilespmem:$0x1FEB0];
	v0 =	vmul.f32 $8.000000000e+00, v0;
	v3 =	vmul.f32 $8.000000000e+00, v14  }
0x751: {  	v11 =	vor.u32 v58, v25;
	v9 =	vmul.f32 $8.000000000e+00, v15;
	v1 =	vmul.f32 $8.000000000e+00, v1  }
0x752: {  	s16 =	sor.u32 $0x7, s7;
	v2 =	vmul.f32 $8.000000000e+00, v2;
	v14 =	vadd.f32 v0, v47;
	v15 =	vadd.f32 v3, v49  }
0x753: {  	v3 =	vmul.f32 $8.000000000e+00, v8;
	v13 =	vadd.f32 v1, v56;
	v1 =	vadd.s32 s16, v33  }
0x754: {  	s15 =	sor.u32 $0x1, s7;
	s30 =	sand.u32 $0x30, s11;
	v0 =	vld [tilespmem:$0x1FED0];
	v8 =	vmul.f32 $8.000000000e+00, v12;
	v12 =	vadd.f32 v2, v36;
	v2 =	vand.u32 $0xF, v1  }
0x755: {  	v25 =	vadd.s32 s15, v33;
	v6 =	vor.u32 v4, v54;
	v2 =	vor.u32 s30, v2  }
0x756: {  	s15 =	sor.u32 $0x4, s7;
	v24 =	vadd.f32 v8, v46;
	v8 =	vand.u32 $0x7, v1;
	v4 =	vand.u32 $0x38, v2  }
0x757: {  	v52 =	vmovc v40;
	v7 =	vor.u32 v58, v43;
	v28 =	vadd.s32 s15, v33;
	v10 =	vor.u32 v8, v4  }
0x758: {  	v44 =	vmovc v52;
	v52 =	vand.u32 $0x7, v28;
	v22 =	vadd.f32 v9, v45;
	v49 =	vor.u32 v59, v10  }
0x759: {  	v9 =	vand.u32 $0xF, v26;
	v5 =	vor.u32 v0, v5;
	v4 =	vand.u32 $0xF, v28  }
0x75a: {  	v0 =	vadd.s32 s7, v33;
	s7 =	sor.u32 $0x6, s7;
	v56 =	vmovc v37;
	v37 =	vor.u32 s30, v4;
	v4 =	vor.u32 v42, v10  }
0x75b: {  	v23 =	vadd.f32 v3, v41;
	v3 =	vand.u32 $0xF, v25;
	v30 =	vadd.s32 s7, v33  }
0x75c: {  	v47 =	vand.u32 $0x7, v25;
	v35 =	vor.u32 s30, v3;
	v3 =	vand.u32 $0xF, v30  }
0x75d: {  	v36 =	vor.u32 s30, v9;
	v39 =	vor.u32 s30, v3;
	v3 =	vand.u32 $0x38, v35;
	v32 =	vld.idx.msk [tilespmem:v49+s3+$0x0], $0xffff  }
0x75e: {  	v1 =	vshll.u32 v1, $0x7;
	v2 =	vshll.u32 v2, $0x7;
	v8 =	vand.u32 $0xF, v29  }
0x75f: {  	v1 =	vand.u32 $0x380, v1;
	v2 =	vand.u32 $0x1C00, v2;
	v38 =	vor.u32 s30, v8;
	v8 =	vld.idx.msk [tilespmem:v4+s18+$0x0], $0xffff  }
0x760: {  	v9 =	vor.u32 v1, v2;
	v1 =	vor.u32 v47, v3;
	v43 =	vand.u32 $0x38, v37  }
0x761: {  	v47 =	vor.u32 v33, v9;
	v3 =	vor.u32 v52, v43;
	v43 =	vor.u32 v59, v1  }
0x762: {  	v31 =	vor.u32 s30, v31;
	v54 =	vand.u32 $0x7, v29;
	v32 =	vmul.f32 $8.000000000e+00, v32  }
0x763: {  	v40 =	vand.u32 $0x38, v36;
	v46 =	vand.u32 $0x38, v39;
	v49 =	vor.u32 v48, v10  }
0x764: {  	v2 =	vor.u32 v63, v40;
	v63 =	vand.u32 $0x7, v30;
	v32 =	vadd.f32 v32, v8  }
0x765: {  	[tilespmem:v17+s19+$0x0] =	vst.idx.msk $0xffff, v18;
	v41 =	vand.u32 $0x38, v31;
	v45 =	vand.u32 $0x38, v38;
	v52 =	vor.u32 v63, v46  }
0x766: {  	v18 =	vshll.u32 v37, $0x7;
	v63 =	vor.u32 v59, v2;
	v4 =	vand.u32 $0x7, v27;
	v37 =	vld.idx.msk [tilespmem:v43+s3+$0x0], $0xffff;
	[tilespmem:v47+s19+$0x0] =	vst.idx.msk $0xffff, v32  }
0x767: {  	v40 =	vor.u32 v54, v45;
	v54 =	vor.u32 v59, v52;
	v4 =	vor.u32 v4, v41;
	v43 =	vld [tilespmem:$0x1FF80]  }
0x768: {  	v17 =	vshll.u32 v31, $0x7;
	v0 =	vand.u32 $0xF, v0;
	v32 =	vor.u32 v59, v4;
	v47 =	vld.idx.msk [tilespmem:v49+s3+$0x0], $0xffff  }
0x769: {  	v0 =	vor.u32 s30, v0;
	v31 =	vshll.u32 v38, $0x7;
	v46 =	vor.u32 v59, v3  }
0x76a: {  	v45 =	vand.u32 $0x38, v0;
	v49 =	vor.u32 v59, v40;
	v59 =	vor.u32 v42, v1  }
0x76b: {  	[tilespmem:v19+s19+$0x0] =	vst.idx.msk $0xffff, v15;
	v15 =	vshll.u32 v26, $0x7;
	v26 =	vshll.u32 v27, $0x7;
	v27 =	vld.idx.msk [tilespmem:v63+s3+$0x0], $0xffff;
	v63 =	vor.u32 v34, v9  }
0x76c: {  	[tilespmem:v21+s19+$0x0] =	vst.idx.msk $0xffff, v23;
	v23 =	vshll.u32 v30, $0x7;
	v30 =	vmul.f32 $8.000000000e+00, v37;
	v37 =	vld.idx.msk [tilespmem:v54+s3+$0x0], $0xffff;
	v38 =	vor.u32 v43, v45  }
0x76d: {  	v35 =	vshll.u32 v35, $0x7;
	[tilespmem:v20+s19+$0x0] =	vst.idx.msk $0xffff, v22;
	v22 =	vshll.u32 v29, $0x7;
	v20 =	vld.idx.msk [tilespmem:v32+s3+$0x0], $0xffff;
	v29 =	vmul.f32 $8.000000000e+00, v47  }
0x76e: {  	v32 =	vand.u32 $0x1C00, v35;
	v35 =	vld.idx.msk [tilespmem:v46+s3+$0x0], $0xffff;
	v47 =	vor.u32 v51, v10  }
0x76f: {  	v36 =	vshll.u32 v36, $0x7;
	v17 =	vand.u32 $0x1C00, v17;
	v21 =	vld.idx.msk [tilespmem:v49+s3+$0x0], $0xffff;
	v29 =	vadd.f32 v29, v8  }
0x770: {  	v25 =	vshll.u32 v25, $0x7;
	v28 =	vshll.u32 v28, $0x7;
	v19 =	vshll.u32 v39, $0x7;
	v39 =	vld.idx.msk [tilespmem:v59+s18+$0x0], $0xffff  }
0x771: {  	v18 =	vand.u32 $0x1C00, v18;
	v31 =	vand.u32 $0x1C00, v31;
	v41 =	vor.u32 v42, v2;
	[tilespmem:v63+s19+$0x0] =	vst.idx.msk $0xffff, v29;
	v29 =	vld.idx.msk [tilespmem:v38+s3+$0x0], $0xffff  }
0x772: {  	v54 =	vor.u32 v42, v40;
	v46 =	vand.u32 $0x1C00, v36;
	v36 =	vor.u32 v42, v4;
	v59 =	vld [tilespmem:$0x1F660];
	[tilespmem:$0x1F670] =	vst v42  }
0x773: {  	v19 =	vand.u32 $0x1C00, v19;
	v23 =	vand.u32 $0x380, v23;
	v49 =	vor.u32 v42, v3;
	[tilespmem:v11+s19+$0x0] =	vst.idx.msk $0xffff, v24;
	v24 =	vld.idx.msk [tilespmem:v47+s3+$0x0], $0xffff  }
0x774: {  	v27 =	vmul.f32 $8.000000000e+00, v27;
	v63 =	vor.u32 v42, v52;
	v11 =	vmul.f32 $8.000000000e+00, v20;
	[tilespmem:v7+s19+$0x0] =	vst.idx.msk $0xffff, v14  }
0x775: {  	v20 =	vand.u32 $0x380, v25;
	v7 =	vand.u32 $0x380, v15;
	v14 =	vmul.f32 $8.000000000e+00, v35;
	[tilespmem:v6+s19+$0x0] =	vst.idx.msk $0xffff, v12  }
0x776: {  	v15 =	vand.u32 $0x380, v26;
	v12 =	vand.u32 $0x380, v28;
	[tilespmem:v5+s19+$0x0] =	vst.idx.msk $0xffff, v13;
	v35 =	vld.idx.msk [tilespmem:v41+s18+$0x0], $0xffff;
	v13 =	vmul.f32 $8.000000000e+00, v37  }
0x777: {  	v37 =	vld.idx.msk [tilespmem:v36+s18+$0x0], $0xffff;
	v5 =	vor.u32 v20, v32;
	v20 =	vor.u32 v16, v9;
	v59 =	vor.u32 v45, v59  }
0x778: {  	v38 =	vld.idx.msk [tilespmem:v49+s18+$0x0], $0xffff;
	v26 =	vadd.f32 v30, v39;
	v28 =	vor.u32 v55, v10;
	v24 =	vmul.f32 $8.000000000e+00, v24  }
0x779: {  	v30 =	vld.idx.msk [tilespmem:v54+s18+$0x0], $0xffff;
	v6 =	vor.u32 v7, v46;
	v46 =	vor.u32 v12, v18;
	v12 =	vor.u32 v33, v5  }
0x77a: {  	v7 =	vor.u32 v15, v17;
	v15 =	vor.u32 v33, v6;
	v43 =	vld.idx.msk [tilespmem:v63+s18+$0x0], $0xffff;
	v17 =	vadd.f32 v24, v8  }
0x77b: {  	v47 =	vor.u32 v23, v19;
	v19 =	vor.u32 v33, v7;
	v25 =	vmul.f32 $8.000000000e+00, v29;
	v29 =	vld [tilespmem:$0x1FED0]  }
0x77c: {  	v0 =	vshll.u32 v0, $0x7;
	v22 =	vand.u32 $0x380, v22;
	v41 =	vld.idx.msk [tilespmem:v59+s18+$0x0], $0xffff;
	[tilespmem:v20+s19+$0x0] =	vst.idx.msk $0xffff, v17;
	v20 =	vor.u32 v33, v46  }
0x77d: {  	v49 =	vor.u32 v22, v31;
	v18 =	vor.u32 v48, v1;
	v24 =	vadd.f32 v27, v35;
	v22 =	vld.idx.msk [tilespmem:v28+s3+$0x0], $0xffff  }
0x77e: {  	v11 =	vadd.f32 v11, v37;
	v59 =	vand.u32 $0x1C00, v0;
	v0 =	vor.u32 v33, v49;
	v28 =	vld [tilespmem:$0x1FEC0];
	[tilespmem:v12+s19+$0x0] =	vst.idx.msk $0xffff, v26  }
0x77f: {  	v21 =	vmul.f32 $8.000000000e+00, v21;
	v23 =	vor.u32 v33, v47;
	v14 =	vadd.f32 v14, v38;
	[tilespmem:v15+s19+$0x0] =	vst.idx.msk $0xffff, v24  }
0x780: {  	v24 =	vld [tilespmem:$0x1FF90];
	[tilespmem:v19+s19+$0x0] =	vst.idx.msk $0xffff, v11  }
0x781: {  	v21 =	vadd.f32 v21, v30;
	v17 =	vor.u32 v48, v2;
	v36 =	vld [tilespmem:$0x1FF50];
	[tilespmem:v20+s19+$0x0] =	vst.idx.msk $0xffff, v14  }
0x782: {  	v13 =	vadd.f32 v13, v43;
	v12 =	vor.u32 v48, v4;
	v27 =	vld [tilespmem:$0x1FF60]  }
0x783: {  	v18 =	vld.idx.msk [tilespmem:v18+s3+$0x0], $0xffff;
	v20 =	vmul.f32 $8.000000000e+00, v22;
	[tilespmem:v0+s19+$0x0] =	vst.idx.msk $0xffff, v21  }
0x784: {  	v15 =	vor.u32 v48, v3;
	[tilespmem:v23+s19+$0x0] =	vst.idx.msk $0xffff, v13  }
0x785: {  	v11 =	vor.u32 v48, v40;
	v24 =	vor.u32 v24, v59;
	v13 =	vadd.f32 v20, v8;
	v20 =	vld [tilespmem:$0x1FFA0]  }
0x786: {  	v17 =	vld.idx.msk [tilespmem:v17+s3+$0x0], $0xffff;
	v19 =	vor.u32 v36, v9  }
0x787: {  	v14 =	vadd.f32 v25, v41;
	v12 =	vld.idx.msk [tilespmem:v12+s3+$0x0], $0xffff;
	v22 =	vor.u32 v27, v10  }
0x788: {  	v0 =	vor.u32 v48, v52;
	v21 =	vor.u32 v34, v5;
	v18 =	vmul.f32 $8.000000000e+00, v18  }
0x789: {  	v15 =	vld.idx.msk [tilespmem:v15+s3+$0x0], $0xffff;
	v23 =	vor.u32 v34, v6  }
0x78a: {  	v11 =	vld.idx.msk [tilespmem:v11+s3+$0x0], $0xffff;
	[tilespmem:v24+s19+$0x0] =	vst.idx.msk $0xffff, v14;
	v14 =	vadd.f32 v18, v39;
	v20 =	vor.u32 v20, v45  }
0x78b: {  	[tilespmem:v19+s19+$0x0] =	vst.idx.msk $0xffff, v13;
	v13 =	vmul.f32 $8.000000000e+00, v17;
	v17 =	vor.u32 v34, v7;
	v19 =	vor.u32 v51, v1  }
0x78c: {  	v12 =	vmul.f32 $8.000000000e+00, v12;
	v18 =	vor.u32 v34, v46;
	v22 =	vld.idx.msk [tilespmem:v22+s3+$0x0], $0xffff  }
0x78d: {  	v0 =	vld.idx.msk [tilespmem:v0+s3+$0x0], $0xffff;
	[tilespmem:v21+s19+$0x0] =	vst.idx.msk $0xffff, v14;
	v21 =	vor.u32 v51, v2;
	v13 =	vadd.f32 v13, v35  }
0x78e: {  	v15 =	vmul.f32 $8.000000000e+00, v15;
	v12 =	vadd.f32 v12, v37  }
0x78f: {  	v24 =	vor.u32 v34, v49;
	[tilespmem:v23+s19+$0x0] =	vst.idx.msk $0xffff, v13;
	v13 =	vor.u32 v51, v4;
	v20 =	vld.idx.msk [tilespmem:v20+s3+$0x0], $0xffff  }
0x790: {  	v15 =	vadd.f32 v15, v38;
	[tilespmem:v17+s19+$0x0] =	vst.idx.msk $0xffff, v12;
	v12 =	vor.u32 v51, v3;
	v19 =	vld.idx.msk [tilespmem:v19+s3+$0x0], $0xffff  }
0x791: {  	v11 =	vmul.f32 $8.000000000e+00, v11;
	v23 =	vor.u32 v57, v9;
	v17 =	vmul.f32 $8.000000000e+00, v22;
	v22 =	vld [tilespmem:$0x1FFB0]  }
0x792: {  	v14 =	vor.u32 v34, v47;
	v0 =	vmul.f32 $8.000000000e+00, v0;
	[tilespmem:v18+s19+$0x0] =	vst.idx.msk $0xffff, v15;
	v18 =	vld.idx.msk [tilespmem:v21+s3+$0x0], $0xffff  }
0x793: {  	v11 =	vadd.f32 v11, v30;
	v21 =	vld [tilespmem:$0x1FFC0]  }
0x794: {  	v0 =	vadd.f32 v0, v43;
	v15 =	vor.u32 v60, v10;
	v13 =	vld.idx.msk [tilespmem:v13+s3+$0x0], $0xffff;
	v17 =	vadd.f32 v17, v8  }
0x795: {  	[tilespmem:v24+s19+$0x0] =	vst.idx.msk $0xffff, v11;
	v11 =	vor.u32 v51, v40;
	v24 =	vor.u32 v16, v5;
	v12 =	vld.idx.msk [tilespmem:v12+s3+$0x0], $0xffff  }
0x796: {  	v20 =	vmul.f32 $8.000000000e+00, v20;
	v19 =	vmul.f32 $8.000000000e+00, v19;
	[tilespmem:v23+s19+$0x0] =	vst.idx.msk $0xffff, v17;
	v23 =	vor.u32 v16, v6  }
0x797: {  	[tilespmem:v14+s19+$0x0] =	vst.idx.msk $0xffff, v0;
	v0 =	vor.u32 v16, v7;
	v22 =	vor.u32 v22, v59;
	v18 =	vmul.f32 $8.000000000e+00, v18  }
0x798: {  	v17 =	vor.u32 v51, v52;
	v14 =	vadd.f32 v20, v41;
	v19 =	vadd.f32 v19, v39  }
0x799: {  	v20 =	vor.u32 v16, v46;
	v13 =	vmul.f32 $8.000000000e+00, v13;
	v18 =	vadd.f32 v18, v35  }
0x79a: {  	v15 =	vld.idx.msk [tilespmem:v15+s3+$0x0], $0xffff;
	[tilespmem:v24+s19+$0x0] =	vst.idx.msk $0xffff, v19;
	v12 =	vmul.f32 $8.000000000e+00, v12  }
0x79b: {  	v21 =	vor.u32 v21, v45;
	v11 =	vld.idx.msk [tilespmem:v11+s3+$0x0], $0xffff;
	v13 =	vadd.f32 v13, v37;
	[tilespmem:v23+s19+$0x0] =	vst.idx.msk $0xffff, v18  }
0x79c: {  	v12 =	vadd.f32 v12, v38;
	[tilespmem:v22+s19+$0x0] =	vst.idx.msk $0xffff, v14;
	v14 =	vor.u32 v55, v1  }
0x79d: {  	v19 =	vor.u32 v55, v4;
	[tilespmem:v0+s19+$0x0] =	vst.idx.msk $0xffff, v13  }
0x79e: {  	v17 =	vld.idx.msk [tilespmem:v17+s3+$0x0], $0xffff;
	v18 =	vor.u32 v53, v9;
	v22 =	vor.u32 v55, v2;
	[tilespmem:v20+s19+$0x0] =	vst.idx.msk $0xffff, v12  }
0x79f: {  	v24 =	vor.u32 v16, v49;
	v15 =	vmul.f32 $8.000000000e+00, v15;
	v0 =	vor.u32 v16, v47;
	v16 =	vld [tilespmem:$0x1FFD0]  }
0x7a0: {  	v23 =	vor.u32 v62, v10;
	v21 =	vld.idx.msk [tilespmem:v21+s3+$0x0], $0xffff;
	v11 =	vmul.f32 $8.000000000e+00, v11  }
0x7a1: {  	v13 =	vor.u32 v55, v3;
	v15 =	vadd.f32 v15, v8;
	v14 =	vld.idx.msk [tilespmem:v14+s3+$0x0], $0xffff  }
0x7a2: {  	v19 =	vld.idx.msk [tilespmem:v19+s3+$0x0], $0xffff;
	v11 =	vadd.f32 v11, v30  }
0x7a3: {  	v12 =	vor.u32 v55, v40;
	v17 =	vmul.f32 $8.000000000e+00, v17;
	[tilespmem:v18+s19+$0x0] =	vst.idx.msk $0xffff, v15;
	v20 =	vld.idx.msk [tilespmem:v22+s3+$0x0], $0xffff  }
0x7a4: {  	v15 =	vld [tilespmem:$0x1FFE0];
	[tilespmem:v24+s19+$0x0] =	vst.idx.msk $0xffff, v11;
	v22 =	vor.u32 v16, v59  }
0x7a5: {  	v11 =	vor.u32 v36, v5;
	v23 =	vld.idx.msk [tilespmem:v23+s3+$0x0], $0xffff;
	v21 =	vmul.f32 $8.000000000e+00, v21;
	v17 =	vadd.f32 v17, v43  }
0x7a6: {  	v18 =	vor.u32 v55, v52;
	v13 =	vld.idx.msk [tilespmem:v13+s3+$0x0], $0xffff;
	v14 =	vmul.f32 $8.000000000e+00, v14  }
0x7a7: {  	v21 =	vadd.f32 v21, v41;
	[tilespmem:v0+s19+$0x0] =	vst.idx.msk $0xffff, v17;
	v0 =	vor.u32 v36, v7  }
0x7a8: {  	v24 =	vor.u32 v36, v6;
	v12 =	vld.idx.msk [tilespmem:v12+s3+$0x0], $0xffff;
	v19 =	vmul.f32 $8.000000000e+00, v19;
	v14 =	vadd.f32 v14, v39  }
0x7a9: {  	v17 =	vmul.f32 $8.000000000e+00, v20;
	v20 =	vor.u32 v27, v1;
	[tilespmem:v22+s19+$0x0] =	vst.idx.msk $0xffff, v21;
	v22 =	vor.u32 v58, v9  }
0x7aa: {  	v21 =	vor.u32 v36, v46;
	[tilespmem:v11+s19+$0x0] =	vst.idx.msk $0xffff, v14;
	v11 =	vadd.f32 v19, v37;
	v14 =	vmul.f32 $8.000000000e+00, v23  }
0x7ab: {  	v10 =	vor.u32 v61, v10;
	v13 =	vmul.f32 $8.000000000e+00, v13;
	v17 =	vadd.f32 v17, v35  }
0x7ac: {  	v18 =	vld.idx.msk [tilespmem:v18+s3+$0x0], $0xffff;
	v15 =	vor.u32 v15, v45;
	[tilespmem:v0+s19+$0x0] =	vst.idx.msk $0xffff, v11;
	v0 =	vadd.f32 v14, v8  }
0x7ad: {  	v13 =	vadd.f32 v13, v38;
	[tilespmem:v24+s19+$0x0] =	vst.idx.msk $0xffff, v17;
	v17 =	vor.u32 v36, v49  }
0x7ae: {  	v12 =	vmul.f32 $8.000000000e+00, v12;
	v20 =	vld.idx.msk [tilespmem:v20+s3+$0x0], $0xffff;
	[tilespmem:v22+s19+$0x0] =	vst.idx.msk $0xffff, v0  }
0x7af: {  	v0 =	vld [tilespmem:$0x1F680];
	[tilespmem:v21+s19+$0x0] =	vst.idx.msk $0xffff, v13  }
0x7b0: {  	v12 =	vadd.f32 v12, v30;
	v11 =	vor.u32 v36, v47;
	v14 =	vor.u32 v27, v4;
	v13 =	vld [tilespmem:$0x1FF40]  }
0x7b1: {  	v19 =	vor.u32 v27, v2;
	v18 =	vmul.f32 $8.000000000e+00, v18;
	v15 =	vld.idx.msk [tilespmem:v15+s3+$0x0], $0xffff  }
0x7b2: {  	v21 =	vor.u32 v27, v3;
	v10 =	vld.idx.msk [tilespmem:v10+s3+$0x0], $0xffff;
	[tilespmem:v17+s19+$0x0] =	vst.idx.msk $0xffff, v12  }
0x7b3: {  	v12 =	vor.u32 v27, v40;
	v17 =	vadd.f32 v18, v43;
	v16 =	vld [tilespmem:$0x1F690]  }
0x7b4: {  	v22 =	vor.u32 v57, v5  }
0x7b5: {  	v14 =	vld.idx.msk [tilespmem:v14+s3+$0x0], $0xffff;
	[tilespmem:v11+s19+$0x0] =	vst.idx.msk $0xffff, v17;
	v17 =	vmul.f32 $8.000000000e+00, v20;
	v13 =	vor.u32 v13, v59  }
0x7b6: {  	v9 =	vor.u32 v29, v9;
	v19 =	vld.idx.msk [tilespmem:v19+s3+$0x0], $0xffff;
	v15 =	vmul.f32 $8.000000000e+00, v15;
	v11 =	vor.u32 v27, v52  }
0x7b7: {  	v21 =	vld.idx.msk [tilespmem:v21+s3+$0x0], $0xffff;
	v10 =	vmul.f32 $8.000000000e+00, v10;
	v17 =	vadd.f32 v17, v39  }
0x7b8: {  	v23 =	vor.u32 v56, v45;
	v15 =	vadd.f32 v15, v41;
	v12 =	vld.idx.msk [tilespmem:v12+s3+$0x0], $0xffff;
	v18 =	vor.u32 v61, v16  }
0x7b9: {  	v16 =	vld [tilespmem:$0x1F6A0];
	v8 =	vadd.f32 v10, v8;
	v10 =	vor.u32 v57, v7;
	[tilespmem:v22+s19+$0x0] =	vst.idx.msk $0xffff, v17  }
0x7ba: {  	v14 =	vmul.f32 $8.000000000e+00, v14;
	[tilespmem:v13+s19+$0x0] =	vst.idx.msk $0xffff, v15;
	v13 =	vor.u32 v57, v6;
	v15 =	vor.u32 v60, v1  }
0x7bb: {  	v19 =	vmul.f32 $8.000000000e+00, v19;
	v11 =	vld.idx.msk [tilespmem:v11+s3+$0x0], $0xffff;
	[tilespmem:v9+s19+$0x0] =	vst.idx.msk $0xffff, v8;
	v8 =	vor.u32 v60, v4  }
0x7bc: {  	v17 =	vor.u32 v57, v46;
	v22 =	vor.u32 v60, v2;
	v14 =	vadd.f32 v14, v37  }
0x7bd: {  	v9 =	vadd.f32 v19, v35;
	v21 =	vmul.f32 $8.000000000e+00, v21  }
0x7be: {  	v19 =	vor.u32 v57, v49;
	v12 =	vmul.f32 $8.000000000e+00, v12;
	v23 =	vld.idx.msk [tilespmem:v23+s3+$0x0], $0xffff;
	[tilespmem:v10+s19+$0x0] =	vst.idx.msk $0xffff, v14  }
0x7bf: {  	v21 =	vadd.f32 v21, v38;
	[tilespmem:v13+s19+$0x0] =	vst.idx.msk $0xffff, v9;
	v13 =	vld.idx.msk [tilespmem:v15+s3+$0x0], $0xffff;
	v15 =	vor.u32 v57, v47  }
0x7c0: {  	v10 =	vor.u32 v60, v40;
	v11 =	vmul.f32 $8.000000000e+00, v11;
	v8 =	vld.idx.msk [tilespmem:v8+s3+$0x0], $0xffff  }
0x7c1: {  	v12 =	vadd.f32 v12, v30;
	[tilespmem:v17+s19+$0x0] =	vst.idx.msk $0xffff, v21;
	v9 =	vor.u32 v60, v3;
	v14 =	vld.idx.msk [tilespmem:v22+s3+$0x0], $0xffff  }
0x7c2: {  	v17 =	vor.u32 v60, v52;
	v11 =	vadd.f32 v11, v43;
	v22 =	vor.u32 v50, v59  }
0x7c3: {  	v21 =	vor.u32 v53, v5;
	[tilespmem:v19+s19+$0x0] =	vst.idx.msk $0xffff, v12;
	v23 =	vmul.f32 $8.000000000e+00, v23  }
0x7c4: {  	v19 =	vor.u32 v53, v6;
	v13 =	vmul.f32 $8.000000000e+00, v13;
	[tilespmem:v15+s19+$0x0] =	vst.idx.msk $0xffff, v11;
	v15 =	vor.u32 v53, v7  }
0x7c5: {  	v10 =	vld.idx.msk [tilespmem:v10+s3+$0x0], $0xffff;
	v23 =	vadd.f32 v23, v41;
	v8 =	vmul.f32 $8.000000000e+00, v8;
	v11 =	vor.u32 v62, v1  }
0x7c6: {  	v9 =	vld.idx.msk [tilespmem:v9+s3+$0x0], $0xffff;
	v14 =	vmul.f32 $8.000000000e+00, v14;
	v13 =	vadd.f32 v13, v39  }
0x7c7: {  	v12 =	vor.u32 v44, v45;
	v8 =	vadd.f32 v8, v37;
	[tilespmem:v22+s19+$0x0] =	vst.idx.msk $0xffff, v23;
	v17 =	vld.idx.msk [tilespmem:v17+s3+$0x0], $0xffff  }
0x7c8: {  	[tilespmem:v21+s19+$0x0] =	vst.idx.msk $0xffff, v13;
	v13 =	vadd.f32 v14, v35  }
0x7c9: {  	v22 =	vor.u32 v62, v2;
	[tilespmem:v15+s19+$0x0] =	vst.idx.msk $0xffff, v8  }
0x7ca: {  	v23 =	vor.u32 v53, v46;
	v14 =	vor.u32 v62, v4;
	v11 =	vld.idx.msk [tilespmem:v11+s3+$0x0], $0xffff;
	[tilespmem:v19+s19+$0x0] =	vst.idx.msk $0xffff, v13  }
0x7cb: {  	v21 =	vor.u32 v53, v49;
	v9 =	vmul.f32 $8.000000000e+00, v9;
	v13 =	vor.u32 v62, v3;
	v8 =	vld [tilespmem:$0x1FF30]  }
0x7cc: {  	v10 =	vmul.f32 $8.000000000e+00, v10;
	v12 =	vld.idx.msk [tilespmem:v12+s3+$0x0], $0xffff;
	v19 =	vor.u32 v53, v47;
	v17 =	vmul.f32 $8.000000000e+00, v17  }
0x7cd: {  	v0 =	vor.u32 v61, v0;
	v9 =	vadd.f32 v9, v38  }
0x7ce: {  	v20 =	vor.u32 v61, v16;
	v10 =	vadd.f32 v10, v30;
	v22 =	vld.idx.msk [tilespmem:v22+s3+$0x0], $0xffff;
	v17 =	vadd.f32 v17, v43  }
0x7cf: {  	[tilespmem:v23+s19+$0x0] =	vst.idx.msk $0xffff, v9;
	v9 =	vor.u32 v62, v52;
	v23 =	vor.u32 v58, v5;
	v14 =	vld.idx.msk [tilespmem:v14+s3+$0x0], $0xffff  }
0x7d0: {  	[tilespmem:v21+s19+$0x0] =	vst.idx.msk $0xffff, v10;
	v11 =	vmul.f32 $8.000000000e+00, v11;
	v13 =	vld.idx.msk [tilespmem:v13+s3+$0x0], $0xffff;
	v8 =	vor.u32 v8, v59  }
0x7d1: {  	v12 =	vmul.f32 $8.000000000e+00, v12;
	v10 =	vld [tilespmem:$0x1F6B0];
	[tilespmem:v19+s19+$0x0] =	vst.idx.msk $0xffff, v17  }
0x7d2: {  	v16 =	vld [tilespmem:$0x1F6C0];
	v11 =	vadd.f32 v11, v39  }
0x7d3: {  	v0 =	vld.idx.msk [tilespmem:v0+s3+$0x0], $0xffff;
	v15 =	vor.u32 v62, v40;
	v12 =	vadd.f32 v12, v41;
	v19 =	vor.u32 v58, v6  }
0x7d4: {  	v17 =	vld.idx.msk [tilespmem:v20+s3+$0x0], $0xffff;
	v21 =	vmul.f32 $8.000000000e+00, v22;
	[tilespmem:v23+s19+$0x0] =	vst.idx.msk $0xffff, v11;
	v11 =	vor.u32 v58, v46  }
0x7d5: {  	v9 =	vld.idx.msk [tilespmem:v9+s3+$0x0], $0xffff;
	v13 =	vmul.f32 $8.000000000e+00, v13;
	[tilespmem:v8+s19+$0x0] =	vst.idx.msk $0xffff, v12;
	v8 =	vor.u32 v58, v7  }
0x7d6: {  	v12 =	vmul.f32 $8.000000000e+00, v14;
	v14 =	vadd.f32 v21, v35;
	v23 =	vld [tilespmem:$0x1FF70]  }
0x7d7: {  	v20 =	vor.u32 v61, v16;
	v16 =	vld [tilespmem:$0x1F6D0];
	v13 =	vadd.f32 v13, v38  }
0x7d8: {  	v31 =	vld [tilespmem:$0x1FFF0];
	[tilespmem:v19+s19+$0x0] =	vst.idx.msk $0xffff, v14;
	v12 =	vadd.f32 v12, v37  }
0x7d9: {  	v15 =	vld.idx.msk [tilespmem:v15+s3+$0x0], $0xffff;
	[tilespmem:v11+s19+$0x0] =	vst.idx.msk $0xffff, v13  }
0x7da: {  	[tilespmem:v8+s19+$0x0] =	vst.idx.msk $0xffff, v12  }
0x7db: {  	v8 =	vmul.f32 $8.000000000e+00, v9;
	v9 =	vld [tilespmem:$0x1F6E0]  }
0x7dc: {  	v19 =	vld.idx.msk [tilespmem:v20+s3+$0x0], $0xffff;
	v20 =	vor.u32 v58, v47  }
0x7dd: {  	v14 =	vor.u32 v58, v49  }
0x7de: {  	v0 =	vmul.f32 $8.000000000e+00, v0;
	v15 =	vmul.f32 $8.000000000e+00, v15  }
0x7df: {  	v8 =	vadd.f32 v8, v43  }
0x7e0: {  	v24 =	vmovc v61;
	v10 =	vor.u32 v61, v10;
	v61 =	vadd.f32 v0, v9;
	v0 =	vadd.f32 v15, v30  }
0x7e1: {  	[tilespmem:v20+s19+$0x0] =	vst.idx.msk $0xffff, v8  }
0x7e2: {  	[tilespmem:v14+s19+$0x0] =	vst.idx.msk $0xffff, v0  }
0x7e3: {  	v8 =	vld [tilespmem:$0x1F700];
	_ =	sdelay $0x2  }
0x7e4: {  	v10 =	vld.idx.msk [tilespmem:v10+s3+$0x0], $0xffff;
	v0 =	vmul.f32 $8.000000000e+00, v17;
	_ =	sdelay $0x1  }
0x7e5: {  	v12 =	vadd.f32 v0, v8;
	v0 =	vld [tilespmem:$0x1F710]  }
0x7e6: {  	v18 =	vld.idx.msk [tilespmem:v18+s3+$0x0], $0xffff;
	_ =	sdelay $0x1  }
0x7e7: {  	v13 =	vor.u32 v24, v2;
	v10 =	vmul.f32 $8.000000000e+00, v10;
	v2 =	vld [tilespmem:$0x1F6F0];
	_ =	sdelay $0x1  }
0x7e8: {  	v8 =	vadd.f32 v10, v0;
	v0 =	vor.u32 v24, v3;
	v3 =	vld [tilespmem:$0x1F720]  }
0x7e9: {  	v11 =	vmul.f32 $8.000000000e+00, v18;
	_ =	sdelay $0x1  }
0x7ea: {  	v54 =	vadd.f32 v11, v2;
	v2 =	vmul.f32 $8.000000000e+00, v19;
	_ =	sdelay $0x1  }
0x7eb: {  	v2 =	vadd.f32 v2, v3;
	v3 =	vld [tilespmem:$0x1F730];
	_ =	sdelay $0x3  }
0x7ec: {  	v21 =	vor.u32 v23, v16  }
0x7ed: {  	v51 =	vor.u32 v29, v3;
	v3 =	vld [tilespmem:$0x1F740];
	_ =	sdelay $0x1  }
0x7ee: {  	v1 =	vor.u32 v24, v1;
	_ =	sdelay $0x1  }
0x7ef: {  	v22 =	vor.u32 v31, v45;
	v9 =	vld.idx.msk [tilespmem:v21+s3+$0x0], $0xffff  }
0x7f0: {  	v21 =	vor.u32 v29, v3;
	v3 =	vld [tilespmem:$0x1F750];
	_ =	sdelay $0x1  }
0x7f1: {  	v53 =	vld.idx.msk [tilespmem:v1+s3+$0x0], $0xffff  }
0x7f2: {  	v1 =	vld [tilespmem:$0x1F760]  }
0x7f3: {  	v14 =	vld.idx.msk [tilespmem:v22+s3+$0x0], $0xffff  }
0x7f4: {  	v22 =	vor.u32 v29, v3;
	v3 =	vmul.f32 $8.000000000e+00, v9;
	v9 =	vld [tilespmem:$0x1F780];
	_ =	sdelay $0x2  }
0x7f5: {  	v4 =	vor.u32 v24, v4;
	v15 =	vmovc v24;
	v11 =	vor.u32 v24, v40;
	v24 =	vor.u32 v28, v1;
	v1 =	vld [tilespmem:$0x1F770]  }
0x7f6: {  	v63 =	vld [tilespmem:$0x1FEB0]  }
0x7f7: {  	v26 =	vor.u32 v29, v9;
	v9 =	vld [tilespmem:$0x1F790];
	_ =	sdelay $0x1  }
0x7f8: {  	v5 =	vor.u32 v29, v5;
	v55 =	vor.u32 v23, v45;
	v13 =	vld.idx.msk [tilespmem:v13+s3+$0x0], $0xffff  }
0x7f9: {  	v16 =	vor.u32 v15, v52;
	v10 =	vld.idx.msk [tilespmem:v4+s3+$0x0], $0xffff;
	v25 =	vor.u32 v29, v1;
	v1 =	vmul.f32 $8.000000000e+00, v14  }
0x7fa: {  	v40 =	vmov v27;
	v4 =	vor.u32 v29, v6;
	v11 =	vld.idx.msk [tilespmem:v11+s3+$0x0], $0xffff;
	v14 =	vor.u32 v63, v59  }
0x7fb: {  	v45 =	vadd.f32 v1, v41;
	v1 =	vor.u32 v29, v7;
	v3 =	vadd.f32 v3, v9;
	v9 =	vld.idx.msk [tilespmem:v0+s3+$0x0], $0xffff  }
.LBB2_9:
0x7fc: {  	[tilespmem:$0x1F580] =	vst v35  }
0x7fd: {  	[tilespmem:$0x1F5C0] =	vst v30  }
0x7fe: {  	[tilespmem:v51+s19+$0x0] =	vst.idx.msk $0xffff, v61  }
0x7ff: {  	v0 =	vmul.f32 $8.000000000e+00, v53;
	v7 =	vmov v43;
	[tilespmem:v14+s19+$0x0] =	vst.idx.msk $0xffff, v45  }
0x800: {  	v51 =	vmov v4;
	v4 =	vmov v1;
	[tilespmem:$0x1F5D0] =	vst v7  }
0x801: {  	s11 =	sadd.s32 $0x8, s11;
	[tilespmem:$0x1F600] =	vst v4;
	v0 =	vadd.f32 v0, v39  }
0x802: {  	v6 =	vor.u32 v29, v46;
	s7 =	sand.u32 $0x8, s11;
	[tilespmem:v21+s19+$0x0] =	vst.idx.msk $0xffff, v54  }
0x803: {  	v15 =	vor.u32 v29, v49;
	v17 =	vor.u32 v29, v47;
	s16 =	sor.u32 $0x7, s7;
	[tilespmem:v5+s19+$0x0] =	vst.idx.msk $0xffff, v0  }
0x804: {  	v18 =	vadd.s32 s7, v33;
	s29 =	sor.u32 $0x5, s7;
	v20 =	vadd.s32 s16, v33;
	v7 =	vor.u32 v28, v59;
	[tilespmem:v22+s19+$0x0] =	vst.idx.msk $0xffff, v12  }
0x805: {  	v34 =	vld [tilespmem:$0x1FEE0];
	s13 =	sor.u32 $0x1, s7;
	v19 =	vmul.f32 $8.000000000e+00, v13;
	v13 =	vmovc v41;
	v21 =	vand.u32 $0xF, v20;
	v0 =	vadd.s32 s29, v33;
	[tilespmem:v25+s19+$0x0] =	vst.idx.msk $0xffff, v8  }
0x806: {  	v48 =	vld [tilespmem:$0x1F670];
	s30 =	sand.u32 $0x30, s11;
	v12 =	vmovc v6;
	v22 =	vand.u32 $0x7, v20;
	v20 =	vshll.u32 v20, $0x7;
	[tilespmem:$0x1F5E0] =	vst v13;
	v13 =	vadd.s32 s13, v33  }
0x807: {  	s15 =	sor.u32 $0x2, s7;
	s13 =	sor.u32 $0x3, s7;
	v21 =	vor.u32 s30, v21;
	[tilespmem:$0x1F5B0] =	vst v12;
	v20 =	vand.u32 $0x380, v20;
	v49 =	vand.u32 $0x7, v0  }
0x808: {  	v16 =	vld.idx.msk [tilespmem:v16+s3+$0x0], $0xffff;
	v8 =	vmovc v15;
	[tilespmem:$0x1F570] =	vst v19;
	v19 =	vadd.s32 s15, v33;
	v1 =	vadd.s32 s13, v33;
	v12 =	vand.u32 $0x38, v21  }
0x809: {  	v14 =	vld.idx.msk [tilespmem:v55+s3+$0x0], $0xffff;
	[tilespmem:$0x1F5A0] =	vst v8;
	s15 =	sor.u32 $0x4, s7;
	s7 =	sor.u32 $0x6, s7;
	v6 =	vand.u32 $0xF, v13;
	v30 =	vand.u32 $0x7, v13;
	v8 =	vor.u32 v22, v12  }
0x80a: {  	[tilespmem:v26+s19+$0x0] =	vst.idx.msk $0xffff, v2;
	v2 =	vmovc v17;
	v4 =	vadd.s32 s15, v33;
	v5 =	vadd.s32 s7, v33;
	v17 =	vor.u32 v34, v8  }
0x80b: {  	[tilespmem:v24+s19+$0x0] =	vst.idx.msk $0xffff, v3;
	v3 =	vmovc v7;
	v15 =	vand.u32 $0xF, v19;
	v23 =	vand.u32 $0xF, v1;
	v7 =	vor.u32 v48, v8  }
0x80c: {  	v53 =	vmovc v31;
	[tilespmem:$0x1F610] =	vst v3;
	v12 =	vand.u32 $0xF, v0;
	v3 =	vor.u32 s30, v6;
	v31 =	vand.u32 $0x7, v19  }
0x80d: {  	v35 =	vld [tilespmem:$0x1FEF0];
	[tilespmem:$0x1F560] =	vst v2;
	v32 =	vand.u32 $0x7, v1;
	v2 =	vand.u32 $0xF, v4;
	v15 =	vor.u32 s30, v15  }
0x80e: {  	v6 =	vand.u32 $0xF, v5;
	v22 =	vor.u32 s30, v23;
	v12 =	vor.u32 s30, v12  }
0x80f: {  	v24 =	vand.u32 $0x38, v3;
	v50 =	vand.u32 $0x7, v5;
	v2 =	vor.u32 s30, v2;
	v17 =	vld.idx.msk [tilespmem:v17+s3+$0x0], $0xffff  }
0x810: {  	v23 =	vor.u32 s30, v6;
	v25 =	vand.u32 $0x38, v15;
	v6 =	vld.idx.msk [tilespmem:v7+s18+$0x0], $0xffff;
	v7 =	vshll.u32 v21, $0x7  }
0x811: {  	v26 =	vand.u32 $0x38, v22;
	v28 =	vand.u32 $0x38, v12;
	v7 =	vand.u32 $0x1C00, v7  }
0x812: {  	v60 =	vor.u32 v30, v24;
	v24 =	vor.u32 v35, v8;
	v7 =	vor.u32 v20, v7  }
0x813: {  	v27 =	vand.u32 $0x38, v2;
	v29 =	vand.u32 $0x38, v23;
	v20 =	vor.u32 v33, v7  }
0x814: {  	v61 =	vor.u32 v31, v25;
	v55 =	vor.u32 v32, v26;
	v17 =	vmul.f32 $8.000000000e+00, v17  }
0x815: {  	v57 =	vor.u32 v49, v28;
	v58 =	vor.u32 v50, v29;
	v25 =	vor.u32 v34, v61  }
0x816: {  	[tilespmem:$0x1F590] =	vst v37;
	v37 =	vld [tilespmem:$0x1FE50];
	v26 =	vor.u32 v34, v55;
	v21 =	vand.u32 $0x7, v4;
	v17 =	vadd.f32 v17, v6  }
0x817: {  	v39 =	vld [tilespmem:$0x1F660];
	v28 =	vor.u32 v34, v57;
	v29 =	vor.u32 v34, v58;
	v56 =	vor.u32 v21, v27  }
0x818: {  	v21 =	vor.u32 v34, v60;
	v27 =	vor.u32 v34, v56;
	v34 =	vld [tilespmem:$0x1FE40];
	[tilespmem:v20+s19+$0x0] =	vst.idx.msk $0xffff, v17  }
0x819: {  	v24 =	vld.idx.msk [tilespmem:v24+s3+$0x0], $0xffff  }
0x81a: {  	v18 =	vand.u32 $0xF, v18  }
0x81b: {  	v18 =	vor.u32 s30, v18  }
0x81c: {  	v54 =	vand.u32 $0x38, v18;
	v18 =	vshll.u32 v18, $0x7;
	v13 =	vshll.u32 v13, $0x7;
	v25 =	vld.idx.msk [tilespmem:v25+s3+$0x0], $0xffff  }
0x81d: {  	v47 =	vor.u32 v54, v39;
	v26 =	vld.idx.msk [tilespmem:v26+s3+$0x0], $0xffff;
	v42 =	vor.u32 v34, v7;
	v20 =	vor.u32 v48, v60  }
0x81e: {  	v19 =	vshll.u32 v19, $0x7;
	v45 =	vor.u32 v37, v8;
	v27 =	vld.idx.msk [tilespmem:v27+s3+$0x0], $0xffff;
	v24 =	vmul.f32 $8.000000000e+00, v24  }
0x81f: {  	v1 =	vshll.u32 v1, $0x7;
	v0 =	vshll.u32 v0, $0x7;
	v13 =	vand.u32 $0x380, v13  }
0x820: {  	v3 =	vshll.u32 v3, $0x7;
	v52 =	vshll.u32 v5, $0x7;
	v17 =	vld [tilespmem:$0x1FF80];
	v5 =	vadd.f32 v24, v6  }
0x821: {  	v44 =	vld [tilespmem:$0x1FF00];
	v19 =	vand.u32 $0x380, v19;
	v0 =	vand.u32 $0x380, v0;
	v15 =	vshll.u32 v15, $0x7  }
0x822: {  	v22 =	vshll.u32 v22, $0x7;
	v12 =	vshll.u32 v12, $0x7;
	v39 =	vld.idx.msk [tilespmem:v20+s18+$0x0], $0xffff;
	v20 =	vmul.f32 $8.000000000e+00, v25;
	[tilespmem:v42+s19+$0x0] =	vst.idx.msk $0xffff, v5  }
0x823: {  	v30 =	vor.u32 v48, v61;
	v25 =	vmul.f32 $8.000000000e+00, v26;
	v26 =	vmul.f32 $8.000000000e+00, v27;
	v27 =	vld.idx.msk [tilespmem:v45+s3+$0x0], $0xffff  }
0x824: {  	v3 =	vand.u32 $0x1C00, v3;
	v59 =	vand.u32 $0x380, v52;
	v41 =	vor.u32 v48, v57;
	v28 =	vld.idx.msk [tilespmem:v28+s3+$0x0], $0xffff  }
0x825: {  	v2 =	vshll.u32 v2, $0x7;
	v12 =	vand.u32 $0x1C00, v12;
	v21 =	vld.idx.msk [tilespmem:v21+s3+$0x0], $0xffff;
	v17 =	vor.u32 v17, v54  }
0x826: {  	v23 =	vshll.u32 v23, $0x7;
	v31 =	vor.u32 v48, v55;
	v49 =	vor.u32 v0, v12;
	v29 =	vld.idx.msk [tilespmem:v29+s3+$0x0], $0xffff  }
0x827: {  	v43 =	vor.u32 v48, v58;
	v63 =	vor.u32 v48, v56;
	v0 =	vor.u32 v44, v7;
	v48 =	vld [tilespmem:$0x1FF10]  }
0x828: {  	v15 =	vand.u32 $0x1C00, v15;
	v24 =	vand.u32 $0x1C00, v2;
	v2 =	vld.idx.msk [tilespmem:v30+s18+$0x0], $0xffff;
	v12 =	vmul.f32 $8.000000000e+00, v27  }
0x829: {  	v22 =	vand.u32 $0x1C00, v22;
	v30 =	vand.u32 $0x380, v1;
	v1 =	vor.u32 v13, v3;
	v3 =	vld.idx.msk [tilespmem:v41+s18+$0x0], $0xffff  }
0x82a: {  	v23 =	vand.u32 $0x1C00, v23;
	v21 =	vmul.f32 $8.000000000e+00, v21;
	v17 =	vld.idx.msk [tilespmem:v17+s3+$0x0], $0xffff;
	v12 =	vadd.f32 v12, v6  }
0x82b: {  	v41 =	vld.idx.msk [tilespmem:v47+s18+$0x0], $0xffff;
	v47 =	vor.u32 v59, v23;
	v59 =	vand.u32 $0x1C00, v18;
	v18 =	vor.u32 v33, v1  }
0x82c: {  	v62 =	vor.u32 v19, v15;
	v32 =	vor.u32 v37, v55;
	v4 =	vshll.u32 v4, $0x7;
	[tilespmem:v0+s19+$0x0] =	vst.idx.msk $0xffff, v12;
	v12 =	vld [tilespmem:$0x1FF90]  }
0x82d: {  	v19 =	vor.u32 v48, v8;
	v5 =	vld.idx.msk [tilespmem:v31+s18+$0x0], $0xffff;
	v13 =	vadd.f32 v21, v39;
	v21 =	vor.u32 v33, v62  }
0x82e: {  	v52 =	vor.u32 v44, v1;
	v31 =	vand.u32 $0x380, v4;
	v4 =	vld.idx.msk [tilespmem:v63+s18+$0x0], $0xffff;
	v63 =	vor.u32 v30, v22  }
0x82f: {  	v43 =	vld.idx.msk [tilespmem:v43+s18+$0x0], $0xffff;
	v30 =	vor.u32 v34, v1;
	v23 =	vor.u32 v33, v63;
	v17 =	vmul.f32 $8.000000000e+00, v17  }
0x830: {  	v28 =	vmul.f32 $8.000000000e+00, v28;
	v15 =	vadd.f32 v20, v2;
	[tilespmem:v18+s19+$0x0] =	vst.idx.msk $0xffff, v13;
	v18 =	vor.u32 v35, v60  }
0x831: {  	v0 =	vadd.f32 v17, v41;
	v17 =	vor.u32 v12, v59;
	v12 =	vmul.f32 $8.000000000e+00, v9;
	v9 =	vld [tilespmem:$0x1FFA0]  }
0x832: {  	v29 =	vmul.f32 $8.000000000e+00, v29;
	v46 =	vor.u32 v31, v24;
	[tilespmem:v21+s19+$0x0] =	vst.idx.msk $0xffff, v15;
	v15 =	vor.u32 v35, v55  }
0x833: {  	v45 =	vmul.f32 $8.000000000e+00, v10;
	v31 =	vor.u32 v37, v61;
	v20 =	vadd.f32 v25, v5  }
0x834: {  	v24 =	vor.u32 v33, v46;
	v13 =	vmul.f32 $8.000000000e+00, v11;
	v11 =	vmul.f32 $8.000000000e+00, v16  }
0x835: {  	v22 =	vadd.f32 v26, v4;
	v26 =	vor.u32 v33, v49;
	[tilespmem:v23+s19+$0x0] =	vst.idx.msk $0xffff, v20;
	v18 =	vld.idx.msk [tilespmem:v18+s3+$0x0], $0xffff  }
0x836: {  	v10 =	vmovc v38;
	v20 =	vor.u32 v35, v57;
	v19 =	vld.idx.msk [tilespmem:v19+s3+$0x0], $0xffff;
	v16 =	vor.u32 v9, v54;
	v9 =	vmul.f32 $8.000000000e+00, v14  }
0x837: {  	v38 =	vor.u32 v37, v58;
	v27 =	vadd.f32 v29, v43;
	v29 =	vor.u32 v35, v61;
	v15 =	vld.idx.msk [tilespmem:v15+s3+$0x0], $0xffff  }
0x838: {  	v42 =	vor.u32 v44, v46;
	v25 =	vadd.f32 v28, v3;
	v28 =	vor.u32 v33, v47;
	[tilespmem:$0x1F5F0] =	vst v9;
	v9 =	vld [tilespmem:$0x1FFB0]  }
0x839: {  	v21 =	vor.u32 v35, v56;
	v33 =	vor.u32 v44, v62;
	[tilespmem:v24+s19+$0x0] =	vst.idx.msk $0xffff, v22  }
0x83a: {  	v23 =	vor.u32 v35, v58;
	v22 =	vor.u32 v36, v7;
	[tilespmem:v26+s19+$0x0] =	vst.idx.msk $0xffff, v25;
	v18 =	vmul.f32 $8.000000000e+00, v18  }
0x83b: {  	v24 =	vor.u32 v40, v8;
	v35 =	vor.u32 v44, v63;
	v20 =	vld.idx.msk [tilespmem:v20+s3+$0x0], $0xffff;
	v19 =	vmul.f32 $8.000000000e+00, v19  }
0x83c: {  	v25 =	vor.u32 v34, v46;
	v18 =	vadd.f32 v18, v39;
	[tilespmem:v17+s19+$0x0] =	vst.idx.msk $0xffff, v0;
	v0 =	vld.idx.msk [tilespmem:v29+s3+$0x0], $0xffff  }
0x83d: {  	[tilespmem:v28+s19+$0x0] =	vst.idx.msk $0xffff, v27;
	v15 =	vmul.f32 $8.000000000e+00, v15;
	v19 =	vadd.f32 v19, v6;
	v28 =	vor.u32 v9, v59;
	v9 =	vld [tilespmem:$0x1FFC0]  }
0x83e: {  	v26 =	vor.u32 v34, v49;
	v27 =	vor.u32 v34, v47;
	v21 =	vld.idx.msk [tilespmem:v21+s3+$0x0], $0xffff;
	[tilespmem:v30+s19+$0x0] =	vst.idx.msk $0xffff, v18  }
0x83f: {  	v23 =	vld.idx.msk [tilespmem:v23+s3+$0x0], $0xffff;
	v15 =	vadd.f32 v15, v5;
	v17 =	vor.u32 v34, v63;
	[tilespmem:v22+s19+$0x0] =	vst.idx.msk $0xffff, v19  }
0x840: {  	v18 =	vmul.f32 $8.000000000e+00, v20;
	v14 =	vor.u32 v34, v62;
	v29 =	vor.u32 v37, v60;
	v24 =	vld.idx.msk [tilespmem:v24+s3+$0x0], $0xffff  }
0x841: {  	v50 =	vld [tilespmem:$0x1FF20];
	v34 =	vor.u32 v37, v56;
	v22 =	vor.u32 v37, v57;
	v0 =	vmul.f32 $8.000000000e+00, v0  }
0x842: {  	v37 =	vor.u32 v44, v49;
	v19 =	vor.u32 v9, v54;
	v9 =	vor.u32 v44, v47;
	v44 =	vld [tilespmem:$0x1FE60]  }
0x843: {  	v0 =	vadd.f32 v0, v2  }
0x844: {  	v16 =	vld.idx.msk [tilespmem:v16+s3+$0x0], $0xffff;
	[tilespmem:v17+s19+$0x0] =	vst.idx.msk $0xffff, v15;
	v15 =	vadd.f32 v18, v3;
	v17 =	vmul.f32 $8.000000000e+00, v23  }
0x845: {  	v21 =	vmul.f32 $8.000000000e+00, v21;
	[tilespmem:v14+s19+$0x0] =	vst.idx.msk $0xffff, v0;
	v14 =	vmul.f32 $8.000000000e+00, v24;
	v24 =	vld.idx.msk [tilespmem:v29+s3+$0x0], $0xffff  }
0x846: {  	v20 =	vor.u32 v50, v7;
	v23 =	vld.idx.msk [tilespmem:v32+s3+$0x0], $0xffff;
	[tilespmem:v26+s19+$0x0] =	vst.idx.msk $0xffff, v15;
	v15 =	vadd.f32 v17, v43  }
0x847: {  	v26 =	vld [tilespmem:$0x1FFE0];
	v0 =	vadd.f32 v21, v4;
	v21 =	vor.u32 v44, v8  }
0x848: {  	[tilespmem:v27+s19+$0x0] =	vst.idx.msk $0xffff, v15;
	v18 =	vld.idx.msk [tilespmem:v31+s3+$0x0], $0xffff  }
0x849: {  	v16 =	vmul.f32 $8.000000000e+00, v16;
	v27 =	vld.idx.msk [tilespmem:v38+s3+$0x0], $0xffff;
	[tilespmem:v25+s19+$0x0] =	vst.idx.msk $0xffff, v0;
	v0 =	vadd.f32 v14, v6  }
0x84a: {  	v25 =	vld.idx.msk [tilespmem:v34+s3+$0x0], $0xffff;
	v24 =	vmul.f32 $8.000000000e+00, v24  }
0x84b: {  	v38 =	vld [tilespmem:$0x1FE70];
	v23 =	vmul.f32 $8.000000000e+00, v23;
	v16 =	vadd.f32 v16, v41;
	[tilespmem:v20+s19+$0x0] =	vst.idx.msk $0xffff, v0  }
0x84c: {  	v0 =	vor.u32 v48, v61;
	v20 =	vor.u32 v48, v55;
	v24 =	vadd.f32 v24, v39;
	v15 =	vld.idx.msk [tilespmem:v21+s3+$0x0], $0xffff  }
0x84d: {  	v23 =	vadd.f32 v23, v5;
	[tilespmem:v28+s19+$0x0] =	vst.idx.msk $0xffff, v16;
	v18 =	vmul.f32 $8.000000000e+00, v18;
	v21 =	vld.idx.msk [tilespmem:v22+s3+$0x0], $0xffff  }
0x84e: {  	v17 =	vor.u32 v48, v60;
	v16 =	vor.u32 v48, v56;
	[tilespmem:v52+s19+$0x0] =	vst.idx.msk $0xffff, v24;
	v52 =	vld [tilespmem:$0x1FE80]  }
0x84f: {  	v14 =	vld [tilespmem:$0x1FFD0];
	[tilespmem:v35+s19+$0x0] =	vst.idx.msk $0xffff, v23;
	v23 =	vmul.f32 $8.000000000e+00, v27;
	v18 =	vadd.f32 v18, v2;
	v25 =	vmul.f32 $8.000000000e+00, v25  }
0x850: {  	v28 =	vor.u32 v48, v58;
	v19 =	vld.idx.msk [tilespmem:v19+s3+$0x0], $0xffff  }
0x851: {  	v23 =	vadd.f32 v23, v43;
	v20 =	vld.idx.msk [tilespmem:v20+s3+$0x0], $0xffff;
	[tilespmem:v33+s19+$0x0] =	vst.idx.msk $0xffff, v18;
	v18 =	vadd.f32 v25, v4  }
0x852: {  	v0 =	vld.idx.msk [tilespmem:v0+s3+$0x0], $0xffff;
	v22 =	vor.u32 v48, v57;
	v48 =	vor.u32 v38, v7;
	v21 =	vmul.f32 $8.000000000e+00, v21  }
0x853: {  	v17 =	vld.idx.msk [tilespmem:v17+s3+$0x0], $0xffff;
	[tilespmem:v42+s19+$0x0] =	vst.idx.msk $0xffff, v18;
	v24 =	vor.u32 v52, v8;
	v15 =	vmul.f32 $8.000000000e+00, v15  }
0x854: {  	v30 =	vor.u32 v36, v62;
	v16 =	vld.idx.msk [tilespmem:v16+s3+$0x0], $0xffff;
	v18 =	vadd.f32 v21, v3  }
0x855: {  	v14 =	vor.u32 v14, v59;
	[tilespmem:v9+s19+$0x0] =	vst.idx.msk $0xffff, v23;
	v42 =	vld [tilespmem:$0x1FEA0];
	v15 =	vadd.f32 v15, v6  }
0x856: {  	v29 =	vor.u32 v36, v1;
	v26 =	vor.u32 v26, v54;
	v19 =	vmul.f32 $8.000000000e+00, v19;
	[tilespmem:v37+s19+$0x0] =	vst.idx.msk $0xffff, v18;
	v37 =	vld [tilespmem:$0x1FE90]  }
0x857: {  	v31 =	vor.u32 v36, v63;
	v27 =	vor.u32 v40, v56;
	v0 =	vmul.f32 $8.000000000e+00, v0;
	[tilespmem:v48+s19+$0x0] =	vst.idx.msk $0xffff, v15;
	v48 =	vld [tilespmem:$0x1FED0]  }
0x858: {  	v9 =	vor.u32 v36, v47;
	v21 =	vor.u32 v36, v46;
	v15 =	vadd.f32 v19, v41;
	v19 =	vld.idx.msk [tilespmem:v24+s3+$0x0], $0xffff  }
0x859: {  	v25 =	vor.u32 v40, v61;
	v0 =	vadd.f32 v0, v2;
	v16 =	vmul.f32 $8.000000000e+00, v16;
	v22 =	vld.idx.msk [tilespmem:v22+s3+$0x0], $0xffff  }
0x85a: {  	v20 =	vmul.f32 $8.000000000e+00, v20;
	v8 =	vor.u32 v42, v8;
	[tilespmem:v14+s19+$0x0] =	vst.idx.msk $0xffff, v15;
	v14 =	vmul.f32 $8.000000000e+00, v17;
	v17 =	vld.idx.msk [tilespmem:v28+s3+$0x0], $0xffff  }
0x85b: {  	[tilespmem:v30+s19+$0x0] =	vst.idx.msk $0xffff, v0;
	v0 =	vadd.f32 v16, v4;
	v30 =	vor.u32 v44, v57;
	v23 =	vld.idx.msk [tilespmem:v26+s3+$0x0], $0xffff  }
0x85c: {  	v24 =	vld [tilespmem:$0x1FF40];
	v15 =	vor.u32 v40, v60;
	v14 =	vadd.f32 v14, v39;
	v28 =	vor.u32 v37, v7  }
0x85d: {  	v18 =	vor.u32 v36, v49;
	v26 =	vor.u32 v40, v55;
	[tilespmem:v21+s19+$0x0] =	vst.idx.msk $0xffff, v0;
	v19 =	vmul.f32 $8.000000000e+00, v19  }
0x85e: {  	v21 =	vor.u32 v50, v62;
	[tilespmem:v29+s19+$0x0] =	vst.idx.msk $0xffff, v14;
	v14 =	vadd.f32 v20, v5;
	v16 =	vmul.f32 $8.000000000e+00, v22  }
0x85f: {  	v7 =	vor.u32 v48, v7;
	v48 =	vor.u32 v38, v62;
	v19 =	vadd.f32 v19, v6  }
0x860: {  	[tilespmem:v31+s19+$0x0] =	vst.idx.msk $0xffff, v14;
	v14 =	vmul.f32 $8.000000000e+00, v17;
	v22 =	vmul.f32 $8.000000000e+00, v23;
	v23 =	vld [tilespmem:$0x1FE10];
	v0 =	vadd.f32 v16, v3  }
0x861: {  	v24 =	vor.u32 v24, v59;
	v20 =	vor.u32 v40, v57;
	v15 =	vld.idx.msk [tilespmem:v15+s3+$0x0], $0xffff;
	[tilespmem:v28+s19+$0x0] =	vst.idx.msk $0xffff, v19  }
0x862: {  	v17 =	vor.u32 v40, v58;
	v14 =	vadd.f32 v14, v43;
	[tilespmem:v18+s19+$0x0] =	vst.idx.msk $0xffff, v0;
	v0 =	vld.idx.msk [tilespmem:v8+s3+$0x0], $0xffff  }
0x863: {  	v29 =	vor.u32 v44, v56;
	v16 =	vor.u32 v50, v1;
	v31 =	vor.u32 v44, v58;
	v8 =	vld.idx.msk [tilespmem:v25+s3+$0x0], $0xffff  }
0x864: {  	v19 =	vadd.f32 v22, v41;
	v18 =	vor.u32 v50, v63;
	[tilespmem:v9+s19+$0x0] =	vst.idx.msk $0xffff, v14;
	v9 =	vld.idx.msk [tilespmem:v26+s3+$0x0], $0xffff  }
0x865: {  	v27 =	vld.idx.msk [tilespmem:v27+s3+$0x0], $0xffff;
	v22 =	vor.u32 v50, v46;
	v28 =	vor.u32 v44, v55;
	v23 =	vor.u32 v23, v54  }
0x866: {  	v25 =	vor.u32 v44, v60;
	v20 =	vld.idx.msk [tilespmem:v20+s3+$0x0], $0xffff;
	[tilespmem:v24+s19+$0x0] =	vst.idx.msk $0xffff, v19;
	v15 =	vmul.f32 $8.000000000e+00, v15  }
0x867: {  	v14 =	vor.u32 v50, v49;
	v19 =	vor.u32 v50, v47;
	v17 =	vld.idx.msk [tilespmem:v17+s3+$0x0], $0xffff;
	v0 =	vmul.f32 $8.000000000e+00, v0  }
0x868: {  	v24 =	vld [tilespmem:$0x1FE20];
	v26 =	vor.u32 v44, v61;
	v15 =	vadd.f32 v15, v39;
	v8 =	vmul.f32 $8.000000000e+00, v8  }
0x869: {  	v50 =	vld [tilespmem:$0x1FE30];
	v44 =	vor.u32 v38, v1;
	v9 =	vmul.f32 $8.000000000e+00, v9;
	v0 =	vadd.f32 v0, v6  }
0x86a: {  	[tilespmem:v16+s19+$0x0] =	vst.idx.msk $0xffff, v15;
	v23 =	vld.idx.msk [tilespmem:v23+s3+$0x0], $0xffff;
	v6 =	vadd.f32 v8, v2;
	v8 =	vmul.f32 $8.000000000e+00, v27  }
0x86b: {  	v20 =	vmul.f32 $8.000000000e+00, v20;
	v16 =	vld.idx.msk [tilespmem:v25+s3+$0x0], $0xffff;
	v9 =	vadd.f32 v9, v5;
	[tilespmem:v7+s19+$0x0] =	vst.idx.msk $0xffff, v0  }
0x86c: {  	v15 =	vor.u32 v38, v46;
	[tilespmem:v21+s19+$0x0] =	vst.idx.msk $0xffff, v6;
	v0 =	vadd.f32 v8, v4;
	v7 =	vmul.f32 $8.000000000e+00, v17  }
0x86d: {  	v24 =	vor.u32 v24, v59;
	v17 =	vld.idx.msk [tilespmem:v26+s3+$0x0], $0xffff;
	[tilespmem:v18+s19+$0x0] =	vst.idx.msk $0xffff, v9;
	v9 =	vadd.f32 v20, v3  }
0x86e: {  	v32 =	vor.u32 v50, v54;
	v18 =	vld.idx.msk [tilespmem:v28+s3+$0x0], $0xffff;
	[tilespmem:v22+s19+$0x0] =	vst.idx.msk $0xffff, v0;
	v0 =	vadd.f32 v7, v43  }
0x86f: {  	v50 =	vor.u32 v38, v63;
	v8 =	vmul.f32 $8.000000000e+00, v23;
	v21 =	vld.idx.msk [tilespmem:v29+s3+$0x0], $0xffff;
	[tilespmem:v14+s19+$0x0] =	vst.idx.msk $0xffff, v9  }
0x870: {  	v25 =	vor.u32 v52, v58;
	v22 =	vld.idx.msk [tilespmem:v30+s3+$0x0], $0xffff;
	[tilespmem:v19+s19+$0x0] =	vst.idx.msk $0xffff, v0;
	v0 =	vmul.f32 $8.000000000e+00, v16  }
0x871: {  	v6 =	vor.u32 v38, v49;
	v9 =	vor.u32 v52, v60;
	v8 =	vadd.f32 v8, v41;
	v16 =	vld.idx.msk [tilespmem:v31+s3+$0x0], $0xffff  }
0x872: {  	v14 =	vor.u32 v52, v61;
	v0 =	vadd.f32 v0, v39;
	v17 =	vmul.f32 $8.000000000e+00, v17  }
0x873: {  	v20 =	vld [tilespmem:$0x1FF30];
	v7 =	vor.u32 v38, v47;
	[tilespmem:v24+s19+$0x0] =	vst.idx.msk $0xffff, v8;
	v8 =	vor.u32 v52, v55;
	v18 =	vmul.f32 $8.000000000e+00, v18  }
0x874: {  	v19 =	vld.idx.msk [tilespmem:v32+s3+$0x0], $0xffff;
	[tilespmem:v44+s19+$0x0] =	vst.idx.msk $0xffff, v0;
	v0 =	vadd.f32 v17, v2;
	v21 =	vmul.f32 $8.000000000e+00, v21  }
0x875: {  	v24 =	vor.u32 v52, v57;
	v32 =	vld [tilespmem:$0x1FEB0];
	v18 =	vadd.f32 v18, v5;
	v22 =	vmul.f32 $8.000000000e+00, v22  }
0x876: {  	v9 =	vld.idx.msk [tilespmem:v9+s3+$0x0], $0xffff;
	[tilespmem:v48+s19+$0x0] =	vst.idx.msk $0xffff, v0;
	v0 =	vadd.f32 v21, v4;
	v16 =	vmul.f32 $8.000000000e+00, v16  }
0x877: {  	v23 =	vor.u32 v52, v56;
	v30 =	vld.idx.msk [tilespmem:v14+s3+$0x0], $0xffff;
	[tilespmem:v50+s19+$0x0] =	vst.idx.msk $0xffff, v18;
	v18 =	vadd.f32 v22, v3  }
0x878: {  	v20 =	vor.u32 v20, v59;
	v8 =	vld.idx.msk [tilespmem:v8+s3+$0x0], $0xffff;
	[tilespmem:v15+s19+$0x0] =	vst.idx.msk $0xffff, v0;
	v0 =	vadd.f32 v16, v43  }
0x879: {  	v26 =	vor.u32 v53, v54;
	v19 =	vmul.f32 $8.000000000e+00, v19;
	[tilespmem:v6+s19+$0x0] =	vst.idx.msk $0xffff, v18;
	v18 =	vor.u32 v42, v61;
	v61 =	vld [tilespmem:$0x1F580]  }
0x87a: {  	v27 =	vor.u32 v37, v1;
	v22 =	vld.idx.msk [tilespmem:v24+s3+$0x0], $0xffff;
	[tilespmem:v7+s19+$0x0] =	vst.idx.msk $0xffff, v0  }
0x87b: {  	v6 =	vor.u32 v42, v60;
	v0 =	vmul.f32 $8.000000000e+00, v9;
	v16 =	vadd.f32 v19, v41;
	v9 =	vld.idx.msk [tilespmem:v25+s3+$0x0], $0xffff  }
0x87c: {  	v25 =	vld [tilespmem:$0x1FF70]  }
0x87d: {  	v19 =	vld.idx.msk [tilespmem:v23+s3+$0x0], $0xffff;
	v0 =	vadd.f32 v0, v39;
	[tilespmem:v20+s19+$0x0] =	vst.idx.msk $0xffff, v16  }
0x87e: {  	v28 =	vor.u32 v37, v62;
	v20 =	vld.idx.msk [tilespmem:v26+s3+$0x0], $0xffff  }
0x87f: {  	v29 =	vor.u32 v37, v46;
	v17 =	vor.u32 v37, v63;
	v26 =	vld [tilespmem:$0x1F560];
	[tilespmem:v27+s19+$0x0] =	vst.idx.msk $0xffff, v0  }
0x880: {  	v31 =	vmovc v53;
	v21 =	vor.u32 v37, v49;
	v7 =	vor.u32 v42, v55;
	v8 =	vmul.f32 $8.000000000e+00, v8;
	v53 =	vld.idx.msk [tilespmem:v6+s3+$0x0], $0xffff  }
0x881: {  	v15 =	vor.u32 v37, v47;
	v37 =	vmovc v5;
	v55 =	vor.u32 v25, v54;
	v25 =	vmul.f32 $8.000000000e+00, v30;
	v30 =	vld [tilespmem:$0x1F570]  }
0x882: {  	v5 =	vadd.f32 v8, v37;
	v6 =	vmul.f32 $8.000000000e+00, v22;
	v22 =	vld [tilespmem:$0x1F5B0]  }
0x883: {  	v35 =	vmov v2;
	v8 =	vld [tilespmem:$0x1F5C0]  }
0x884: {  	[tilespmem:v17+s19+$0x0] =	vst.idx.msk $0xffff, v5;
	v6 =	vadd.f32 v6, v3;
	v0 =	vadd.f32 v25, v35;
	v25 =	vld [tilespmem:$0x1F5A0]  }
0x885: {  	v12 =	vadd.f32 v12, v10;
	v2 =	vmul.f32 $8.000000000e+00, v19;
	v10 =	vld.idx.msk [tilespmem:v7+s3+$0x0], $0xffff  }
0x886: {  	v38 =	vmov v4;
	[tilespmem:v21+s19+$0x0] =	vst.idx.msk $0xffff, v6;
	v61 =	vadd.f32 v30, v61;
	v30 =	vld [tilespmem:$0x1F590]  }
0x887: {  	v21 =	vld [tilespmem:$0x1F600];
	[tilespmem:v28+s19+$0x0] =	vst.idx.msk $0xffff, v0;
	v0 =	vadd.f32 v2, v38  }
0x888: {  	v4 =	vmul.f32 $8.000000000e+00, v9;
	v2 =	vld [tilespmem:$0x1F5D0]  }
0x889: {  	v24 =	vor.u32 v42, v57;
	[tilespmem:v29+s19+$0x0] =	vst.idx.msk $0xffff, v0;
	v29 =	vld [tilespmem:$0x1FED0]  }
0x88a: {  	v0 =	vadd.f32 v4, v43;
	v4 =	vld [tilespmem:$0x1F5F0]  }
0x88b: {  	p1 =	slt.u32 s11, $0x38;
	v23 =	vor.u32 v42, v56;
	v54 =	vadd.f32 v45, v30;
	v30 =	vmov v3;
	v3 =	vld [tilespmem:$0x1F5E0]  }
.Ltmp3:
0x88c: {  	v28 =	vld [tilespmem:$0x1FEC0];
	(pc) =	sbr.rel @p1 .LBB2_9-.Ltmp3, $4  }
0x88d: {  	v9 =	vmul.f32 $8.000000000e+00, v20;
	v8 =	vadd.f32 v13, v8;
	v13 =	vld.idx.msk [tilespmem:v18+s3+$0x0], $0xffff  }
0x88e: {  	v14 =	vor.u32 v32, v59;
	v16 =	vor.u32 v42, v58;
	v2 =	vadd.f32 v11, v2;
	v11 =	vld.idx.msk [tilespmem:v24+s3+$0x0], $0xffff  }
0x88f: {  	v33 =	vlaneseq.u32;
	[tilespmem:v15+s19+$0x0] =	vst.idx.msk $0xffff, v0;
	v24 =	vld [tilespmem:$0x1F610];
	v45 =	vadd.f32 v9, v41;
	v5 =	vor.u32 v29, v1  }
0x890: {  	v9 =	vld.idx.msk [tilespmem:v23+s3+$0x0], $0xffff;
	v1 =	vor.u32 v29, v63;
	v3 =	vadd.f32 v4, v3;
	v4 =	vor.u32 v29, v62  }
0x891: {  	_ =	sdelay $0x3  }
0x892: {  	[tilespmem:v14+s19+$0x0] =	vst.idx.msk $0xffff, v45  }
0x893: {  	[tilespmem:v51+s19+$0x0] =	vst.idx.msk $0xffff, v61  }
0x894: {  	v0 =	vmul.f32 $8.000000000e+00, v53;
	[tilespmem:v21+s19+$0x0] =	vst.idx.msk $0xffff, v54  }
0x895: {  	v6 =	vld.idx.msk [tilespmem:v16+s3+$0x0], $0xffff;
	[tilespmem:v22+s19+$0x0] =	vst.idx.msk $0xffff, v12  }
0x896: {  	[tilespmem:v25+s19+$0x0] =	vst.idx.msk $0xffff, v8;
	v8 =	vmul.f32 $8.000000000e+00, v10;
	v58 =	vor.u32 v29, v49;
	v0 =	vadd.f32 v0, v39  }
0x897: {  	v57 =	vld.idx.msk [tilespmem:v55+s3+$0x0], $0xffff;
	[tilespmem:v24+s19+$0x0] =	vst.idx.msk $0xffff, v3;
	v3 =	vmul.f32 $8.000000000e+00, v11  }
0x898: {  	v7 =	vor.u32 v29, v46;
	v8 =	vadd.f32 v8, v37;
	[tilespmem:v5+s19+$0x0] =	vst.idx.msk $0xffff, v0;
	v5 =	vmul.f32 $8.000000000e+00, v13  }
0x899: {  	[tilespmem:v26+s19+$0x0] =	vst.idx.msk $0xffff, v2;
	v60 =	vmul.f32 $8.000000000e+00, v9;
	v3 =	vadd.f32 v3, v30  }
0x89a: {  	v61 =	vor.u32 v29, v47;
	[tilespmem:v1+s19+$0x0] =	vst.idx.msk $0xffff, v8;
	v5 =	vadd.f32 v5, v35  }
0x89b: {  	v62 =	vor.u32 v28, v59;
	v6 =	vmul.f32 $8.000000000e+00, v6;
	v2 =	vadd.f32 v60, v38;
	[tilespmem:v58+s19+$0x0] =	vst.idx.msk $0xffff, v3  }
0x89c: {  	v0 =	vmul.f32 $8.000000000e+00, v57;
	[tilespmem:v4+s19+$0x0] =	vst.idx.msk $0xffff, v5  }
0x89d: {  	v63 =	vadd.f32 v6, v43;
	[tilespmem:v7+s19+$0x0] =	vst.idx.msk $0xffff, v2  }
0x89e: {  	v0 =	vadd.f32 v0, v41;
	s7 =	rddreg [dreg:$0x9]  }
0x89f: {  	[tilespmem:v61+s19+$0x0] =	vst.idx.msk $0xffff, v63;
	s7 =	sadd.s32 @!p0 s7, s12  }
0x8a0: {  	s11 =	simm.s32 @!p0 $0x0;
	[tilespmem:v62+s19+$0x0] =	vst.idx.msk $0xffff, v0;
	s7 =	sshrl.u32 @!p0 s7, $0x3  }
0x8a1: {  	s23 =	sadd.s32 $0x1, s23;
	s12 =	simm.s32 @!p0 $0x100;
	v4 =	vld [tilespmem:$0x1FF80];
	s7 =	sadd.s32 @!p0 s4, s7  }
0x8a2: {  	v23 =	vld [tilespmem:$0x1FF90];
	[tilespmem:s12], [sflag:$0xB] =	stream.linear.gather @!p0 [hbm4b:s7+s11], $0x80, $0x38  }
0x8a3: {  	v6 =	vld [tilespmem:$0x1FFA0];
	p0 =	sne.s32 s23, $0x32  }
.Ltmp4:
0x8a4: {  	s2 =	sshll.u32 s2, $0x12;
	v60 =	vld [tilespmem:$0x1FFB0];
	(pc) =	sbr.rel @p0 .LBB2_2-.Ltmp4, $4  }
0x8a5: {  	s2 =	sor.u32 s14, s2;
	v24 =	vld [tilespmem:$0x1FEE0]  }
0x8a6: {  	s2 =	sshrl.u32 s2, $0x3;
	v25 =	vld [tilespmem:$0x1FEF0]  }
0x8a7: {  	s29 =	simm.s32 $0x400;
	s30 =	simm.s32 $0x8000;
	s2 =	sadd.s32 s1, s2;
	v59 =	vld [tilespmem:$0x1FF00]  }
0x8a8: {  	v30 =	vld [tilespmem:$0x1FF10];
	[hbm4b:s2+s29] =	stream.strided.scatter [tilespmem:s19], [sflag:$0x8], $0x2000, s30, s29, $0x38  }
0x8a9: {  	s2 =	simm.s32 $0x5  }
0x8aa: {  	_ =	swait.ge [sflag:s2], $0x2000  }
0x8ab: {  	[sflag:s2] =	ssyncset.done $0x0  }
0x8ac: {  	s23 =	simm.s32 $0x6;
	[sflag:s2] =	ssyncadd.s32 $0xFFFFE000  }
0x8ad: {  	_ =	swait.ge [sflag:s23], $0x2000  }
0x8ae: {  	[sflag:s23] =	ssyncset.done $0x0  }
0x8af: {  	s29 =	simm.s32 $0x7;
	[sflag:s23] =	ssyncadd.s32 $0xFFFFE000  }
0x8b0: {  	_ =	swait.ge [sflag:s29], $0x2000  }
0x8b1: {  	[sflag:s29] =	ssyncset.done $0x0  }
0x8b2: {  	s7 =	simm.s32 $0x8;
	[sflag:s29] =	ssyncadd.s32 $0xFFFFE000  }
0x8b3: {  	_ =	swait.ge [sflag:s7], $0x2000  }
0x8b4: {  	s11 =	rddreg [dreg:$0xd]  }
0x8b5: {  	s30 =	rddreg [dreg:$0xc];
	s11 =	sadd.s32 $0x1, s11  }
0x8b6: {  	p0 =	sne.s32 s11, s30  }
.Ltmp5:
0x8b7: {  	_ = 	snop;
	(pc) =	sbr.rel @p0 .LBB2_1-.Ltmp5, $3  }
0x8b8: {  	_ =	sdelay $0x1  }
0x8b9: {  	[sflag:s7] =	ssyncset.done $0x0  }
0x8ba: {  	[sflag:s7] =	ssyncadd.s32 $0xFFFFE000  }
0x8bb: {  	_ =	sfence.sel $0x180000  }
0x8bc: {  	[bflag:$0x0] =	sbarrier.arrive $0xFFFF  }
0x8bd: {  	_ =	strace $0x90000047  }
0x8be: {  	s0 =	stileid.u32;
	[bflag:$0x2] =	sbarrier.arrive $0xFFFF  }
0x8bf: {  	p0 =	sne.s32 s0, $0x0;
	s0 =	rddreg [dreg:$0x2]  }
0x8c0: {  	s0 =	sadd.s32 @!p0 $0x100000, s0  }
0x8c1: {  	[sflag:s0] =	ssyncadd.tile.s32 @!p0 $0x1;
	_ =	shalt  }
.Lfunc_end2:
_tile_overlayer_lowered:
.L_overlay_start_2:
0x8c2: {  	(tag) =	ssettag $0x2  }
0x8c3: {  	s0 =	rddreg [dreg:$0x0];
	s2 =	stileid.u32  }
0x8c4: {  	s1 =	rddreg [dreg:$0x1];
	p0 =	sne.s32 s2, $0x0  }
0x8c5: {  	s3 =	rddreg [dreg:$0x2];
	[bflag:$0x3] =	sbarrier.arrive $0xFFFF;
	s2 =	simm.s32 @!p0 $0x1C0D  }
0x8c6: {  	[timem:s3], [sflag:s2] =	dma.local @!p0 [hbm:s0], s1  }
0x8c7: {  	s0 =	simm.s32 @!p0 $0xD  }
0x8c8: {  	_ =	swait.ge @!p0 [sflag:s0], s1  }
0x8c9: {  	s1 =	ssub.s32 @!p0 $0x0, s1;
	[sflag:s0] =	ssyncset.done @!p0 $0x0  }
0x8ca: {  	[sflag:s0] =	ssyncadd.s32 @!p0 s1  }
0x8cb: {  	[bflag:$0x3] =	sbarrier.arrive $0xFFFF  }
0x8cc: {  	_ =	shalt  }

</sc_bundles>
